<compile_context>
chip_gen: v7x
topology: tpu7x:2x2x1
jax: 0.10.2.dev20260603
libtpu: 0.0.44.dev20260713+nightly
codegen_flags: <defaults>
</compile_context>

<pallas_src>
import jax
import jax.numpy as jnp
from jax import lax
from jax.experimental import pallas as pl
from jax.experimental.pallas import tpu as pltpu
from jax.experimental.pallas import tpu_sc as plsc

N = 50000
HIDDEN = 250
MAX_NODES = 1000
NUM_GRAPHS = 100

NC = 2
NS = 16
L = 16
NW = NC * NS

C = 80
NCHUNK = N // C
K_ITERS = (NCHUNK + NW - 1) // NW
G_PAD = 112
ROW_VECS = HIDDEN // L
TAIL_OFF = HIDDEN - L
H_PAD = 256


def _sc_body(x_hbm, batch_hbm, table_hbm, out_hbm, starts_v,
             b0, b1, i0, i1,
             bs0, bs1, xs0, xs1, xs2, gs0, gs1, os0, os1, os2):
    wid = lax.axis_index("s") * NC + lax.axis_index("c")
    iota = lax.iota(jnp.int32, L)
    B, I = [b0, b1], [i0, i1]
    BS = [bs0, bs1]

    def issue_b(k):
        s = k & 1
        a = (wid + k * NW) * C
        pltpu.async_copy(batch_hbm.at[pl.ds(a, C)], B[s], BS[s])

    def guarded(k, fn):
        if 0 <= k < K_ITERS:
            @pl.when(wid + k * NW < NCHUNK)
            def _():
                fn(k)

    guarded(0, issue_b)
    guarded(1, issue_b)

    def phase1(batch_full):
        pltpu.sync_copy(batch_hbm, batch_full)
        NG = G_PAD // L

        def bs_step(_, carry):
            los, his = carry
            los2, his2 = [], []
            for grp in range(NG):
                lo, hi = los[grp], his[grp]
                g = iota + grp * L
                mid = lax.div(lo + hi, 2)
                probe = plsc.load_gather(batch_full,
                                         [jnp.minimum(mid, N - 1)])
                go = lo < hi
                lt = probe < g
                los2.append(jnp.where(jnp.logical_and(lt, go), mid + 1, lo))
                his2.append(jnp.where(
                    jnp.logical_and(jnp.logical_not(lt), go), mid, hi))
            return tuple(los2), tuple(his2)

        lo0 = tuple(jnp.zeros((L,), jnp.int32) for _ in range(NG))
        hi0 = tuple(jnp.full((L,), N, jnp.int32) for _ in range(NG))
        los, _ = lax.fori_loop(0, 16, bs_step, (lo0, hi0))
        for grp in range(NG):
            starts_v[pl.ds(grp * L, L)] = los[grp]

    pl.run_scoped(phase1, pltpu.VMEM((N,), jnp.int32))

    def phase2(x0, x1, x2, r0, r1):
        X, R = [x0, x1, x2], [r0, r1]
        XS, GS, OS = [xs0, xs1, xs2], [gs0, gs1], [os0, os1, os2]
        tail_mask = iota >= (ROW_VECS * L - TAIL_OFF)

        def valid(k):
            chunk = wid + k * NW
            return jnp.logical_and(chunk >= 0, chunk < NCHUNK)

        def issue_x_first(k):
            a = (wid + k * NW) * C
            pltpu.async_copy(x_hbm.at[pl.ds(a, C), :], X[k % 3], XS[k % 3])

        def iteration(k, j):
            sa = j & 1

            @pl.when(valid(k))
            def _():
                a = (wid + k * NW) * C
                pltpu.make_async_copy(batch_hbm.at[pl.ds(a, C)], B[sa],
                                      BS[sa]).wait()
                for jj in range(C // L):
                    b = B[sa][pl.ds(jj * L, L)]
                    st = plsc.load_gather(starts_v, [b])
                    pos = (a + jj * L) + iota - st
                    pos = jnp.minimum(jnp.maximum(pos, 0), MAX_NODES - 1)
                    I[sa][pl.ds(jj * L, L)] = pos
                pltpu.async_copy(table_hbm.at[I[sa]], R[sa], GS[sa])

            s3 = (j - 1) % 3
            sb = (j - 1) % 2

            @pl.when(valid(k - 1))
            def _():
                a = (wid + (k - 1) * NW) * C
                pltpu.make_async_copy(x_hbm.at[pl.ds(a, C), :], X[s3],
                                      XS[s3]).wait()
                pltpu.make_async_copy(table_hbm.at[I[sb]], R[sb],
                                      GS[sb]).wait()

                @plsc.parallel_loop(0, C, step=1, unroll=2)
                def _(r):
                    for c in range(ROW_VECS):
                        w = pl.ds(c * L, L)
                        plsc.addupdate(X[s3].at[r, w], R[sb][r, w])
                    w = pl.ds(TAIL_OFF, L)
                    rv = jnp.where(tail_mask, R[sb][r, w], 0.0)
                    X[s3][r, w] = X[s3][r, w] + rv

                pltpu.async_copy(X[s3], out_hbm.at[pl.ds(a, C), :],
                                 OS[s3])

            sx = (j + 1) % 3

            @pl.when(jnp.logical_and(k >= 1, valid(k + 1)))
            def _():
                a = (wid + (k + 1) * NW) * C

                @pl.when(k >= 2)
                def _():
                    pltpu.make_async_copy(
                        X[sx], out_hbm.at[pl.ds(a - 3 * NW * C, C), :],
                        OS[sx]).wait()

                pltpu.async_copy(x_hbm.at[pl.ds(a, C), :], X[sx], XS[sx])

            @pl.when(valid(k + 2))
            def _():
                a = (wid + (k + 2) * NW) * C
                pltpu.async_copy(batch_hbm.at[pl.ds(a, C)], B[sa], BS[sa])

        @pl.when(valid(0))
        def _():
            issue_x_first(0)

        @pl.when(valid(1))
        def _():
            issue_x_first(1)

        def six_iters(m, _):
            for j in range(6):
                iteration(m * 6 + j, j)
            return 0

        lax.fori_loop(0, (K_ITERS + 1 + 5) // 6, six_iters, 0)

        def drain_out(k):
            if not 0 <= k < K_ITERS:
                return
            s3 = k % 3
            a = (wid + k * NW) * C

            @pl.when(valid(k))
            def _():
                pltpu.make_async_copy(X[s3], out_hbm.at[pl.ds(a, C), :],
                                      OS[s3]).wait()

        drain_out(K_ITERS - 3)
        drain_out(K_ITERS - 2)
        drain_out(K_ITERS - 1)

    pl.run_scoped(
        phase2,
        pltpu.VMEM((C, HIDDEN), jnp.float32),
        pltpu.VMEM((C, HIDDEN), jnp.float32),
        pltpu.VMEM((C, HIDDEN), jnp.float32),
        pltpu.VMEM((C, H_PAD), jnp.float32),
        pltpu.VMEM((C, H_PAD), jnp.float32),
    )


@jax.jit
def kernel(x, batch, pos_embedding):
    mesh = plsc.VectorSubcoreMesh(core_axis_name="c", subcore_axis_name="s",
                                  num_cores=NC, num_subcores=NS)
    f = pl.kernel(
        _sc_body,
        out_type=jax.ShapeDtypeStruct((N, HIDDEN), jnp.float32),
        mesh=mesh,
        scratch_types=[
            pltpu.VMEM((G_PAD,), jnp.int32),
            pltpu.VMEM((C,), jnp.int32),
            pltpu.VMEM((C,), jnp.int32),
            pltpu.VMEM((C,), jnp.int32),
            pltpu.VMEM((C,), jnp.int32),
            pltpu.SemaphoreType.DMA,
            pltpu.SemaphoreType.DMA,
            pltpu.SemaphoreType.DMA,
            pltpu.SemaphoreType.DMA,
            pltpu.SemaphoreType.DMA,
            pltpu.SemaphoreType.DMA,
            pltpu.SemaphoreType.DMA,
            pltpu.SemaphoreType.DMA,
            pltpu.SemaphoreType.DMA,
            pltpu.SemaphoreType.DMA,
        ],
        compiler_params=pltpu.CompilerParams(needs_layout_passes=False,
                                             use_tc_tiling_on_sc=True),
    )
    table = jnp.pad(pos_embedding, ((0, 0), (0, H_PAD - HIDDEN)))
    return f(x, batch, table)

# --- scband reference (transcript-rebuilt; emitter-appended) ---
"""Pipeline reference for scband-positional-encoding-30331059044545 (READ-ONLY COPY).

The authoritative reference and input builder live on the scoring server;
editing this copy changes nothing except your own understanding.
"""

import jax, jax.numpy as jnp
import numpy as np

MAX_NODES = 1000
HIDDEN = 250
N = 50000
NUM_GRAPHS = 100


def setup_inputs(seed: int = 0) -> dict:
    key = jax.random.key(seed)
    k1, k2, k3 = jax.random.split(key, 3)
    x = jax.random.normal(k1, (N, HIDDEN), dtype=jnp.float32)
    batch = jnp.sort(jax.random.randint(k2, (N,), 0, NUM_GRAPHS, dtype=jnp.int32))
    pos_embedding = jax.random.normal(k3, (MAX_NODES, HIDDEN), dtype=jnp.float32) * 0.02
    return {"x": x, "batch": batch, "pos_embedding": pos_embedding}


def reference(x, batch, pos_embedding):
    # batch is sorted segment ids; position-within-segment for node j is
    # j - start_index_of_its_segment (equivalent to torch loop of per-graph aranges)
    counts = jnp.bincount(batch, length=NUM_GRAPHS)
    starts = jnp.cumsum(counts) - counts
    pos_indices = jnp.arange(x.shape[0], dtype=jnp.int32) - starts[batch].astype(jnp.int32)
    pos_emb = jnp.take(pos_embedding, pos_indices, axis=0)
    return x + pos_emb

if __name__ == "__main__":
    import jax
    _d = setup_inputs()
    print(jax.jit(kernel)(*tuple(_d.values())))

</pallas_src>

<mosaic_0001>
#map = affine_map<(d0, d1) -> (0, 0)>
#map1 = affine_map<(d0, d1) -> (0)>
module attributes {stable_mosaic.version = 14 : i64} {
  func.func @_sc_body(%arg0: i32, %arg1: i32, %arg2: memref<50000x250xf32, #tpu.memory_space<hbm>>, %arg3: memref<50000xi32, #tpu.memory_space<hbm>>, %arg4: memref<1000x256xf32, #tpu.memory_space<hbm>>, %arg5: memref<50000x250xf32, #tpu.memory_space<hbm>>, %arg6: memref<112xi32, #tpu.memory_space<vmem>>, %arg7: memref<80xi32, #tpu.memory_space<vmem>>, %arg8: memref<80xi32, #tpu.memory_space<vmem>>, %arg9: memref<80xi32, #tpu.memory_space<vmem>>, %arg10: memref<80xi32, #tpu.memory_space<vmem>>, %arg11: memref<!tpu.dma_semaphore, #tpu.memory_space<semaphore_mem>>, %arg12: memref<!tpu.dma_semaphore, #tpu.memory_space<semaphore_mem>>, %arg13: memref<!tpu.dma_semaphore, #tpu.memory_space<semaphore_mem>>, %arg14: memref<!tpu.dma_semaphore, #tpu.memory_space<semaphore_mem>>, %arg15: memref<!tpu.dma_semaphore, #tpu.memory_space<semaphore_mem>>, %arg16: memref<!tpu.dma_semaphore, #tpu.memory_space<semaphore_mem>>, %arg17: memref<!tpu.dma_semaphore, #tpu.memory_space<semaphore_mem>>, %arg18: memref<!tpu.dma_semaphore, #tpu.memory_space<semaphore_mem>>, %arg19: memref<!tpu.dma_semaphore, #tpu.memory_space<semaphore_mem>>, %arg20: memref<!tpu.dma_semaphore, #tpu.memory_space<semaphore_mem>>) attributes {dimension_semantics = [#tpu.dimension_semantics<core_parallel>, #tpu.dimension_semantics<subcore_parallel>], iteration_bounds = array<i64: 2, 16>, scalar_prefetch = 0 : i64, scratch_operands = 15 : i64, tpu.core_type = #tpu.core_type<sc_vector_subcore>, window_params = [{transform_indices = #map}, {transform_indices = #map1}, {transform_indices = #map}, {transform_indices = #map}]} {
    %mul3A = arith.constant 2 : i32
    %mul3A_0 = arith.muli %arg1, %mul3A : i32
    %add3A = arith.addi %mul3A_0, %arg0 : i32
    %iota3A = tpu.iota {dimensions = array<i32: 0>} : vector<16xi32>
    %add3A_1 = arith.constant 0 : i32
    %add3A_2 = arith.addi %add3A, %add3A_1 : i32
    %lt3A = arith.constant 625 : i32
    %lt3A_3 = arith.cmpi slt, %add3A_2, %lt3A : i32
    %convert_element_type3A = arith.extui %lt3A_3 : i1 to i32
    %cond3A = arith.constant 0 : i32
    %cond3A_4 = arith.cmpi ne, %convert_element_type3A, %cond3A : i32
    scf.if %cond3A_4 {
      %add3A_12 = arith.constant 0 : i32
      %add3A_13 = arith.addi %add3A, %add3A_12 : i32
      %mul3A_14 = arith.constant 80 : i32
      %mul3A_15 = arith.muli %add3A_13, %mul3A_14 : i32
      %dma_start3A = tpu.memref_slice %arg3[%mul3A_15] : memref<50000xi32, #tpu.memory_space<hbm>> -> memref<80xi32, #tpu.memory_space<hbm>>
      %dma_start3A_16 = tpu.memref_slice %arg3[%mul3A_15] : memref<50000xi32, #tpu.memory_space<hbm>> -> memref<80xi32, #tpu.memory_space<hbm>>
      tpu.enqueue_dma source(%dma_start3A_16 : memref<80xi32, #tpu.memory_space<hbm>>) target(%arg7 : memref<80xi32, #tpu.memory_space<vmem>>) target_semaphore(%arg11 : memref<!tpu.dma_semaphore, #tpu.memory_space<semaphore_mem>>)
    } else {
    }
    %add3A_5 = arith.constant 32 : i32
    %add3A_6 = arith.addi %add3A, %add3A_5 : i32
    %lt3A_7 = arith.constant 625 : i32
    %lt3A_8 = arith.cmpi slt, %add3A_6, %lt3A_7 : i32
    %convert_element_type3A_9 = arith.extui %lt3A_8 : i1 to i32
    %cond3A_10 = arith.constant 0 : i32
    %cond3A_11 = arith.cmpi ne, %convert_element_type3A_9, %cond3A_10 : i32
    scf.if %cond3A_11 {
      %add3A_12 = arith.constant 32 : i32
      %add3A_13 = arith.addi %add3A, %add3A_12 : i32
      %mul3A_14 = arith.constant 80 : i32
      %mul3A_15 = arith.muli %add3A_13, %mul3A_14 : i32
      %dma_start3A = tpu.memref_slice %arg3[%mul3A_15] : memref<50000xi32, #tpu.memory_space<hbm>> -> memref<80xi32, #tpu.memory_space<hbm>>
      %dma_start3A_16 = tpu.memref_slice %arg3[%mul3A_15] : memref<50000xi32, #tpu.memory_space<hbm>> -> memref<80xi32, #tpu.memory_space<hbm>>
      tpu.enqueue_dma source(%dma_start3A_16 : memref<80xi32, #tpu.memory_space<hbm>>) target(%arg8 : memref<80xi32, #tpu.memory_space<vmem>>) target_semaphore(%arg12 : memref<!tpu.dma_semaphore, #tpu.memory_space<semaphore_mem>>)
    } else {
    }
    "tpu.region"() ({
      %run_scoped3A = memref.alloca() : memref<50000xi32, #tpu.memory_space<vmem>>
      "tpu.region"() ({
        %run_scoped3A_57 = tpu.sem_alloc : memref<!tpu.dma_semaphore, #tpu.memory_space<semaphore_mem>>
        tpu.enqueue_dma source(%arg3 : memref<50000xi32, #tpu.memory_space<hbm>>) target(%run_scoped3A : memref<50000xi32, #tpu.memory_space<vmem>>) target_semaphore(%run_scoped3A_57 : memref<!tpu.dma_semaphore, #tpu.memory_space<semaphore_mem>>)
        tpu.wait_dma2 semaphore(%run_scoped3A_57 : memref<!tpu.dma_semaphore, #tpu.memory_space<semaphore_mem>>) src(%arg3 : memref<50000xi32, #tpu.memory_space<hbm>>) dst(%run_scoped3A : memref<50000xi32, #tpu.memory_space<vmem>>)
        tpu.yield
      }) : () -> ()
      %broadcast_in_dim3A = arith.constant 0 : i32
      %broadcast_in_dim3A_12 = vector.broadcast %broadcast_in_dim3A : i32 to vector<16xi32>
      %broadcast_in_dim3A_13 = arith.constant 0 : i32
      %broadcast_in_dim3A_14 = vector.broadcast %broadcast_in_dim3A_13 : i32 to vector<16xi32>
      %broadcast_in_dim3A_15 = arith.constant 0 : i32
      %broadcast_in_dim3A_16 = vector.broadcast %broadcast_in_dim3A_15 : i32 to vector<16xi32>
      %broadcast_in_dim3A_17 = arith.constant 0 : i32
      %broadcast_in_dim3A_18 = vector.broadcast %broadcast_in_dim3A_17 : i32 to vector<16xi32>
      %broadcast_in_dim3A_19 = arith.constant 0 : i32
      %broadcast_in_dim3A_20 = vector.broadcast %broadcast_in_dim3A_19 : i32 to vector<16xi32>
      %broadcast_in_dim3A_21 = arith.constant 0 : i32
      %broadcast_in_dim3A_22 = vector.broadcast %broadcast_in_dim3A_21 : i32 to vector<16xi32>
      %broadcast_in_dim3A_23 = arith.constant 0 : i32
      %broadcast_in_dim3A_24 = vector.broadcast %broadcast_in_dim3A_23 : i32 to vector<16xi32>
      %broadcast_in_dim3A_25 = arith.constant 50000 : i32
      %broadcast_in_dim3A_26 = vector.broadcast %broadcast_in_dim3A_25 : i32 to vector<16xi32>
      %broadcast_in_dim3A_27 = arith.constant 50000 : i32
      %broadcast_in_dim3A_28 = vector.broadcast %broadcast_in_dim3A_27 : i32 to vector<16xi32>
      %broadcast_in_dim3A_29 = arith.constant 50000 : i32
      %broadcast_in_dim3A_30 = vector.broadcast %broadcast_in_dim3A_29 : i32 to vector<16xi32>
      %broadcast_in_dim3A_31 = arith.constant 50000 : i32
      %broadcast_in_dim3A_32 = vector.broadcast %broadcast_in_dim3A_31 : i32 to vector<16xi32>
      %broadcast_in_dim3A_33 = arith.constant 50000 : i32
      %broadcast_in_dim3A_34 = vector.broadcast %broadcast_in_dim3A_33 : i32 to vector<16xi32>
      %broadcast_in_dim3A_35 = arith.constant 50000 : i32
      %broadcast_in_dim3A_36 = vector.broadcast %broadcast_in_dim3A_35 : i32 to vector<16xi32>
      %broadcast_in_dim3A_37 = arith.constant 50000 : i32
      %broadcast_in_dim3A_38 = vector.broadcast %broadcast_in_dim3A_37 : i32 to vector<16xi32>
      %scan3A = arith.constant 0 : i32
      %scan3A_39 = arith.constant 16 : i32
      %scan3A_40 = arith.addi %scan3A, %scan3A_39 : i32
      %scan3A_41 = arith.constant 1 : i32
      %scan3A_42:14 = scf.for %scan3A_57 = %scan3A to %scan3A_40 step %scan3A_41 iter_args(%scan3A_58 = %broadcast_in_dim3A_12, %scan3A_59 = %broadcast_in_dim3A_14, %scan3A_60 = %broadcast_in_dim3A_16, %scan3A_61 = %broadcast_in_dim3A_18, %scan3A_62 = %broadcast_in_dim3A_20, %scan3A_63 = %broadcast_in_dim3A_22, %scan3A_64 = %broadcast_in_dim3A_24, %scan3A_65 = %broadcast_in_dim3A_26, %scan3A_66 = %broadcast_in_dim3A_28, %scan3A_67 = %broadcast_in_dim3A_30, %scan3A_68 = %broadcast_in_dim3A_32, %scan3A_69 = %broadcast_in_dim3A_34, %scan3A_70 = %broadcast_in_dim3A_36, %scan3A_71 = %broadcast_in_dim3A_38) -> (vector<16xi32>, vector<16xi32>, vector<16xi32>, vector<16xi32>, vector<16xi32>, vector<16xi32>, vector<16xi32>, vector<16xi32>, vector<16xi32>, vector<16xi32>, vector<16xi32>, vector<16xi32>, vector<16xi32>, vector<16xi32>)  : i32 {
        %add3A_72 = arith.constant 0 : i32
        %add3A_73 = vector.broadcast %add3A_72 : i32 to vector<16xi32>
        %add3A_74 = arith.addi %iota3A, %add3A_73 : vector<16xi32>
        %add3A_75 = arith.addi %scan3A_58, %scan3A_65 : vector<16xi32>
        %div3A = arith.constant 2 : i32
        %div3A_76 = vector.broadcast %div3A : i32 to vector<16xi32>
        %div3A_77 = arith.divsi %add3A_75, %div3A_76 : vector<16xi32>
        %min3A = arith.constant 49999 : i32
        %min3A_78 = vector.broadcast %min3A : i32 to vector<16xi32>
        %min3A_79 = arith.minsi %div3A_77, %min3A_78 : vector<16xi32>
        %gather3A = tpu.vector_load_idx %run_scoped3A[%min3A_79] : memref<50000xi32, #tpu.memory_space<vmem>>[vector<16xi32>], vector<16xi32>,
        %lt3A_80 = arith.cmpi slt, %scan3A_58, %scan3A_65 : vector<16xi32>
        %lt3A_81 = arith.cmpi slt, %gather3A, %add3A_74 : vector<16xi32>
        %and3A = arith.andi %lt3A_81, %lt3A_80 : vector<16xi1>
        %add3A_82 = arith.constant 1 : i32
        %add3A_83 = vector.broadcast %add3A_82 : i32 to vector<16xi32>
        %add3A_84 = arith.addi %div3A_77, %add3A_83 : vector<16xi32>
        %select_n3A = arith.select %and3A, %add3A_84, %scan3A_58 : vector<16xi1>, vector<16xi32>
        %not3A = arith.constant dense<true> : vector<16xi1>
        %not3A_85 = arith.xori %lt3A_81, %not3A : vector<16xi1>
        %and3A_86 = arith.andi %not3A_85, %lt3A_80 : vector<16xi1>
        %select_n3A_87 = arith.select %and3A_86, %div3A_77, %scan3A_65 : vector<16xi1>, vector<16xi32>
        %add3A_88 = arith.constant 16 : i32
        %add3A_89 = vector.broadcast %add3A_88 : i32 to vector<16xi32>
        %add3A_90 = arith.addi %iota3A, %add3A_89 : vector<16xi32>
        %add3A_91 = arith.addi %scan3A_59, %scan3A_66 : vector<16xi32>
        %div3A_92 = arith.constant 2 : i32
        %div3A_93 = vector.broadcast %div3A_92 : i32 to vector<16xi32>
        %div3A_94 = arith.divsi %add3A_91, %div3A_93 : vector<16xi32>
        %min3A_95 = arith.constant 49999 : i32
        %min3A_96 = vector.broadcast %min3A_95 : i32 to vector<16xi32>
        %min3A_97 = arith.minsi %div3A_94, %min3A_96 : vector<16xi32>
        %gather3A_98 = tpu.vector_load_idx %run_scoped3A[%min3A_97] : memref<50000xi32, #tpu.memory_space<vmem>>[vector<16xi32>], vector<16xi32>,
        %lt3A_99 = arith.cmpi slt, %scan3A_59, %scan3A_66 : vector<16xi32>
        %lt3A_100 = arith.cmpi slt, %gather3A_98, %add3A_90 : vector<16xi32>
        %and3A_101 = arith.andi %lt3A_100, %lt3A_99 : vector<16xi1>
        %add3A_102 = arith.constant 1 : i32
        %add3A_103 = vector.broadcast %add3A_102 : i32 to vector<16xi32>
        %add3A_104 = arith.addi %div3A_94, %add3A_103 : vector<16xi32>
        %select_n3A_105 = arith.select %and3A_101, %add3A_104, %scan3A_59 : vector<16xi1>, vector<16xi32>
        %not3A_106 = arith.constant dense<true> : vector<16xi1>
        %not3A_107 = arith.xori %lt3A_100, %not3A_106 : vector<16xi1>
        %and3A_108 = arith.andi %not3A_107, %lt3A_99 : vector<16xi1>
        %select_n3A_109 = arith.select %and3A_108, %div3A_94, %scan3A_66 : vector<16xi1>, vector<16xi32>
        %add3A_110 = arith.constant 32 : i32
        %add3A_111 = vector.broadcast %add3A_110 : i32 to vector<16xi32>
        %add3A_112 = arith.addi %iota3A, %add3A_111 : vector<16xi32>
        %add3A_113 = arith.addi %scan3A_60, %scan3A_67 : vector<16xi32>
        %div3A_114 = arith.constant 2 : i32
        %div3A_115 = vector.broadcast %div3A_114 : i32 to vector<16xi32>
        %div3A_116 = arith.divsi %add3A_113, %div3A_115 : vector<16xi32>
        %min3A_117 = arith.constant 49999 : i32
        %min3A_118 = vector.broadcast %min3A_117 : i32 to vector<16xi32>
        %min3A_119 = arith.minsi %div3A_116, %min3A_118 : vector<16xi32>
        %gather3A_120 = tpu.vector_load_idx %run_scoped3A[%min3A_119] : memref<50000xi32, #tpu.memory_space<vmem>>[vector<16xi32>], vector<16xi32>,
        %lt3A_121 = arith.cmpi slt, %scan3A_60, %scan3A_67 : vector<16xi32>
        %lt3A_122 = arith.cmpi slt, %gather3A_120, %add3A_112 : vector<16xi32>
        %and3A_123 = arith.andi %lt3A_122, %lt3A_121 : vector<16xi1>
        %add3A_124 = arith.constant 1 : i32
        %add3A_125 = vector.broadcast %add3A_124 : i32 to vector<16xi32>
        %add3A_126 = arith.addi %div3A_116, %add3A_125 : vector<16xi32>
        %select_n3A_127 = arith.select %and3A_123, %add3A_126, %scan3A_60 : vector<16xi1>, vector<16xi32>
        %not3A_128 = arith.constant dense<true> : vector<16xi1>
        %not3A_129 = arith.xori %lt3A_122, %not3A_128 : vector<16xi1>
        %and3A_130 = arith.andi %not3A_129, %lt3A_121 : vector<16xi1>
        %select_n3A_131 = arith.select %and3A_130, %div3A_116, %scan3A_67 : vector<16xi1>, vector<16xi32>
        %add3A_132 = arith.constant 48 : i32
        %add3A_133 = vector.broadcast %add3A_132 : i32 to vector<16xi32>
        %add3A_134 = arith.addi %iota3A, %add3A_133 : vector<16xi32>
        %add3A_135 = arith.addi %scan3A_61, %scan3A_68 : vector<16xi32>
        %div3A_136 = arith.constant 2 : i32
        %div3A_137 = vector.broadcast %div3A_136 : i32 to vector<16xi32>
        %div3A_138 = arith.divsi %add3A_135, %div3A_137 : vector<16xi32>
        %min3A_139 = arith.constant 49999 : i32
        %min3A_140 = vector.broadcast %min3A_139 : i32 to vector<16xi32>
        %min3A_141 = arith.minsi %div3A_138, %min3A_140 : vector<16xi32>
        %gather3A_142 = tpu.vector_load_idx %run_scoped3A[%min3A_141] : memref<50000xi32, #tpu.memory_space<vmem>>[vector<16xi32>], vector<16xi32>,
        %lt3A_143 = arith.cmpi slt, %scan3A_61, %scan3A_68 : vector<16xi32>
        %lt3A_144 = arith.cmpi slt, %gather3A_142, %add3A_134 : vector<16xi32>
        %and3A_145 = arith.andi %lt3A_144, %lt3A_143 : vector<16xi1>
        %add3A_146 = arith.constant 1 : i32
        %add3A_147 = vector.broadcast %add3A_146 : i32 to vector<16xi32>
        %add3A_148 = arith.addi %div3A_138, %add3A_147 : vector<16xi32>
        %select_n3A_149 = arith.select %and3A_145, %add3A_148, %scan3A_61 : vector<16xi1>, vector<16xi32>
        %not3A_150 = arith.constant dense<true> : vector<16xi1>
        %not3A_151 = arith.xori %lt3A_144, %not3A_150 : vector<16xi1>
        %and3A_152 = arith.andi %not3A_151, %lt3A_143 : vector<16xi1>
        %select_n3A_153 = arith.select %and3A_152, %div3A_138, %scan3A_68 : vector<16xi1>, vector<16xi32>
        %add3A_154 = arith.constant 64 : i32
        %add3A_155 = vector.broadcast %add3A_154 : i32 to vector<16xi32>
        %add3A_156 = arith.addi %iota3A, %add3A_155 : vector<16xi32>
        %add3A_157 = arith.addi %scan3A_62, %scan3A_69 : vector<16xi32>
        %div3A_158 = arith.constant 2 : i32
        %div3A_159 = vector.broadcast %div3A_158 : i32 to vector<16xi32>
        %div3A_160 = arith.divsi %add3A_157, %div3A_159 : vector<16xi32>
        %min3A_161 = arith.constant 49999 : i32
        %min3A_162 = vector.broadcast %min3A_161 : i32 to vector<16xi32>
        %min3A_163 = arith.minsi %div3A_160, %min3A_162 : vector<16xi32>
        %gather3A_164 = tpu.vector_load_idx %run_scoped3A[%min3A_163] : memref<50000xi32, #tpu.memory_space<vmem>>[vector<16xi32>], vector<16xi32>,
        %lt3A_165 = arith.cmpi slt, %scan3A_62, %scan3A_69 : vector<16xi32>
        %lt3A_166 = arith.cmpi slt, %gather3A_164, %add3A_156 : vector<16xi32>
        %and3A_167 = arith.andi %lt3A_166, %lt3A_165 : vector<16xi1>
        %add3A_168 = arith.constant 1 : i32
        %add3A_169 = vector.broadcast %add3A_168 : i32 to vector<16xi32>
        %add3A_170 = arith.addi %div3A_160, %add3A_169 : vector<16xi32>
        %select_n3A_171 = arith.select %and3A_167, %add3A_170, %scan3A_62 : vector<16xi1>, vector<16xi32>
        %not3A_172 = arith.constant dense<true> : vector<16xi1>
        %not3A_173 = arith.xori %lt3A_166, %not3A_172 : vector<16xi1>
        %and3A_174 = arith.andi %not3A_173, %lt3A_165 : vector<16xi1>
        %select_n3A_175 = arith.select %and3A_174, %div3A_160, %scan3A_69 : vector<16xi1>, vector<16xi32>
        %add3A_176 = arith.constant 80 : i32
        %add3A_177 = vector.broadcast %add3A_176 : i32 to vector<16xi32>
        %add3A_178 = arith.addi %iota3A, %add3A_177 : vector<16xi32>
        %add3A_179 = arith.addi %scan3A_63, %scan3A_70 : vector<16xi32>
        %div3A_180 = arith.constant 2 : i32
        %div3A_181 = vector.broadcast %div3A_180 : i32 to vector<16xi32>
        %div3A_182 = arith.divsi %add3A_179, %div3A_181 : vector<16xi32>
        %min3A_183 = arith.constant 49999 : i32
        %min3A_184 = vector.broadcast %min3A_183 : i32 to vector<16xi32>
        %min3A_185 = arith.minsi %div3A_182, %min3A_184 : vector<16xi32>
        %gather3A_186 = tpu.vector_load_idx %run_scoped3A[%min3A_185] : memref<50000xi32, #tpu.memory_space<vmem>>[vector<16xi32>], vector<16xi32>,
        %lt3A_187 = arith.cmpi slt, %scan3A_63, %scan3A_70 : vector<16xi32>
        %lt3A_188 = arith.cmpi slt, %gather3A_186, %add3A_178 : vector<16xi32>
        %and3A_189 = arith.andi %lt3A_188, %lt3A_187 : vector<16xi1>
        %add3A_190 = arith.constant 1 : i32
        %add3A_191 = vector.broadcast %add3A_190 : i32 to vector<16xi32>
        %add3A_192 = arith.addi %div3A_182, %add3A_191 : vector<16xi32>
        %select_n3A_193 = arith.select %and3A_189, %add3A_192, %scan3A_63 : vector<16xi1>, vector<16xi32>
        %not3A_194 = arith.constant dense<true> : vector<16xi1>
        %not3A_195 = arith.xori %lt3A_188, %not3A_194 : vector<16xi1>
        %and3A_196 = arith.andi %not3A_195, %lt3A_187 : vector<16xi1>
        %select_n3A_197 = arith.select %and3A_196, %div3A_182, %scan3A_70 : vector<16xi1>, vector<16xi32>
        %add3A_198 = arith.constant 96 : i32
        %add3A_199 = vector.broadcast %add3A_198 : i32 to vector<16xi32>
        %add3A_200 = arith.addi %iota3A, %add3A_199 : vector<16xi32>
        %add3A_201 = arith.addi %scan3A_64, %scan3A_71 : vector<16xi32>
        %div3A_202 = arith.constant 2 : i32
        %div3A_203 = vector.broadcast %div3A_202 : i32 to vector<16xi32>
        %div3A_204 = arith.divsi %add3A_201, %div3A_203 : vector<16xi32>
        %min3A_205 = arith.constant 49999 : i32
        %min3A_206 = vector.broadcast %min3A_205 : i32 to vector<16xi32>
        %min3A_207 = arith.minsi %div3A_204, %min3A_206 : vector<16xi32>
        %gather3A_208 = tpu.vector_load_idx %run_scoped3A[%min3A_207] : memref<50000xi32, #tpu.memory_space<vmem>>[vector<16xi32>], vector<16xi32>,
        %lt3A_209 = arith.cmpi slt, %scan3A_64, %scan3A_71 : vector<16xi32>
        %lt3A_210 = arith.cmpi slt, %gather3A_208, %add3A_200 : vector<16xi32>
        %and3A_211 = arith.andi %lt3A_210, %lt3A_209 : vector<16xi1>
        %add3A_212 = arith.constant 1 : i32
        %add3A_213 = vector.broadcast %add3A_212 : i32 to vector<16xi32>
        %add3A_214 = arith.addi %div3A_204, %add3A_213 : vector<16xi32>
        %select_n3A_215 = arith.select %and3A_211, %add3A_214, %scan3A_64 : vector<16xi1>, vector<16xi32>
        %not3A_216 = arith.constant dense<true> : vector<16xi1>
        %not3A_217 = arith.xori %lt3A_210, %not3A_216 : vector<16xi1>
        %and3A_218 = arith.andi %not3A_217, %lt3A_209 : vector<16xi1>
        %select_n3A_219 = arith.select %and3A_218, %div3A_204, %scan3A_71 : vector<16xi1>, vector<16xi32>
        scf.yield %select_n3A, %select_n3A_105, %select_n3A_127, %select_n3A_149, %select_n3A_171, %select_n3A_193, %select_n3A_215, %select_n3A_87, %select_n3A_109, %select_n3A_131, %select_n3A_153, %select_n3A_175, %select_n3A_197, %select_n3A_219 : vector<16xi32>, vector<16xi32>, vector<16xi32>, vector<16xi32>, vector<16xi32>, vector<16xi32>, vector<16xi32>, vector<16xi32>, vector<16xi32>, vector<16xi32>, vector<16xi32>, vector<16xi32>, vector<16xi32>, vector<16xi32>
      }
      %scan3A_43 = arith.constant 16 : i32
      %swap3A = arith.constant 0 : index
      %swap3A_44 = tpu.vector_load %arg6[%swap3A] {strides = array<i32>} : memref<112xi32, #tpu.memory_space<vmem>>, vector<16xi32>,
      tpu.vector_store %arg6[%swap3A], %scan3A_42#0 {strides = array<i32>} : memref<112xi32, #tpu.memory_space<vmem>>, vector<16xi32>,
      %swap3A_45 = arith.constant 16 : index
      %swap3A_46 = tpu.vector_load %arg6[%swap3A_45] {strides = array<i32>} : memref<112xi32, #tpu.memory_space<vmem>>, vector<16xi32>,
      tpu.vector_store %arg6[%swap3A_45], %scan3A_42#1 {strides = array<i32>} : memref<112xi32, #tpu.memory_space<vmem>>, vector<16xi32>,
      %swap3A_47 = arith.constant 32 : index
      %swap3A_48 = tpu.vector_load %arg6[%swap3A_47] {strides = array<i32>} : memref<112xi32, #tpu.memory_space<vmem>>, vector<16xi32>,
      tpu.vector_store %arg6[%swap3A_47], %scan3A_42#2 {strides = array<i32>} : memref<112xi32, #tpu.memory_space<vmem>>, vector<16xi32>,
      %swap3A_49 = arith.constant 48 : index
      %swap3A_50 = tpu.vector_load %arg6[%swap3A_49] {strides = array<i32>} : memref<112xi32, #tpu.memory_space<vmem>>, vector<16xi32>,
      tpu.vector_store %arg6[%swap3A_49], %scan3A_42#3 {strides = array<i32>} : memref<112xi32, #tpu.memory_space<vmem>>, vector<16xi32>,
      %swap3A_51 = arith.constant 64 : index
      %swap3A_52 = tpu.vector_load %arg6[%swap3A_51] {strides = array<i32>} : memref<112xi32, #tpu.memory_space<vmem>>, vector<16xi32>,
      tpu.vector_store %arg6[%swap3A_51], %scan3A_42#4 {strides = array<i32>} : memref<112xi32, #tpu.memory_space<vmem>>, vector<16xi32>,
      %swap3A_53 = arith.constant 80 : index
      %swap3A_54 = tpu.vector_load %arg6[%swap3A_53] {strides = array<i32>} : memref<112xi32, #tpu.memory_space<vmem>>, vector<16xi32>,
      tpu.vector_store %arg6[%swap3A_53], %scan3A_42#5 {strides = array<i32>} : memref<112xi32, #tpu.memory_space<vmem>>, vector<16xi32>,
      %swap3A_55 = arith.constant 96 : index
      %swap3A_56 = tpu.vector_load %arg6[%swap3A_55] {strides = array<i32>} : memref<112xi32, #tpu.memory_space<vmem>>, vector<16xi32>,
      tpu.vector_store %arg6[%swap3A_55], %scan3A_42#6 {strides = array<i32>} : memref<112xi32, #tpu.memory_space<vmem>>, vector<16xi32>,
      tpu.yield
    }) : () -> ()
    "tpu.region"() ({
      %run_scoped3A = memref.alloca() : memref<80x250xf32, #tpu.memory_space<vmem>>
      %run_scoped3A_12 = memref.alloca() : memref<80x250xf32, #tpu.memory_space<vmem>>
      %run_scoped3A_13 = memref.alloca() : memref<80x250xf32, #tpu.memory_space<vmem>>
      %run_scoped3A_14 = memref.alloca() : memref<80x256xf32, #tpu.memory_space<vmem>>
      %run_scoped3A_15 = memref.alloca() : memref<80x256xf32, #tpu.memory_space<vmem>>
      %ge3A = arith.constant 6 : i32
      %ge3A_16 = vector.broadcast %ge3A : i32 to vector<16xi32>
      %ge3A_17 = arith.cmpi sge, %iota3A, %ge3A_16 : vector<16xi32>
      %add3A_18 = arith.constant 0 : i32
      %add3A_19 = arith.addi %add3A, %add3A_18 : i32
      %ge3A_20 = arith.constant 0 : i32
      %ge3A_21 = arith.cmpi sge, %add3A_19, %ge3A_20 : i32
      %lt3A_22 = arith.constant 625 : i32
      %lt3A_23 = arith.cmpi slt, %add3A_19, %lt3A_22 : i32
      %and3A = arith.andi %ge3A_21, %lt3A_23 : i1
      %convert_element_type3A_24 = arith.extui %and3A : i1 to i32
      %cond3A_25 = arith.constant 0 : i32
      %cond3A_26 = arith.cmpi ne, %convert_element_type3A_24, %cond3A_25 : i32
      scf.if %cond3A_26 {
        %add3A_85 = arith.constant 0 : i32
        %add3A_86 = arith.addi %add3A, %add3A_85 : i32
        %mul3A_87 = arith.constant 80 : i32
        %mul3A_88 = arith.muli %add3A_86, %mul3A_87 : i32
        %dma_start3A = arith.constant 0 : i32
        %dma_start3A_89 = tpu.memref_slice %arg2[%mul3A_88, %dma_start3A] : memref<50000x250xf32, #tpu.memory_space<hbm>> -> memref<80x250xf32, #tpu.memory_space<hbm>>
        %dma_start3A_90 = arith.constant 0 : i32
        %dma_start3A_91 = tpu.memref_slice %arg2[%mul3A_88, %dma_start3A_90] : memref<50000x250xf32, #tpu.memory_space<hbm>> -> memref<80x250xf32, #tpu.memory_space<hbm>>
        tpu.enqueue_dma source(%dma_start3A_91 : memref<80x250xf32, #tpu.memory_space<hbm>>) target(%run_scoped3A : memref<80x250xf32, #tpu.memory_space<vmem>>) target_semaphore(%arg13 : memref<!tpu.dma_semaphore, #tpu.memory_space<semaphore_mem>>)
      } else {
      }
      %add3A_27 = arith.constant 32 : i32
      %add3A_28 = arith.addi %add3A, %add3A_27 : i32
      %ge3A_29 = arith.constant 0 : i32
      %ge3A_30 = arith.cmpi sge, %add3A_28, %ge3A_29 : i32
      %lt3A_31 = arith.constant 625 : i32
      %lt3A_32 = arith.cmpi slt, %add3A_28, %lt3A_31 : i32
      %and3A_33 = arith.andi %ge3A_30, %lt3A_32 : i1
      %convert_element_type3A_34 = arith.extui %and3A_33 : i1 to i32
      %cond3A_35 = arith.constant 0 : i32
      %cond3A_36 = arith.cmpi ne, %convert_element_type3A_34, %cond3A_35 : i32
      scf.if %cond3A_36 {
        %add3A_85 = arith.constant 32 : i32
        %add3A_86 = arith.addi %add3A, %add3A_85 : i32
        %mul3A_87 = arith.constant 80 : i32
        %mul3A_88 = arith.muli %add3A_86, %mul3A_87 : i32
        %dma_start3A = arith.constant 0 : i32
        %dma_start3A_89 = tpu.memref_slice %arg2[%mul3A_88, %dma_start3A] : memref<50000x250xf32, #tpu.memory_space<hbm>> -> memref<80x250xf32, #tpu.memory_space<hbm>>
        %dma_start3A_90 = arith.constant 0 : i32
        %dma_start3A_91 = tpu.memref_slice %arg2[%mul3A_88, %dma_start3A_90] : memref<50000x250xf32, #tpu.memory_space<hbm>> -> memref<80x250xf32, #tpu.memory_space<hbm>>
        tpu.enqueue_dma source(%dma_start3A_91 : memref<80x250xf32, #tpu.memory_space<hbm>>) target(%run_scoped3A_12 : memref<80x250xf32, #tpu.memory_space<vmem>>) target_semaphore(%arg14 : memref<!tpu.dma_semaphore, #tpu.memory_space<semaphore_mem>>)
      } else {
      }
      %scan3A = arith.constant 0 : i32
      %scan3A_37 = arith.constant 0 : i32
      %scan3A_38 = arith.constant 4 : i32
      %scan3A_39 = arith.addi %scan3A_37, %scan3A_38 : i32
      %scan3A_40 = arith.constant 1 : i32
      %scan3A_41 = scf.for %scan3A_85 = %scan3A_37 to %scan3A_39 step %scan3A_40 iter_args(%scan3A_86 = %scan3A) -> (i32)  : i32 {
        %mul3A_87 = arith.constant 6 : i32
        %mul3A_88 = arith.muli %scan3A_85, %mul3A_87 : i32
        %add3A_89 = arith.constant 0 : i32
        %add3A_90 = arith.addi %mul3A_88, %add3A_89 : i32
        %mul3A_91 = arith.constant 32 : i32
        %mul3A_92 = arith.muli %add3A_90, %mul3A_91 : i32
        %add3A_93 = arith.addi %add3A, %mul3A_92 : i32
        %ge3A_94 = arith.constant 0 : i32
        %ge3A_95 = arith.cmpi sge, %add3A_93, %ge3A_94 : i32
        %lt3A_96 = arith.constant 625 : i32
        %lt3A_97 = arith.cmpi slt, %add3A_93, %lt3A_96 : i32
        %and3A_98 = arith.andi %ge3A_95, %lt3A_97 : i1
        %convert_element_type3A_99 = arith.extui %and3A_98 : i1 to i32
        %cond3A_100 = arith.constant 0 : i32
        %cond3A_101 = arith.cmpi ne, %convert_element_type3A_99, %cond3A_100 : i32
        scf.if %cond3A_101 {
          %mul3A_429 = arith.constant 32 : i32
          %mul3A_430 = arith.muli %add3A_90, %mul3A_429 : i32
          %add3A_431 = arith.addi %add3A, %mul3A_430 : i32
          %mul3A_432 = arith.constant 80 : i32
          %mul3A_433 = arith.muli %add3A_431, %mul3A_432 : i32
          %dma_wait3A = tpu.memref_slice %arg3[%mul3A_433] : memref<50000xi32, #tpu.memory_space<hbm>> -> memref<80xi32, #tpu.memory_space<hbm>>
          %dma_wait3A_434 = tpu.memref_slice %arg3[%mul3A_433] : memref<50000xi32, #tpu.memory_space<hbm>> -> memref<80xi32, #tpu.memory_space<hbm>>
          tpu.wait_dma2 semaphore(%arg11 : memref<!tpu.dma_semaphore, #tpu.memory_space<semaphore_mem>>) src(%dma_wait3A_434 : memref<80xi32, #tpu.memory_space<hbm>>) dst(%arg7 : memref<80xi32, #tpu.memory_space<vmem>>)
          %get3A = arith.constant 0 : index
          %get3A_435 = tpu.vector_load %arg7[%get3A] {strides = array<i32>} : memref<80xi32, #tpu.memory_space<vmem>>, vector<16xi32>,
          %gather3A = tpu.vector_load_idx %arg6[%get3A_435] : memref<112xi32, #tpu.memory_space<vmem>>[vector<16xi32>], vector<16xi32>,
          %add3A_436 = arith.constant 0 : i32
          %add3A_437 = arith.addi %mul3A_433, %add3A_436 : i32
          %add3A_438 = vector.broadcast %add3A_437 : i32 to vector<16xi32>
          %add3A_439 = arith.addi %add3A_438, %iota3A : vector<16xi32>
          %sub3A_440 = arith.subi %add3A_439, %gather3A : vector<16xi32>
          %max3A = arith.constant 0 : i32
          %max3A_441 = vector.broadcast %max3A : i32 to vector<16xi32>
          %max3A_442 = arith.maxsi %sub3A_440, %max3A_441 : vector<16xi32>
          %min3A = arith.constant 999 : i32
          %min3A_443 = vector.broadcast %min3A : i32 to vector<16xi32>
          %min3A_444 = arith.minsi %max3A_442, %min3A_443 : vector<16xi32>
          %swap3A = arith.constant 0 : index
          %swap3A_445 = tpu.vector_load %arg9[%swap3A] {strides = array<i32>} : memref<80xi32, #tpu.memory_space<vmem>>, vector<16xi32>,
          tpu.vector_store %arg9[%swap3A], %min3A_444 {strides = array<i32>} : memref<80xi32, #tpu.memory_space<vmem>>, vector<16xi32>,
          %get3A_446 = arith.constant 16 : index
          %get3A_447 = tpu.vector_load %arg7[%get3A_446] {strides = array<i32>} : memref<80xi32, #tpu.memory_space<vmem>>, vector<16xi32>,
          %gather3A_448 = tpu.vector_load_idx %arg6[%get3A_447] : memref<112xi32, #tpu.memory_space<vmem>>[vector<16xi32>], vector<16xi32>,
          %add3A_449 = arith.constant 16 : i32
          %add3A_450 = arith.addi %mul3A_433, %add3A_449 : i32
          %add3A_451 = vector.broadcast %add3A_450 : i32 to vector<16xi32>
          %add3A_452 = arith.addi %add3A_451, %iota3A : vector<16xi32>
          %sub3A_453 = arith.subi %add3A_452, %gather3A_448 : vector<16xi32>
          %max3A_454 = arith.constant 0 : i32
          %max3A_455 = vector.broadcast %max3A_454 : i32 to vector<16xi32>
          %max3A_456 = arith.maxsi %sub3A_453, %max3A_455 : vector<16xi32>
          %min3A_457 = arith.constant 999 : i32
          %min3A_458 = vector.broadcast %min3A_457 : i32 to vector<16xi32>
          %min3A_459 = arith.minsi %max3A_456, %min3A_458 : vector<16xi32>
          %swap3A_460 = arith.constant 16 : index
          %swap3A_461 = tpu.vector_load %arg9[%swap3A_460] {strides = array<i32>} : memref<80xi32, #tpu.memory_space<vmem>>, vector<16xi32>,
          tpu.vector_store %arg9[%swap3A_460], %min3A_459 {strides = array<i32>} : memref<80xi32, #tpu.memory_space<vmem>>, vector<16xi32>,
          %get3A_462 = arith.constant 32 : index
          %get3A_463 = tpu.vector_load %arg7[%get3A_462] {strides = array<i32>} : memref<80xi32, #tpu.memory_space<vmem>>, vector<16xi32>,
          %gather3A_464 = tpu.vector_load_idx %arg6[%get3A_463] : memref<112xi32, #tpu.memory_space<vmem>>[vector<16xi32>], vector<16xi32>,
          %add3A_465 = arith.constant 32 : i32
          %add3A_466 = arith.addi %mul3A_433, %add3A_465 : i32
          %add3A_467 = vector.broadcast %add3A_466 : i32 to vector<16xi32>
          %add3A_468 = arith.addi %add3A_467, %iota3A : vector<16xi32>
          %sub3A_469 = arith.subi %add3A_468, %gather3A_464 : vector<16xi32>
          %max3A_470 = arith.constant 0 : i32
          %max3A_471 = vector.broadcast %max3A_470 : i32 to vector<16xi32>
          %max3A_472 = arith.maxsi %sub3A_469, %max3A_471 : vector<16xi32>
          %min3A_473 = arith.constant 999 : i32
          %min3A_474 = vector.broadcast %min3A_473 : i32 to vector<16xi32>
          %min3A_475 = arith.minsi %max3A_472, %min3A_474 : vector<16xi32>
          %swap3A_476 = arith.constant 32 : index
          %swap3A_477 = tpu.vector_load %arg9[%swap3A_476] {strides = array<i32>} : memref<80xi32, #tpu.memory_space<vmem>>, vector<16xi32>,
          tpu.vector_store %arg9[%swap3A_476], %min3A_475 {strides = array<i32>} : memref<80xi32, #tpu.memory_space<vmem>>, vector<16xi32>,
          %get3A_478 = arith.constant 48 : index
          %get3A_479 = tpu.vector_load %arg7[%get3A_478] {strides = array<i32>} : memref<80xi32, #tpu.memory_space<vmem>>, vector<16xi32>,
          %gather3A_480 = tpu.vector_load_idx %arg6[%get3A_479] : memref<112xi32, #tpu.memory_space<vmem>>[vector<16xi32>], vector<16xi32>,
          %add3A_481 = arith.constant 48 : i32
          %add3A_482 = arith.addi %mul3A_433, %add3A_481 : i32
          %add3A_483 = vector.broadcast %add3A_482 : i32 to vector<16xi32>
          %add3A_484 = arith.addi %add3A_483, %iota3A : vector<16xi32>
          %sub3A_485 = arith.subi %add3A_484, %gather3A_480 : vector<16xi32>
          %max3A_486 = arith.constant 0 : i32
          %max3A_487 = vector.broadcast %max3A_486 : i32 to vector<16xi32>
          %max3A_488 = arith.maxsi %sub3A_485, %max3A_487 : vector<16xi32>
          %min3A_489 = arith.constant 999 : i32
          %min3A_490 = vector.broadcast %min3A_489 : i32 to vector<16xi32>
          %min3A_491 = arith.minsi %max3A_488, %min3A_490 : vector<16xi32>
          %swap3A_492 = arith.constant 48 : index
          %swap3A_493 = tpu.vector_load %arg9[%swap3A_492] {strides = array<i32>} : memref<80xi32, #tpu.memory_space<vmem>>, vector<16xi32>,
          tpu.vector_store %arg9[%swap3A_492], %min3A_491 {strides = array<i32>} : memref<80xi32, #tpu.memory_space<vmem>>, vector<16xi32>,
          %get3A_494 = arith.constant 64 : index
          %get3A_495 = tpu.vector_load %arg7[%get3A_494] {strides = array<i32>} : memref<80xi32, #tpu.memory_space<vmem>>, vector<16xi32>,
          %gather3A_496 = tpu.vector_load_idx %arg6[%get3A_495] : memref<112xi32, #tpu.memory_space<vmem>>[vector<16xi32>], vector<16xi32>,
          %add3A_497 = arith.constant 64 : i32
          %add3A_498 = arith.addi %mul3A_433, %add3A_497 : i32
          %add3A_499 = vector.broadcast %add3A_498 : i32 to vector<16xi32>
          %add3A_500 = arith.addi %add3A_499, %iota3A : vector<16xi32>
          %sub3A_501 = arith.subi %add3A_500, %gather3A_496 : vector<16xi32>
          %max3A_502 = arith.constant 0 : i32
          %max3A_503 = vector.broadcast %max3A_502 : i32 to vector<16xi32>
          %max3A_504 = arith.maxsi %sub3A_501, %max3A_503 : vector<16xi32>
          %min3A_505 = arith.constant 999 : i32
          %min3A_506 = vector.broadcast %min3A_505 : i32 to vector<16xi32>
          %min3A_507 = arith.minsi %max3A_504, %min3A_506 : vector<16xi32>
          %swap3A_508 = arith.constant 64 : index
          %swap3A_509 = tpu.vector_load %arg9[%swap3A_508] {strides = array<i32>} : memref<80xi32, #tpu.memory_space<vmem>>, vector<16xi32>,
          tpu.vector_store %arg9[%swap3A_508], %min3A_507 {strides = array<i32>} : memref<80xi32, #tpu.memory_space<vmem>>, vector<16xi32>,
          %dma_start3A = arith.constant 0 : i32
          %dma_start3A_510 = arith.constant 0 : i32
          %dma_start3A_511 = tpu.memref_slice %arg4[%dma_start3A, %dma_start3A_510] : memref<1000x256xf32, #tpu.memory_space<hbm>> -> memref<1000x256xf32, #tpu.memory_space<hbm>>
          tpu.enqueue_indirect_dma source(%dma_start3A_511 : memref<1000x256xf32, #tpu.memory_space<hbm>>) target(%run_scoped3A_14 : memref<80x256xf32, #tpu.memory_space<vmem>>) offsets(%arg9 : memref<80xi32, #tpu.memory_space<vmem>>) semaphore(%arg16 : memref<!tpu.dma_semaphore, #tpu.memory_space<semaphore_mem>>)
        } else {
        }
        %sub3A = arith.constant 1 : i32
        %sub3A_102 = arith.subi %add3A_90, %sub3A : i32
        %mul3A_103 = arith.constant 32 : i32
        %mul3A_104 = arith.muli %sub3A_102, %mul3A_103 : i32
        %add3A_105 = arith.addi %add3A, %mul3A_104 : i32
        %ge3A_106 = arith.constant 0 : i32
        %ge3A_107 = arith.cmpi sge, %add3A_105, %ge3A_106 : i32
        %lt3A_108 = arith.constant 625 : i32
        %lt3A_109 = arith.cmpi slt, %add3A_105, %lt3A_108 : i32
        %and3A_110 = arith.andi %ge3A_107, %lt3A_109 : i1
        %convert_element_type3A_111 = arith.extui %and3A_110 : i1 to i32
        %cond3A_112 = arith.constant 0 : i32
        %cond3A_113 = arith.cmpi ne, %convert_element_type3A_111, %cond3A_112 : i32
        scf.if %cond3A_113 {
          %sub3A_429 = arith.constant 1 : i32
          %sub3A_430 = arith.subi %add3A_90, %sub3A_429 : i32
          %mul3A_431 = arith.constant 32 : i32
          %mul3A_432 = arith.muli %sub3A_430, %mul3A_431 : i32
          %add3A_433 = arith.addi %add3A, %mul3A_432 : i32
          %mul3A_434 = arith.constant 80 : i32
          %mul3A_435 = arith.muli %add3A_433, %mul3A_434 : i32
          %dma_wait3A = arith.constant 0 : i32
          %dma_wait3A_436 = tpu.memref_slice %arg2[%mul3A_435, %dma_wait3A] : memref<50000x250xf32, #tpu.memory_space<hbm>> -> memref<80x250xf32, #tpu.memory_space<hbm>>
          %dma_wait3A_437 = arith.constant 0 : i32
          %dma_wait3A_438 = tpu.memref_slice %arg2[%mul3A_435, %dma_wait3A_437] : memref<50000x250xf32, #tpu.memory_space<hbm>> -> memref<80x250xf32, #tpu.memory_space<hbm>>
          tpu.wait_dma2 semaphore(%arg15 : memref<!tpu.dma_semaphore, #tpu.memory_space<semaphore_mem>>) src(%dma_wait3A_438 : memref<80x250xf32, #tpu.memory_space<hbm>>) dst(%run_scoped3A_13 : memref<80x250xf32, #tpu.memory_space<vmem>>)
          %dma_wait3A_439 = arith.constant 0 : i32
          %dma_wait3A_440 = arith.constant 0 : i32
          %dma_wait3A_441 = tpu.memref_slice %arg4[%dma_wait3A_439, %dma_wait3A_440] : memref<1000x256xf32, #tpu.memory_space<hbm>> -> memref<1000x256xf32, #tpu.memory_space<hbm>>
          tpu.wait_indirect_dma semaphore(%arg17 : memref<!tpu.dma_semaphore, #tpu.memory_space<semaphore_mem>>) src(%dma_wait3A_441 : memref<1000x256xf32, #tpu.memory_space<hbm>>) dst(%run_scoped3A_15 : memref<80x256xf32, #tpu.memory_space<vmem>>)
          %parallel_loop3A = arith.constant 0 : i32
          %parallel_loop3A_442 = arith.constant 80 : i32
          %parallel_loop3A_443 = arith.constant 1 : i32
          scf.for %parallel_loop3A_447 = %parallel_loop3A to %parallel_loop3A_442 step %parallel_loop3A_443  : i32 {
            %parallel_loop3A_448 = arith.index_cast %parallel_loop3A_447 : i32 to index
            %parallel_loop3A_449 = arith.constant 0 : index
            %parallel_loop3A_450 = tpu.vector_load %run_scoped3A_15[%parallel_loop3A_448, %parallel_loop3A_449] {strides = array<i32>} : memref<80x256xf32, #tpu.memory_space<vmem>>, vector<16xf32>,
            %parallel_loop3A_451 = arith.index_cast %parallel_loop3A_447 : i32 to index
            %parallel_loop3A_452 = arith.constant 0 : index
            %parallel_loop3A_453 = tpu.vector_load %run_scoped3A_13[%parallel_loop3A_451, %parallel_loop3A_452] {strides = array<i32>} : memref<80x250xf32, #tpu.memory_space<vmem>>, vector<16xf32>,
            tpu.vector_store %run_scoped3A_13[%parallel_loop3A_451, %parallel_loop3A_452], %parallel_loop3A_450 {add = true, strides = array<i32>} : memref<80x250xf32, #tpu.memory_space<vmem>>, vector<16xf32>,
            %parallel_loop3A_454 = arith.index_cast %parallel_loop3A_447 : i32 to index
            %parallel_loop3A_455 = arith.constant 16 : index
            %parallel_loop3A_456 = tpu.vector_load %run_scoped3A_15[%parallel_loop3A_454, %parallel_loop3A_455] {strides = array<i32>} : memref<80x256xf32, #tpu.memory_space<vmem>>, vector<16xf32>,
            %parallel_loop3A_457 = arith.index_cast %parallel_loop3A_447 : i32 to index
            %parallel_loop3A_458 = arith.constant 16 : index
            %parallel_loop3A_459 = tpu.vector_load %run_scoped3A_13[%parallel_loop3A_457, %parallel_loop3A_458] {strides = array<i32>} : memref<80x250xf32, #tpu.memory_space<vmem>>, vector<16xf32>,
            tpu.vector_store %run_scoped3A_13[%parallel_loop3A_457, %parallel_loop3A_458], %parallel_loop3A_456 {add = true, strides = array<i32>} : memref<80x250xf32, #tpu.memory_space<vmem>>, vector<16xf32>,
            %parallel_loop3A_460 = arith.index_cast %parallel_loop3A_447 : i32 to index
            %parallel_loop3A_461 = arith.constant 32 : index
            %parallel_loop3A_462 = tpu.vector_load %run_scoped3A_15[%parallel_loop3A_460, %parallel_loop3A_461] {strides = array<i32>} : memref<80x256xf32, #tpu.memory_space<vmem>>, vector<16xf32>,
            %parallel_loop3A_463 = arith.index_cast %parallel_loop3A_447 : i32 to index
            %parallel_loop3A_464 = arith.constant 32 : index
            %parallel_loop3A_465 = tpu.vector_load %run_scoped3A_13[%parallel_loop3A_463, %parallel_loop3A_464] {strides = array<i32>} : memref<80x250xf32, #tpu.memory_space<vmem>>, vector<16xf32>,
            tpu.vector_store %run_scoped3A_13[%parallel_loop3A_463, %parallel_loop3A_464], %parallel_loop3A_462 {add = true, strides = array<i32>} : memref<80x250xf32, #tpu.memory_space<vmem>>, vector<16xf32>,
            %parallel_loop3A_466 = arith.index_cast %parallel_loop3A_447 : i32 to index
            %parallel_loop3A_467 = arith.constant 48 : index
            %parallel_loop3A_468 = tpu.vector_load %run_scoped3A_15[%parallel_loop3A_466, %parallel_loop3A_467] {strides = array<i32>} : memref<80x256xf32, #tpu.memory_space<vmem>>, vector<16xf32>,
            %parallel_loop3A_469 = arith.index_cast %parallel_loop3A_447 : i32 to index
            %parallel_loop3A_470 = arith.constant 48 : index
            %parallel_loop3A_471 = tpu.vector_load %run_scoped3A_13[%parallel_loop3A_469, %parallel_loop3A_470] {strides = array<i32>} : memref<80x250xf32, #tpu.memory_space<vmem>>, vector<16xf32>,
            tpu.vector_store %run_scoped3A_13[%parallel_loop3A_469, %parallel_loop3A_470], %parallel_loop3A_468 {add = true, strides = array<i32>} : memref<80x250xf32, #tpu.memory_space<vmem>>, vector<16xf32>,
            %parallel_loop3A_472 = arith.index_cast %parallel_loop3A_447 : i32 to index
            %parallel_loop3A_473 = arith.constant 64 : index
            %parallel_loop3A_474 = tpu.vector_load %run_scoped3A_15[%parallel_loop3A_472, %parallel_loop3A_473] {strides = array<i32>} : memref<80x256xf32, #tpu.memory_space<vmem>>, vector<16xf32>,
            %parallel_loop3A_475 = arith.index_cast %parallel_loop3A_447 : i32 to index
            %parallel_loop3A_476 = arith.constant 64 : index
            %parallel_loop3A_477 = tpu.vector_load %run_scoped3A_13[%parallel_loop3A_475, %parallel_loop3A_476] {strides = array<i32>} : memref<80x250xf32, #tpu.memory_space<vmem>>, vector<16xf32>,
            tpu.vector_store %run_scoped3A_13[%parallel_loop3A_475, %parallel_loop3A_476], %parallel_loop3A_474 {add = true, strides = array<i32>} : memref<80x250xf32, #tpu.memory_space<vmem>>, vector<16xf32>,
            %parallel_loop3A_478 = arith.index_cast %parallel_loop3A_447 : i32 to index
            %parallel_loop3A_479 = arith.constant 80 : index
            %parallel_loop3A_480 = tpu.vector_load %run_scoped3A_15[%parallel_loop3A_478, %parallel_loop3A_479] {strides = array<i32>} : memref<80x256xf32, #tpu.memory_space<vmem>>, vector<16xf32>,
            %parallel_loop3A_481 = arith.index_cast %parallel_loop3A_447 : i32 to index
            %parallel_loop3A_482 = arith.constant 80 : index
            %parallel_loop3A_483 = tpu.vector_load %run_scoped3A_13[%parallel_loop3A_481, %parallel_loop3A_482] {strides = array<i32>} : memref<80x250xf32, #tpu.memory_space<vmem>>, vector<16xf32>,
            tpu.vector_store %run_scoped3A_13[%parallel_loop3A_481, %parallel_loop3A_482], %parallel_loop3A_480 {add = true, strides = array<i32>} : memref<80x250xf32, #tpu.memory_space<vmem>>, vector<16xf32>,
            %parallel_loop3A_484 = arith.index_cast %parallel_loop3A_447 : i32 to index
            %parallel_loop3A_485 = arith.constant 96 : index
            %parallel_loop3A_486 = tpu.vector_load %run_scoped3A_15[%parallel_loop3A_484, %parallel_loop3A_485] {strides = array<i32>} : memref<80x256xf32, #tpu.memory_space<vmem>>, vector<16xf32>,
            %parallel_loop3A_487 = arith.index_cast %parallel_loop3A_447 : i32 to index
            %parallel_loop3A_488 = arith.constant 96 : index
            %parallel_loop3A_489 = tpu.vector_load %run_scoped3A_13[%parallel_loop3A_487, %parallel_loop3A_488] {strides = array<i32>} : memref<80x250xf32, #tpu.memory_space<vmem>>, vector<16xf32>,
            tpu.vector_store %run_scoped3A_13[%parallel_loop3A_487, %parallel_loop3A_488], %parallel_loop3A_486 {add = true, strides = array<i32>} : memref<80x250xf32, #tpu.memory_space<vmem>>, vector<16xf32>,
            %parallel_loop3A_490 = arith.index_cast %parallel_loop3A_447 : i32 to index
            %parallel_loop3A_491 = arith.constant 112 : index
            %parallel_loop3A_492 = tpu.vector_load %run_scoped3A_15[%parallel_loop3A_490, %parallel_loop3A_491] {strides = array<i32>} : memref<80x256xf32, #tpu.memory_space<vmem>>, vector<16xf32>,
            %parallel_loop3A_493 = arith.index_cast %parallel_loop3A_447 : i32 to index
            %parallel_loop3A_494 = arith.constant 112 : index
            %parallel_loop3A_495 = tpu.vector_load %run_scoped3A_13[%parallel_loop3A_493, %parallel_loop3A_494] {strides = array<i32>} : memref<80x250xf32, #tpu.memory_space<vmem>>, vector<16xf32>,
            tpu.vector_store %run_scoped3A_13[%parallel_loop3A_493, %parallel_loop3A_494], %parallel_loop3A_492 {add = true, strides = array<i32>} : memref<80x250xf32, #tpu.memory_space<vmem>>, vector<16xf32>,
            %parallel_loop3A_496 = arith.index_cast %parallel_loop3A_447 : i32 to index
            %parallel_loop3A_497 = arith.constant 128 : index
            %parallel_loop3A_498 = tpu.vector_load %run_scoped3A_15[%parallel_loop3A_496, %parallel_loop3A_497] {strides = array<i32>} : memref<80x256xf32, #tpu.memory_space<vmem>>, vector<16xf32>,
            %parallel_loop3A_499 = arith.index_cast %parallel_loop3A_447 : i32 to index
            %parallel_loop3A_500 = arith.constant 128 : index
            %parallel_loop3A_501 = tpu.vector_load %run_scoped3A_13[%parallel_loop3A_499, %parallel_loop3A_500] {strides = array<i32>} : memref<80x250xf32, #tpu.memory_space<vmem>>, vector<16xf32>,
            tpu.vector_store %run_scoped3A_13[%parallel_loop3A_499, %parallel_loop3A_500], %parallel_loop3A_498 {add = true, strides = array<i32>} : memref<80x250xf32, #tpu.memory_space<vmem>>, vector<16xf32>,
            %parallel_loop3A_502 = arith.index_cast %parallel_loop3A_447 : i32 to index
            %parallel_loop3A_503 = arith.constant 144 : index
            %parallel_loop3A_504 = tpu.vector_load %run_scoped3A_15[%parallel_loop3A_502, %parallel_loop3A_503] {strides = array<i32>} : memref<80x256xf32, #tpu.memory_space<vmem>>, vector<16xf32>,
            %parallel_loop3A_505 = arith.index_cast %parallel_loop3A_447 : i32 to index
            %parallel_loop3A_506 = arith.constant 144 : index
            %parallel_loop3A_507 = tpu.vector_load %run_scoped3A_13[%parallel_loop3A_505, %parallel_loop3A_506] {strides = array<i32>} : memref<80x250xf32, #tpu.memory_space<vmem>>, vector<16xf32>,
            tpu.vector_store %run_scoped3A_13[%parallel_loop3A_505, %parallel_loop3A_506], %parallel_loop3A_504 {add = true, strides = array<i32>} : memref<80x250xf32, #tpu.memory_space<vmem>>, vector<16xf32>,
            %parallel_loop3A_508 = arith.index_cast %parallel_loop3A_447 : i32 to index
            %parallel_loop3A_509 = arith.constant 160 : index
            %parallel_loop3A_510 = tpu.vector_load %run_scoped3A_15[%parallel_loop3A_508, %parallel_loop3A_509] {strides = array<i32>} : memref<80x256xf32, #tpu.memory_space<vmem>>, vector<16xf32>,
            %parallel_loop3A_511 = arith.index_cast %parallel_loop3A_447 : i32 to index
            %parallel_loop3A_512 = arith.constant 160 : index
            %parallel_loop3A_513 = tpu.vector_load %run_scoped3A_13[%parallel_loop3A_511, %parallel_loop3A_512] {strides = array<i32>} : memref<80x250xf32, #tpu.memory_space<vmem>>, vector<16xf32>,
            tpu.vector_store %run_scoped3A_13[%parallel_loop3A_511, %parallel_loop3A_512], %parallel_loop3A_510 {add = true, strides = array<i32>} : memref<80x250xf32, #tpu.memory_space<vmem>>, vector<16xf32>,
            %parallel_loop3A_514 = arith.index_cast %parallel_loop3A_447 : i32 to index
            %parallel_loop3A_515 = arith.constant 176 : index
            %parallel_loop3A_516 = tpu.vector_load %run_scoped3A_15[%parallel_loop3A_514, %parallel_loop3A_515] {strides = array<i32>} : memref<80x256xf32, #tpu.memory_space<vmem>>, vector<16xf32>,
            %parallel_loop3A_517 = arith.index_cast %parallel_loop3A_447 : i32 to index
            %parallel_loop3A_518 = arith.constant 176 : index
            %parallel_loop3A_519 = tpu.vector_load %run_scoped3A_13[%parallel_loop3A_517, %parallel_loop3A_518] {strides = array<i32>} : memref<80x250xf32, #tpu.memory_space<vmem>>, vector<16xf32>,
            tpu.vector_store %run_scoped3A_13[%parallel_loop3A_517, %parallel_loop3A_518], %parallel_loop3A_516 {add = true, strides = array<i32>} : memref<80x250xf32, #tpu.memory_space<vmem>>, vector<16xf32>,
            %parallel_loop3A_520 = arith.index_cast %parallel_loop3A_447 : i32 to index
            %parallel_loop3A_521 = arith.constant 192 : index
            %parallel_loop3A_522 = tpu.vector_load %run_scoped3A_15[%parallel_loop3A_520, %parallel_loop3A_521] {strides = array<i32>} : memref<80x256xf32, #tpu.memory_space<vmem>>, vector<16xf32>,
            %parallel_loop3A_523 = arith.index_cast %parallel_loop3A_447 : i32 to index
            %parallel_loop3A_524 = arith.constant 192 : index
            %parallel_loop3A_525 = tpu.vector_load %run_scoped3A_13[%parallel_loop3A_523, %parallel_loop3A_524] {strides = array<i32>} : memref<80x250xf32, #tpu.memory_space<vmem>>, vector<16xf32>,
            tpu.vector_store %run_scoped3A_13[%parallel_loop3A_523, %parallel_loop3A_524], %parallel_loop3A_522 {add = true, strides = array<i32>} : memref<80x250xf32, #tpu.memory_space<vmem>>, vector<16xf32>,
            %parallel_loop3A_526 = arith.index_cast %parallel_loop3A_447 : i32 to index
            %parallel_loop3A_527 = arith.constant 208 : index
            %parallel_loop3A_528 = tpu.vector_load %run_scoped3A_15[%parallel_loop3A_526, %parallel_loop3A_527] {strides = array<i32>} : memref<80x256xf32, #tpu.memory_space<vmem>>, vector<16xf32>,
            %parallel_loop3A_529 = arith.index_cast %parallel_loop3A_447 : i32 to index
            %parallel_loop3A_530 = arith.constant 208 : index
            %parallel_loop3A_531 = tpu.vector_load %run_scoped3A_13[%parallel_loop3A_529, %parallel_loop3A_530] {strides = array<i32>} : memref<80x250xf32, #tpu.memory_space<vmem>>, vector<16xf32>,
            tpu.vector_store %run_scoped3A_13[%parallel_loop3A_529, %parallel_loop3A_530], %parallel_loop3A_528 {add = true, strides = array<i32>} : memref<80x250xf32, #tpu.memory_space<vmem>>, vector<16xf32>,
            %parallel_loop3A_532 = arith.index_cast %parallel_loop3A_447 : i32 to index
            %parallel_loop3A_533 = arith.constant 224 : index
            %parallel_loop3A_534 = tpu.vector_load %run_scoped3A_15[%parallel_loop3A_532, %parallel_loop3A_533] {strides = array<i32>} : memref<80x256xf32, #tpu.memory_space<vmem>>, vector<16xf32>,
            %parallel_loop3A_535 = arith.index_cast %parallel_loop3A_447 : i32 to index
            %parallel_loop3A_536 = arith.constant 224 : index
            %parallel_loop3A_537 = tpu.vector_load %run_scoped3A_13[%parallel_loop3A_535, %parallel_loop3A_536] {strides = array<i32>} : memref<80x250xf32, #tpu.memory_space<vmem>>, vector<16xf32>,
            tpu.vector_store %run_scoped3A_13[%parallel_loop3A_535, %parallel_loop3A_536], %parallel_loop3A_534 {add = true, strides = array<i32>} : memref<80x250xf32, #tpu.memory_space<vmem>>, vector<16xf32>,
            %parallel_loop3A_538 = arith.index_cast %parallel_loop3A_447 : i32 to index
            %parallel_loop3A_539 = arith.constant 234 : index
            %parallel_loop3A_540 = tpu.vector_load %run_scoped3A_15[%parallel_loop3A_538, %parallel_loop3A_539] {strides = array<i32>} : memref<80x256xf32, #tpu.memory_space<vmem>>, vector<16xf32>,
            %parallel_loop3A_541 = arith.constant 0.000000e+00 : f32
            %parallel_loop3A_542 = vector.broadcast %parallel_loop3A_541 : f32 to vector<16xf32>
            %parallel_loop3A_543 = arith.select %ge3A_17, %parallel_loop3A_540, %parallel_loop3A_542 : vector<16xi1>, vector<16xf32>
            %parallel_loop3A_544 = arith.index_cast %parallel_loop3A_447 : i32 to index
            %parallel_loop3A_545 = arith.constant 234 : index
            %parallel_loop3A_546 = tpu.vector_load %run_scoped3A_13[%parallel_loop3A_544, %parallel_loop3A_545] {strides = array<i32>} : memref<80x250xf32, #tpu.memory_space<vmem>>, vector<16xf32>,
            %parallel_loop3A_547 = arith.addf %parallel_loop3A_546, %parallel_loop3A_543 : vector<16xf32>
            %parallel_loop3A_548 = arith.index_cast %parallel_loop3A_447 : i32 to index
            %parallel_loop3A_549 = arith.constant 234 : index
            %parallel_loop3A_550 = tpu.vector_load %run_scoped3A_13[%parallel_loop3A_548, %parallel_loop3A_549] {strides = array<i32>} : memref<80x250xf32, #tpu.memory_space<vmem>>, vector<16xf32>,
            tpu.vector_store %run_scoped3A_13[%parallel_loop3A_548, %parallel_loop3A_549], %parallel_loop3A_547 {strides = array<i32>} : memref<80x250xf32, #tpu.memory_space<vmem>>, vector<16xf32>,
          } {sc.loop_unroll_factor = 2 : i64, sc.parallel_access}
          %dma_start3A = arith.constant 0 : i32
          %dma_start3A_444 = tpu.memref_slice %arg5[%mul3A_435, %dma_start3A] : memref<50000x250xf32, #tpu.memory_space<hbm>> -> memref<80x250xf32, #tpu.memory_space<hbm>>
          %dma_start3A_445 = arith.constant 0 : i32
          %dma_start3A_446 = tpu.memref_slice %arg5[%mul3A_435, %dma_start3A_445] : memref<50000x250xf32, #tpu.memory_space<hbm>> -> memref<80x250xf32, #tpu.memory_space<hbm>>
          tpu.enqueue_dma source(%run_scoped3A_13 : memref<80x250xf32, #tpu.memory_space<vmem>>) target(%dma_start3A_446 : memref<80x250xf32, #tpu.memory_space<hbm>>) target_semaphore(%arg20 : memref<!tpu.dma_semaphore, #tpu.memory_space<semaphore_mem>>)
        } else {
        }
        %ge3A_114 = arith.constant 1 : i32
        %ge3A_115 = arith.cmpi sge, %add3A_90, %ge3A_114 : i32
        %add3A_116 = arith.constant 1 : i32
        %add3A_117 = arith.addi %add3A_90, %add3A_116 : i32
        %mul3A_118 = arith.constant 32 : i32
        %mul3A_119 = arith.muli %add3A_117, %mul3A_118 : i32
        %add3A_120 = arith.addi %add3A, %mul3A_119 : i32
        %ge3A_121 = arith.constant 0 : i32
        %ge3A_122 = arith.cmpi sge, %add3A_120, %ge3A_121 : i32
        %lt3A_123 = arith.constant 625 : i32
        %lt3A_124 = arith.cmpi slt, %add3A_120, %lt3A_123 : i32
        %and3A_125 = arith.andi %ge3A_122, %lt3A_124 : i1
        %and3A_126 = arith.andi %ge3A_115, %and3A_125 : i1
        %convert_element_type3A_127 = arith.extui %and3A_126 : i1 to i32
        %cond3A_128 = arith.constant 0 : i32
        %cond3A_129 = arith.cmpi ne, %convert_element_type3A_127, %cond3A_128 : i32
        scf.if %cond3A_129 {
          %add3A_429 = arith.constant 1 : i32
          %add3A_430 = arith.addi %add3A_90, %add3A_429 : i32
          %mul3A_431 = arith.constant 32 : i32
          %mul3A_432 = arith.muli %add3A_430, %mul3A_431 : i32
          %add3A_433 = arith.addi %add3A, %mul3A_432 : i32
          %mul3A_434 = arith.constant 80 : i32
          %mul3A_435 = arith.muli %add3A_433, %mul3A_434 : i32
          %ge3A_436 = arith.constant 2 : i32
          %ge3A_437 = arith.cmpi sge, %add3A_90, %ge3A_436 : i32
          %convert_element_type3A_438 = arith.extui %ge3A_437 : i1 to i32
          %cond3A_439 = arith.constant 0 : i32
          %cond3A_440 = arith.cmpi ne, %convert_element_type3A_438, %cond3A_439 : i32
          scf.if %cond3A_440 {
            %sub3A_444 = arith.constant 7680 : i32
            %sub3A_445 = arith.subi %mul3A_435, %sub3A_444 : i32
            %dma_wait3A = arith.constant 0 : i32
            %dma_wait3A_446 = tpu.memref_slice %arg5[%sub3A_445, %dma_wait3A] : memref<50000x250xf32, #tpu.memory_space<hbm>> -> memref<80x250xf32, #tpu.memory_space<hbm>>
            %dma_wait3A_447 = arith.constant 0 : i32
            %dma_wait3A_448 = tpu.memref_slice %arg5[%sub3A_445, %dma_wait3A_447] : memref<50000x250xf32, #tpu.memory_space<hbm>> -> memref<80x250xf32, #tpu.memory_space<hbm>>
            tpu.wait_dma2 semaphore(%arg19 : memref<!tpu.dma_semaphore, #tpu.memory_space<semaphore_mem>>) src(%run_scoped3A_12 : memref<80x250xf32, #tpu.memory_space<vmem>>) dst(%dma_wait3A_448 : memref<80x250xf32, #tpu.memory_space<hbm>>)
          } else {
          }
          %dma_start3A = arith.constant 0 : i32
          %dma_start3A_441 = tpu.memref_slice %arg2[%mul3A_435, %dma_start3A] : memref<50000x250xf32, #tpu.memory_space<hbm>> -> memref<80x250xf32, #tpu.memory_space<hbm>>
          %dma_start3A_442 = arith.constant 0 : i32
          %dma_start3A_443 = tpu.memref_slice %arg2[%mul3A_435, %dma_start3A_442] : memref<50000x250xf32, #tpu.memory_space<hbm>> -> memref<80x250xf32, #tpu.memory_space<hbm>>
          tpu.enqueue_dma source(%dma_start3A_443 : memref<80x250xf32, #tpu.memory_space<hbm>>) target(%run_scoped3A_12 : memref<80x250xf32, #tpu.memory_space<vmem>>) target_semaphore(%arg14 : memref<!tpu.dma_semaphore, #tpu.memory_space<semaphore_mem>>)
        } else {
        }
        %add3A_130 = arith.constant 2 : i32
        %add3A_131 = arith.addi %add3A_90, %add3A_130 : i32
        %mul3A_132 = arith.constant 32 : i32
        %mul3A_133 = arith.muli %add3A_131, %mul3A_132 : i32
        %add3A_134 = arith.addi %add3A, %mul3A_133 : i32
        %ge3A_135 = arith.constant 0 : i32
        %ge3A_136 = arith.cmpi sge, %add3A_134, %ge3A_135 : i32
        %lt3A_137 = arith.constant 625 : i32
        %lt3A_138 = arith.cmpi slt, %add3A_134, %lt3A_137 : i32
        %and3A_139 = arith.andi %ge3A_136, %lt3A_138 : i1
        %convert_element_type3A_140 = arith.extui %and3A_139 : i1 to i32
        %cond3A_141 = arith.constant 0 : i32
        %cond3A_142 = arith.cmpi ne, %convert_element_type3A_140, %cond3A_141 : i32
        scf.if %cond3A_142 {
          %add3A_429 = arith.constant 2 : i32
          %add3A_430 = arith.addi %add3A_90, %add3A_429 : i32
          %mul3A_431 = arith.constant 32 : i32
          %mul3A_432 = arith.muli %add3A_430, %mul3A_431 : i32
          %add3A_433 = arith.addi %add3A, %mul3A_432 : i32
          %mul3A_434 = arith.constant 80 : i32
          %mul3A_435 = arith.muli %add3A_433, %mul3A_434 : i32
          %dma_start3A = tpu.memref_slice %arg3[%mul3A_435] : memref<50000xi32, #tpu.memory_space<hbm>> -> memref<80xi32, #tpu.memory_space<hbm>>
          %dma_start3A_436 = tpu.memref_slice %arg3[%mul3A_435] : memref<50000xi32, #tpu.memory_space<hbm>> -> memref<80xi32, #tpu.memory_space<hbm>>
          tpu.enqueue_dma source(%dma_start3A_436 : memref<80xi32, #tpu.memory_space<hbm>>) target(%arg7 : memref<80xi32, #tpu.memory_space<vmem>>) target_semaphore(%arg11 : memref<!tpu.dma_semaphore, #tpu.memory_space<semaphore_mem>>)
        } else {
        }
        %mul3A_143 = arith.constant 6 : i32
        %mul3A_144 = arith.muli %scan3A_85, %mul3A_143 : i32
        %add3A_145 = arith.constant 1 : i32
        %add3A_146 = arith.addi %mul3A_144, %add3A_145 : i32
        %mul3A_147 = arith.constant 32 : i32
        %mul3A_148 = arith.muli %add3A_146, %mul3A_147 : i32
        %add3A_149 = arith.addi %add3A, %mul3A_148 : i32
        %ge3A_150 = arith.constant 0 : i32
        %ge3A_151 = arith.cmpi sge, %add3A_149, %ge3A_150 : i32
        %lt3A_152 = arith.constant 625 : i32
        %lt3A_153 = arith.cmpi slt, %add3A_149, %lt3A_152 : i32
        %and3A_154 = arith.andi %ge3A_151, %lt3A_153 : i1
        %convert_element_type3A_155 = arith.extui %and3A_154 : i1 to i32
        %cond3A_156 = arith.constant 0 : i32
        %cond3A_157 = arith.cmpi ne, %convert_element_type3A_155, %cond3A_156 : i32
        scf.if %cond3A_157 {
          %mul3A_429 = arith.constant 32 : i32
          %mul3A_430 = arith.muli %add3A_146, %mul3A_429 : i32
          %add3A_431 = arith.addi %add3A, %mul3A_430 : i32
          %mul3A_432 = arith.constant 80 : i32
          %mul3A_433 = arith.muli %add3A_431, %mul3A_432 : i32
          %dma_wait3A = tpu.memref_slice %arg3[%mul3A_433] : memref<50000xi32, #tpu.memory_space<hbm>> -> memref<80xi32, #tpu.memory_space<hbm>>
          %dma_wait3A_434 = tpu.memref_slice %arg3[%mul3A_433] : memref<50000xi32, #tpu.memory_space<hbm>> -> memref<80xi32, #tpu.memory_space<hbm>>
          tpu.wait_dma2 semaphore(%arg12 : memref<!tpu.dma_semaphore, #tpu.memory_space<semaphore_mem>>) src(%dma_wait3A_434 : memref<80xi32, #tpu.memory_space<hbm>>) dst(%arg8 : memref<80xi32, #tpu.memory_space<vmem>>)
          %get3A = arith.constant 0 : index
          %get3A_435 = tpu.vector_load %arg8[%get3A] {strides = array<i32>} : memref<80xi32, #tpu.memory_space<vmem>>, vector<16xi32>,
          %gather3A = tpu.vector_load_idx %arg6[%get3A_435] : memref<112xi32, #tpu.memory_space<vmem>>[vector<16xi32>], vector<16xi32>,
          %add3A_436 = arith.constant 0 : i32
          %add3A_437 = arith.addi %mul3A_433, %add3A_436 : i32
          %add3A_438 = vector.broadcast %add3A_437 : i32 to vector<16xi32>
          %add3A_439 = arith.addi %add3A_438, %iota3A : vector<16xi32>
          %sub3A_440 = arith.subi %add3A_439, %gather3A : vector<16xi32>
          %max3A = arith.constant 0 : i32
          %max3A_441 = vector.broadcast %max3A : i32 to vector<16xi32>
          %max3A_442 = arith.maxsi %sub3A_440, %max3A_441 : vector<16xi32>
          %min3A = arith.constant 999 : i32
          %min3A_443 = vector.broadcast %min3A : i32 to vector<16xi32>
          %min3A_444 = arith.minsi %max3A_442, %min3A_443 : vector<16xi32>
          %swap3A = arith.constant 0 : index
          %swap3A_445 = tpu.vector_load %arg10[%swap3A] {strides = array<i32>} : memref<80xi32, #tpu.memory_space<vmem>>, vector<16xi32>,
          tpu.vector_store %arg10[%swap3A], %min3A_444 {strides = array<i32>} : memref<80xi32, #tpu.memory_space<vmem>>, vector<16xi32>,
          %get3A_446 = arith.constant 16 : index
          %get3A_447 = tpu.vector_load %arg8[%get3A_446] {strides = array<i32>} : memref<80xi32, #tpu.memory_space<vmem>>, vector<16xi32>,
          %gather3A_448 = tpu.vector_load_idx %arg6[%get3A_447] : memref<112xi32, #tpu.memory_space<vmem>>[vector<16xi32>], vector<16xi32>,
          %add3A_449 = arith.constant 16 : i32
          %add3A_450 = arith.addi %mul3A_433, %add3A_449 : i32
          %add3A_451 = vector.broadcast %add3A_450 : i32 to vector<16xi32>
          %add3A_452 = arith.addi %add3A_451, %iota3A : vector<16xi32>
          %sub3A_453 = arith.subi %add3A_452, %gather3A_448 : vector<16xi32>
          %max3A_454 = arith.constant 0 : i32
          %max3A_455 = vector.broadcast %max3A_454 : i32 to vector<16xi32>
          %max3A_456 = arith.maxsi %sub3A_453, %max3A_455 : vector<16xi32>
          %min3A_457 = arith.constant 999 : i32
          %min3A_458 = vector.broadcast %min3A_457 : i32 to vector<16xi32>
          %min3A_459 = arith.minsi %max3A_456, %min3A_458 : vector<16xi32>
          %swap3A_460 = arith.constant 16 : index
          %swap3A_461 = tpu.vector_load %arg10[%swap3A_460] {strides = array<i32>} : memref<80xi32, #tpu.memory_space<vmem>>, vector<16xi32>,
          tpu.vector_store %arg10[%swap3A_460], %min3A_459 {strides = array<i32>} : memref<80xi32, #tpu.memory_space<vmem>>, vector<16xi32>,
          %get3A_462 = arith.constant 32 : index
          %get3A_463 = tpu.vector_load %arg8[%get3A_462] {strides = array<i32>} : memref<80xi32, #tpu.memory_space<vmem>>, vector<16xi32>,
          %gather3A_464 = tpu.vector_load_idx %arg6[%get3A_463] : memref<112xi32, #tpu.memory_space<vmem>>[vector<16xi32>], vector<16xi32>,
          %add3A_465 = arith.constant 32 : i32
          %add3A_466 = arith.addi %mul3A_433, %add3A_465 : i32
          %add3A_467 = vector.broadcast %add3A_466 : i32 to vector<16xi32>
          %add3A_468 = arith.addi %add3A_467, %iota3A : vector<16xi32>
          %sub3A_469 = arith.subi %add3A_468, %gather3A_464 : vector<16xi32>
          %max3A_470 = arith.constant 0 : i32
          %max3A_471 = vector.broadcast %max3A_470 : i32 to vector<16xi32>
          %max3A_472 = arith.maxsi %sub3A_469, %max3A_471 : vector<16xi32>
          %min3A_473 = arith.constant 999 : i32
          %min3A_474 = vector.broadcast %min3A_473 : i32 to vector<16xi32>
          %min3A_475 = arith.minsi %max3A_472, %min3A_474 : vector<16xi32>
          %swap3A_476 = arith.constant 32 : index
          %swap3A_477 = tpu.vector_load %arg10[%swap3A_476] {strides = array<i32>} : memref<80xi32, #tpu.memory_space<vmem>>, vector<16xi32>,
          tpu.vector_store %arg10[%swap3A_476], %min3A_475 {strides = array<i32>} : memref<80xi32, #tpu.memory_space<vmem>>, vector<16xi32>,
          %get3A_478 = arith.constant 48 : index
          %get3A_479 = tpu.vector_load %arg8[%get3A_478] {strides = array<i32>} : memref<80xi32, #tpu.memory_space<vmem>>, vector<16xi32>,
          %gather3A_480 = tpu.vector_load_idx %arg6[%get3A_479] : memref<112xi32, #tpu.memory_space<vmem>>[vector<16xi32>], vector<16xi32>,
          %add3A_481 = arith.constant 48 : i32
          %add3A_482 = arith.addi %mul3A_433, %add3A_481 : i32
          %add3A_483 = vector.broadcast %add3A_482 : i32 to vector<16xi32>
          %add3A_484 = arith.addi %add3A_483, %iota3A : vector<16xi32>
          %sub3A_485 = arith.subi %add3A_484, %gather3A_480 : vector<16xi32>
          %max3A_486 = arith.constant 0 : i32
          %max3A_487 = vector.broadcast %max3A_486 : i32 to vector<16xi32>
          %max3A_488 = arith.maxsi %sub3A_485, %max3A_487 : vector<16xi32>
          %min3A_489 = arith.constant 999 : i32
          %min3A_490 = vector.broadcast %min3A_489 : i32 to vector<16xi32>
          %min3A_491 = arith.minsi %max3A_488, %min3A_490 : vector<16xi32>
          %swap3A_492 = arith.constant 48 : index
          %swap3A_493 = tpu.vector_load %arg10[%swap3A_492] {strides = array<i32>} : memref<80xi32, #tpu.memory_space<vmem>>, vector<16xi32>,
          tpu.vector_store %arg10[%swap3A_492], %min3A_491 {strides = array<i32>} : memref<80xi32, #tpu.memory_space<vmem>>, vector<16xi32>,
          %get3A_494 = arith.constant 64 : index
          %get3A_495 = tpu.vector_load %arg8[%get3A_494] {strides = array<i32>} : memref<80xi32, #tpu.memory_space<vmem>>, vector<16xi32>,
          %gather3A_496 = tpu.vector_load_idx %arg6[%get3A_495] : memref<112xi32, #tpu.memory_space<vmem>>[vector<16xi32>], vector<16xi32>,
          %add3A_497 = arith.constant 64 : i32
          %add3A_498 = arith.addi %mul3A_433, %add3A_497 : i32
          %add3A_499 = vector.broadcast %add3A_498 : i32 to vector<16xi32>
          %add3A_500 = arith.addi %add3A_499, %iota3A : vector<16xi32>
          %sub3A_501 = arith.subi %add3A_500, %gather3A_496 : vector<16xi32>
          %max3A_502 = arith.constant 0 : i32
          %max3A_503 = vector.broadcast %max3A_502 : i32 to vector<16xi32>
          %max3A_504 = arith.maxsi %sub3A_501, %max3A_503 : vector<16xi32>
          %min3A_505 = arith.constant 999 : i32
          %min3A_506 = vector.broadcast %min3A_505 : i32 to vector<16xi32>
          %min3A_507 = arith.minsi %max3A_504, %min3A_506 : vector<16xi32>
          %swap3A_508 = arith.constant 64 : index
          %swap3A_509 = tpu.vector_load %arg10[%swap3A_508] {strides = array<i32>} : memref<80xi32, #tpu.memory_space<vmem>>, vector<16xi32>,
          tpu.vector_store %arg10[%swap3A_508], %min3A_507 {strides = array<i32>} : memref<80xi32, #tpu.memory_space<vmem>>, vector<16xi32>,
          %dma_start3A = arith.constant 0 : i32
          %dma_start3A_510 = arith.constant 0 : i32
          %dma_start3A_511 = tpu.memref_slice %arg4[%dma_start3A, %dma_start3A_510] : memref<1000x256xf32, #tpu.memory_space<hbm>> -> memref<1000x256xf32, #tpu.memory_space<hbm>>
          tpu.enqueue_indirect_dma source(%dma_start3A_511 : memref<1000x256xf32, #tpu.memory_space<hbm>>) target(%run_scoped3A_15 : memref<80x256xf32, #tpu.memory_space<vmem>>) offsets(%arg10 : memref<80xi32, #tpu.memory_space<vmem>>) semaphore(%arg17 : memref<!tpu.dma_semaphore, #tpu.memory_space<semaphore_mem>>)
        } else {
        }
        %sub3A_158 = arith.constant 1 : i32
        %sub3A_159 = arith.subi %add3A_146, %sub3A_158 : i32
        %mul3A_160 = arith.constant 32 : i32
        %mul3A_161 = arith.muli %sub3A_159, %mul3A_160 : i32
        %add3A_162 = arith.addi %add3A, %mul3A_161 : i32
        %ge3A_163 = arith.constant 0 : i32
        %ge3A_164 = arith.cmpi sge, %add3A_162, %ge3A_163 : i32
        %lt3A_165 = arith.constant 625 : i32
        %lt3A_166 = arith.cmpi slt, %add3A_162, %lt3A_165 : i32
        %and3A_167 = arith.andi %ge3A_164, %lt3A_166 : i1
        %convert_element_type3A_168 = arith.extui %and3A_167 : i1 to i32
        %cond3A_169 = arith.constant 0 : i32
        %cond3A_170 = arith.cmpi ne, %convert_element_type3A_168, %cond3A_169 : i32
        scf.if %cond3A_170 {
          %sub3A_429 = arith.constant 1 : i32
          %sub3A_430 = arith.subi %add3A_146, %sub3A_429 : i32
          %mul3A_431 = arith.constant 32 : i32
          %mul3A_432 = arith.muli %sub3A_430, %mul3A_431 : i32
          %add3A_433 = arith.addi %add3A, %mul3A_432 : i32
          %mul3A_434 = arith.constant 80 : i32
          %mul3A_435 = arith.muli %add3A_433, %mul3A_434 : i32
          %dma_wait3A = arith.constant 0 : i32
          %dma_wait3A_436 = tpu.memref_slice %arg2[%mul3A_435, %dma_wait3A] : memref<50000x250xf32, #tpu.memory_space<hbm>> -> memref<80x250xf32, #tpu.memory_space<hbm>>
          %dma_wait3A_437 = arith.constant 0 : i32
          %dma_wait3A_438 = tpu.memref_slice %arg2[%mul3A_435, %dma_wait3A_437] : memref<50000x250xf32, #tpu.memory_space<hbm>> -> memref<80x250xf32, #tpu.memory_space<hbm>>
          tpu.wait_dma2 semaphore(%arg13 : memref<!tpu.dma_semaphore, #tpu.memory_space<semaphore_mem>>) src(%dma_wait3A_438 : memref<80x250xf32, #tpu.memory_space<hbm>>) dst(%run_scoped3A : memref<80x250xf32, #tpu.memory_space<vmem>>)
          %dma_wait3A_439 = arith.constant 0 : i32
          %dma_wait3A_440 = arith.constant 0 : i32
          %dma_wait3A_441 = tpu.memref_slice %arg4[%dma_wait3A_439, %dma_wait3A_440] : memref<1000x256xf32, #tpu.memory_space<hbm>> -> memref<1000x256xf32, #tpu.memory_space<hbm>>
          tpu.wait_indirect_dma semaphore(%arg16 : memref<!tpu.dma_semaphore, #tpu.memory_space<semaphore_mem>>) src(%dma_wait3A_441 : memref<1000x256xf32, #tpu.memory_space<hbm>>) dst(%run_scoped3A_14 : memref<80x256xf32, #tpu.memory_space<vmem>>)
          %parallel_loop3A = arith.constant 0 : i32
          %parallel_loop3A_442 = arith.constant 80 : i32
          %parallel_loop3A_443 = arith.constant 1 : i32
          scf.for %parallel_loop3A_447 = %parallel_loop3A to %parallel_loop3A_442 step %parallel_loop3A_443  : i32 {
            %parallel_loop3A_448 = arith.index_cast %parallel_loop3A_447 : i32 to index
            %parallel_loop3A_449 = arith.constant 0 : index
            %parallel_loop3A_450 = tpu.vector_load %run_scoped3A_14[%parallel_loop3A_448, %parallel_loop3A_449] {strides = array<i32>} : memref<80x256xf32, #tpu.memory_space<vmem>>, vector<16xf32>,
            %parallel_loop3A_451 = arith.index_cast %parallel_loop3A_447 : i32 to index
            %parallel_loop3A_452 = arith.constant 0 : index
            %parallel_loop3A_453 = tpu.vector_load %run_scoped3A[%parallel_loop3A_451, %parallel_loop3A_452] {strides = array<i32>} : memref<80x250xf32, #tpu.memory_space<vmem>>, vector<16xf32>,
            tpu.vector_store %run_scoped3A[%parallel_loop3A_451, %parallel_loop3A_452], %parallel_loop3A_450 {add = true, strides = array<i32>} : memref<80x250xf32, #tpu.memory_space<vmem>>, vector<16xf32>,
            %parallel_loop3A_454 = arith.index_cast %parallel_loop3A_447 : i32 to index
            %parallel_loop3A_455 = arith.constant 16 : index
            %parallel_loop3A_456 = tpu.vector_load %run_scoped3A_14[%parallel_loop3A_454, %parallel_loop3A_455] {strides = array<i32>} : memref<80x256xf32, #tpu.memory_space<vmem>>, vector<16xf32>,
            %parallel_loop3A_457 = arith.index_cast %parallel_loop3A_447 : i32 to index
            %parallel_loop3A_458 = arith.constant 16 : index
            %parallel_loop3A_459 = tpu.vector_load %run_scoped3A[%parallel_loop3A_457, %parallel_loop3A_458] {strides = array<i32>} : memref<80x250xf32, #tpu.memory_space<vmem>>, vector<16xf32>,
            tpu.vector_store %run_scoped3A[%parallel_loop3A_457, %parallel_loop3A_458], %parallel_loop3A_456 {add = true, strides = array<i32>} : memref<80x250xf32, #tpu.memory_space<vmem>>, vector<16xf32>,
            %parallel_loop3A_460 = arith.index_cast %parallel_loop3A_447 : i32 to index
            %parallel_loop3A_461 = arith.constant 32 : index
            %parallel_loop3A_462 = tpu.vector_load %run_scoped3A_14[%parallel_loop3A_460, %parallel_loop3A_461] {strides = array<i32>} : memref<80x256xf32, #tpu.memory_space<vmem>>, vector<16xf32>,
            %parallel_loop3A_463 = arith.index_cast %parallel_loop3A_447 : i32 to index
            %parallel_loop3A_464 = arith.constant 32 : index
            %parallel_loop3A_465 = tpu.vector_load %run_scoped3A[%parallel_loop3A_463, %parallel_loop3A_464] {strides = array<i32>} : memref<80x250xf32, #tpu.memory_space<vmem>>, vector<16xf32>,
            tpu.vector_store %run_scoped3A[%parallel_loop3A_463, %parallel_loop3A_464], %parallel_loop3A_462 {add = true, strides = array<i32>} : memref<80x250xf32, #tpu.memory_space<vmem>>, vector<16xf32>,
            %parallel_loop3A_466 = arith.index_cast %parallel_loop3A_447 : i32 to index
            %parallel_loop3A_467 = arith.constant 48 : index
            %parallel_loop3A_468 = tpu.vector_load %run_scoped3A_14[%parallel_loop3A_466, %parallel_loop3A_467] {strides = array<i32>} : memref<80x256xf32, #tpu.memory_space<vmem>>, vector<16xf32>,
            %parallel_loop3A_469 = arith.index_cast %parallel_loop3A_447 : i32 to index
            %parallel_loop3A_470 = arith.constant 48 : index
            %parallel_loop3A_471 = tpu.vector_load %run_scoped3A[%parallel_loop3A_469, %parallel_loop3A_470] {strides = array<i32>} : memref<80x250xf32, #tpu.memory_space<vmem>>, vector<16xf32>,
            tpu.vector_store %run_scoped3A[%parallel_loop3A_469, %parallel_loop3A_470], %parallel_loop3A_468 {add = true, strides = array<i32>} : memref<80x250xf32, #tpu.memory_space<vmem>>, vector<16xf32>,
            %parallel_loop3A_472 = arith.index_cast %parallel_loop3A_447 : i32 to index
            %parallel_loop3A_473 = arith.constant 64 : index
            %parallel_loop3A_474 = tpu.vector_load %run_scoped3A_14[%parallel_loop3A_472, %parallel_loop3A_473] {strides = array<i32>} : memref<80x256xf32, #tpu.memory_space<vmem>>, vector<16xf32>,
            %parallel_loop3A_475 = arith.index_cast %parallel_loop3A_447 : i32 to index
            %parallel_loop3A_476 = arith.constant 64 : index
            %parallel_loop3A_477 = tpu.vector_load %run_scoped3A[%parallel_loop3A_475, %parallel_loop3A_476] {strides = array<i32>} : memref<80x250xf32, #tpu.memory_space<vmem>>, vector<16xf32>,
            tpu.vector_store %run_scoped3A[%parallel_loop3A_475, %parallel_loop3A_476], %parallel_loop3A_474 {add = true, strides = array<i32>} : memref<80x250xf32, #tpu.memory_space<vmem>>, vector<16xf32>,
            %parallel_loop3A_478 = arith.index_cast %parallel_loop3A_447 : i32 to index
            %parallel_loop3A_479 = arith.constant 80 : index
            %parallel_loop3A_480 = tpu.vector_load %run_scoped3A_14[%parallel_loop3A_478, %parallel_loop3A_479] {strides = array<i32>} : memref<80x256xf32, #tpu.memory_space<vmem>>, vector<16xf32>,
            %parallel_loop3A_481 = arith.index_cast %parallel_loop3A_447 : i32 to index
            %parallel_loop3A_482 = arith.constant 80 : index
            %parallel_loop3A_483 = tpu.vector_load %run_scoped3A[%parallel_loop3A_481, %parallel_loop3A_482] {strides = array<i32>} : memref<80x250xf32, #tpu.memory_space<vmem>>, vector<16xf32>,
            tpu.vector_store %run_scoped3A[%parallel_loop3A_481, %parallel_loop3A_482], %parallel_loop3A_480 {add = true, strides = array<i32>} : memref<80x250xf32, #tpu.memory_space<vmem>>, vector<16xf32>,
            %parallel_loop3A_484 = arith.index_cast %parallel_loop3A_447 : i32 to index
            %parallel_loop3A_485 = arith.constant 96 : index
            %parallel_loop3A_486 = tpu.vector_load %run_scoped3A_14[%parallel_loop3A_484, %parallel_loop3A_485] {strides = array<i32>} : memref<80x256xf32, #tpu.memory_space<vmem>>, vector<16xf32>,
            %parallel_loop3A_487 = arith.index_cast %parallel_loop3A_447 : i32 to index
            %parallel_loop3A_488 = arith.constant 96 : index
            %parallel_loop3A_489 = tpu.vector_load %run_scoped3A[%parallel_loop3A_487, %parallel_loop3A_488] {strides = array<i32>} : memref<80x250xf32, #tpu.memory_space<vmem>>, vector<16xf32>,
            tpu.vector_store %run_scoped3A[%parallel_loop3A_487, %parallel_loop3A_488], %parallel_loop3A_486 {add = true, strides = array<i32>} : memref<80x250xf32, #tpu.memory_space<vmem>>, vector<16xf32>,
            %parallel_loop3A_490 = arith.index_cast %parallel_loop3A_447 : i32 to index
            %parallel_loop3A_491 = arith.constant 112 : index
            %parallel_loop3A_492 = tpu.vector_load %run_scoped3A_14[%parallel_loop3A_490, %parallel_loop3A_491] {strides = array<i32>} : memref<80x256xf32, #tpu.memory_space<vmem>>, vector<16xf32>,
            %parallel_loop3A_493 = arith.index_cast %parallel_loop3A_447 : i32 to index
            %parallel_loop3A_494 = arith.constant 112 : index
            %parallel_loop3A_495 = tpu.vector_load %run_scoped3A[%parallel_loop3A_493, %parallel_loop3A_494] {strides = array<i32>} : memref<80x250xf32, #tpu.memory_space<vmem>>, vector<16xf32>,
            tpu.vector_store %run_scoped3A[%parallel_loop3A_493, %parallel_loop3A_494], %parallel_loop3A_492 {add = true, strides = array<i32>} : memref<80x250xf32, #tpu.memory_space<vmem>>, vector<16xf32>,
            %parallel_loop3A_496 = arith.index_cast %parallel_loop3A_447 : i32 to index
            %parallel_loop3A_497 = arith.constant 128 : index
            %parallel_loop3A_498 = tpu.vector_load %run_scoped3A_14[%parallel_loop3A_496, %parallel_loop3A_497] {strides = array<i32>} : memref<80x256xf32, #tpu.memory_space<vmem>>, vector<16xf32>,
            %parallel_loop3A_499 = arith.index_cast %parallel_loop3A_447 : i32 to index
            %parallel_loop3A_500 = arith.constant 128 : index
            %parallel_loop3A_501 = tpu.vector_load %run_scoped3A[%parallel_loop3A_499, %parallel_loop3A_500] {strides = array<i32>} : memref<80x250xf32, #tpu.memory_space<vmem>>, vector<16xf32>,
            tpu.vector_store %run_scoped3A[%parallel_loop3A_499, %parallel_loop3A_500], %parallel_loop3A_498 {add = true, strides = array<i32>} : memref<80x250xf32, #tpu.memory_space<vmem>>, vector<16xf32>,
            %parallel_loop3A_502 = arith.index_cast %parallel_loop3A_447 : i32 to index
            %parallel_loop3A_503 = arith.constant 144 : index
            %parallel_loop3A_504 = tpu.vector_load %run_scoped3A_14[%parallel_loop3A_502, %parallel_loop3A_503] {strides = array<i32>} : memref<80x256xf32, #tpu.memory_space<vmem>>, vector<16xf32>,
            %parallel_loop3A_505 = arith.index_cast %parallel_loop3A_447 : i32 to index
            %parallel_loop3A_506 = arith.constant 144 : index
            %parallel_loop3A_507 = tpu.vector_load %run_scoped3A[%parallel_loop3A_505, %parallel_loop3A_506] {strides = array<i32>} : memref<80x250xf32, #tpu.memory_space<vmem>>, vector<16xf32>,
            tpu.vector_store %run_scoped3A[%parallel_loop3A_505, %parallel_loop3A_506], %parallel_loop3A_504 {add = true, strides = array<i32>} : memref<80x250xf32, #tpu.memory_space<vmem>>, vector<16xf32>,
            %parallel_loop3A_508 = arith.index_cast %parallel_loop3A_447 : i32 to index
            %parallel_loop3A_509 = arith.constant 160 : index
            %parallel_loop3A_510 = tpu.vector_load %run_scoped3A_14[%parallel_loop3A_508, %parallel_loop3A_509] {strides = array<i32>} : memref<80x256xf32, #tpu.memory_space<vmem>>, vector<16xf32>,
            %parallel_loop3A_511 = arith.index_cast %parallel_loop3A_447 : i32 to index
            %parallel_loop3A_512 = arith.constant 160 : index
            %parallel_loop3A_513 = tpu.vector_load %run_scoped3A[%parallel_loop3A_511, %parallel_loop3A_512] {strides = array<i32>} : memref<80x250xf32, #tpu.memory_space<vmem>>, vector<16xf32>,
            tpu.vector_store %run_scoped3A[%parallel_loop3A_511, %parallel_loop3A_512], %parallel_loop3A_510 {add = true, strides = array<i32>} : memref<80x250xf32, #tpu.memory_space<vmem>>, vector<16xf32>,
            %parallel_loop3A_514 = arith.index_cast %parallel_loop3A_447 : i32 to index
            %parallel_loop3A_515 = arith.constant 176 : index
            %parallel_loop3A_516 = tpu.vector_load %run_scoped3A_14[%parallel_loop3A_514, %parallel_loop3A_515] {strides = array<i32>} : memref<80x256xf32, #tpu.memory_space<vmem>>, vector<16xf32>,
            %parallel_loop3A_517 = arith.index_cast %parallel_loop3A_447 : i32 to index
            %parallel_loop3A_518 = arith.constant 176 : index
            %parallel_loop3A_519 = tpu.vector_load %run_scoped3A[%parallel_loop3A_517, %parallel_loop3A_518] {strides = array<i32>} : memref<80x250xf32, #tpu.memory_space<vmem>>, vector<16xf32>,
            tpu.vector_store %run_scoped3A[%parallel_loop3A_517, %parallel_loop3A_518], %parallel_loop3A_516 {add = true, strides = array<i32>} : memref<80x250xf32, #tpu.memory_space<vmem>>, vector<16xf32>,
            %parallel_loop3A_520 = arith.index_cast %parallel_loop3A_447 : i32 to index
            %parallel_loop3A_521 = arith.constant 192 : index
            %parallel_loop3A_522 = tpu.vector_load %run_scoped3A_14[%parallel_loop3A_520, %parallel_loop3A_521] {strides = array<i32>} : memref<80x256xf32, #tpu.memory_space<vmem>>, vector<16xf32>,
            %parallel_loop3A_523 = arith.index_cast %parallel_loop3A_447 : i32 to index
            %parallel_loop3A_524 = arith.constant 192 : index
            %parallel_loop3A_525 = tpu.vector_load %run_scoped3A[%parallel_loop3A_523, %parallel_loop3A_524] {strides = array<i32>} : memref<80x250xf32, #tpu.memory_space<vmem>>, vector<16xf32>,
            tpu.vector_store %run_scoped3A[%parallel_loop3A_523, %parallel_loop3A_524], %parallel_loop3A_522 {add = true, strides = array<i32>} : memref<80x250xf32, #tpu.memory_space<vmem>>, vector<16xf32>,
            %parallel_loop3A_526 = arith.index_cast %parallel_loop3A_447 : i32 to index
            %parallel_loop3A_527 = arith.constant 208 : index
            %parallel_loop3A_528 = tpu.vector_load %run_scoped3A_14[%parallel_loop3A_526, %parallel_loop3A_527] {strides = array<i32>} : memref<80x256xf32, #tpu.memory_space<vmem>>, vector<16xf32>,
            %parallel_loop3A_529 = arith.index_cast %parallel_loop3A_447 : i32 to index
            %parallel_loop3A_530 = arith.constant 208 : index
            %parallel_loop3A_531 = tpu.vector_load %run_scoped3A[%parallel_loop3A_529, %parallel_loop3A_530] {strides = array<i32>} : memref<80x250xf32, #tpu.memory_space<vmem>>, vector<16xf32>,
            tpu.vector_store %run_scoped3A[%parallel_loop3A_529, %parallel_loop3A_530], %parallel_loop3A_528 {add = true, strides = array<i32>} : memref<80x250xf32, #tpu.memory_space<vmem>>, vector<16xf32>,
            %parallel_loop3A_532 = arith.index_cast %parallel_loop3A_447 : i32 to index
            %parallel_loop3A_533 = arith.constant 224 : index
            %parallel_loop3A_534 = tpu.vector_load %run_scoped3A_14[%parallel_loop3A_532, %parallel_loop3A_533] {strides = array<i32>} : memref<80x256xf32, #tpu.memory_space<vmem>>, vector<16xf32>,
            %parallel_loop3A_535 = arith.index_cast %parallel_loop3A_447 : i32 to index
            %parallel_loop3A_536 = arith.constant 224 : index
            %parallel_loop3A_537 = tpu.vector_load %run_scoped3A[%parallel_loop3A_535, %parallel_loop3A_536] {strides = array<i32>} : memref<80x250xf32, #tpu.memory_space<vmem>>, vector<16xf32>,
            tpu.vector_store %run_scoped3A[%parallel_loop3A_535, %parallel_loop3A_536], %parallel_loop3A_534 {add = true, strides = array<i32>} : memref<80x250xf32, #tpu.memory_space<vmem>>, vector<16xf32>,
            %parallel_loop3A_538 = arith.index_cast %parallel_loop3A_447 : i32 to index
            %parallel_loop3A_539 = arith.constant 234 : index
            %parallel_loop3A_540 = tpu.vector_load %run_scoped3A_14[%parallel_loop3A_538, %parallel_loop3A_539] {strides = array<i32>} : memref<80x256xf32, #tpu.memory_space<vmem>>, vector<16xf32>,
            %parallel_loop3A_541 = arith.constant 0.000000e+00 : f32
            %parallel_loop3A_542 = vector.broadcast %parallel_loop3A_541 : f32 to vector<16xf32>
            %parallel_loop3A_543 = arith.select %ge3A_17, %parallel_loop3A_540, %parallel_loop3A_542 : vector<16xi1>, vector<16xf32>
            %parallel_loop3A_544 = arith.index_cast %parallel_loop3A_447 : i32 to index
            %parallel_loop3A_545 = arith.constant 234 : index
            %parallel_loop3A_546 = tpu.vector_load %run_scoped3A[%parallel_loop3A_544, %parallel_loop3A_545] {strides = array<i32>} : memref<80x250xf32, #tpu.memory_space<vmem>>, vector<16xf32>,
            %parallel_loop3A_547 = arith.addf %parallel_loop3A_546, %parallel_loop3A_543 : vector<16xf32>
            %parallel_loop3A_548 = arith.index_cast %parallel_loop3A_447 : i32 to index
            %parallel_loop3A_549 = arith.constant 234 : index
            %parallel_loop3A_550 = tpu.vector_load %run_scoped3A[%parallel_loop3A_548, %parallel_loop3A_549] {strides = array<i32>} : memref<80x250xf32, #tpu.memory_space<vmem>>, vector<16xf32>,
            tpu.vector_store %run_scoped3A[%parallel_loop3A_548, %parallel_loop3A_549], %parallel_loop3A_547 {strides = array<i32>} : memref<80x250xf32, #tpu.memory_space<vmem>>, vector<16xf32>,
          } {sc.loop_unroll_factor = 2 : i64, sc.parallel_access}
          %dma_start3A = arith.constant 0 : i32
          %dma_start3A_444 = tpu.memref_slice %arg5[%mul3A_435, %dma_start3A] : memref<50000x250xf32, #tpu.memory_space<hbm>> -> memref<80x250xf32, #tpu.memory_space<hbm>>
          %dma_start3A_445 = arith.constant 0 : i32
          %dma_start3A_446 = tpu.memref_slice %arg5[%mul3A_435, %dma_start3A_445] : memref<50000x250xf32, #tpu.memory_space<hbm>> -> memref<80x250xf32, #tpu.memory_space<hbm>>
          tpu.enqueue_dma source(%run_scoped3A : memref<80x250xf32, #tpu.memory_space<vmem>>) target(%dma_start3A_446 : memref<80x250xf32, #tpu.memory_space<hbm>>) target_semaphore(%arg18 : memref<!tpu.dma_semaphore, #tpu.memory_space<semaphore_mem>>)
        } else {
        }
        %ge3A_171 = arith.constant 1 : i32
        %ge3A_172 = arith.cmpi sge, %add3A_146, %ge3A_171 : i32
        %add3A_173 = arith.constant 1 : i32
        %add3A_174 = arith.addi %add3A_146, %add3A_173 : i32
        %mul3A_175 = arith.constant 32 : i32
        %mul3A_176 = arith.muli %add3A_174, %mul3A_175 : i32
        %add3A_177 = arith.addi %add3A, %mul3A_176 : i32
        %ge3A_178 = arith.constant 0 : i32
        %ge3A_179 = arith.cmpi sge, %add3A_177, %ge3A_178 : i32
        %lt3A_180 = arith.constant 625 : i32
        %lt3A_181 = arith.cmpi slt, %add3A_177, %lt3A_180 : i32
        %and3A_182 = arith.andi %ge3A_179, %lt3A_181 : i1
        %and3A_183 = arith.andi %ge3A_172, %and3A_182 : i1
        %convert_element_type3A_184 = arith.extui %and3A_183 : i1 to i32
        %cond3A_185 = arith.constant 0 : i32
        %cond3A_186 = arith.cmpi ne, %convert_element_type3A_184, %cond3A_185 : i32
        scf.if %cond3A_186 {
          %add3A_429 = arith.constant 1 : i32
          %add3A_430 = arith.addi %add3A_146, %add3A_429 : i32
          %mul3A_431 = arith.constant 32 : i32
          %mul3A_432 = arith.muli %add3A_430, %mul3A_431 : i32
          %add3A_433 = arith.addi %add3A, %mul3A_432 : i32
          %mul3A_434 = arith.constant 80 : i32
          %mul3A_435 = arith.muli %add3A_433, %mul3A_434 : i32
          %ge3A_436 = arith.constant 2 : i32
          %ge3A_437 = arith.cmpi sge, %add3A_146, %ge3A_436 : i32
          %convert_element_type3A_438 = arith.extui %ge3A_437 : i1 to i32
          %cond3A_439 = arith.constant 0 : i32
          %cond3A_440 = arith.cmpi ne, %convert_element_type3A_438, %cond3A_439 : i32
          scf.if %cond3A_440 {
            %sub3A_444 = arith.constant 7680 : i32
            %sub3A_445 = arith.subi %mul3A_435, %sub3A_444 : i32
            %dma_wait3A = arith.constant 0 : i32
            %dma_wait3A_446 = tpu.memref_slice %arg5[%sub3A_445, %dma_wait3A] : memref<50000x250xf32, #tpu.memory_space<hbm>> -> memref<80x250xf32, #tpu.memory_space<hbm>>
            %dma_wait3A_447 = arith.constant 0 : i32
            %dma_wait3A_448 = tpu.memref_slice %arg5[%sub3A_445, %dma_wait3A_447] : memref<50000x250xf32, #tpu.memory_space<hbm>> -> memref<80x250xf32, #tpu.memory_space<hbm>>
            tpu.wait_dma2 semaphore(%arg20 : memref<!tpu.dma_semaphore, #tpu.memory_space<semaphore_mem>>) src(%run_scoped3A_13 : memref<80x250xf32, #tpu.memory_space<vmem>>) dst(%dma_wait3A_448 : memref<80x250xf32, #tpu.memory_space<hbm>>)
          } else {
          }
          %dma_start3A = arith.constant 0 : i32
          %dma_start3A_441 = tpu.memref_slice %arg2[%mul3A_435, %dma_start3A] : memref<50000x250xf32, #tpu.memory_space<hbm>> -> memref<80x250xf32, #tpu.memory_space<hbm>>
          %dma_start3A_442 = arith.constant 0 : i32
          %dma_start3A_443 = tpu.memref_slice %arg2[%mul3A_435, %dma_start3A_442] : memref<50000x250xf32, #tpu.memory_space<hbm>> -> memref<80x250xf32, #tpu.memory_space<hbm>>
          tpu.enqueue_dma source(%dma_start3A_443 : memref<80x250xf32, #tpu.memory_space<hbm>>) target(%run_scoped3A_13 : memref<80x250xf32, #tpu.memory_space<vmem>>) target_semaphore(%arg15 : memref<!tpu.dma_semaphore, #tpu.memory_space<semaphore_mem>>)
        } else {
        }
        %add3A_187 = arith.constant 2 : i32
        %add3A_188 = arith.addi %add3A_146, %add3A_187 : i32
        %mul3A_189 = arith.constant 32 : i32
        %mul3A_190 = arith.muli %add3A_188, %mul3A_189 : i32
        %add3A_191 = arith.addi %add3A, %mul3A_190 : i32
        %ge3A_192 = arith.constant 0 : i32
        %ge3A_193 = arith.cmpi sge, %add3A_191, %ge3A_192 : i32
        %lt3A_194 = arith.constant 625 : i32
        %lt3A_195 = arith.cmpi slt, %add3A_191, %lt3A_194 : i32
        %and3A_196 = arith.andi %ge3A_193, %lt3A_195 : i1
        %convert_element_type3A_197 = arith.extui %and3A_196 : i1 to i32
        %cond3A_198 = arith.constant 0 : i32
        %cond3A_199 = arith.cmpi ne, %convert_element_type3A_197, %cond3A_198 : i32
        scf.if %cond3A_199 {
          %add3A_429 = arith.constant 2 : i32
          %add3A_430 = arith.addi %add3A_146, %add3A_429 : i32
          %mul3A_431 = arith.constant 32 : i32
          %mul3A_432 = arith.muli %add3A_430, %mul3A_431 : i32
          %add3A_433 = arith.addi %add3A, %mul3A_432 : i32
          %mul3A_434 = arith.constant 80 : i32
          %mul3A_435 = arith.muli %add3A_433, %mul3A_434 : i32
          %dma_start3A = tpu.memref_slice %arg3[%mul3A_435] : memref<50000xi32, #tpu.memory_space<hbm>> -> memref<80xi32, #tpu.memory_space<hbm>>
          %dma_start3A_436 = tpu.memref_slice %arg3[%mul3A_435] : memref<50000xi32, #tpu.memory_space<hbm>> -> memref<80xi32, #tpu.memory_space<hbm>>
          tpu.enqueue_dma source(%dma_start3A_436 : memref<80xi32, #tpu.memory_space<hbm>>) target(%arg8 : memref<80xi32, #tpu.memory_space<vmem>>) target_semaphore(%arg12 : memref<!tpu.dma_semaphore, #tpu.memory_space<semaphore_mem>>)
        } else {
        }
        %mul3A_200 = arith.constant 6 : i32
        %mul3A_201 = arith.muli %scan3A_85, %mul3A_200 : i32
        %add3A_202 = arith.constant 2 : i32
        %add3A_203 = arith.addi %mul3A_201, %add3A_202 : i32
        %mul3A_204 = arith.constant 32 : i32
        %mul3A_205 = arith.muli %add3A_203, %mul3A_204 : i32
        %add3A_206 = arith.addi %add3A, %mul3A_205 : i32
        %ge3A_207 = arith.constant 0 : i32
        %ge3A_208 = arith.cmpi sge, %add3A_206, %ge3A_207 : i32
        %lt3A_209 = arith.constant 625 : i32
        %lt3A_210 = arith.cmpi slt, %add3A_206, %lt3A_209 : i32
        %and3A_211 = arith.andi %ge3A_208, %lt3A_210 : i1
        %convert_element_type3A_212 = arith.extui %and3A_211 : i1 to i32
        %cond3A_213 = arith.constant 0 : i32
        %cond3A_214 = arith.cmpi ne, %convert_element_type3A_212, %cond3A_213 : i32
        scf.if %cond3A_214 {
          %mul3A_429 = arith.constant 32 : i32
          %mul3A_430 = arith.muli %add3A_203, %mul3A_429 : i32
          %add3A_431 = arith.addi %add3A, %mul3A_430 : i32
          %mul3A_432 = arith.constant 80 : i32
          %mul3A_433 = arith.muli %add3A_431, %mul3A_432 : i32
          %dma_wait3A = tpu.memref_slice %arg3[%mul3A_433] : memref<50000xi32, #tpu.memory_space<hbm>> -> memref<80xi32, #tpu.memory_space<hbm>>
          %dma_wait3A_434 = tpu.memref_slice %arg3[%mul3A_433] : memref<50000xi32, #tpu.memory_space<hbm>> -> memref<80xi32, #tpu.memory_space<hbm>>
          tpu.wait_dma2 semaphore(%arg11 : memref<!tpu.dma_semaphore, #tpu.memory_space<semaphore_mem>>) src(%dma_wait3A_434 : memref<80xi32, #tpu.memory_space<hbm>>) dst(%arg7 : memref<80xi32, #tpu.memory_space<vmem>>)
          %get3A = arith.constant 0 : index
          %get3A_435 = tpu.vector_load %arg7[%get3A] {strides = array<i32>} : memref<80xi32, #tpu.memory_space<vmem>>, vector<16xi32>,
          %gather3A = tpu.vector_load_idx %arg6[%get3A_435] : memref<112xi32, #tpu.memory_space<vmem>>[vector<16xi32>], vector<16xi32>,
          %add3A_436 = arith.constant 0 : i32
          %add3A_437 = arith.addi %mul3A_433, %add3A_436 : i32
          %add3A_438 = vector.broadcast %add3A_437 : i32 to vector<16xi32>
          %add3A_439 = arith.addi %add3A_438, %iota3A : vector<16xi32>
          %sub3A_440 = arith.subi %add3A_439, %gather3A : vector<16xi32>
          %max3A = arith.constant 0 : i32
          %max3A_441 = vector.broadcast %max3A : i32 to vector<16xi32>
          %max3A_442 = arith.maxsi %sub3A_440, %max3A_441 : vector<16xi32>
          %min3A = arith.constant 999 : i32
          %min3A_443 = vector.broadcast %min3A : i32 to vector<16xi32>
          %min3A_444 = arith.minsi %max3A_442, %min3A_443 : vector<16xi32>
          %swap3A = arith.constant 0 : index
          %swap3A_445 = tpu.vector_load %arg9[%swap3A] {strides = array<i32>} : memref<80xi32, #tpu.memory_space<vmem>>, vector<16xi32>,
          tpu.vector_store %arg9[%swap3A], %min3A_444 {strides = array<i32>} : memref<80xi32, #tpu.memory_space<vmem>>, vector<16xi32>,
          %get3A_446 = arith.constant 16 : index
          %get3A_447 = tpu.vector_load %arg7[%get3A_446] {strides = array<i32>} : memref<80xi32, #tpu.memory_space<vmem>>, vector<16xi32>,
          %gather3A_448 = tpu.vector_load_idx %arg6[%get3A_447] : memref<112xi32, #tpu.memory_space<vmem>>[vector<16xi32>], vector<16xi32>,
          %add3A_449 = arith.constant 16 : i32
          %add3A_450 = arith.addi %mul3A_433, %add3A_449 : i32
          %add3A_451 = vector.broadcast %add3A_450 : i32 to vector<16xi32>
          %add3A_452 = arith.addi %add3A_451, %iota3A : vector<16xi32>
          %sub3A_453 = arith.subi %add3A_452, %gather3A_448 : vector<16xi32>
          %max3A_454 = arith.constant 0 : i32
          %max3A_455 = vector.broadcast %max3A_454 : i32 to vector<16xi32>
          %max3A_456 = arith.maxsi %sub3A_453, %max3A_455 : vector<16xi32>
          %min3A_457 = arith.constant 999 : i32
          %min3A_458 = vector.broadcast %min3A_457 : i32 to vector<16xi32>
          %min3A_459 = arith.minsi %max3A_456, %min3A_458 : vector<16xi32>
          %swap3A_460 = arith.constant 16 : index
          %swap3A_461 = tpu.vector_load %arg9[%swap3A_460] {strides = array<i32>} : memref<80xi32, #tpu.memory_space<vmem>>, vector<16xi32>,
          tpu.vector_store %arg9[%swap3A_460], %min3A_459 {strides = array<i32>} : memref<80xi32, #tpu.memory_space<vmem>>, vector<16xi32>,
          %get3A_462 = arith.constant 32 : index
          %get3A_463 = tpu.vector_load %arg7[%get3A_462] {strides = array<i32>} : memref<80xi32, #tpu.memory_space<vmem>>, vector<16xi32>,
          %gather3A_464 = tpu.vector_load_idx %arg6[%get3A_463] : memref<112xi32, #tpu.memory_space<vmem>>[vector<16xi32>], vector<16xi32>,
          %add3A_465 = arith.constant 32 : i32
          %add3A_466 = arith.addi %mul3A_433, %add3A_465 : i32
          %add3A_467 = vector.broadcast %add3A_466 : i32 to vector<16xi32>
          %add3A_468 = arith.addi %add3A_467, %iota3A : vector<16xi32>
          %sub3A_469 = arith.subi %add3A_468, %gather3A_464 : vector<16xi32>
          %max3A_470 = arith.constant 0 : i32
          %max3A_471 = vector.broadcast %max3A_470 : i32 to vector<16xi32>
          %max3A_472 = arith.maxsi %sub3A_469, %max3A_471 : vector<16xi32>
          %min3A_473 = arith.constant 999 : i32
          %min3A_474 = vector.broadcast %min3A_473 : i32 to vector<16xi32>
          %min3A_475 = arith.minsi %max3A_472, %min3A_474 : vector<16xi32>
          %swap3A_476 = arith.constant 32 : index
          %swap3A_477 = tpu.vector_load %arg9[%swap3A_476] {strides = array<i32>} : memref<80xi32, #tpu.memory_space<vmem>>, vector<16xi32>,
          tpu.vector_store %arg9[%swap3A_476], %min3A_475 {strides = array<i32>} : memref<80xi32, #tpu.memory_space<vmem>>, vector<16xi32>,
          %get3A_478 = arith.constant 48 : index
          %get3A_479 = tpu.vector_load %arg7[%get3A_478] {strides = array<i32>} : memref<80xi32, #tpu.memory_space<vmem>>, vector<16xi32>,
          %gather3A_480 = tpu.vector_load_idx %arg6[%get3A_479] : memref<112xi32, #tpu.memory_space<vmem>>[vector<16xi32>], vector<16xi32>,
          %add3A_481 = arith.constant 48 : i32
          %add3A_482 = arith.addi %mul3A_433, %add3A_481 : i32
          %add3A_483 = vector.broadcast %add3A_482 : i32 to vector<16xi32>
          %add3A_484 = arith.addi %add3A_483, %iota3A : vector<16xi32>
          %sub3A_485 = arith.subi %add3A_484, %gather3A_480 : vector<16xi32>
          %max3A_486 = arith.constant 0 : i32
          %max3A_487 = vector.broadcast %max3A_486 : i32 to vector<16xi32>
          %max3A_488 = arith.maxsi %sub3A_485, %max3A_487 : vector<16xi32>
          %min3A_489 = arith.constant 999 : i32
          %min3A_490 = vector.broadcast %min3A_489 : i32 to vector<16xi32>
          %min3A_491 = arith.minsi %max3A_488, %min3A_490 : vector<16xi32>
          %swap3A_492 = arith.constant 48 : index
          %swap3A_493 = tpu.vector_load %arg9[%swap3A_492] {strides = array<i32>} : memref<80xi32, #tpu.memory_space<vmem>>, vector<16xi32>,
          tpu.vector_store %arg9[%swap3A_492], %min3A_491 {strides = array<i32>} : memref<80xi32, #tpu.memory_space<vmem>>, vector<16xi32>,
          %get3A_494 = arith.constant 64 : index
          %get3A_495 = tpu.vector_load %arg7[%get3A_494] {strides = array<i32>} : memref<80xi32, #tpu.memory_space<vmem>>, vector<16xi32>,
          %gather3A_496 = tpu.vector_load_idx %arg6[%get3A_495] : memref<112xi32, #tpu.memory_space<vmem>>[vector<16xi32>], vector<16xi32>,
          %add3A_497 = arith.constant 64 : i32
          %add3A_498 = arith.addi %mul3A_433, %add3A_497 : i32
          %add3A_499 = vector.broadcast %add3A_498 : i32 to vector<16xi32>
          %add3A_500 = arith.addi %add3A_499, %iota3A : vector<16xi32>
          %sub3A_501 = arith.subi %add3A_500, %gather3A_496 : vector<16xi32>
          %max3A_502 = arith.constant 0 : i32
          %max3A_503 = vector.broadcast %max3A_502 : i32 to vector<16xi32>
          %max3A_504 = arith.maxsi %sub3A_501, %max3A_503 : vector<16xi32>
          %min3A_505 = arith.constant 999 : i32
          %min3A_506 = vector.broadcast %min3A_505 : i32 to vector<16xi32>
          %min3A_507 = arith.minsi %max3A_504, %min3A_506 : vector<16xi32>
          %swap3A_508 = arith.constant 64 : index
          %swap3A_509 = tpu.vector_load %arg9[%swap3A_508] {strides = array<i32>} : memref<80xi32, #tpu.memory_space<vmem>>, vector<16xi32>,
          tpu.vector_store %arg9[%swap3A_508], %min3A_507 {strides = array<i32>} : memref<80xi32, #tpu.memory_space<vmem>>, vector<16xi32>,
          %dma_start3A = arith.constant 0 : i32
          %dma_start3A_510 = arith.constant 0 : i32
          %dma_start3A_511 = tpu.memref_slice %arg4[%dma_start3A, %dma_start3A_510] : memref<1000x256xf32, #tpu.memory_space<hbm>> -> memref<1000x256xf32, #tpu.memory_space<hbm>>
          tpu.enqueue_indirect_dma source(%dma_start3A_511 : memref<1000x256xf32, #tpu.memory_space<hbm>>) target(%run_scoped3A_14 : memref<80x256xf32, #tpu.memory_space<vmem>>) offsets(%arg9 : memref<80xi32, #tpu.memory_space<vmem>>) semaphore(%arg16 : memref<!tpu.dma_semaphore, #tpu.memory_space<semaphore_mem>>)
        } else {
        }
        %sub3A_215 = arith.constant 1 : i32
        %sub3A_216 = arith.subi %add3A_203, %sub3A_215 : i32
        %mul3A_217 = arith.constant 32 : i32
        %mul3A_218 = arith.muli %sub3A_216, %mul3A_217 : i32
        %add3A_219 = arith.addi %add3A, %mul3A_218 : i32
        %ge3A_220 = arith.constant 0 : i32
        %ge3A_221 = arith.cmpi sge, %add3A_219, %ge3A_220 : i32
        %lt3A_222 = arith.constant 625 : i32
        %lt3A_223 = arith.cmpi slt, %add3A_219, %lt3A_222 : i32
        %and3A_224 = arith.andi %ge3A_221, %lt3A_223 : i1
        %convert_element_type3A_225 = arith.extui %and3A_224 : i1 to i32
        %cond3A_226 = arith.constant 0 : i32
        %cond3A_227 = arith.cmpi ne, %convert_element_type3A_225, %cond3A_226 : i32
        scf.if %cond3A_227 {
          %sub3A_429 = arith.constant 1 : i32
          %sub3A_430 = arith.subi %add3A_203, %sub3A_429 : i32
          %mul3A_431 = arith.constant 32 : i32
          %mul3A_432 = arith.muli %sub3A_430, %mul3A_431 : i32
          %add3A_433 = arith.addi %add3A, %mul3A_432 : i32
          %mul3A_434 = arith.constant 80 : i32
          %mul3A_435 = arith.muli %add3A_433, %mul3A_434 : i32
          %dma_wait3A = arith.constant 0 : i32
          %dma_wait3A_436 = tpu.memref_slice %arg2[%mul3A_435, %dma_wait3A] : memref<50000x250xf32, #tpu.memory_space<hbm>> -> memref<80x250xf32, #tpu.memory_space<hbm>>
          %dma_wait3A_437 = arith.constant 0 : i32
          %dma_wait3A_438 = tpu.memref_slice %arg2[%mul3A_435, %dma_wait3A_437] : memref<50000x250xf32, #tpu.memory_space<hbm>> -> memref<80x250xf32, #tpu.memory_space<hbm>>
          tpu.wait_dma2 semaphore(%arg14 : memref<!tpu.dma_semaphore, #tpu.memory_space<semaphore_mem>>) src(%dma_wait3A_438 : memref<80x250xf32, #tpu.memory_space<hbm>>) dst(%run_scoped3A_12 : memref<80x250xf32, #tpu.memory_space<vmem>>)
          %dma_wait3A_439 = arith.constant 0 : i32
          %dma_wait3A_440 = arith.constant 0 : i32
          %dma_wait3A_441 = tpu.memref_slice %arg4[%dma_wait3A_439, %dma_wait3A_440] : memref<1000x256xf32, #tpu.memory_space<hbm>> -> memref<1000x256xf32, #tpu.memory_space<hbm>>
          tpu.wait_indirect_dma semaphore(%arg17 : memref<!tpu.dma_semaphore, #tpu.memory_space<semaphore_mem>>) src(%dma_wait3A_441 : memref<1000x256xf32, #tpu.memory_space<hbm>>) dst(%run_scoped3A_15 : memref<80x256xf32, #tpu.memory_space<vmem>>)
          %parallel_loop3A = arith.constant 0 : i32
          %parallel_loop3A_442 = arith.constant 80 : i32
          %parallel_loop3A_443 = arith.constant 1 : i32
          scf.for %parallel_loop3A_447 = %parallel_loop3A to %parallel_loop3A_442 step %parallel_loop3A_443  : i32 {
            %parallel_loop3A_448 = arith.index_cast %parallel_loop3A_447 : i32 to index
            %parallel_loop3A_449 = arith.constant 0 : index
            %parallel_loop3A_450 = tpu.vector_load %run_scoped3A_15[%parallel_loop3A_448, %parallel_loop3A_449] {strides = array<i32>} : memref<80x256xf32, #tpu.memory_space<vmem>>, vector<16xf32>,
            %parallel_loop3A_451 = arith.index_cast %parallel_loop3A_447 : i32 to index
            %parallel_loop3A_452 = arith.constant 0 : index
            %parallel_loop3A_453 = tpu.vector_load %run_scoped3A_12[%parallel_loop3A_451, %parallel_loop3A_452] {strides = array<i32>} : memref<80x250xf32, #tpu.memory_space<vmem>>, vector<16xf32>,
            tpu.vector_store %run_scoped3A_12[%parallel_loop3A_451, %parallel_loop3A_452], %parallel_loop3A_450 {add = true, strides = array<i32>} : memref<80x250xf32, #tpu.memory_space<vmem>>, vector<16xf32>,
            %parallel_loop3A_454 = arith.index_cast %parallel_loop3A_447 : i32 to index
            %parallel_loop3A_455 = arith.constant 16 : index
            %parallel_loop3A_456 = tpu.vector_load %run_scoped3A_15[%parallel_loop3A_454, %parallel_loop3A_455] {strides = array<i32>} : memref<80x256xf32, #tpu.memory_space<vmem>>, vector<16xf32>,
            %parallel_loop3A_457 = arith.index_cast %parallel_loop3A_447 : i32 to index
            %parallel_loop3A_458 = arith.constant 16 : index
            %parallel_loop3A_459 = tpu.vector_load %run_scoped3A_12[%parallel_loop3A_457, %parallel_loop3A_458] {strides = array<i32>} : memref<80x250xf32, #tpu.memory_space<vmem>>, vector<16xf32>,
            tpu.vector_store %run_scoped3A_12[%parallel_loop3A_457, %parallel_loop3A_458], %parallel_loop3A_456 {add = true, strides = array<i32>} : memref<80x250xf32, #tpu.memory_space<vmem>>, vector<16xf32>,
            %parallel_loop3A_460 = arith.index_cast %parallel_loop3A_447 : i32 to index
            %parallel_loop3A_461 = arith.constant 32 : index
            %parallel_loop3A_462 = tpu.vector_load %run_scoped3A_15[%parallel_loop3A_460, %parallel_loop3A_461] {strides = array<i32>} : memref<80x256xf32, #tpu.memory_space<vmem>>, vector<16xf32>,
            %parallel_loop3A_463 = arith.index_cast %parallel_loop3A_447 : i32 to index
            %parallel_loop3A_464 = arith.constant 32 : index
            %parallel_loop3A_465 = tpu.vector_load %run_scoped3A_12[%parallel_loop3A_463, %parallel_loop3A_464] {strides = array<i32>} : memref<80x250xf32, #tpu.memory_space<vmem>>, vector<16xf32>,
            tpu.vector_store %run_scoped3A_12[%parallel_loop3A_463, %parallel_loop3A_464], %parallel_loop3A_462 {add = true, strides = array<i32>} : memref<80x250xf32, #tpu.memory_space<vmem>>, vector<16xf32>,
            %parallel_loop3A_466 = arith.index_cast %parallel_loop3A_447 : i32 to index
            %parallel_loop3A_467 = arith.constant 48 : index
            %parallel_loop3A_468 = tpu.vector_load %run_scoped3A_15[%parallel_loop3A_466, %parallel_loop3A_467] {strides = array<i32>} : memref<80x256xf32, #tpu.memory_space<vmem>>, vector<16xf32>,
            %parallel_loop3A_469 = arith.index_cast %parallel_loop3A_447 : i32 to index
            %parallel_loop3A_470 = arith.constant 48 : index
            %parallel_loop3A_471 = tpu.vector_load %run_scoped3A_12[%parallel_loop3A_469, %parallel_loop3A_470] {strides = array<i32>} : memref<80x250xf32, #tpu.memory_space<vmem>>, vector<16xf32>,
            tpu.vector_store %run_scoped3A_12[%parallel_loop3A_469, %parallel_loop3A_470], %parallel_loop3A_468 {add = true, strides = array<i32>} : memref<80x250xf32, #tpu.memory_space<vmem>>, vector<16xf32>,
            %parallel_loop3A_472 = arith.index_cast %parallel_loop3A_447 : i32 to index
            %parallel_loop3A_473 = arith.constant 64 : index
            %parallel_loop3A_474 = tpu.vector_load %run_scoped3A_15[%parallel_loop3A_472, %parallel_loop3A_473] {strides = array<i32>} : memref<80x256xf32, #tpu.memory_space<vmem>>, vector<16xf32>,
            %parallel_loop3A_475 = arith.index_cast %parallel_loop3A_447 : i32 to index
            %parallel_loop3A_476 = arith.constant 64 : index
            %parallel_loop3A_477 = tpu.vector_load %run_scoped3A_12[%parallel_loop3A_475, %parallel_loop3A_476] {strides = array<i32>} : memref<80x250xf32, #tpu.memory_space<vmem>>, vector<16xf32>,
            tpu.vector_store %run_scoped3A_12[%parallel_loop3A_475, %parallel_loop3A_476], %parallel_loop3A_474 {add = true, strides = array<i32>} : memref<80x250xf32, #tpu.memory_space<vmem>>, vector<16xf32>,
            %parallel_loop3A_478 = arith.index_cast %parallel_loop3A_447 : i32 to index
            %parallel_loop3A_479 = arith.constant 80 : index
            %parallel_loop3A_480 = tpu.vector_load %run_scoped3A_15[%parallel_loop3A_478, %parallel_loop3A_479] {strides = array<i32>} : memref<80x256xf32, #tpu.memory_space<vmem>>, vector<16xf32>,
            %parallel_loop3A_481 = arith.index_cast %parallel_loop3A_447 : i32 to index
            %parallel_loop3A_482 = arith.constant 80 : index
            %parallel_loop3A_483 = tpu.vector_load %run_scoped3A_12[%parallel_loop3A_481, %parallel_loop3A_482] {strides = array<i32>} : memref<80x250xf32, #tpu.memory_space<vmem>>, vector<16xf32>,
            tpu.vector_store %run_scoped3A_12[%parallel_loop3A_481, %parallel_loop3A_482], %parallel_loop3A_480 {add = true, strides = array<i32>} : memref<80x250xf32, #tpu.memory_space<vmem>>, vector<16xf32>,
            %parallel_loop3A_484 = arith.index_cast %parallel_loop3A_447 : i32 to index
            %parallel_loop3A_485 = arith.constant 96 : index
            %parallel_loop3A_486 = tpu.vector_load %run_scoped3A_15[%parallel_loop3A_484, %parallel_loop3A_485] {strides = array<i32>} : memref<80x256xf32, #tpu.memory_space<vmem>>, vector<16xf32>,
            %parallel_loop3A_487 = arith.index_cast %parallel_loop3A_447 : i32 to index
            %parallel_loop3A_488 = arith.constant 96 : index
            %parallel_loop3A_489 = tpu.vector_load %run_scoped3A_12[%parallel_loop3A_487, %parallel_loop3A_488] {strides = array<i32>} : memref<80x250xf32, #tpu.memory_space<vmem>>, vector<16xf32>,
            tpu.vector_store %run_scoped3A_12[%parallel_loop3A_487, %parallel_loop3A_488], %parallel_loop3A_486 {add = true, strides = array<i32>} : memref<80x250xf32, #tpu.memory_space<vmem>>, vector<16xf32>,
            %parallel_loop3A_490 = arith.index_cast %parallel_loop3A_447 : i32 to index
            %parallel_loop3A_491 = arith.constant 112 : index
            %parallel_loop3A_492 = tpu.vector_load %run_scoped3A_15[%parallel_loop3A_490, %parallel_loop3A_491] {strides = array<i32>} : memref<80x256xf32, #tpu.memory_space<vmem>>, vector<16xf32>,
            %parallel_loop3A_493 = arith.index_cast %parallel_loop3A_447 : i32 to index
            %parallel_loop3A_494 = arith.constant 112 : index
            %parallel_loop3A_495 = tpu.vector_load %run_scoped3A_12[%parallel_loop3A_493, %parallel_loop3A_494] {strides = array<i32>} : memref<80x250xf32, #tpu.memory_space<vmem>>, vector<16xf32>,
            tpu.vector_store %run_scoped3A_12[%parallel_loop3A_493, %parallel_loop3A_494], %parallel_loop3A_492 {add = true, strides = array<i32>} : memref<80x250xf32, #tpu.memory_space<vmem>>, vector<16xf32>,
            %parallel_loop3A_496 = arith.index_cast %parallel_loop3A_447 : i32 to index
            %parallel_loop3A_497 = arith.constant 128 : index
            %parallel_loop3A_498 = tpu.vector_load %run_scoped3A_15[%parallel_loop3A_496, %parallel_loop3A_497] {strides = array<i32>} : memref<80x256xf32, #tpu.memory_space<vmem>>, vector<16xf32>,
            %parallel_loop3A_499 = arith.index_cast %parallel_loop3A_447 : i32 to index
            %parallel_loop3A_500 = arith.constant 128 : index
            %parallel_loop3A_501 = tpu.vector_load %run_scoped3A_12[%parallel_loop3A_499, %parallel_loop3A_500] {strides = array<i32>} : memref<80x250xf32, #tpu.memory_space<vmem>>, vector<16xf32>,
            tpu.vector_store %run_scoped3A_12[%parallel_loop3A_499, %parallel_loop3A_500], %parallel_loop3A_498 {add = true, strides = array<i32>} : memref<80x250xf32, #tpu.memory_space<vmem>>, vector<16xf32>,
            %parallel_loop3A_502 = arith.index_cast %parallel_loop3A_447 : i32 to index
            %parallel_loop3A_503 = arith.constant 144 : index
            %parallel_loop3A_504 = tpu.vector_load %run_scoped3A_15[%parallel_loop3A_502, %parallel_loop3A_503] {strides = array<i32>} : memref<80x256xf32, #tpu.memory_space<vmem>>, vector<16xf32>,
            %parallel_loop3A_505 = arith.index_cast %parallel_loop3A_447 : i32 to index
            %parallel_loop3A_506 = arith.constant 144 : index
            %parallel_loop3A_507 = tpu.vector_load %run_scoped3A_12[%parallel_loop3A_505, %parallel_loop3A_506] {strides = array<i32>} : memref<80x250xf32, #tpu.memory_space<vmem>>, vector<16xf32>,
            tpu.vector_store %run_scoped3A_12[%parallel_loop3A_505, %parallel_loop3A_506], %parallel_loop3A_504 {add = true, strides = array<i32>} : memref<80x250xf32, #tpu.memory_space<vmem>>, vector<16xf32>,
            %parallel_loop3A_508 = arith.index_cast %parallel_loop3A_447 : i32 to index
            %parallel_loop3A_509 = arith.constant 160 : index
            %parallel_loop3A_510 = tpu.vector_load %run_scoped3A_15[%parallel_loop3A_508, %parallel_loop3A_509] {strides = array<i32>} : memref<80x256xf32, #tpu.memory_space<vmem>>, vector<16xf32>,
            %parallel_loop3A_511 = arith.index_cast %parallel_loop3A_447 : i32 to index
            %parallel_loop3A_512 = arith.constant 160 : index
            %parallel_loop3A_513 = tpu.vector_load %run_scoped3A_12[%parallel_loop3A_511, %parallel_loop3A_512] {strides = array<i32>} : memref<80x250xf32, #tpu.memory_space<vmem>>, vector<16xf32>,
            tpu.vector_store %run_scoped3A_12[%parallel_loop3A_511, %parallel_loop3A_512], %parallel_loop3A_510 {add = true, strides = array<i32>} : memref<80x250xf32, #tpu.memory_space<vmem>>, vector<16xf32>,
            %parallel_loop3A_514 = arith.index_cast %parallel_loop3A_447 : i32 to index
            %parallel_loop3A_515 = arith.constant 176 : index
            %parallel_loop3A_516 = tpu.vector_load %run_scoped3A_15[%parallel_loop3A_514, %parallel_loop3A_515] {strides = array<i32>} : memref<80x256xf32, #tpu.memory_space<vmem>>, vector<16xf32>,
            %parallel_loop3A_517 = arith.index_cast %parallel_loop3A_447 : i32 to index
            %parallel_loop3A_518 = arith.constant 176 : index
            %parallel_loop3A_519 = tpu.vector_load %run_scoped3A_12[%parallel_loop3A_517, %parallel_loop3A_518] {strides = array<i32>} : memref<80x250xf32, #tpu.memory_space<vmem>>, vector<16xf32>,
            tpu.vector_store %run_scoped3A_12[%parallel_loop3A_517, %parallel_loop3A_518], %parallel_loop3A_516 {add = true, strides = array<i32>} : memref<80x250xf32, #tpu.memory_space<vmem>>, vector<16xf32>,
            %parallel_loop3A_520 = arith.index_cast %parallel_loop3A_447 : i32 to index
            %parallel_loop3A_521 = arith.constant 192 : index
            %parallel_loop3A_522 = tpu.vector_load %run_scoped3A_15[%parallel_loop3A_520, %parallel_loop3A_521] {strides = array<i32>} : memref<80x256xf32, #tpu.memory_space<vmem>>, vector<16xf32>,
            %parallel_loop3A_523 = arith.index_cast %parallel_loop3A_447 : i32 to index
            %parallel_loop3A_524 = arith.constant 192 : index
            %parallel_loop3A_525 = tpu.vector_load %run_scoped3A_12[%parallel_loop3A_523, %parallel_loop3A_524] {strides = array<i32>} : memref<80x250xf32, #tpu.memory_space<vmem>>, vector<16xf32>,
            tpu.vector_store %run_scoped3A_12[%parallel_loop3A_523, %parallel_loop3A_524], %parallel_loop3A_522 {add = true, strides = array<i32>} : memref<80x250xf32, #tpu.memory_space<vmem>>, vector<16xf32>,
            %parallel_loop3A_526 = arith.index_cast %parallel_loop3A_447 : i32 to index
            %parallel_loop3A_527 = arith.constant 208 : index
            %parallel_loop3A_528 = tpu.vector_load %run_scoped3A_15[%parallel_loop3A_526, %parallel_loop3A_527] {strides = array<i32>} : memref<80x256xf32, #tpu.memory_space<vmem>>, vector<16xf32>,
            %parallel_loop3A_529 = arith.index_cast %parallel_loop3A_447 : i32 to index
            %parallel_loop3A_530 = arith.constant 208 : index
            %parallel_loop3A_531 = tpu.vector_load %run_scoped3A_12[%parallel_loop3A_529, %parallel_loop3A_530] {strides = array<i32>} : memref<80x250xf32, #tpu.memory_space<vmem>>, vector<16xf32>,
            tpu.vector_store %run_scoped3A_12[%parallel_loop3A_529, %parallel_loop3A_530], %parallel_loop3A_528 {add = true, strides = array<i32>} : memref<80x250xf32, #tpu.memory_space<vmem>>, vector<16xf32>,
            %parallel_loop3A_532 = arith.index_cast %parallel_loop3A_447 : i32 to index
            %parallel_loop3A_533 = arith.constant 224 : index
            %parallel_loop3A_534 = tpu.vector_load %run_scoped3A_15[%parallel_loop3A_532, %parallel_loop3A_533] {strides = array<i32>} : memref<80x256xf32, #tpu.memory_space<vmem>>, vector<16xf32>,
            %parallel_loop3A_535 = arith.index_cast %parallel_loop3A_447 : i32 to index
            %parallel_loop3A_536 = arith.constant 224 : index
            %parallel_loop3A_537 = tpu.vector_load %run_scoped3A_12[%parallel_loop3A_535, %parallel_loop3A_536] {strides = array<i32>} : memref<80x250xf32, #tpu.memory_space<vmem>>, vector<16xf32>,
            tpu.vector_store %run_scoped3A_12[%parallel_loop3A_535, %parallel_loop3A_536], %parallel_loop3A_534 {add = true, strides = array<i32>} : memref<80x250xf32, #tpu.memory_space<vmem>>, vector<16xf32>,
            %parallel_loop3A_538 = arith.index_cast %parallel_loop3A_447 : i32 to index
            %parallel_loop3A_539 = arith.constant 234 : index
            %parallel_loop3A_540 = tpu.vector_load %run_scoped3A_15[%parallel_loop3A_538, %parallel_loop3A_539] {strides = array<i32>} : memref<80x256xf32, #tpu.memory_space<vmem>>, vector<16xf32>,
            %parallel_loop3A_541 = arith.constant 0.000000e+00 : f32
            %parallel_loop3A_542 = vector.broadcast %parallel_loop3A_541 : f32 to vector<16xf32>
            %parallel_loop3A_543 = arith.select %ge3A_17, %parallel_loop3A_540, %parallel_loop3A_542 : vector<16xi1>, vector<16xf32>
            %parallel_loop3A_544 = arith.index_cast %parallel_loop3A_447 : i32 to index
            %parallel_loop3A_545 = arith.constant 234 : index
            %parallel_loop3A_546 = tpu.vector_load %run_scoped3A_12[%parallel_loop3A_544, %parallel_loop3A_545] {strides = array<i32>} : memref<80x250xf32, #tpu.memory_space<vmem>>, vector<16xf32>,
            %parallel_loop3A_547 = arith.addf %parallel_loop3A_546, %parallel_loop3A_543 : vector<16xf32>
            %parallel_loop3A_548 = arith.index_cast %parallel_loop3A_447 : i32 to index
            %parallel_loop3A_549 = arith.constant 234 : index
            %parallel_loop3A_550 = tpu.vector_load %run_scoped3A_12[%parallel_loop3A_548, %parallel_loop3A_549] {strides = array<i32>} : memref<80x250xf32, #tpu.memory_space<vmem>>, vector<16xf32>,
            tpu.vector_store %run_scoped3A_12[%parallel_loop3A_548, %parallel_loop3A_549], %parallel_loop3A_547 {strides = array<i32>} : memref<80x250xf32, #tpu.memory_space<vmem>>, vector<16xf32>,
          } {sc.loop_unroll_factor = 2 : i64, sc.parallel_access}
          %dma_start3A = arith.constant 0 : i32
          %dma_start3A_444 = tpu.memref_slice %arg5[%mul3A_435, %dma_start3A] : memref<50000x250xf32, #tpu.memory_space<hbm>> -> memref<80x250xf32, #tpu.memory_space<hbm>>
          %dma_start3A_445 = arith.constant 0 : i32
          %dma_start3A_446 = tpu.memref_slice %arg5[%mul3A_435, %dma_start3A_445] : memref<50000x250xf32, #tpu.memory_space<hbm>> -> memref<80x250xf32, #tpu.memory_space<hbm>>
          tpu.enqueue_dma source(%run_scoped3A_12 : memref<80x250xf32, #tpu.memory_space<vmem>>) target(%dma_start3A_446 : memref<80x250xf32, #tpu.memory_space<hbm>>) target_semaphore(%arg19 : memref<!tpu.dma_semaphore, #tpu.memory_space<semaphore_mem>>)
        } else {
        }
        %ge3A_228 = arith.constant 1 : i32
        %ge3A_229 = arith.cmpi sge, %add3A_203, %ge3A_228 : i32
        %add3A_230 = arith.constant 1 : i32
        %add3A_231 = arith.addi %add3A_203, %add3A_230 : i32
        %mul3A_232 = arith.constant 32 : i32
        %mul3A_233 = arith.muli %add3A_231, %mul3A_232 : i32
        %add3A_234 = arith.addi %add3A, %mul3A_233 : i32
        %ge3A_235 = arith.constant 0 : i32
        %ge3A_236 = arith.cmpi sge, %add3A_234, %ge3A_235 : i32
        %lt3A_237 = arith.constant 625 : i32
        %lt3A_238 = arith.cmpi slt, %add3A_234, %lt3A_237 : i32
        %and3A_239 = arith.andi %ge3A_236, %lt3A_238 : i1
        %and3A_240 = arith.andi %ge3A_229, %and3A_239 : i1
        %convert_element_type3A_241 = arith.extui %and3A_240 : i1 to i32
        %cond3A_242 = arith.constant 0 : i32
        %cond3A_243 = arith.cmpi ne, %convert_element_type3A_241, %cond3A_242 : i32
        scf.if %cond3A_243 {
          %add3A_429 = arith.constant 1 : i32
          %add3A_430 = arith.addi %add3A_203, %add3A_429 : i32
          %mul3A_431 = arith.constant 32 : i32
          %mul3A_432 = arith.muli %add3A_430, %mul3A_431 : i32
          %add3A_433 = arith.addi %add3A, %mul3A_432 : i32
          %mul3A_434 = arith.constant 80 : i32
          %mul3A_435 = arith.muli %add3A_433, %mul3A_434 : i32
          %ge3A_436 = arith.constant 2 : i32
          %ge3A_437 = arith.cmpi sge, %add3A_203, %ge3A_436 : i32
          %convert_element_type3A_438 = arith.extui %ge3A_437 : i1 to i32
          %cond3A_439 = arith.constant 0 : i32
          %cond3A_440 = arith.cmpi ne, %convert_element_type3A_438, %cond3A_439 : i32
          scf.if %cond3A_440 {
            %sub3A_444 = arith.constant 7680 : i32
            %sub3A_445 = arith.subi %mul3A_435, %sub3A_444 : i32
            %dma_wait3A = arith.constant 0 : i32
            %dma_wait3A_446 = tpu.memref_slice %arg5[%sub3A_445, %dma_wait3A] : memref<50000x250xf32, #tpu.memory_space<hbm>> -> memref<80x250xf32, #tpu.memory_space<hbm>>
            %dma_wait3A_447 = arith.constant 0 : i32
            %dma_wait3A_448 = tpu.memref_slice %arg5[%sub3A_445, %dma_wait3A_447] : memref<50000x250xf32, #tpu.memory_space<hbm>> -> memref<80x250xf32, #tpu.memory_space<hbm>>
            tpu.wait_dma2 semaphore(%arg18 : memref<!tpu.dma_semaphore, #tpu.memory_space<semaphore_mem>>) src(%run_scoped3A : memref<80x250xf32, #tpu.memory_space<vmem>>) dst(%dma_wait3A_448 : memref<80x250xf32, #tpu.memory_space<hbm>>)
          } else {
          }
          %dma_start3A = arith.constant 0 : i32
          %dma_start3A_441 = tpu.memref_slice %arg2[%mul3A_435, %dma_start3A] : memref<50000x250xf32, #tpu.memory_space<hbm>> -> memref<80x250xf32, #tpu.memory_space<hbm>>
          %dma_start3A_442 = arith.constant 0 : i32
          %dma_start3A_443 = tpu.memref_slice %arg2[%mul3A_435, %dma_start3A_442] : memref<50000x250xf32, #tpu.memory_space<hbm>> -> memref<80x250xf32, #tpu.memory_space<hbm>>
          tpu.enqueue_dma source(%dma_start3A_443 : memref<80x250xf32, #tpu.memory_space<hbm>>) target(%run_scoped3A : memref<80x250xf32, #tpu.memory_space<vmem>>) target_semaphore(%arg13 : memref<!tpu.dma_semaphore, #tpu.memory_space<semaphore_mem>>)
        } else {
        }
        %add3A_244 = arith.constant 2 : i32
        %add3A_245 = arith.addi %add3A_203, %add3A_244 : i32
        %mul3A_246 = arith.constant 32 : i32
        %mul3A_247 = arith.muli %add3A_245, %mul3A_246 : i32
        %add3A_248 = arith.addi %add3A, %mul3A_247 : i32
        %ge3A_249 = arith.constant 0 : i32
        %ge3A_250 = arith.cmpi sge, %add3A_248, %ge3A_249 : i32
        %lt3A_251 = arith.constant 625 : i32
        %lt3A_252 = arith.cmpi slt, %add3A_248, %lt3A_251 : i32
        %and3A_253 = arith.andi %ge3A_250, %lt3A_252 : i1
        %convert_element_type3A_254 = arith.extui %and3A_253 : i1 to i32
        %cond3A_255 = arith.constant 0 : i32
        %cond3A_256 = arith.cmpi ne, %convert_element_type3A_254, %cond3A_255 : i32
        scf.if %cond3A_256 {
          %add3A_429 = arith.constant 2 : i32
          %add3A_430 = arith.addi %add3A_203, %add3A_429 : i32
          %mul3A_431 = arith.constant 32 : i32
          %mul3A_432 = arith.muli %add3A_430, %mul3A_431 : i32
          %add3A_433 = arith.addi %add3A, %mul3A_432 : i32
          %mul3A_434 = arith.constant 80 : i32
          %mul3A_435 = arith.muli %add3A_433, %mul3A_434 : i32
          %dma_start3A = tpu.memref_slice %arg3[%mul3A_435] : memref<50000xi32, #tpu.memory_space<hbm>> -> memref<80xi32, #tpu.memory_space<hbm>>
          %dma_start3A_436 = tpu.memref_slice %arg3[%mul3A_435] : memref<50000xi32, #tpu.memory_space<hbm>> -> memref<80xi32, #tpu.memory_space<hbm>>
          tpu.enqueue_dma source(%dma_start3A_436 : memref<80xi32, #tpu.memory_space<hbm>>) target(%arg7 : memref<80xi32, #tpu.memory_space<vmem>>) target_semaphore(%arg11 : memref<!tpu.dma_semaphore, #tpu.memory_space<semaphore_mem>>)
        } else {
        }
        %mul3A_257 = arith.constant 6 : i32
        %mul3A_258 = arith.muli %scan3A_85, %mul3A_257 : i32
        %add3A_259 = arith.constant 3 : i32
        %add3A_260 = arith.addi %mul3A_258, %add3A_259 : i32
        %mul3A_261 = arith.constant 32 : i32
        %mul3A_262 = arith.muli %add3A_260, %mul3A_261 : i32
        %add3A_263 = arith.addi %add3A, %mul3A_262 : i32
        %ge3A_264 = arith.constant 0 : i32
        %ge3A_265 = arith.cmpi sge, %add3A_263, %ge3A_264 : i32
        %lt3A_266 = arith.constant 625 : i32
        %lt3A_267 = arith.cmpi slt, %add3A_263, %lt3A_266 : i32
        %and3A_268 = arith.andi %ge3A_265, %lt3A_267 : i1
        %convert_element_type3A_269 = arith.extui %and3A_268 : i1 to i32
        %cond3A_270 = arith.constant 0 : i32
        %cond3A_271 = arith.cmpi ne, %convert_element_type3A_269, %cond3A_270 : i32
        scf.if %cond3A_271 {
          %mul3A_429 = arith.constant 32 : i32
          %mul3A_430 = arith.muli %add3A_260, %mul3A_429 : i32
          %add3A_431 = arith.addi %add3A, %mul3A_430 : i32
          %mul3A_432 = arith.constant 80 : i32
          %mul3A_433 = arith.muli %add3A_431, %mul3A_432 : i32
          %dma_wait3A = tpu.memref_slice %arg3[%mul3A_433] : memref<50000xi32, #tpu.memory_space<hbm>> -> memref<80xi32, #tpu.memory_space<hbm>>
          %dma_wait3A_434 = tpu.memref_slice %arg3[%mul3A_433] : memref<50000xi32, #tpu.memory_space<hbm>> -> memref<80xi32, #tpu.memory_space<hbm>>
          tpu.wait_dma2 semaphore(%arg12 : memref<!tpu.dma_semaphore, #tpu.memory_space<semaphore_mem>>) src(%dma_wait3A_434 : memref<80xi32, #tpu.memory_space<hbm>>) dst(%arg8 : memref<80xi32, #tpu.memory_space<vmem>>)
          %get3A = arith.constant 0 : index
          %get3A_435 = tpu.vector_load %arg8[%get3A] {strides = array<i32>} : memref<80xi32, #tpu.memory_space<vmem>>, vector<16xi32>,
          %gather3A = tpu.vector_load_idx %arg6[%get3A_435] : memref<112xi32, #tpu.memory_space<vmem>>[vector<16xi32>], vector<16xi32>,
          %add3A_436 = arith.constant 0 : i32
          %add3A_437 = arith.addi %mul3A_433, %add3A_436 : i32
          %add3A_438 = vector.broadcast %add3A_437 : i32 to vector<16xi32>
          %add3A_439 = arith.addi %add3A_438, %iota3A : vector<16xi32>
          %sub3A_440 = arith.subi %add3A_439, %gather3A : vector<16xi32>
          %max3A = arith.constant 0 : i32
          %max3A_441 = vector.broadcast %max3A : i32 to vector<16xi32>
          %max3A_442 = arith.maxsi %sub3A_440, %max3A_441 : vector<16xi32>
          %min3A = arith.constant 999 : i32
          %min3A_443 = vector.broadcast %min3A : i32 to vector<16xi32>
          %min3A_444 = arith.minsi %max3A_442, %min3A_443 : vector<16xi32>
          %swap3A = arith.constant 0 : index
          %swap3A_445 = tpu.vector_load %arg10[%swap3A] {strides = array<i32>} : memref<80xi32, #tpu.memory_space<vmem>>, vector<16xi32>,
          tpu.vector_store %arg10[%swap3A], %min3A_444 {strides = array<i32>} : memref<80xi32, #tpu.memory_space<vmem>>, vector<16xi32>,
          %get3A_446 = arith.constant 16 : index
          %get3A_447 = tpu.vector_load %arg8[%get3A_446] {strides = array<i32>} : memref<80xi32, #tpu.memory_space<vmem>>, vector<16xi32>,
          %gather3A_448 = tpu.vector_load_idx %arg6[%get3A_447] : memref<112xi32, #tpu.memory_space<vmem>>[vector<16xi32>], vector<16xi32>,
          %add3A_449 = arith.constant 16 : i32
          %add3A_450 = arith.addi %mul3A_433, %add3A_449 : i32
          %add3A_451 = vector.broadcast %add3A_450 : i32 to vector<16xi32>
          %add3A_452 = arith.addi %add3A_451, %iota3A : vector<16xi32>
          %sub3A_453 = arith.subi %add3A_452, %gather3A_448 : vector<16xi32>
          %max3A_454 = arith.constant 0 : i32
          %max3A_455 = vector.broadcast %max3A_454 : i32 to vector<16xi32>
          %max3A_456 = arith.maxsi %sub3A_453, %max3A_455 : vector<16xi32>
          %min3A_457 = arith.constant 999 : i32
          %min3A_458 = vector.broadcast %min3A_457 : i32 to vector<16xi32>
          %min3A_459 = arith.minsi %max3A_456, %min3A_458 : vector<16xi32>
          %swap3A_460 = arith.constant 16 : index
          %swap3A_461 = tpu.vector_load %arg10[%swap3A_460] {strides = array<i32>} : memref<80xi32, #tpu.memory_space<vmem>>, vector<16xi32>,
          tpu.vector_store %arg10[%swap3A_460], %min3A_459 {strides = array<i32>} : memref<80xi32, #tpu.memory_space<vmem>>, vector<16xi32>,
          %get3A_462 = arith.constant 32 : index
          %get3A_463 = tpu.vector_load %arg8[%get3A_462] {strides = array<i32>} : memref<80xi32, #tpu.memory_space<vmem>>, vector<16xi32>,
          %gather3A_464 = tpu.vector_load_idx %arg6[%get3A_463] : memref<112xi32, #tpu.memory_space<vmem>>[vector<16xi32>], vector<16xi32>,
          %add3A_465 = arith.constant 32 : i32
          %add3A_466 = arith.addi %mul3A_433, %add3A_465 : i32
          %add3A_467 = vector.broadcast %add3A_466 : i32 to vector<16xi32>
          %add3A_468 = arith.addi %add3A_467, %iota3A : vector<16xi32>
          %sub3A_469 = arith.subi %add3A_468, %gather3A_464 : vector<16xi32>
          %max3A_470 = arith.constant 0 : i32
          %max3A_471 = vector.broadcast %max3A_470 : i32 to vector<16xi32>
          %max3A_472 = arith.maxsi %sub3A_469, %max3A_471 : vector<16xi32>
          %min3A_473 = arith.constant 999 : i32
          %min3A_474 = vector.broadcast %min3A_473 : i32 to vector<16xi32>
          %min3A_475 = arith.minsi %max3A_472, %min3A_474 : vector<16xi32>
          %swap3A_476 = arith.constant 32 : index
          %swap3A_477 = tpu.vector_load %arg10[%swap3A_476] {strides = array<i32>} : memref<80xi32, #tpu.memory_space<vmem>>, vector<16xi32>,
          tpu.vector_store %arg10[%swap3A_476], %min3A_475 {strides = array<i32>} : memref<80xi32, #tpu.memory_space<vmem>>, vector<16xi32>,
          %get3A_478 = arith.constant 48 : index
          %get3A_479 = tpu.vector_load %arg8[%get3A_478] {strides = array<i32>} : memref<80xi32, #tpu.memory_space<vmem>>, vector<16xi32>,
          %gather3A_480 = tpu.vector_load_idx %arg6[%get3A_479] : memref<112xi32, #tpu.memory_space<vmem>>[vector<16xi32>], vector<16xi32>,
          %add3A_481 = arith.constant 48 : i32
          %add3A_482 = arith.addi %mul3A_433, %add3A_481 : i32
          %add3A_483 = vector.broadcast %add3A_482 : i32 to vector<16xi32>
          %add3A_484 = arith.addi %add3A_483, %iota3A : vector<16xi32>
          %sub3A_485 = arith.subi %add3A_484, %gather3A_480 : vector<16xi32>
          %max3A_486 = arith.constant 0 : i32
          %max3A_487 = vector.broadcast %max3A_486 : i32 to vector<16xi32>
          %max3A_488 = arith.maxsi %sub3A_485, %max3A_487 : vector<16xi32>
          %min3A_489 = arith.constant 999 : i32
          %min3A_490 = vector.broadcast %min3A_489 : i32 to vector<16xi32>
          %min3A_491 = arith.minsi %max3A_488, %min3A_490 : vector<16xi32>
          %swap3A_492 = arith.constant 48 : index
          %swap3A_493 = tpu.vector_load %arg10[%swap3A_492] {strides = array<i32>} : memref<80xi32, #tpu.memory_space<vmem>>, vector<16xi32>,
          tpu.vector_store %arg10[%swap3A_492], %min3A_491 {strides = array<i32>} : memref<80xi32, #tpu.memory_space<vmem>>, vector<16xi32>,
          %get3A_494 = arith.constant 64 : index
          %get3A_495 = tpu.vector_load %arg8[%get3A_494] {strides = array<i32>} : memref<80xi32, #tpu.memory_space<vmem>>, vector<16xi32>,
          %gather3A_496 = tpu.vector_load_idx %arg6[%get3A_495] : memref<112xi32, #tpu.memory_space<vmem>>[vector<16xi32>], vector<16xi32>,
          %add3A_497 = arith.constant 64 : i32
          %add3A_498 = arith.addi %mul3A_433, %add3A_497 : i32
          %add3A_499 = vector.broadcast %add3A_498 : i32 to vector<16xi32>
          %add3A_500 = arith.addi %add3A_499, %iota3A : vector<16xi32>
          %sub3A_501 = arith.subi %add3A_500, %gather3A_496 : vector<16xi32>
          %max3A_502 = arith.constant 0 : i32
          %max3A_503 = vector.broadcast %max3A_502 : i32 to vector<16xi32>
          %max3A_504 = arith.maxsi %sub3A_501, %max3A_503 : vector<16xi32>
          %min3A_505 = arith.constant 999 : i32
          %min3A_506 = vector.broadcast %min3A_505 : i32 to vector<16xi32>
          %min3A_507 = arith.minsi %max3A_504, %min3A_506 : vector<16xi32>
          %swap3A_508 = arith.constant 64 : index
          %swap3A_509 = tpu.vector_load %arg10[%swap3A_508] {strides = array<i32>} : memref<80xi32, #tpu.memory_space<vmem>>, vector<16xi32>,
          tpu.vector_store %arg10[%swap3A_508], %min3A_507 {strides = array<i32>} : memref<80xi32, #tpu.memory_space<vmem>>, vector<16xi32>,
          %dma_start3A = arith.constant 0 : i32
          %dma_start3A_510 = arith.constant 0 : i32
          %dma_start3A_511 = tpu.memref_slice %arg4[%dma_start3A, %dma_start3A_510] : memref<1000x256xf32, #tpu.memory_space<hbm>> -> memref<1000x256xf32, #tpu.memory_space<hbm>>
          tpu.enqueue_indirect_dma source(%dma_start3A_511 : memref<1000x256xf32, #tpu.memory_space<hbm>>) target(%run_scoped3A_15 : memref<80x256xf32, #tpu.memory_space<vmem>>) offsets(%arg10 : memref<80xi32, #tpu.memory_space<vmem>>) semaphore(%arg17 : memref<!tpu.dma_semaphore, #tpu.memory_space<semaphore_mem>>)
        } else {
        }
        %sub3A_272 = arith.constant 1 : i32
        %sub3A_273 = arith.subi %add3A_260, %sub3A_272 : i32
        %mul3A_274 = arith.constant 32 : i32
        %mul3A_275 = arith.muli %sub3A_273, %mul3A_274 : i32
        %add3A_276 = arith.addi %add3A, %mul3A_275 : i32
        %ge3A_277 = arith.constant 0 : i32
        %ge3A_278 = arith.cmpi sge, %add3A_276, %ge3A_277 : i32
        %lt3A_279 = arith.constant 625 : i32
        %lt3A_280 = arith.cmpi slt, %add3A_276, %lt3A_279 : i32
        %and3A_281 = arith.andi %ge3A_278, %lt3A_280 : i1
        %convert_element_type3A_282 = arith.extui %and3A_281 : i1 to i32
        %cond3A_283 = arith.constant 0 : i32
        %cond3A_284 = arith.cmpi ne, %convert_element_type3A_282, %cond3A_283 : i32
        scf.if %cond3A_284 {
          %sub3A_429 = arith.constant 1 : i32
          %sub3A_430 = arith.subi %add3A_260, %sub3A_429 : i32
          %mul3A_431 = arith.constant 32 : i32
          %mul3A_432 = arith.muli %sub3A_430, %mul3A_431 : i32
          %add3A_433 = arith.addi %add3A, %mul3A_432 : i32
          %mul3A_434 = arith.constant 80 : i32
          %mul3A_435 = arith.muli %add3A_433, %mul3A_434 : i32
          %dma_wait3A = arith.constant 0 : i32
          %dma_wait3A_436 = tpu.memref_slice %arg2[%mul3A_435, %dma_wait3A] : memref<50000x250xf32, #tpu.memory_space<hbm>> -> memref<80x250xf32, #tpu.memory_space<hbm>>
          %dma_wait3A_437 = arith.constant 0 : i32
          %dma_wait3A_438 = tpu.memref_slice %arg2[%mul3A_435, %dma_wait3A_437] : memref<50000x250xf32, #tpu.memory_space<hbm>> -> memref<80x250xf32, #tpu.memory_space<hbm>>
          tpu.wait_dma2 semaphore(%arg15 : memref<!tpu.dma_semaphore, #tpu.memory_space<semaphore_mem>>) src(%dma_wait3A_438 : memref<80x250xf32, #tpu.memory_space<hbm>>) dst(%run_scoped3A_13 : memref<80x250xf32, #tpu.memory_space<vmem>>)
          %dma_wait3A_439 = arith.constant 0 : i32
          %dma_wait3A_440 = arith.constant 0 : i32
          %dma_wait3A_441 = tpu.memref_slice %arg4[%dma_wait3A_439, %dma_wait3A_440] : memref<1000x256xf32, #tpu.memory_space<hbm>> -> memref<1000x256xf32, #tpu.memory_space<hbm>>
          tpu.wait_indirect_dma semaphore(%arg16 : memref<!tpu.dma_semaphore, #tpu.memory_space<semaphore_mem>>) src(%dma_wait3A_441 : memref<1000x256xf32, #tpu.memory_space<hbm>>) dst(%run_scoped3A_14 : memref<80x256xf32, #tpu.memory_space<vmem>>)
          %parallel_loop3A = arith.constant 0 : i32
          %parallel_loop3A_442 = arith.constant 80 : i32
          %parallel_loop3A_443 = arith.constant 1 : i32
          scf.for %parallel_loop3A_447 = %parallel_loop3A to %parallel_loop3A_442 step %parallel_loop3A_443  : i32 {
            %parallel_loop3A_448 = arith.index_cast %parallel_loop3A_447 : i32 to index
            %parallel_loop3A_449 = arith.constant 0 : index
            %parallel_loop3A_450 = tpu.vector_load %run_scoped3A_14[%parallel_loop3A_448, %parallel_loop3A_449] {strides = array<i32>} : memref<80x256xf32, #tpu.memory_space<vmem>>, vector<16xf32>,
            %parallel_loop3A_451 = arith.index_cast %parallel_loop3A_447 : i32 to index
            %parallel_loop3A_452 = arith.constant 0 : index
            %parallel_loop3A_453 = tpu.vector_load %run_scoped3A_13[%parallel_loop3A_451, %parallel_loop3A_452] {strides = array<i32>} : memref<80x250xf32, #tpu.memory_space<vmem>>, vector<16xf32>,
            tpu.vector_store %run_scoped3A_13[%parallel_loop3A_451, %parallel_loop3A_452], %parallel_loop3A_450 {add = true, strides = array<i32>} : memref<80x250xf32, #tpu.memory_space<vmem>>, vector<16xf32>,
            %parallel_loop3A_454 = arith.index_cast %parallel_loop3A_447 : i32 to index
            %parallel_loop3A_455 = arith.constant 16 : index
            %parallel_loop3A_456 = tpu.vector_load %run_scoped3A_14[%parallel_loop3A_454, %parallel_loop3A_455] {strides = array<i32>} : memref<80x256xf32, #tpu.memory_space<vmem>>, vector<16xf32>,
            %parallel_loop3A_457 = arith.index_cast %parallel_loop3A_447 : i32 to index
            %parallel_loop3A_458 = arith.constant 16 : index
            %parallel_loop3A_459 = tpu.vector_load %run_scoped3A_13[%parallel_loop3A_457, %parallel_loop3A_458] {strides = array<i32>} : memref<80x250xf32, #tpu.memory_space<vmem>>, vector<16xf32>,
            tpu.vector_store %run_scoped3A_13[%parallel_loop3A_457, %parallel_loop3A_458], %parallel_loop3A_456 {add = true, strides = array<i32>} : memref<80x250xf32, #tpu.memory_space<vmem>>, vector<16xf32>,
            %parallel_loop3A_460 = arith.index_cast %parallel_loop3A_447 : i32 to index
            %parallel_loop3A_461 = arith.constant 32 : index
            %parallel_loop3A_462 = tpu.vector_load %run_scoped3A_14[%parallel_loop3A_460, %parallel_loop3A_461] {strides = array<i32>} : memref<80x256xf32, #tpu.memory_space<vmem>>, vector<16xf32>,
            %parallel_loop3A_463 = arith.index_cast %parallel_loop3A_447 : i32 to index
            %parallel_loop3A_464 = arith.constant 32 : index
            %parallel_loop3A_465 = tpu.vector_load %run_scoped3A_13[%parallel_loop3A_463, %parallel_loop3A_464] {strides = array<i32>} : memref<80x250xf32, #tpu.memory_space<vmem>>, vector<16xf32>,
            tpu.vector_store %run_scoped3A_13[%parallel_loop3A_463, %parallel_loop3A_464], %parallel_loop3A_462 {add = true, strides = array<i32>} : memref<80x250xf32, #tpu.memory_space<vmem>>, vector<16xf32>,
            %parallel_loop3A_466 = arith.index_cast %parallel_loop3A_447 : i32 to index
            %parallel_loop3A_467 = arith.constant 48 : index
            %parallel_loop3A_468 = tpu.vector_load %run_scoped3A_14[%parallel_loop3A_466, %parallel_loop3A_467] {strides = array<i32>} : memref<80x256xf32, #tpu.memory_space<vmem>>, vector<16xf32>,
            %parallel_loop3A_469 = arith.index_cast %parallel_loop3A_447 : i32 to index
            %parallel_loop3A_470 = arith.constant 48 : index
            %parallel_loop3A_471 = tpu.vector_load %run_scoped3A_13[%parallel_loop3A_469, %parallel_loop3A_470] {strides = array<i32>} : memref<80x250xf32, #tpu.memory_space<vmem>>, vector<16xf32>,
            tpu.vector_store %run_scoped3A_13[%parallel_loop3A_469, %parallel_loop3A_470], %parallel_loop3A_468 {add = true, strides = array<i32>} : memref<80x250xf32, #tpu.memory_space<vmem>>, vector<16xf32>,
            %parallel_loop3A_472 = arith.index_cast %parallel_loop3A_447 : i32 to index
            %parallel_loop3A_473 = arith.constant 64 : index
            %parallel_loop3A_474 = tpu.vector_load %run_scoped3A_14[%parallel_loop3A_472, %parallel_loop3A_473] {strides = array<i32>} : memref<80x256xf32, #tpu.memory_space<vmem>>, vector<16xf32>,
            %parallel_loop3A_475 = arith.index_cast %parallel_loop3A_447 : i32 to index
            %parallel_loop3A_476 = arith.constant 64 : index
            %parallel_loop3A_477 = tpu.vector_load %run_scoped3A_13[%parallel_loop3A_475, %parallel_loop3A_476] {strides = array<i32>} : memref<80x250xf32, #tpu.memory_space<vmem>>, vector<16xf32>,
            tpu.vector_store %run_scoped3A_13[%parallel_loop3A_475, %parallel_loop3A_476], %parallel_loop3A_474 {add = true, strides = array<i32>} : memref<80x250xf32, #tpu.memory_space<vmem>>, vector<16xf32>,
            %parallel_loop3A_478 = arith.index_cast %parallel_loop3A_447 : i32 to index
            %parallel_loop3A_479 = arith.constant 80 : index
            %parallel_loop3A_480 = tpu.vector_load %run_scoped3A_14[%parallel_loop3A_478, %parallel_loop3A_479] {strides = array<i32>} : memref<80x256xf32, #tpu.memory_space<vmem>>, vector<16xf32>,
            %parallel_loop3A_481 = arith.index_cast %parallel_loop3A_447 : i32 to index
            %parallel_loop3A_482 = arith.constant 80 : index
            %parallel_loop3A_483 = tpu.vector_load %run_scoped3A_13[%parallel_loop3A_481, %parallel_loop3A_482] {strides = array<i32>} : memref<80x250xf32, #tpu.memory_space<vmem>>, vector<16xf32>,
            tpu.vector_store %run_scoped3A_13[%parallel_loop3A_481, %parallel_loop3A_482], %parallel_loop3A_480 {add = true, strides = array<i32>} : memref<80x250xf32, #tpu.memory_space<vmem>>, vector<16xf32>,
            %parallel_loop3A_484 = arith.index_cast %parallel_loop3A_447 : i32 to index
            %parallel_loop3A_485 = arith.constant 96 : index
            %parallel_loop3A_486 = tpu.vector_load %run_scoped3A_14[%parallel_loop3A_484, %parallel_loop3A_485] {strides = array<i32>} : memref<80x256xf32, #tpu.memory_space<vmem>>, vector<16xf32>,
            %parallel_loop3A_487 = arith.index_cast %parallel_loop3A_447 : i32 to index
            %parallel_loop3A_488 = arith.constant 96 : index
            %parallel_loop3A_489 = tpu.vector_load %run_scoped3A_13[%parallel_loop3A_487, %parallel_loop3A_488] {strides = array<i32>} : memref<80x250xf32, #tpu.memory_space<vmem>>, vector<16xf32>,
            tpu.vector_store %run_scoped3A_13[%parallel_loop3A_487, %parallel_loop3A_488], %parallel_loop3A_486 {add = true, strides = array<i32>} : memref<80x250xf32, #tpu.memory_space<vmem>>, vector<16xf32>,
            %parallel_loop3A_490 = arith.index_cast %parallel_loop3A_447 : i32 to index
            %parallel_loop3A_491 = arith.constant 112 : index
            %parallel_loop3A_492 = tpu.vector_load %run_scoped3A_14[%parallel_loop3A_490, %parallel_loop3A_491] {strides = array<i32>} : memref<80x256xf32, #tpu.memory_space<vmem>>, vector<16xf32>,
            %parallel_loop3A_493 = arith.index_cast %parallel_loop3A_447 : i32 to index
            %parallel_loop3A_494 = arith.constant 112 : index
            %parallel_loop3A_495 = tpu.vector_load %run_scoped3A_13[%parallel_loop3A_493, %parallel_loop3A_494] {strides = array<i32>} : memref<80x250xf32, #tpu.memory_space<vmem>>, vector<16xf32>,
            tpu.vector_store %run_scoped3A_13[%parallel_loop3A_493, %parallel_loop3A_494], %parallel_loop3A_492 {add = true, strides = array<i32>} : memref<80x250xf32, #tpu.memory_space<vmem>>, vector<16xf32>,
            %parallel_loop3A_496 = arith.index_cast %parallel_loop3A_447 : i32 to index
            %parallel_loop3A_497 = arith.constant 128 : index
            %parallel_loop3A_498 = tpu.vector_load %run_scoped3A_14[%parallel_loop3A_496, %parallel_loop3A_497] {strides = array<i32>} : memref<80x256xf32, #tpu.memory_space<vmem>>, vector<16xf32>,
            %parallel_loop3A_499 = arith.index_cast %parallel_loop3A_447 : i32 to index
            %parallel_loop3A_500 = arith.constant 128 : index
            %parallel_loop3A_501 = tpu.vector_load %run_scoped3A_13[%parallel_loop3A_499, %parallel_loop3A_500] {strides = array<i32>} : memref<80x250xf32, #tpu.memory_space<vmem>>, vector<16xf32>,
            tpu.vector_store %run_scoped3A_13[%parallel_loop3A_499, %parallel_loop3A_500], %parallel_loop3A_498 {add = true, strides = array<i32>} : memref<80x250xf32, #tpu.memory_space<vmem>>, vector<16xf32>,
            %parallel_loop3A_502 = arith.index_cast %parallel_loop3A_447 : i32 to index
            %parallel_loop3A_503 = arith.constant 144 : index
            %parallel_loop3A_504 = tpu.vector_load %run_scoped3A_14[%parallel_loop3A_502, %parallel_loop3A_503] {strides = array<i32>} : memref<80x256xf32, #tpu.memory_space<vmem>>, vector<16xf32>,
            %parallel_loop3A_505 = arith.index_cast %parallel_loop3A_447 : i32 to index
            %parallel_loop3A_506 = arith.constant 144 : index
            %parallel_loop3A_507 = tpu.vector_load %run_scoped3A_13[%parallel_loop3A_505, %parallel_loop3A_506] {strides = array<i32>} : memref<80x250xf32, #tpu.memory_space<vmem>>, vector<16xf32>,
            tpu.vector_store %run_scoped3A_13[%parallel_loop3A_505, %parallel_loop3A_506], %parallel_loop3A_504 {add = true, strides = array<i32>} : memref<80x250xf32, #tpu.memory_space<vmem>>, vector<16xf32>,
            %parallel_loop3A_508 = arith.index_cast %parallel_loop3A_447 : i32 to index
            %parallel_loop3A_509 = arith.constant 160 : index
            %parallel_loop3A_510 = tpu.vector_load %run_scoped3A_14[%parallel_loop3A_508, %parallel_loop3A_509] {strides = array<i32>} : memref<80x256xf32, #tpu.memory_space<vmem>>, vector<16xf32>,
            %parallel_loop3A_511 = arith.index_cast %parallel_loop3A_447 : i32 to index
            %parallel_loop3A_512 = arith.constant 160 : index
            %parallel_loop3A_513 = tpu.vector_load %run_scoped3A_13[%parallel_loop3A_511, %parallel_loop3A_512] {strides = array<i32>} : memref<80x250xf32, #tpu.memory_space<vmem>>, vector<16xf32>,
            tpu.vector_store %run_scoped3A_13[%parallel_loop3A_511, %parallel_loop3A_512], %parallel_loop3A_510 {add = true, strides = array<i32>} : memref<80x250xf32, #tpu.memory_space<vmem>>, vector<16xf32>,
            %parallel_loop3A_514 = arith.index_cast %parallel_loop3A_447 : i32 to index
            %parallel_loop3A_515 = arith.constant 176 : index
            %parallel_loop3A_516 = tpu.vector_load %run_scoped3A_14[%parallel_loop3A_514, %parallel_loop3A_515] {strides = array<i32>} : memref<80x256xf32, #tpu.memory_space<vmem>>, vector<16xf32>,
            %parallel_loop3A_517 = arith.index_cast %parallel_loop3A_447 : i32 to index
            %parallel_loop3A_518 = arith.constant 176 : index
            %parallel_loop3A_519 = tpu.vector_load %run_scoped3A_13[%parallel_loop3A_517, %parallel_loop3A_518] {strides = array<i32>} : memref<80x250xf32, #tpu.memory_space<vmem>>, vector<16xf32>,
            tpu.vector_store %run_scoped3A_13[%parallel_loop3A_517, %parallel_loop3A_518], %parallel_loop3A_516 {add = true, strides = array<i32>} : memref<80x250xf32, #tpu.memory_space<vmem>>, vector<16xf32>,
            %parallel_loop3A_520 = arith.index_cast %parallel_loop3A_447 : i32 to index
            %parallel_loop3A_521 = arith.constant 192 : index
            %parallel_loop3A_522 = tpu.vector_load %run_scoped3A_14[%parallel_loop3A_520, %parallel_loop3A_521] {strides = array<i32>} : memref<80x256xf32, #tpu.memory_space<vmem>>, vector<16xf32>,
            %parallel_loop3A_523 = arith.index_cast %parallel_loop3A_447 : i32 to index
            %parallel_loop3A_524 = arith.constant 192 : index
            %parallel_loop3A_525 = tpu.vector_load %run_scoped3A_13[%parallel_loop3A_523, %parallel_loop3A_524] {strides = array<i32>} : memref<80x250xf32, #tpu.memory_space<vmem>>, vector<16xf32>,
            tpu.vector_store %run_scoped3A_13[%parallel_loop3A_523, %parallel_loop3A_524], %parallel_loop3A_522 {add = true, strides = array<i32>} : memref<80x250xf32, #tpu.memory_space<vmem>>, vector<16xf32>,
            %parallel_loop3A_526 = arith.index_cast %parallel_loop3A_447 : i32 to index
            %parallel_loop3A_527 = arith.constant 208 : index
            %parallel_loop3A_528 = tpu.vector_load %run_scoped3A_14[%parallel_loop3A_526, %parallel_loop3A_527] {strides = array<i32>} : memref<80x256xf32, #tpu.memory_space<vmem>>, vector<16xf32>,
            %parallel_loop3A_529 = arith.index_cast %parallel_loop3A_447 : i32 to index
            %parallel_loop3A_530 = arith.constant 208 : index
            %parallel_loop3A_531 = tpu.vector_load %run_scoped3A_13[%parallel_loop3A_529, %parallel_loop3A_530] {strides = array<i32>} : memref<80x250xf32, #tpu.memory_space<vmem>>, vector<16xf32>,
            tpu.vector_store %run_scoped3A_13[%parallel_loop3A_529, %parallel_loop3A_530], %parallel_loop3A_528 {add = true, strides = array<i32>} : memref<80x250xf32, #tpu.memory_space<vmem>>, vector<16xf32>,
            %parallel_loop3A_532 = arith.index_cast %parallel_loop3A_447 : i32 to index
            %parallel_loop3A_533 = arith.constant 224 : index
            %parallel_loop3A_534 = tpu.vector_load %run_scoped3A_14[%parallel_loop3A_532, %parallel_loop3A_533] {strides = array<i32>} : memref<80x256xf32, #tpu.memory_space<vmem>>, vector<16xf32>,
            %parallel_loop3A_535 = arith.index_cast %parallel_loop3A_447 : i32 to index
            %parallel_loop3A_536 = arith.constant 224 : index
            %parallel_loop3A_537 = tpu.vector_load %run_scoped3A_13[%parallel_loop3A_535, %parallel_loop3A_536] {strides = array<i32>} : memref<80x250xf32, #tpu.memory_space<vmem>>, vector<16xf32>,
            tpu.vector_store %run_scoped3A_13[%parallel_loop3A_535, %parallel_loop3A_536], %parallel_loop3A_534 {add = true, strides = array<i32>} : memref<80x250xf32, #tpu.memory_space<vmem>>, vector<16xf32>,
            %parallel_loop3A_538 = arith.index_cast %parallel_loop3A_447 : i32 to index
            %parallel_loop3A_539 = arith.constant 234 : index
            %parallel_loop3A_540 = tpu.vector_load %run_scoped3A_14[%parallel_loop3A_538, %parallel_loop3A_539] {strides = array<i32>} : memref<80x256xf32, #tpu.memory_space<vmem>>, vector<16xf32>,
            %parallel_loop3A_541 = arith.constant 0.000000e+00 : f32
            %parallel_loop3A_542 = vector.broadcast %parallel_loop3A_541 : f32 to vector<16xf32>
            %parallel_loop3A_543 = arith.select %ge3A_17, %parallel_loop3A_540, %parallel_loop3A_542 : vector<16xi1>, vector<16xf32>
            %parallel_loop3A_544 = arith.index_cast %parallel_loop3A_447 : i32 to index
            %parallel_loop3A_545 = arith.constant 234 : index
            %parallel_loop3A_546 = tpu.vector_load %run_scoped3A_13[%parallel_loop3A_544, %parallel_loop3A_545] {strides = array<i32>} : memref<80x250xf32, #tpu.memory_space<vmem>>, vector<16xf32>,
            %parallel_loop3A_547 = arith.addf %parallel_loop3A_546, %parallel_loop3A_543 : vector<16xf32>
            %parallel_loop3A_548 = arith.index_cast %parallel_loop3A_447 : i32 to index
            %parallel_loop3A_549 = arith.constant 234 : index
            %parallel_loop3A_550 = tpu.vector_load %run_scoped3A_13[%parallel_loop3A_548, %parallel_loop3A_549] {strides = array<i32>} : memref<80x250xf32, #tpu.memory_space<vmem>>, vector<16xf32>,
            tpu.vector_store %run_scoped3A_13[%parallel_loop3A_548, %parallel_loop3A_549], %parallel_loop3A_547 {strides = array<i32>} : memref<80x250xf32, #tpu.memory_space<vmem>>, vector<16xf32>,
          } {sc.loop_unroll_factor = 2 : i64, sc.parallel_access}
          %dma_start3A = arith.constant 0 : i32
          %dma_start3A_444 = tpu.memref_slice %arg5[%mul3A_435, %dma_start3A] : memref<50000x250xf32, #tpu.memory_space<hbm>> -> memref<80x250xf32, #tpu.memory_space<hbm>>
          %dma_start3A_445 = arith.constant 0 : i32
          %dma_start3A_446 = tpu.memref_slice %arg5[%mul3A_435, %dma_start3A_445] : memref<50000x250xf32, #tpu.memory_space<hbm>> -> memref<80x250xf32, #tpu.memory_space<hbm>>
          tpu.enqueue_dma source(%run_scoped3A_13 : memref<80x250xf32, #tpu.memory_space<vmem>>) target(%dma_start3A_446 : memref<80x250xf32, #tpu.memory_space<hbm>>) target_semaphore(%arg20 : memref<!tpu.dma_semaphore, #tpu.memory_space<semaphore_mem>>)
        } else {
        }
        %ge3A_285 = arith.constant 1 : i32
        %ge3A_286 = arith.cmpi sge, %add3A_260, %ge3A_285 : i32
        %add3A_287 = arith.constant 1 : i32
        %add3A_288 = arith.addi %add3A_260, %add3A_287 : i32
        %mul3A_289 = arith.constant 32 : i32
        %mul3A_290 = arith.muli %add3A_288, %mul3A_289 : i32
        %add3A_291 = arith.addi %add3A, %mul3A_290 : i32
        %ge3A_292 = arith.constant 0 : i32
        %ge3A_293 = arith.cmpi sge, %add3A_291, %ge3A_292 : i32
        %lt3A_294 = arith.constant 625 : i32
        %lt3A_295 = arith.cmpi slt, %add3A_291, %lt3A_294 : i32
        %and3A_296 = arith.andi %ge3A_293, %lt3A_295 : i1
        %and3A_297 = arith.andi %ge3A_286, %and3A_296 : i1
        %convert_element_type3A_298 = arith.extui %and3A_297 : i1 to i32
        %cond3A_299 = arith.constant 0 : i32
        %cond3A_300 = arith.cmpi ne, %convert_element_type3A_298, %cond3A_299 : i32
        scf.if %cond3A_300 {
          %add3A_429 = arith.constant 1 : i32
          %add3A_430 = arith.addi %add3A_260, %add3A_429 : i32
          %mul3A_431 = arith.constant 32 : i32
          %mul3A_432 = arith.muli %add3A_430, %mul3A_431 : i32
          %add3A_433 = arith.addi %add3A, %mul3A_432 : i32
          %mul3A_434 = arith.constant 80 : i32
          %mul3A_435 = arith.muli %add3A_433, %mul3A_434 : i32
          %ge3A_436 = arith.constant 2 : i32
          %ge3A_437 = arith.cmpi sge, %add3A_260, %ge3A_436 : i32
          %convert_element_type3A_438 = arith.extui %ge3A_437 : i1 to i32
          %cond3A_439 = arith.constant 0 : i32
          %cond3A_440 = arith.cmpi ne, %convert_element_type3A_438, %cond3A_439 : i32
          scf.if %cond3A_440 {
            %sub3A_444 = arith.constant 7680 : i32
            %sub3A_445 = arith.subi %mul3A_435, %sub3A_444 : i32
            %dma_wait3A = arith.constant 0 : i32
            %dma_wait3A_446 = tpu.memref_slice %arg5[%sub3A_445, %dma_wait3A] : memref<50000x250xf32, #tpu.memory_space<hbm>> -> memref<80x250xf32, #tpu.memory_space<hbm>>
            %dma_wait3A_447 = arith.constant 0 : i32
            %dma_wait3A_448 = tpu.memref_slice %arg5[%sub3A_445, %dma_wait3A_447] : memref<50000x250xf32, #tpu.memory_space<hbm>> -> memref<80x250xf32, #tpu.memory_space<hbm>>
            tpu.wait_dma2 semaphore(%arg19 : memref<!tpu.dma_semaphore, #tpu.memory_space<semaphore_mem>>) src(%run_scoped3A_12 : memref<80x250xf32, #tpu.memory_space<vmem>>) dst(%dma_wait3A_448 : memref<80x250xf32, #tpu.memory_space<hbm>>)
          } else {
          }
          %dma_start3A = arith.constant 0 : i32
          %dma_start3A_441 = tpu.memref_slice %arg2[%mul3A_435, %dma_start3A] : memref<50000x250xf32, #tpu.memory_space<hbm>> -> memref<80x250xf32, #tpu.memory_space<hbm>>
          %dma_start3A_442 = arith.constant 0 : i32
          %dma_start3A_443 = tpu.memref_slice %arg2[%mul3A_435, %dma_start3A_442] : memref<50000x250xf32, #tpu.memory_space<hbm>> -> memref<80x250xf32, #tpu.memory_space<hbm>>
          tpu.enqueue_dma source(%dma_start3A_443 : memref<80x250xf32, #tpu.memory_space<hbm>>) target(%run_scoped3A_12 : memref<80x250xf32, #tpu.memory_space<vmem>>) target_semaphore(%arg14 : memref<!tpu.dma_semaphore, #tpu.memory_space<semaphore_mem>>)
        } else {
        }
        %add3A_301 = arith.constant 2 : i32
        %add3A_302 = arith.addi %add3A_260, %add3A_301 : i32
        %mul3A_303 = arith.constant 32 : i32
        %mul3A_304 = arith.muli %add3A_302, %mul3A_303 : i32
        %add3A_305 = arith.addi %add3A, %mul3A_304 : i32
        %ge3A_306 = arith.constant 0 : i32
        %ge3A_307 = arith.cmpi sge, %add3A_305, %ge3A_306 : i32
        %lt3A_308 = arith.constant 625 : i32
        %lt3A_309 = arith.cmpi slt, %add3A_305, %lt3A_308 : i32
        %and3A_310 = arith.andi %ge3A_307, %lt3A_309 : i1
        %convert_element_type3A_311 = arith.extui %and3A_310 : i1 to i32
        %cond3A_312 = arith.constant 0 : i32
        %cond3A_313 = arith.cmpi ne, %convert_element_type3A_311, %cond3A_312 : i32
        scf.if %cond3A_313 {
          %add3A_429 = arith.constant 2 : i32
          %add3A_430 = arith.addi %add3A_260, %add3A_429 : i32
          %mul3A_431 = arith.constant 32 : i32
          %mul3A_432 = arith.muli %add3A_430, %mul3A_431 : i32
          %add3A_433 = arith.addi %add3A, %mul3A_432 : i32
          %mul3A_434 = arith.constant 80 : i32
          %mul3A_435 = arith.muli %add3A_433, %mul3A_434 : i32
          %dma_start3A = tpu.memref_slice %arg3[%mul3A_435] : memref<50000xi32, #tpu.memory_space<hbm>> -> memref<80xi32, #tpu.memory_space<hbm>>
          %dma_start3A_436 = tpu.memref_slice %arg3[%mul3A_435] : memref<50000xi32, #tpu.memory_space<hbm>> -> memref<80xi32, #tpu.memory_space<hbm>>
          tpu.enqueue_dma source(%dma_start3A_436 : memref<80xi32, #tpu.memory_space<hbm>>) target(%arg8 : memref<80xi32, #tpu.memory_space<vmem>>) target_semaphore(%arg12 : memref<!tpu.dma_semaphore, #tpu.memory_space<semaphore_mem>>)
        } else {
        }
        %mul3A_314 = arith.constant 6 : i32
        %mul3A_315 = arith.muli %scan3A_85, %mul3A_314 : i32
        %add3A_316 = arith.constant 4 : i32
        %add3A_317 = arith.addi %mul3A_315, %add3A_316 : i32
        %mul3A_318 = arith.constant 32 : i32
        %mul3A_319 = arith.muli %add3A_317, %mul3A_318 : i32
        %add3A_320 = arith.addi %add3A, %mul3A_319 : i32
        %ge3A_321 = arith.constant 0 : i32
        %ge3A_322 = arith.cmpi sge, %add3A_320, %ge3A_321 : i32
        %lt3A_323 = arith.constant 625 : i32
        %lt3A_324 = arith.cmpi slt, %add3A_320, %lt3A_323 : i32
        %and3A_325 = arith.andi %ge3A_322, %lt3A_324 : i1
        %convert_element_type3A_326 = arith.extui %and3A_325 : i1 to i32
        %cond3A_327 = arith.constant 0 : i32
        %cond3A_328 = arith.cmpi ne, %convert_element_type3A_326, %cond3A_327 : i32
        scf.if %cond3A_328 {
          %mul3A_429 = arith.constant 32 : i32
          %mul3A_430 = arith.muli %add3A_317, %mul3A_429 : i32
          %add3A_431 = arith.addi %add3A, %mul3A_430 : i32
          %mul3A_432 = arith.constant 80 : i32
          %mul3A_433 = arith.muli %add3A_431, %mul3A_432 : i32
          %dma_wait3A = tpu.memref_slice %arg3[%mul3A_433] : memref<50000xi32, #tpu.memory_space<hbm>> -> memref<80xi32, #tpu.memory_space<hbm>>
          %dma_wait3A_434 = tpu.memref_slice %arg3[%mul3A_433] : memref<50000xi32, #tpu.memory_space<hbm>> -> memref<80xi32, #tpu.memory_space<hbm>>
          tpu.wait_dma2 semaphore(%arg11 : memref<!tpu.dma_semaphore, #tpu.memory_space<semaphore_mem>>) src(%dma_wait3A_434 : memref<80xi32, #tpu.memory_space<hbm>>) dst(%arg7 : memref<80xi32, #tpu.memory_space<vmem>>)
          %get3A = arith.constant 0 : index
          %get3A_435 = tpu.vector_load %arg7[%get3A] {strides = array<i32>} : memref<80xi32, #tpu.memory_space<vmem>>, vector<16xi32>,
          %gather3A = tpu.vector_load_idx %arg6[%get3A_435] : memref<112xi32, #tpu.memory_space<vmem>>[vector<16xi32>], vector<16xi32>,
          %add3A_436 = arith.constant 0 : i32
          %add3A_437 = arith.addi %mul3A_433, %add3A_436 : i32
          %add3A_438 = vector.broadcast %add3A_437 : i32 to vector<16xi32>
          %add3A_439 = arith.addi %add3A_438, %iota3A : vector<16xi32>
          %sub3A_440 = arith.subi %add3A_439, %gather3A : vector<16xi32>
          %max3A = arith.constant 0 : i32
          %max3A_441 = vector.broadcast %max3A : i32 to vector<16xi32>
          %max3A_442 = arith.maxsi %sub3A_440, %max3A_441 : vector<16xi32>
          %min3A = arith.constant 999 : i32
          %min3A_443 = vector.broadcast %min3A : i32 to vector<16xi32>
          %min3A_444 = arith.minsi %max3A_442, %min3A_443 : vector<16xi32>
          %swap3A = arith.constant 0 : index
          %swap3A_445 = tpu.vector_load %arg9[%swap3A] {strides = array<i32>} : memref<80xi32, #tpu.memory_space<vmem>>, vector<16xi32>,
          tpu.vector_store %arg9[%swap3A], %min3A_444 {strides = array<i32>} : memref<80xi32, #tpu.memory_space<vmem>>, vector<16xi32>,
          %get3A_446 = arith.constant 16 : index
          %get3A_447 = tpu.vector_load %arg7[%get3A_446] {strides = array<i32>} : memref<80xi32, #tpu.memory_space<vmem>>, vector<16xi32>,
          %gather3A_448 = tpu.vector_load_idx %arg6[%get3A_447] : memref<112xi32, #tpu.memory_space<vmem>>[vector<16xi32>], vector<16xi32>,
          %add3A_449 = arith.constant 16 : i32
          %add3A_450 = arith.addi %mul3A_433, %add3A_449 : i32
          %add3A_451 = vector.broadcast %add3A_450 : i32 to vector<16xi32>
          %add3A_452 = arith.addi %add3A_451, %iota3A : vector<16xi32>
          %sub3A_453 = arith.subi %add3A_452, %gather3A_448 : vector<16xi32>
          %max3A_454 = arith.constant 0 : i32
          %max3A_455 = vector.broadcast %max3A_454 : i32 to vector<16xi32>
          %max3A_456 = arith.maxsi %sub3A_453, %max3A_455 : vector<16xi32>
          %min3A_457 = arith.constant 999 : i32
          %min3A_458 = vector.broadcast %min3A_457 : i32 to vector<16xi32>
          %min3A_459 = arith.minsi %max3A_456, %min3A_458 : vector<16xi32>
          %swap3A_460 = arith.constant 16 : index
          %swap3A_461 = tpu.vector_load %arg9[%swap3A_460] {strides = array<i32>} : memref<80xi32, #tpu.memory_space<vmem>>, vector<16xi32>,
          tpu.vector_store %arg9[%swap3A_460], %min3A_459 {strides = array<i32>} : memref<80xi32, #tpu.memory_space<vmem>>, vector<16xi32>,
          %get3A_462 = arith.constant 32 : index
          %get3A_463 = tpu.vector_load %arg7[%get3A_462] {strides = array<i32>} : memref<80xi32, #tpu.memory_space<vmem>>, vector<16xi32>,
          %gather3A_464 = tpu.vector_load_idx %arg6[%get3A_463] : memref<112xi32, #tpu.memory_space<vmem>>[vector<16xi32>], vector<16xi32>,
          %add3A_465 = arith.constant 32 : i32
          %add3A_466 = arith.addi %mul3A_433, %add3A_465 : i32
          %add3A_467 = vector.broadcast %add3A_466 : i32 to vector<16xi32>
          %add3A_468 = arith.addi %add3A_467, %iota3A : vector<16xi32>
          %sub3A_469 = arith.subi %add3A_468, %gather3A_464 : vector<16xi32>
          %max3A_470 = arith.constant 0 : i32
          %max3A_471 = vector.broadcast %max3A_470 : i32 to vector<16xi32>
          %max3A_472 = arith.maxsi %sub3A_469, %max3A_471 : vector<16xi32>
          %min3A_473 = arith.constant 999 : i32
          %min3A_474 = vector.broadcast %min3A_473 : i32 to vector<16xi32>
          %min3A_475 = arith.minsi %max3A_472, %min3A_474 : vector<16xi32>
          %swap3A_476 = arith.constant 32 : index
          %swap3A_477 = tpu.vector_load %arg9[%swap3A_476] {strides = array<i32>} : memref<80xi32, #tpu.memory_space<vmem>>, vector<16xi32>,
          tpu.vector_store %arg9[%swap3A_476], %min3A_475 {strides = array<i32>} : memref<80xi32, #tpu.memory_space<vmem>>, vector<16xi32>,
          %get3A_478 = arith.constant 48 : index
          %get3A_479 = tpu.vector_load %arg7[%get3A_478] {strides = array<i32>} : memref<80xi32, #tpu.memory_space<vmem>>, vector<16xi32>,
          %gather3A_480 = tpu.vector_load_idx %arg6[%get3A_479] : memref<112xi32, #tpu.memory_space<vmem>>[vector<16xi32>], vector<16xi32>,
          %add3A_481 = arith.constant 48 : i32
          %add3A_482 = arith.addi %mul3A_433, %add3A_481 : i32
          %add3A_483 = vector.broadcast %add3A_482 : i32 to vector<16xi32>
          %add3A_484 = arith.addi %add3A_483, %iota3A : vector<16xi32>
          %sub3A_485 = arith.subi %add3A_484, %gather3A_480 : vector<16xi32>
          %max3A_486 = arith.constant 0 : i32
          %max3A_487 = vector.broadcast %max3A_486 : i32 to vector<16xi32>
          %max3A_488 = arith.maxsi %sub3A_485, %max3A_487 : vector<16xi32>
          %min3A_489 = arith.constant 999 : i32
          %min3A_490 = vector.broadcast %min3A_489 : i32 to vector<16xi32>
          %min3A_491 = arith.minsi %max3A_488, %min3A_490 : vector<16xi32>
          %swap3A_492 = arith.constant 48 : index
          %swap3A_493 = tpu.vector_load %arg9[%swap3A_492] {strides = array<i32>} : memref<80xi32, #tpu.memory_space<vmem>>, vector<16xi32>,
          tpu.vector_store %arg9[%swap3A_492], %min3A_491 {strides = array<i32>} : memref<80xi32, #tpu.memory_space<vmem>>, vector<16xi32>,
          %get3A_494 = arith.constant 64 : index
          %get3A_495 = tpu.vector_load %arg7[%get3A_494] {strides = array<i32>} : memref<80xi32, #tpu.memory_space<vmem>>, vector<16xi32>,
          %gather3A_496 = tpu.vector_load_idx %arg6[%get3A_495] : memref<112xi32, #tpu.memory_space<vmem>>[vector<16xi32>], vector<16xi32>,
          %add3A_497 = arith.constant 64 : i32
          %add3A_498 = arith.addi %mul3A_433, %add3A_497 : i32
          %add3A_499 = vector.broadcast %add3A_498 : i32 to vector<16xi32>
          %add3A_500 = arith.addi %add3A_499, %iota3A : vector<16xi32>
          %sub3A_501 = arith.subi %add3A_500, %gather3A_496 : vector<16xi32>
          %max3A_502 = arith.constant 0 : i32
          %max3A_503 = vector.broadcast %max3A_502 : i32 to vector<16xi32>
          %max3A_504 = arith.maxsi %sub3A_501, %max3A_503 : vector<16xi32>
          %min3A_505 = arith.constant 999 : i32
          %min3A_506 = vector.broadcast %min3A_505 : i32 to vector<16xi32>
          %min3A_507 = arith.minsi %max3A_504, %min3A_506 : vector<16xi32>
          %swap3A_508 = arith.constant 64 : index
          %swap3A_509 = tpu.vector_load %arg9[%swap3A_508] {strides = array<i32>} : memref<80xi32, #tpu.memory_space<vmem>>, vector<16xi32>,
          tpu.vector_store %arg9[%swap3A_508], %min3A_507 {strides = array<i32>} : memref<80xi32, #tpu.memory_space<vmem>>, vector<16xi32>,
          %dma_start3A = arith.constant 0 : i32
          %dma_start3A_510 = arith.constant 0 : i32
          %dma_start3A_511 = tpu.memref_slice %arg4[%dma_start3A, %dma_start3A_510] : memref<1000x256xf32, #tpu.memory_space<hbm>> -> memref<1000x256xf32, #tpu.memory_space<hbm>>
          tpu.enqueue_indirect_dma source(%dma_start3A_511 : memref<1000x256xf32, #tpu.memory_space<hbm>>) target(%run_scoped3A_14 : memref<80x256xf32, #tpu.memory_space<vmem>>) offsets(%arg9 : memref<80xi32, #tpu.memory_space<vmem>>) semaphore(%arg16 : memref<!tpu.dma_semaphore, #tpu.memory_space<semaphore_mem>>)
        } else {
        }
        %sub3A_329 = arith.constant 1 : i32
        %sub3A_330 = arith.subi %add3A_317, %sub3A_329 : i32
        %mul3A_331 = arith.constant 32 : i32
        %mul3A_332 = arith.muli %sub3A_330, %mul3A_331 : i32
        %add3A_333 = arith.addi %add3A, %mul3A_332 : i32
        %ge3A_334 = arith.constant 0 : i32
        %ge3A_335 = arith.cmpi sge, %add3A_333, %ge3A_334 : i32
        %lt3A_336 = arith.constant 625 : i32
        %lt3A_337 = arith.cmpi slt, %add3A_333, %lt3A_336 : i32
        %and3A_338 = arith.andi %ge3A_335, %lt3A_337 : i1
        %convert_element_type3A_339 = arith.extui %and3A_338 : i1 to i32
        %cond3A_340 = arith.constant 0 : i32
        %cond3A_341 = arith.cmpi ne, %convert_element_type3A_339, %cond3A_340 : i32
        scf.if %cond3A_341 {
          %sub3A_429 = arith.constant 1 : i32
          %sub3A_430 = arith.subi %add3A_317, %sub3A_429 : i32
          %mul3A_431 = arith.constant 32 : i32
          %mul3A_432 = arith.muli %sub3A_430, %mul3A_431 : i32
          %add3A_433 = arith.addi %add3A, %mul3A_432 : i32
          %mul3A_434 = arith.constant 80 : i32
          %mul3A_435 = arith.muli %add3A_433, %mul3A_434 : i32
          %dma_wait3A = arith.constant 0 : i32
          %dma_wait3A_436 = tpu.memref_slice %arg2[%mul3A_435, %dma_wait3A] : memref<50000x250xf32, #tpu.memory_space<hbm>> -> memref<80x250xf32, #tpu.memory_space<hbm>>
          %dma_wait3A_437 = arith.constant 0 : i32
          %dma_wait3A_438 = tpu.memref_slice %arg2[%mul3A_435, %dma_wait3A_437] : memref<50000x250xf32, #tpu.memory_space<hbm>> -> memref<80x250xf32, #tpu.memory_space<hbm>>
          tpu.wait_dma2 semaphore(%arg13 : memref<!tpu.dma_semaphore, #tpu.memory_space<semaphore_mem>>) src(%dma_wait3A_438 : memref<80x250xf32, #tpu.memory_space<hbm>>) dst(%run_scoped3A : memref<80x250xf32, #tpu.memory_space<vmem>>)
          %dma_wait3A_439 = arith.constant 0 : i32
          %dma_wait3A_440 = arith.constant 0 : i32
          %dma_wait3A_441 = tpu.memref_slice %arg4[%dma_wait3A_439, %dma_wait3A_440] : memref<1000x256xf32, #tpu.memory_space<hbm>> -> memref<1000x256xf32, #tpu.memory_space<hbm>>
          tpu.wait_indirect_dma semaphore(%arg17 : memref<!tpu.dma_semaphore, #tpu.memory_space<semaphore_mem>>) src(%dma_wait3A_441 : memref<1000x256xf32, #tpu.memory_space<hbm>>) dst(%run_scoped3A_15 : memref<80x256xf32, #tpu.memory_space<vmem>>)
          %parallel_loop3A = arith.constant 0 : i32
          %parallel_loop3A_442 = arith.constant 80 : i32
          %parallel_loop3A_443 = arith.constant 1 : i32
          scf.for %parallel_loop3A_447 = %parallel_loop3A to %parallel_loop3A_442 step %parallel_loop3A_443  : i32 {
            %parallel_loop3A_448 = arith.index_cast %parallel_loop3A_447 : i32 to index
            %parallel_loop3A_449 = arith.constant 0 : index
            %parallel_loop3A_450 = tpu.vector_load %run_scoped3A_15[%parallel_loop3A_448, %parallel_loop3A_449] {strides = array<i32>} : memref<80x256xf32, #tpu.memory_space<vmem>>, vector<16xf32>,
            %parallel_loop3A_451 = arith.index_cast %parallel_loop3A_447 : i32 to index
            %parallel_loop3A_452 = arith.constant 0 : index
            %parallel_loop3A_453 = tpu.vector_load %run_scoped3A[%parallel_loop3A_451, %parallel_loop3A_452] {strides = array<i32>} : memref<80x250xf32, #tpu.memory_space<vmem>>, vector<16xf32>,
            tpu.vector_store %run_scoped3A[%parallel_loop3A_451, %parallel_loop3A_452], %parallel_loop3A_450 {add = true, strides = array<i32>} : memref<80x250xf32, #tpu.memory_space<vmem>>, vector<16xf32>,
            %parallel_loop3A_454 = arith.index_cast %parallel_loop3A_447 : i32 to index
            %parallel_loop3A_455 = arith.constant 16 : index
            %parallel_loop3A_456 = tpu.vector_load %run_scoped3A_15[%parallel_loop3A_454, %parallel_loop3A_455] {strides = array<i32>} : memref<80x256xf32, #tpu.memory_space<vmem>>, vector<16xf32>,
            %parallel_loop3A_457 = arith.index_cast %parallel_loop3A_447 : i32 to index
            %parallel_loop3A_458 = arith.constant 16 : index
            %parallel_loop3A_459 = tpu.vector_load %run_scoped3A[%parallel_loop3A_457, %parallel_loop3A_458] {strides = array<i32>} : memref<80x250xf32, #tpu.memory_space<vmem>>, vector<16xf32>,
            tpu.vector_store %run_scoped3A[%parallel_loop3A_457, %parallel_loop3A_458], %parallel_loop3A_456 {add = true, strides = array<i32>} : memref<80x250xf32, #tpu.memory_space<vmem>>, vector<16xf32>,
            %parallel_loop3A_460 = arith.index_cast %parallel_loop3A_447 : i32 to index
            %parallel_loop3A_461 = arith.constant 32 : index
            %parallel_loop3A_462 = tpu.vector_load %run_scoped3A_15[%parallel_loop3A_460, %parallel_loop3A_461] {strides = array<i32>} : memref<80x256xf32, #tpu.memory_space<vmem>>, vector<16xf32>,
            %parallel_loop3A_463 = arith.index_cast %parallel_loop3A_447 : i32 to index
            %parallel_loop3A_464 = arith.constant 32 : index
            %parallel_loop3A_465 = tpu.vector_load %run_scoped3A[%parallel_loop3A_463, %parallel_loop3A_464] {strides = array<i32>} : memref<80x250xf32, #tpu.memory_space<vmem>>, vector<16xf32>,
            tpu.vector_store %run_scoped3A[%parallel_loop3A_463, %parallel_loop3A_464], %parallel_loop3A_462 {add = true, strides = array<i32>} : memref<80x250xf32, #tpu.memory_space<vmem>>, vector<16xf32>,
            %parallel_loop3A_466 = arith.index_cast %parallel_loop3A_447 : i32 to index
            %parallel_loop3A_467 = arith.constant 48 : index
            %parallel_loop3A_468 = tpu.vector_load %run_scoped3A_15[%parallel_loop3A_466, %parallel_loop3A_467] {strides = array<i32>} : memref<80x256xf32, #tpu.memory_space<vmem>>, vector<16xf32>,
            %parallel_loop3A_469 = arith.index_cast %parallel_loop3A_447 : i32 to index
            %parallel_loop3A_470 = arith.constant 48 : index
            %parallel_loop3A_471 = tpu.vector_load %run_scoped3A[%parallel_loop3A_469, %parallel_loop3A_470] {strides = array<i32>} : memref<80x250xf32, #tpu.memory_space<vmem>>, vector<16xf32>,
            tpu.vector_store %run_scoped3A[%parallel_loop3A_469, %parallel_loop3A_470], %parallel_loop3A_468 {add = true, strides = array<i32>} : memref<80x250xf32, #tpu.memory_space<vmem>>, vector<16xf32>,
            %parallel_loop3A_472 = arith.index_cast %parallel_loop3A_447 : i32 to index
            %parallel_loop3A_473 = arith.constant 64 : index
            %parallel_loop3A_474 = tpu.vector_load %run_scoped3A_15[%parallel_loop3A_472, %parallel_loop3A_473] {strides = array<i32>} : memref<80x256xf32, #tpu.memory_space<vmem>>, vector<16xf32>,
            %parallel_loop3A_475 = arith.index_cast %parallel_loop3A_447 : i32 to index
            %parallel_loop3A_476 = arith.constant 64 : index
            %parallel_loop3A_477 = tpu.vector_load %run_scoped3A[%parallel_loop3A_475, %parallel_loop3A_476] {strides = array<i32>} : memref<80x250xf32, #tpu.memory_space<vmem>>, vector<16xf32>,
            tpu.vector_store %run_scoped3A[%parallel_loop3A_475, %parallel_loop3A_476], %parallel_loop3A_474 {add = true, strides = array<i32>} : memref<80x250xf32, #tpu.memory_space<vmem>>, vector<16xf32>,
            %parallel_loop3A_478 = arith.index_cast %parallel_loop3A_447 : i32 to index
            %parallel_loop3A_479 = arith.constant 80 : index
            %parallel_loop3A_480 = tpu.vector_load %run_scoped3A_15[%parallel_loop3A_478, %parallel_loop3A_479] {strides = array<i32>} : memref<80x256xf32, #tpu.memory_space<vmem>>, vector<16xf32>,
            %parallel_loop3A_481 = arith.index_cast %parallel_loop3A_447 : i32 to index
            %parallel_loop3A_482 = arith.constant 80 : index
            %parallel_loop3A_483 = tpu.vector_load %run_scoped3A[%parallel_loop3A_481, %parallel_loop3A_482] {strides = array<i32>} : memref<80x250xf32, #tpu.memory_space<vmem>>, vector<16xf32>,
            tpu.vector_store %run_scoped3A[%parallel_loop3A_481, %parallel_loop3A_482], %parallel_loop3A_480 {add = true, strides = array<i32>} : memref<80x250xf32, #tpu.memory_space<vmem>>, vector<16xf32>,
            %parallel_loop3A_484 = arith.index_cast %parallel_loop3A_447 : i32 to index
            %parallel_loop3A_485 = arith.constant 96 : index
            %parallel_loop3A_486 = tpu.vector_load %run_scoped3A_15[%parallel_loop3A_484, %parallel_loop3A_485] {strides = array<i32>} : memref<80x256xf32, #tpu.memory_space<vmem>>, vector<16xf32>,
            %parallel_loop3A_487 = arith.index_cast %parallel_loop3A_447 : i32 to index
            %parallel_loop3A_488 = arith.constant 96 : index
            %parallel_loop3A_489 = tpu.vector_load %run_scoped3A[%parallel_loop3A_487, %parallel_loop3A_488] {strides = array<i32>} : memref<80x250xf32, #tpu.memory_space<vmem>>, vector<16xf32>,
            tpu.vector_store %run_scoped3A[%parallel_loop3A_487, %parallel_loop3A_488], %parallel_loop3A_486 {add = true, strides = array<i32>} : memref<80x250xf32, #tpu.memory_space<vmem>>, vector<16xf32>,
            %parallel_loop3A_490 = arith.index_cast %parallel_loop3A_447 : i32 to index
            %parallel_loop3A_491 = arith.constant 112 : index
            %parallel_loop3A_492 = tpu.vector_load %run_scoped3A_15[%parallel_loop3A_490, %parallel_loop3A_491] {strides = array<i32>} : memref<80x256xf32, #tpu.memory_space<vmem>>, vector<16xf32>,
            %parallel_loop3A_493 = arith.index_cast %parallel_loop3A_447 : i32 to index
            %parallel_loop3A_494 = arith.constant 112 : index
            %parallel_loop3A_495 = tpu.vector_load %run_scoped3A[%parallel_loop3A_493, %parallel_loop3A_494] {strides = array<i32>} : memref<80x250xf32, #tpu.memory_space<vmem>>, vector<16xf32>,
            tpu.vector_store %run_scoped3A[%parallel_loop3A_493, %parallel_loop3A_494], %parallel_loop3A_492 {add = true, strides = array<i32>} : memref<80x250xf32, #tpu.memory_space<vmem>>, vector<16xf32>,
            %parallel_loop3A_496 = arith.index_cast %parallel_loop3A_447 : i32 to index
            %parallel_loop3A_497 = arith.constant 128 : index
            %parallel_loop3A_498 = tpu.vector_load %run_scoped3A_15[%parallel_loop3A_496, %parallel_loop3A_497] {strides = array<i32>} : memref<80x256xf32, #tpu.memory_space<vmem>>, vector<16xf32>,
            %parallel_loop3A_499 = arith.index_cast %parallel_loop3A_447 : i32 to index
            %parallel_loop3A_500 = arith.constant 128 : index
            %parallel_loop3A_501 = tpu.vector_load %run_scoped3A[%parallel_loop3A_499, %parallel_loop3A_500] {strides = array<i32>} : memref<80x250xf32, #tpu.memory_space<vmem>>, vector<16xf32>,
            tpu.vector_store %run_scoped3A[%parallel_loop3A_499, %parallel_loop3A_500], %parallel_loop3A_498 {add = true, strides = array<i32>} : memref<80x250xf32, #tpu.memory_space<vmem>>, vector<16xf32>,
            %parallel_loop3A_502 = arith.index_cast %parallel_loop3A_447 : i32 to index
            %parallel_loop3A_503 = arith.constant 144 : index
            %parallel_loop3A_504 = tpu.vector_load %run_scoped3A_15[%parallel_loop3A_502, %parallel_loop3A_503] {strides = array<i32>} : memref<80x256xf32, #tpu.memory_space<vmem>>, vector<16xf32>,
            %parallel_loop3A_505 = arith.index_cast %parallel_loop3A_447 : i32 to index
            %parallel_loop3A_506 = arith.constant 144 : index
            %parallel_loop3A_507 = tpu.vector_load %run_scoped3A[%parallel_loop3A_505, %parallel_loop3A_506] {strides = array<i32>} : memref<80x250xf32, #tpu.memory_space<vmem>>, vector<16xf32>,
            tpu.vector_store %run_scoped3A[%parallel_loop3A_505, %parallel_loop3A_506], %parallel_loop3A_504 {add = true, strides = array<i32>} : memref<80x250xf32, #tpu.memory_space<vmem>>, vector<16xf32>,
            %parallel_loop3A_508 = arith.index_cast %parallel_loop3A_447 : i32 to index
            %parallel_loop3A_509 = arith.constant 160 : index
            %parallel_loop3A_510 = tpu.vector_load %run_scoped3A_15[%parallel_loop3A_508, %parallel_loop3A_509] {strides = array<i32>} : memref<80x256xf32, #tpu.memory_space<vmem>>, vector<16xf32>,
            %parallel_loop3A_511 = arith.index_cast %parallel_loop3A_447 : i32 to index
            %parallel_loop3A_512 = arith.constant 160 : index
            %parallel_loop3A_513 = tpu.vector_load %run_scoped3A[%parallel_loop3A_511, %parallel_loop3A_512] {strides = array<i32>} : memref<80x250xf32, #tpu.memory_space<vmem>>, vector<16xf32>,
            tpu.vector_store %run_scoped3A[%parallel_loop3A_511, %parallel_loop3A_512], %parallel_loop3A_510 {add = true, strides = array<i32>} : memref<80x250xf32, #tpu.memory_space<vmem>>, vector<16xf32>,
            %parallel_loop3A_514 = arith.index_cast %parallel_loop3A_447 : i32 to index
            %parallel_loop3A_515 = arith.constant 176 : index
            %parallel_loop3A_516 = tpu.vector_load %run_scoped3A_15[%parallel_loop3A_514, %parallel_loop3A_515] {strides = array<i32>} : memref<80x256xf32, #tpu.memory_space<vmem>>, vector<16xf32>,
            %parallel_loop3A_517 = arith.index_cast %parallel_loop3A_447 : i32 to index
            %parallel_loop3A_518 = arith.constant 176 : index
            %parallel_loop3A_519 = tpu.vector_load %run_scoped3A[%parallel_loop3A_517, %parallel_loop3A_518] {strides = array<i32>} : memref<80x250xf32, #tpu.memory_space<vmem>>, vector<16xf32>,
            tpu.vector_store %run_scoped3A[%parallel_loop3A_517, %parallel_loop3A_518], %parallel_loop3A_516 {add = true, strides = array<i32>} : memref<80x250xf32, #tpu.memory_space<vmem>>, vector<16xf32>,
            %parallel_loop3A_520 = arith.index_cast %parallel_loop3A_447 : i32 to index
            %parallel_loop3A_521 = arith.constant 192 : index
            %parallel_loop3A_522 = tpu.vector_load %run_scoped3A_15[%parallel_loop3A_520, %parallel_loop3A_521] {strides = array<i32>} : memref<80x256xf32, #tpu.memory_space<vmem>>, vector<16xf32>,
            %parallel_loop3A_523 = arith.index_cast %parallel_loop3A_447 : i32 to index
            %parallel_loop3A_524 = arith.constant 192 : index
            %parallel_loop3A_525 = tpu.vector_load %run_scoped3A[%parallel_loop3A_523, %parallel_loop3A_524] {strides = array<i32>} : memref<80x250xf32, #tpu.memory_space<vmem>>, vector<16xf32>,
            tpu.vector_store %run_scoped3A[%parallel_loop3A_523, %parallel_loop3A_524], %parallel_loop3A_522 {add = true, strides = array<i32>} : memref<80x250xf32, #tpu.memory_space<vmem>>, vector<16xf32>,
            %parallel_loop3A_526 = arith.index_cast %parallel_loop3A_447 : i32 to index
            %parallel_loop3A_527 = arith.constant 208 : index
            %parallel_loop3A_528 = tpu.vector_load %run_scoped3A_15[%parallel_loop3A_526, %parallel_loop3A_527] {strides = array<i32>} : memref<80x256xf32, #tpu.memory_space<vmem>>, vector<16xf32>,
            %parallel_loop3A_529 = arith.index_cast %parallel_loop3A_447 : i32 to index
            %parallel_loop3A_530 = arith.constant 208 : index
            %parallel_loop3A_531 = tpu.vector_load %run_scoped3A[%parallel_loop3A_529, %parallel_loop3A_530] {strides = array<i32>} : memref<80x250xf32, #tpu.memory_space<vmem>>, vector<16xf32>,
            tpu.vector_store %run_scoped3A[%parallel_loop3A_529, %parallel_loop3A_530], %parallel_loop3A_528 {add = true, strides = array<i32>} : memref<80x250xf32, #tpu.memory_space<vmem>>, vector<16xf32>,
            %parallel_loop3A_532 = arith.index_cast %parallel_loop3A_447 : i32 to index
            %parallel_loop3A_533 = arith.constant 224 : index
            %parallel_loop3A_534 = tpu.vector_load %run_scoped3A_15[%parallel_loop3A_532, %parallel_loop3A_533] {strides = array<i32>} : memref<80x256xf32, #tpu.memory_space<vmem>>, vector<16xf32>,
            %parallel_loop3A_535 = arith.index_cast %parallel_loop3A_447 : i32 to index
            %parallel_loop3A_536 = arith.constant 224 : index
            %parallel_loop3A_537 = tpu.vector_load %run_scoped3A[%parallel_loop3A_535, %parallel_loop3A_536] {strides = array<i32>} : memref<80x250xf32, #tpu.memory_space<vmem>>, vector<16xf32>,
            tpu.vector_store %run_scoped3A[%parallel_loop3A_535, %parallel_loop3A_536], %parallel_loop3A_534 {add = true, strides = array<i32>} : memref<80x250xf32, #tpu.memory_space<vmem>>, vector<16xf32>,
            %parallel_loop3A_538 = arith.index_cast %parallel_loop3A_447 : i32 to index
            %parallel_loop3A_539 = arith.constant 234 : index
            %parallel_loop3A_540 = tpu.vector_load %run_scoped3A_15[%parallel_loop3A_538, %parallel_loop3A_539] {strides = array<i32>} : memref<80x256xf32, #tpu.memory_space<vmem>>, vector<16xf32>,
            %parallel_loop3A_541 = arith.constant 0.000000e+00 : f32
            %parallel_loop3A_542 = vector.broadcast %parallel_loop3A_541 : f32 to vector<16xf32>
            %parallel_loop3A_543 = arith.select %ge3A_17, %parallel_loop3A_540, %parallel_loop3A_542 : vector<16xi1>, vector<16xf32>
            %parallel_loop3A_544 = arith.index_cast %parallel_loop3A_447 : i32 to index
            %parallel_loop3A_545 = arith.constant 234 : index
            %parallel_loop3A_546 = tpu.vector_load %run_scoped3A[%parallel_loop3A_544, %parallel_loop3A_545] {strides = array<i32>} : memref<80x250xf32, #tpu.memory_space<vmem>>, vector<16xf32>,
            %parallel_loop3A_547 = arith.addf %parallel_loop3A_546, %parallel_loop3A_543 : vector<16xf32>
            %parallel_loop3A_548 = arith.index_cast %parallel_loop3A_447 : i32 to index
            %parallel_loop3A_549 = arith.constant 234 : index
            %parallel_loop3A_550 = tpu.vector_load %run_scoped3A[%parallel_loop3A_548, %parallel_loop3A_549] {strides = array<i32>} : memref<80x250xf32, #tpu.memory_space<vmem>>, vector<16xf32>,
            tpu.vector_store %run_scoped3A[%parallel_loop3A_548, %parallel_loop3A_549], %parallel_loop3A_547 {strides = array<i32>} : memref<80x250xf32, #tpu.memory_space<vmem>>, vector<16xf32>,
          } {sc.loop_unroll_factor = 2 : i64, sc.parallel_access}
          %dma_start3A = arith.constant 0 : i32
          %dma_start3A_444 = tpu.memref_slice %arg5[%mul3A_435, %dma_start3A] : memref<50000x250xf32, #tpu.memory_space<hbm>> -> memref<80x250xf32, #tpu.memory_space<hbm>>
          %dma_start3A_445 = arith.constant 0 : i32
          %dma_start3A_446 = tpu.memref_slice %arg5[%mul3A_435, %dma_start3A_445] : memref<50000x250xf32, #tpu.memory_space<hbm>> -> memref<80x250xf32, #tpu.memory_space<hbm>>
          tpu.enqueue_dma source(%run_scoped3A : memref<80x250xf32, #tpu.memory_space<vmem>>) target(%dma_start3A_446 : memref<80x250xf32, #tpu.memory_space<hbm>>) target_semaphore(%arg18 : memref<!tpu.dma_semaphore, #tpu.memory_space<semaphore_mem>>)
        } else {
        }
        %ge3A_342 = arith.constant 1 : i32
        %ge3A_343 = arith.cmpi sge, %add3A_317, %ge3A_342 : i32
        %add3A_344 = arith.constant 1 : i32
        %add3A_345 = arith.addi %add3A_317, %add3A_344 : i32
        %mul3A_346 = arith.constant 32 : i32
        %mul3A_347 = arith.muli %add3A_345, %mul3A_346 : i32
        %add3A_348 = arith.addi %add3A, %mul3A_347 : i32
        %ge3A_349 = arith.constant 0 : i32
        %ge3A_350 = arith.cmpi sge, %add3A_348, %ge3A_349 : i32
        %lt3A_351 = arith.constant 625 : i32
        %lt3A_352 = arith.cmpi slt, %add3A_348, %lt3A_351 : i32
        %and3A_353 = arith.andi %ge3A_350, %lt3A_352 : i1
        %and3A_354 = arith.andi %ge3A_343, %and3A_353 : i1
        %convert_element_type3A_355 = arith.extui %and3A_354 : i1 to i32
        %cond3A_356 = arith.constant 0 : i32
        %cond3A_357 = arith.cmpi ne, %convert_element_type3A_355, %cond3A_356 : i32
        scf.if %cond3A_357 {
          %add3A_429 = arith.constant 1 : i32
          %add3A_430 = arith.addi %add3A_317, %add3A_429 : i32
          %mul3A_431 = arith.constant 32 : i32
          %mul3A_432 = arith.muli %add3A_430, %mul3A_431 : i32
          %add3A_433 = arith.addi %add3A, %mul3A_432 : i32
          %mul3A_434 = arith.constant 80 : i32
          %mul3A_435 = arith.muli %add3A_433, %mul3A_434 : i32
          %ge3A_436 = arith.constant 2 : i32
          %ge3A_437 = arith.cmpi sge, %add3A_317, %ge3A_436 : i32
          %convert_element_type3A_438 = arith.extui %ge3A_437 : i1 to i32
          %cond3A_439 = arith.constant 0 : i32
          %cond3A_440 = arith.cmpi ne, %convert_element_type3A_438, %cond3A_439 : i32
          scf.if %cond3A_440 {
            %sub3A_444 = arith.constant 7680 : i32
            %sub3A_445 = arith.subi %mul3A_435, %sub3A_444 : i32
            %dma_wait3A = arith.constant 0 : i32
            %dma_wait3A_446 = tpu.memref_slice %arg5[%sub3A_445, %dma_wait3A] : memref<50000x250xf32, #tpu.memory_space<hbm>> -> memref<80x250xf32, #tpu.memory_space<hbm>>
            %dma_wait3A_447 = arith.constant 0 : i32
            %dma_wait3A_448 = tpu.memref_slice %arg5[%sub3A_445, %dma_wait3A_447] : memref<50000x250xf32, #tpu.memory_space<hbm>> -> memref<80x250xf32, #tpu.memory_space<hbm>>
            tpu.wait_dma2 semaphore(%arg20 : memref<!tpu.dma_semaphore, #tpu.memory_space<semaphore_mem>>) src(%run_scoped3A_13 : memref<80x250xf32, #tpu.memory_space<vmem>>) dst(%dma_wait3A_448 : memref<80x250xf32, #tpu.memory_space<hbm>>)
          } else {
          }
          %dma_start3A = arith.constant 0 : i32
          %dma_start3A_441 = tpu.memref_slice %arg2[%mul3A_435, %dma_start3A] : memref<50000x250xf32, #tpu.memory_space<hbm>> -> memref<80x250xf32, #tpu.memory_space<hbm>>
          %dma_start3A_442 = arith.constant 0 : i32
          %dma_start3A_443 = tpu.memref_slice %arg2[%mul3A_435, %dma_start3A_442] : memref<50000x250xf32, #tpu.memory_space<hbm>> -> memref<80x250xf32, #tpu.memory_space<hbm>>
          tpu.enqueue_dma source(%dma_start3A_443 : memref<80x250xf32, #tpu.memory_space<hbm>>) target(%run_scoped3A_13 : memref<80x250xf32, #tpu.memory_space<vmem>>) target_semaphore(%arg15 : memref<!tpu.dma_semaphore, #tpu.memory_space<semaphore_mem>>)
        } else {
        }
        %add3A_358 = arith.constant 2 : i32
        %add3A_359 = arith.addi %add3A_317, %add3A_358 : i32
        %mul3A_360 = arith.constant 32 : i32
        %mul3A_361 = arith.muli %add3A_359, %mul3A_360 : i32
        %add3A_362 = arith.addi %add3A, %mul3A_361 : i32
        %ge3A_363 = arith.constant 0 : i32
        %ge3A_364 = arith.cmpi sge, %add3A_362, %ge3A_363 : i32
        %lt3A_365 = arith.constant 625 : i32
        %lt3A_366 = arith.cmpi slt, %add3A_362, %lt3A_365 : i32
        %and3A_367 = arith.andi %ge3A_364, %lt3A_366 : i1
        %convert_element_type3A_368 = arith.extui %and3A_367 : i1 to i32
        %cond3A_369 = arith.constant 0 : i32
        %cond3A_370 = arith.cmpi ne, %convert_element_type3A_368, %cond3A_369 : i32
        scf.if %cond3A_370 {
          %add3A_429 = arith.constant 2 : i32
          %add3A_430 = arith.addi %add3A_317, %add3A_429 : i32
          %mul3A_431 = arith.constant 32 : i32
          %mul3A_432 = arith.muli %add3A_430, %mul3A_431 : i32
          %add3A_433 = arith.addi %add3A, %mul3A_432 : i32
          %mul3A_434 = arith.constant 80 : i32
          %mul3A_435 = arith.muli %add3A_433, %mul3A_434 : i32
          %dma_start3A = tpu.memref_slice %arg3[%mul3A_435] : memref<50000xi32, #tpu.memory_space<hbm>> -> memref<80xi32, #tpu.memory_space<hbm>>
          %dma_start3A_436 = tpu.memref_slice %arg3[%mul3A_435] : memref<50000xi32, #tpu.memory_space<hbm>> -> memref<80xi32, #tpu.memory_space<hbm>>
          tpu.enqueue_dma source(%dma_start3A_436 : memref<80xi32, #tpu.memory_space<hbm>>) target(%arg7 : memref<80xi32, #tpu.memory_space<vmem>>) target_semaphore(%arg11 : memref<!tpu.dma_semaphore, #tpu.memory_space<semaphore_mem>>)
        } else {
        }
        %mul3A_371 = arith.constant 6 : i32
        %mul3A_372 = arith.muli %scan3A_85, %mul3A_371 : i32
        %add3A_373 = arith.constant 5 : i32
        %add3A_374 = arith.addi %mul3A_372, %add3A_373 : i32
        %mul3A_375 = arith.constant 32 : i32
        %mul3A_376 = arith.muli %add3A_374, %mul3A_375 : i32
        %add3A_377 = arith.addi %add3A, %mul3A_376 : i32
        %ge3A_378 = arith.constant 0 : i32
        %ge3A_379 = arith.cmpi sge, %add3A_377, %ge3A_378 : i32
        %lt3A_380 = arith.constant 625 : i32
        %lt3A_381 = arith.cmpi slt, %add3A_377, %lt3A_380 : i32
        %and3A_382 = arith.andi %ge3A_379, %lt3A_381 : i1
        %convert_element_type3A_383 = arith.extui %and3A_382 : i1 to i32
        %cond3A_384 = arith.constant 0 : i32
        %cond3A_385 = arith.cmpi ne, %convert_element_type3A_383, %cond3A_384 : i32
        scf.if %cond3A_385 {
          %mul3A_429 = arith.constant 32 : i32
          %mul3A_430 = arith.muli %add3A_374, %mul3A_429 : i32
          %add3A_431 = arith.addi %add3A, %mul3A_430 : i32
          %mul3A_432 = arith.constant 80 : i32
          %mul3A_433 = arith.muli %add3A_431, %mul3A_432 : i32
          %dma_wait3A = tpu.memref_slice %arg3[%mul3A_433] : memref<50000xi32, #tpu.memory_space<hbm>> -> memref<80xi32, #tpu.memory_space<hbm>>
          %dma_wait3A_434 = tpu.memref_slice %arg3[%mul3A_433] : memref<50000xi32, #tpu.memory_space<hbm>> -> memref<80xi32, #tpu.memory_space<hbm>>
          tpu.wait_dma2 semaphore(%arg12 : memref<!tpu.dma_semaphore, #tpu.memory_space<semaphore_mem>>) src(%dma_wait3A_434 : memref<80xi32, #tpu.memory_space<hbm>>) dst(%arg8 : memref<80xi32, #tpu.memory_space<vmem>>)
          %get3A = arith.constant 0 : index
          %get3A_435 = tpu.vector_load %arg8[%get3A] {strides = array<i32>} : memref<80xi32, #tpu.memory_space<vmem>>, vector<16xi32>,
          %gather3A = tpu.vector_load_idx %arg6[%get3A_435] : memref<112xi32, #tpu.memory_space<vmem>>[vector<16xi32>], vector<16xi32>,
          %add3A_436 = arith.constant 0 : i32
          %add3A_437 = arith.addi %mul3A_433, %add3A_436 : i32
          %add3A_438 = vector.broadcast %add3A_437 : i32 to vector<16xi32>
          %add3A_439 = arith.addi %add3A_438, %iota3A : vector<16xi32>
          %sub3A_440 = arith.subi %add3A_439, %gather3A : vector<16xi32>
          %max3A = arith.constant 0 : i32
          %max3A_441 = vector.broadcast %max3A : i32 to vector<16xi32>
          %max3A_442 = arith.maxsi %sub3A_440, %max3A_441 : vector<16xi32>
          %min3A = arith.constant 999 : i32
          %min3A_443 = vector.broadcast %min3A : i32 to vector<16xi32>
          %min3A_444 = arith.minsi %max3A_442, %min3A_443 : vector<16xi32>
          %swap3A = arith.constant 0 : index
          %swap3A_445 = tpu.vector_load %arg10[%swap3A] {strides = array<i32>} : memref<80xi32, #tpu.memory_space<vmem>>, vector<16xi32>,
          tpu.vector_store %arg10[%swap3A], %min3A_444 {strides = array<i32>} : memref<80xi32, #tpu.memory_space<vmem>>, vector<16xi32>,
          %get3A_446 = arith.constant 16 : index
          %get3A_447 = tpu.vector_load %arg8[%get3A_446] {strides = array<i32>} : memref<80xi32, #tpu.memory_space<vmem>>, vector<16xi32>,
          %gather3A_448 = tpu.vector_load_idx %arg6[%get3A_447] : memref<112xi32, #tpu.memory_space<vmem>>[vector<16xi32>], vector<16xi32>,
          %add3A_449 = arith.constant 16 : i32
          %add3A_450 = arith.addi %mul3A_433, %add3A_449 : i32
          %add3A_451 = vector.broadcast %add3A_450 : i32 to vector<16xi32>
          %add3A_452 = arith.addi %add3A_451, %iota3A : vector<16xi32>
          %sub3A_453 = arith.subi %add3A_452, %gather3A_448 : vector<16xi32>
          %max3A_454 = arith.constant 0 : i32
          %max3A_455 = vector.broadcast %max3A_454 : i32 to vector<16xi32>
          %max3A_456 = arith.maxsi %sub3A_453, %max3A_455 : vector<16xi32>
          %min3A_457 = arith.constant 999 : i32
          %min3A_458 = vector.broadcast %min3A_457 : i32 to vector<16xi32>
          %min3A_459 = arith.minsi %max3A_456, %min3A_458 : vector<16xi32>
          %swap3A_460 = arith.constant 16 : index
          %swap3A_461 = tpu.vector_load %arg10[%swap3A_460] {strides = array<i32>} : memref<80xi32, #tpu.memory_space<vmem>>, vector<16xi32>,
          tpu.vector_store %arg10[%swap3A_460], %min3A_459 {strides = array<i32>} : memref<80xi32, #tpu.memory_space<vmem>>, vector<16xi32>,
          %get3A_462 = arith.constant 32 : index
          %get3A_463 = tpu.vector_load %arg8[%get3A_462] {strides = array<i32>} : memref<80xi32, #tpu.memory_space<vmem>>, vector<16xi32>,
          %gather3A_464 = tpu.vector_load_idx %arg6[%get3A_463] : memref<112xi32, #tpu.memory_space<vmem>>[vector<16xi32>], vector<16xi32>,
          %add3A_465 = arith.constant 32 : i32
          %add3A_466 = arith.addi %mul3A_433, %add3A_465 : i32
          %add3A_467 = vector.broadcast %add3A_466 : i32 to vector<16xi32>
          %add3A_468 = arith.addi %add3A_467, %iota3A : vector<16xi32>
          %sub3A_469 = arith.subi %add3A_468, %gather3A_464 : vector<16xi32>
          %max3A_470 = arith.constant 0 : i32
          %max3A_471 = vector.broadcast %max3A_470 : i32 to vector<16xi32>
          %max3A_472 = arith.maxsi %sub3A_469, %max3A_471 : vector<16xi32>
          %min3A_473 = arith.constant 999 : i32
          %min3A_474 = vector.broadcast %min3A_473 : i32 to vector<16xi32>
          %min3A_475 = arith.minsi %max3A_472, %min3A_474 : vector<16xi32>
          %swap3A_476 = arith.constant 32 : index
          %swap3A_477 = tpu.vector_load %arg10[%swap3A_476] {strides = array<i32>} : memref<80xi32, #tpu.memory_space<vmem>>, vector<16xi32>,
          tpu.vector_store %arg10[%swap3A_476], %min3A_475 {strides = array<i32>} : memref<80xi32, #tpu.memory_space<vmem>>, vector<16xi32>,
          %get3A_478 = arith.constant 48 : index
          %get3A_479 = tpu.vector_load %arg8[%get3A_478] {strides = array<i32>} : memref<80xi32, #tpu.memory_space<vmem>>, vector<16xi32>,
          %gather3A_480 = tpu.vector_load_idx %arg6[%get3A_479] : memref<112xi32, #tpu.memory_space<vmem>>[vector<16xi32>], vector<16xi32>,
          %add3A_481 = arith.constant 48 : i32
          %add3A_482 = arith.addi %mul3A_433, %add3A_481 : i32
          %add3A_483 = vector.broadcast %add3A_482 : i32 to vector<16xi32>
          %add3A_484 = arith.addi %add3A_483, %iota3A : vector<16xi32>
          %sub3A_485 = arith.subi %add3A_484, %gather3A_480 : vector<16xi32>
          %max3A_486 = arith.constant 0 : i32
          %max3A_487 = vector.broadcast %max3A_486 : i32 to vector<16xi32>
          %max3A_488 = arith.maxsi %sub3A_485, %max3A_487 : vector<16xi32>
          %min3A_489 = arith.constant 999 : i32
          %min3A_490 = vector.broadcast %min3A_489 : i32 to vector<16xi32>
          %min3A_491 = arith.minsi %max3A_488, %min3A_490 : vector<16xi32>
          %swap3A_492 = arith.constant 48 : index
          %swap3A_493 = tpu.vector_load %arg10[%swap3A_492] {strides = array<i32>} : memref<80xi32, #tpu.memory_space<vmem>>, vector<16xi32>,
          tpu.vector_store %arg10[%swap3A_492], %min3A_491 {strides = array<i32>} : memref<80xi32, #tpu.memory_space<vmem>>, vector<16xi32>,
          %get3A_494 = arith.constant 64 : index
          %get3A_495 = tpu.vector_load %arg8[%get3A_494] {strides = array<i32>} : memref<80xi32, #tpu.memory_space<vmem>>, vector<16xi32>,
          %gather3A_496 = tpu.vector_load_idx %arg6[%get3A_495] : memref<112xi32, #tpu.memory_space<vmem>>[vector<16xi32>], vector<16xi32>,
          %add3A_497 = arith.constant 64 : i32
          %add3A_498 = arith.addi %mul3A_433, %add3A_497 : i32
          %add3A_499 = vector.broadcast %add3A_498 : i32 to vector<16xi32>
          %add3A_500 = arith.addi %add3A_499, %iota3A : vector<16xi32>
          %sub3A_501 = arith.subi %add3A_500, %gather3A_496 : vector<16xi32>
          %max3A_502 = arith.constant 0 : i32
          %max3A_503 = vector.broadcast %max3A_502 : i32 to vector<16xi32>
          %max3A_504 = arith.maxsi %sub3A_501, %max3A_503 : vector<16xi32>
          %min3A_505 = arith.constant 999 : i32
          %min3A_506 = vector.broadcast %min3A_505 : i32 to vector<16xi32>
          %min3A_507 = arith.minsi %max3A_504, %min3A_506 : vector<16xi32>
          %swap3A_508 = arith.constant 64 : index
          %swap3A_509 = tpu.vector_load %arg10[%swap3A_508] {strides = array<i32>} : memref<80xi32, #tpu.memory_space<vmem>>, vector<16xi32>,
          tpu.vector_store %arg10[%swap3A_508], %min3A_507 {strides = array<i32>} : memref<80xi32, #tpu.memory_space<vmem>>, vector<16xi32>,
          %dma_start3A = arith.constant 0 : i32
          %dma_start3A_510 = arith.constant 0 : i32
          %dma_start3A_511 = tpu.memref_slice %arg4[%dma_start3A, %dma_start3A_510] : memref<1000x256xf32, #tpu.memory_space<hbm>> -> memref<1000x256xf32, #tpu.memory_space<hbm>>
          tpu.enqueue_indirect_dma source(%dma_start3A_511 : memref<1000x256xf32, #tpu.memory_space<hbm>>) target(%run_scoped3A_15 : memref<80x256xf32, #tpu.memory_space<vmem>>) offsets(%arg10 : memref<80xi32, #tpu.memory_space<vmem>>) semaphore(%arg17 : memref<!tpu.dma_semaphore, #tpu.memory_space<semaphore_mem>>)
        } else {
        }
        %sub3A_386 = arith.constant 1 : i32
        %sub3A_387 = arith.subi %add3A_374, %sub3A_386 : i32
        %mul3A_388 = arith.constant 32 : i32
        %mul3A_389 = arith.muli %sub3A_387, %mul3A_388 : i32
        %add3A_390 = arith.addi %add3A, %mul3A_389 : i32
        %ge3A_391 = arith.constant 0 : i32
        %ge3A_392 = arith.cmpi sge, %add3A_390, %ge3A_391 : i32
        %lt3A_393 = arith.constant 625 : i32
        %lt3A_394 = arith.cmpi slt, %add3A_390, %lt3A_393 : i32
        %and3A_395 = arith.andi %ge3A_392, %lt3A_394 : i1
        %convert_element_type3A_396 = arith.extui %and3A_395 : i1 to i32
        %cond3A_397 = arith.constant 0 : i32
        %cond3A_398 = arith.cmpi ne, %convert_element_type3A_396, %cond3A_397 : i32
        scf.if %cond3A_398 {
          %sub3A_429 = arith.constant 1 : i32
          %sub3A_430 = arith.subi %add3A_374, %sub3A_429 : i32
          %mul3A_431 = arith.constant 32 : i32
          %mul3A_432 = arith.muli %sub3A_430, %mul3A_431 : i32
          %add3A_433 = arith.addi %add3A, %mul3A_432 : i32
          %mul3A_434 = arith.constant 80 : i32
          %mul3A_435 = arith.muli %add3A_433, %mul3A_434 : i32
          %dma_wait3A = arith.constant 0 : i32
          %dma_wait3A_436 = tpu.memref_slice %arg2[%mul3A_435, %dma_wait3A] : memref<50000x250xf32, #tpu.memory_space<hbm>> -> memref<80x250xf32, #tpu.memory_space<hbm>>
          %dma_wait3A_437 = arith.constant 0 : i32
          %dma_wait3A_438 = tpu.memref_slice %arg2[%mul3A_435, %dma_wait3A_437] : memref<50000x250xf32, #tpu.memory_space<hbm>> -> memref<80x250xf32, #tpu.memory_space<hbm>>
          tpu.wait_dma2 semaphore(%arg14 : memref<!tpu.dma_semaphore, #tpu.memory_space<semaphore_mem>>) src(%dma_wait3A_438 : memref<80x250xf32, #tpu.memory_space<hbm>>) dst(%run_scoped3A_12 : memref<80x250xf32, #tpu.memory_space<vmem>>)
          %dma_wait3A_439 = arith.constant 0 : i32
          %dma_wait3A_440 = arith.constant 0 : i32
          %dma_wait3A_441 = tpu.memref_slice %arg4[%dma_wait3A_439, %dma_wait3A_440] : memref<1000x256xf32, #tpu.memory_space<hbm>> -> memref<1000x256xf32, #tpu.memory_space<hbm>>
          tpu.wait_indirect_dma semaphore(%arg16 : memref<!tpu.dma_semaphore, #tpu.memory_space<semaphore_mem>>) src(%dma_wait3A_441 : memref<1000x256xf32, #tpu.memory_space<hbm>>) dst(%run_scoped3A_14 : memref<80x256xf32, #tpu.memory_space<vmem>>)
          %parallel_loop3A = arith.constant 0 : i32
          %parallel_loop3A_442 = arith.constant 80 : i32
          %parallel_loop3A_443 = arith.constant 1 : i32
          scf.for %parallel_loop3A_447 = %parallel_loop3A to %parallel_loop3A_442 step %parallel_loop3A_443  : i32 {
            %parallel_loop3A_448 = arith.index_cast %parallel_loop3A_447 : i32 to index
            %parallel_loop3A_449 = arith.constant 0 : index
            %parallel_loop3A_450 = tpu.vector_load %run_scoped3A_14[%parallel_loop3A_448, %parallel_loop3A_449] {strides = array<i32>} : memref<80x256xf32, #tpu.memory_space<vmem>>, vector<16xf32>,
            %parallel_loop3A_451 = arith.index_cast %parallel_loop3A_447 : i32 to index
            %parallel_loop3A_452 = arith.constant 0 : index
            %parallel_loop3A_453 = tpu.vector_load %run_scoped3A_12[%parallel_loop3A_451, %parallel_loop3A_452] {strides = array<i32>} : memref<80x250xf32, #tpu.memory_space<vmem>>, vector<16xf32>,
            tpu.vector_store %run_scoped3A_12[%parallel_loop3A_451, %parallel_loop3A_452], %parallel_loop3A_450 {add = true, strides = array<i32>} : memref<80x250xf32, #tpu.memory_space<vmem>>, vector<16xf32>,
            %parallel_loop3A_454 = arith.index_cast %parallel_loop3A_447 : i32 to index
            %parallel_loop3A_455 = arith.constant 16 : index
            %parallel_loop3A_456 = tpu.vector_load %run_scoped3A_14[%parallel_loop3A_454, %parallel_loop3A_455] {strides = array<i32>} : memref<80x256xf32, #tpu.memory_space<vmem>>, vector<16xf32>,
            %parallel_loop3A_457 = arith.index_cast %parallel_loop3A_447 : i32 to index
            %parallel_loop3A_458 = arith.constant 16 : index
            %parallel_loop3A_459 = tpu.vector_load %run_scoped3A_12[%parallel_loop3A_457, %parallel_loop3A_458] {strides = array<i32>} : memref<80x250xf32, #tpu.memory_space<vmem>>, vector<16xf32>,
            tpu.vector_store %run_scoped3A_12[%parallel_loop3A_457, %parallel_loop3A_458], %parallel_loop3A_456 {add = true, strides = array<i32>} : memref<80x250xf32, #tpu.memory_space<vmem>>, vector<16xf32>,
            %parallel_loop3A_460 = arith.index_cast %parallel_loop3A_447 : i32 to index
            %parallel_loop3A_461 = arith.constant 32 : index
            %parallel_loop3A_462 = tpu.vector_load %run_scoped3A_14[%parallel_loop3A_460, %parallel_loop3A_461] {strides = array<i32>} : memref<80x256xf32, #tpu.memory_space<vmem>>, vector<16xf32>,
            %parallel_loop3A_463 = arith.index_cast %parallel_loop3A_447 : i32 to index
            %parallel_loop3A_464 = arith.constant 32 : index
            %parallel_loop3A_465 = tpu.vector_load %run_scoped3A_12[%parallel_loop3A_463, %parallel_loop3A_464] {strides = array<i32>} : memref<80x250xf32, #tpu.memory_space<vmem>>, vector<16xf32>,
            tpu.vector_store %run_scoped3A_12[%parallel_loop3A_463, %parallel_loop3A_464], %parallel_loop3A_462 {add = true, strides = array<i32>} : memref<80x250xf32, #tpu.memory_space<vmem>>, vector<16xf32>,
            %parallel_loop3A_466 = arith.index_cast %parallel_loop3A_447 : i32 to index
            %parallel_loop3A_467 = arith.constant 48 : index
            %parallel_loop3A_468 = tpu.vector_load %run_scoped3A_14[%parallel_loop3A_466, %parallel_loop3A_467] {strides = array<i32>} : memref<80x256xf32, #tpu.memory_space<vmem>>, vector<16xf32>,
            %parallel_loop3A_469 = arith.index_cast %parallel_loop3A_447 : i32 to index
            %parallel_loop3A_470 = arith.constant 48 : index
            %parallel_loop3A_471 = tpu.vector_load %run_scoped3A_12[%parallel_loop3A_469, %parallel_loop3A_470] {strides = array<i32>} : memref<80x250xf32, #tpu.memory_space<vmem>>, vector<16xf32>,
            tpu.vector_store %run_scoped3A_12[%parallel_loop3A_469, %parallel_loop3A_470], %parallel_loop3A_468 {add = true, strides = array<i32>} : memref<80x250xf32, #tpu.memory_space<vmem>>, vector<16xf32>,
            %parallel_loop3A_472 = arith.index_cast %parallel_loop3A_447 : i32 to index
            %parallel_loop3A_473 = arith.constant 64 : index
            %parallel_loop3A_474 = tpu.vector_load %run_scoped3A_14[%parallel_loop3A_472, %parallel_loop3A_473] {strides = array<i32>} : memref<80x256xf32, #tpu.memory_space<vmem>>, vector<16xf32>,
            %parallel_loop3A_475 = arith.index_cast %parallel_loop3A_447 : i32 to index
            %parallel_loop3A_476 = arith.constant 64 : index
            %parallel_loop3A_477 = tpu.vector_load %run_scoped3A_12[%parallel_loop3A_475, %parallel_loop3A_476] {strides = array<i32>} : memref<80x250xf32, #tpu.memory_space<vmem>>, vector<16xf32>,
            tpu.vector_store %run_scoped3A_12[%parallel_loop3A_475, %parallel_loop3A_476], %parallel_loop3A_474 {add = true, strides = array<i32>} : memref<80x250xf32, #tpu.memory_space<vmem>>, vector<16xf32>,
            %parallel_loop3A_478 = arith.index_cast %parallel_loop3A_447 : i32 to index
            %parallel_loop3A_479 = arith.constant 80 : index
            %parallel_loop3A_480 = tpu.vector_load %run_scoped3A_14[%parallel_loop3A_478, %parallel_loop3A_479] {strides = array<i32>} : memref<80x256xf32, #tpu.memory_space<vmem>>, vector<16xf32>,
            %parallel_loop3A_481 = arith.index_cast %parallel_loop3A_447 : i32 to index
            %parallel_loop3A_482 = arith.constant 80 : index
            %parallel_loop3A_483 = tpu.vector_load %run_scoped3A_12[%parallel_loop3A_481, %parallel_loop3A_482] {strides = array<i32>} : memref<80x250xf32, #tpu.memory_space<vmem>>, vector<16xf32>,
            tpu.vector_store %run_scoped3A_12[%parallel_loop3A_481, %parallel_loop3A_482], %parallel_loop3A_480 {add = true, strides = array<i32>} : memref<80x250xf32, #tpu.memory_space<vmem>>, vector<16xf32>,
            %parallel_loop3A_484 = arith.index_cast %parallel_loop3A_447 : i32 to index
            %parallel_loop3A_485 = arith.constant 96 : index
            %parallel_loop3A_486 = tpu.vector_load %run_scoped3A_14[%parallel_loop3A_484, %parallel_loop3A_485] {strides = array<i32>} : memref<80x256xf32, #tpu.memory_space<vmem>>, vector<16xf32>,
            %parallel_loop3A_487 = arith.index_cast %parallel_loop3A_447 : i32 to index
            %parallel_loop3A_488 = arith.constant 96 : index
            %parallel_loop3A_489 = tpu.vector_load %run_scoped3A_12[%parallel_loop3A_487, %parallel_loop3A_488] {strides = array<i32>} : memref<80x250xf32, #tpu.memory_space<vmem>>, vector<16xf32>,
            tpu.vector_store %run_scoped3A_12[%parallel_loop3A_487, %parallel_loop3A_488], %parallel_loop3A_486 {add = true, strides = array<i32>} : memref<80x250xf32, #tpu.memory_space<vmem>>, vector<16xf32>,
            %parallel_loop3A_490 = arith.index_cast %parallel_loop3A_447 : i32 to index
            %parallel_loop3A_491 = arith.constant 112 : index
            %parallel_loop3A_492 = tpu.vector_load %run_scoped3A_14[%parallel_loop3A_490, %parallel_loop3A_491] {strides = array<i32>} : memref<80x256xf32, #tpu.memory_space<vmem>>, vector<16xf32>,
            %parallel_loop3A_493 = arith.index_cast %parallel_loop3A_447 : i32 to index
            %parallel_loop3A_494 = arith.constant 112 : index
            %parallel_loop3A_495 = tpu.vector_load %run_scoped3A_12[%parallel_loop3A_493, %parallel_loop3A_494] {strides = array<i32>} : memref<80x250xf32, #tpu.memory_space<vmem>>, vector<16xf32>,
            tpu.vector_store %run_scoped3A_12[%parallel_loop3A_493, %parallel_loop3A_494], %parallel_loop3A_492 {add = true, strides = array<i32>} : memref<80x250xf32, #tpu.memory_space<vmem>>, vector<16xf32>,
            %parallel_loop3A_496 = arith.index_cast %parallel_loop3A_447 : i32 to index
            %parallel_loop3A_497 = arith.constant 128 : index
            %parallel_loop3A_498 = tpu.vector_load %run_scoped3A_14[%parallel_loop3A_496, %parallel_loop3A_497] {strides = array<i32>} : memref<80x256xf32, #tpu.memory_space<vmem>>, vector<16xf32>,
            %parallel_loop3A_499 = arith.index_cast %parallel_loop3A_447 : i32 to index
            %parallel_loop3A_500 = arith.constant 128 : index
            %parallel_loop3A_501 = tpu.vector_load %run_scoped3A_12[%parallel_loop3A_499, %parallel_loop3A_500] {strides = array<i32>} : memref<80x250xf32, #tpu.memory_space<vmem>>, vector<16xf32>,
            tpu.vector_store %run_scoped3A_12[%parallel_loop3A_499, %parallel_loop3A_500], %parallel_loop3A_498 {add = true, strides = array<i32>} : memref<80x250xf32, #tpu.memory_space<vmem>>, vector<16xf32>,
            %parallel_loop3A_502 = arith.index_cast %parallel_loop3A_447 : i32 to index
            %parallel_loop3A_503 = arith.constant 144 : index
            %parallel_loop3A_504 = tpu.vector_load %run_scoped3A_14[%parallel_loop3A_502, %parallel_loop3A_503] {strides = array<i32>} : memref<80x256xf32, #tpu.memory_space<vmem>>, vector<16xf32>,
            %parallel_loop3A_505 = arith.index_cast %parallel_loop3A_447 : i32 to index
            %parallel_loop3A_506 = arith.constant 144 : index
            %parallel_loop3A_507 = tpu.vector_load %run_scoped3A_12[%parallel_loop3A_505, %parallel_loop3A_506] {strides = array<i32>} : memref<80x250xf32, #tpu.memory_space<vmem>>, vector<16xf32>,
            tpu.vector_store %run_scoped3A_12[%parallel_loop3A_505, %parallel_loop3A_506], %parallel_loop3A_504 {add = true, strides = array<i32>} : memref<80x250xf32, #tpu.memory_space<vmem>>, vector<16xf32>,
            %parallel_loop3A_508 = arith.index_cast %parallel_loop3A_447 : i32 to index
            %parallel_loop3A_509 = arith.constant 160 : index
            %parallel_loop3A_510 = tpu.vector_load %run_scoped3A_14[%parallel_loop3A_508, %parallel_loop3A_509] {strides = array<i32>} : memref<80x256xf32, #tpu.memory_space<vmem>>, vector<16xf32>,
            %parallel_loop3A_511 = arith.index_cast %parallel_loop3A_447 : i32 to index
            %parallel_loop3A_512 = arith.constant 160 : index
            %parallel_loop3A_513 = tpu.vector_load %run_scoped3A_12[%parallel_loop3A_511, %parallel_loop3A_512] {strides = array<i32>} : memref<80x250xf32, #tpu.memory_space<vmem>>, vector<16xf32>,
            tpu.vector_store %run_scoped3A_12[%parallel_loop3A_511, %parallel_loop3A_512], %parallel_loop3A_510 {add = true, strides = array<i32>} : memref<80x250xf32, #tpu.memory_space<vmem>>, vector<16xf32>,
            %parallel_loop3A_514 = arith.index_cast %parallel_loop3A_447 : i32 to index
            %parallel_loop3A_515 = arith.constant 176 : index
            %parallel_loop3A_516 = tpu.vector_load %run_scoped3A_14[%parallel_loop3A_514, %parallel_loop3A_515] {strides = array<i32>} : memref<80x256xf32, #tpu.memory_space<vmem>>, vector<16xf32>,
            %parallel_loop3A_517 = arith.index_cast %parallel_loop3A_447 : i32 to index
            %parallel_loop3A_518 = arith.constant 176 : index
            %parallel_loop3A_519 = tpu.vector_load %run_scoped3A_12[%parallel_loop3A_517, %parallel_loop3A_518] {strides = array<i32>} : memref<80x250xf32, #tpu.memory_space<vmem>>, vector<16xf32>,
            tpu.vector_store %run_scoped3A_12[%parallel_loop3A_517, %parallel_loop3A_518], %parallel_loop3A_516 {add = true, strides = array<i32>} : memref<80x250xf32, #tpu.memory_space<vmem>>, vector<16xf32>,
            %parallel_loop3A_520 = arith.index_cast %parallel_loop3A_447 : i32 to index
            %parallel_loop3A_521 = arith.constant 192 : index
            %parallel_loop3A_522 = tpu.vector_load %run_scoped3A_14[%parallel_loop3A_520, %parallel_loop3A_521] {strides = array<i32>} : memref<80x256xf32, #tpu.memory_space<vmem>>, vector<16xf32>,
            %parallel_loop3A_523 = arith.index_cast %parallel_loop3A_447 : i32 to index
            %parallel_loop3A_524 = arith.constant 192 : index
            %parallel_loop3A_525 = tpu.vector_load %run_scoped3A_12[%parallel_loop3A_523, %parallel_loop3A_524] {strides = array<i32>} : memref<80x250xf32, #tpu.memory_space<vmem>>, vector<16xf32>,
            tpu.vector_store %run_scoped3A_12[%parallel_loop3A_523, %parallel_loop3A_524], %parallel_loop3A_522 {add = true, strides = array<i32>} : memref<80x250xf32, #tpu.memory_space<vmem>>, vector<16xf32>,
            %parallel_loop3A_526 = arith.index_cast %parallel_loop3A_447 : i32 to index
            %parallel_loop3A_527 = arith.constant 208 : index
            %parallel_loop3A_528 = tpu.vector_load %run_scoped3A_14[%parallel_loop3A_526, %parallel_loop3A_527] {strides = array<i32>} : memref<80x256xf32, #tpu.memory_space<vmem>>, vector<16xf32>,
            %parallel_loop3A_529 = arith.index_cast %parallel_loop3A_447 : i32 to index
            %parallel_loop3A_530 = arith.constant 208 : index
            %parallel_loop3A_531 = tpu.vector_load %run_scoped3A_12[%parallel_loop3A_529, %parallel_loop3A_530] {strides = array<i32>} : memref<80x250xf32, #tpu.memory_space<vmem>>, vector<16xf32>,
            tpu.vector_store %run_scoped3A_12[%parallel_loop3A_529, %parallel_loop3A_530], %parallel_loop3A_528 {add = true, strides = array<i32>} : memref<80x250xf32, #tpu.memory_space<vmem>>, vector<16xf32>,
            %parallel_loop3A_532 = arith.index_cast %parallel_loop3A_447 : i32 to index
            %parallel_loop3A_533 = arith.constant 224 : index
            %parallel_loop3A_534 = tpu.vector_load %run_scoped3A_14[%parallel_loop3A_532, %parallel_loop3A_533] {strides = array<i32>} : memref<80x256xf32, #tpu.memory_space<vmem>>, vector<16xf32>,
            %parallel_loop3A_535 = arith.index_cast %parallel_loop3A_447 : i32 to index
            %parallel_loop3A_536 = arith.constant 224 : index
            %parallel_loop3A_537 = tpu.vector_load %run_scoped3A_12[%parallel_loop3A_535, %parallel_loop3A_536] {strides = array<i32>} : memref<80x250xf32, #tpu.memory_space<vmem>>, vector<16xf32>,
            tpu.vector_store %run_scoped3A_12[%parallel_loop3A_535, %parallel_loop3A_536], %parallel_loop3A_534 {add = true, strides = array<i32>} : memref<80x250xf32, #tpu.memory_space<vmem>>, vector<16xf32>,
            %parallel_loop3A_538 = arith.index_cast %parallel_loop3A_447 : i32 to index
            %parallel_loop3A_539 = arith.constant 234 : index
            %parallel_loop3A_540 = tpu.vector_load %run_scoped3A_14[%parallel_loop3A_538, %parallel_loop3A_539] {strides = array<i32>} : memref<80x256xf32, #tpu.memory_space<vmem>>, vector<16xf32>,
            %parallel_loop3A_541 = arith.constant 0.000000e+00 : f32
            %parallel_loop3A_542 = vector.broadcast %parallel_loop3A_541 : f32 to vector<16xf32>
            %parallel_loop3A_543 = arith.select %ge3A_17, %parallel_loop3A_540, %parallel_loop3A_542 : vector<16xi1>, vector<16xf32>
            %parallel_loop3A_544 = arith.index_cast %parallel_loop3A_447 : i32 to index
            %parallel_loop3A_545 = arith.constant 234 : index
            %parallel_loop3A_546 = tpu.vector_load %run_scoped3A_12[%parallel_loop3A_544, %parallel_loop3A_545] {strides = array<i32>} : memref<80x250xf32, #tpu.memory_space<vmem>>, vector<16xf32>,
            %parallel_loop3A_547 = arith.addf %parallel_loop3A_546, %parallel_loop3A_543 : vector<16xf32>
            %parallel_loop3A_548 = arith.index_cast %parallel_loop3A_447 : i32 to index
            %parallel_loop3A_549 = arith.constant 234 : index
            %parallel_loop3A_550 = tpu.vector_load %run_scoped3A_12[%parallel_loop3A_548, %parallel_loop3A_549] {strides = array<i32>} : memref<80x250xf32, #tpu.memory_space<vmem>>, vector<16xf32>,
            tpu.vector_store %run_scoped3A_12[%parallel_loop3A_548, %parallel_loop3A_549], %parallel_loop3A_547 {strides = array<i32>} : memref<80x250xf32, #tpu.memory_space<vmem>>, vector<16xf32>,
          } {sc.loop_unroll_factor = 2 : i64, sc.parallel_access}
          %dma_start3A = arith.constant 0 : i32
          %dma_start3A_444 = tpu.memref_slice %arg5[%mul3A_435, %dma_start3A] : memref<50000x250xf32, #tpu.memory_space<hbm>> -> memref<80x250xf32, #tpu.memory_space<hbm>>
          %dma_start3A_445 = arith.constant 0 : i32
          %dma_start3A_446 = tpu.memref_slice %arg5[%mul3A_435, %dma_start3A_445] : memref<50000x250xf32, #tpu.memory_space<hbm>> -> memref<80x250xf32, #tpu.memory_space<hbm>>
          tpu.enqueue_dma source(%run_scoped3A_12 : memref<80x250xf32, #tpu.memory_space<vmem>>) target(%dma_start3A_446 : memref<80x250xf32, #tpu.memory_space<hbm>>) target_semaphore(%arg19 : memref<!tpu.dma_semaphore, #tpu.memory_space<semaphore_mem>>)
        } else {
        }
        %ge3A_399 = arith.constant 1 : i32
        %ge3A_400 = arith.cmpi sge, %add3A_374, %ge3A_399 : i32
        %add3A_401 = arith.constant 1 : i32
        %add3A_402 = arith.addi %add3A_374, %add3A_401 : i32
        %mul3A_403 = arith.constant 32 : i32
        %mul3A_404 = arith.muli %add3A_402, %mul3A_403 : i32
        %add3A_405 = arith.addi %add3A, %mul3A_404 : i32
        %ge3A_406 = arith.constant 0 : i32
        %ge3A_407 = arith.cmpi sge, %add3A_405, %ge3A_406 : i32
        %lt3A_408 = arith.constant 625 : i32
        %lt3A_409 = arith.cmpi slt, %add3A_405, %lt3A_408 : i32
        %and3A_410 = arith.andi %ge3A_407, %lt3A_409 : i1
        %and3A_411 = arith.andi %ge3A_400, %and3A_410 : i1
        %convert_element_type3A_412 = arith.extui %and3A_411 : i1 to i32
        %cond3A_413 = arith.constant 0 : i32
        %cond3A_414 = arith.cmpi ne, %convert_element_type3A_412, %cond3A_413 : i32
        scf.if %cond3A_414 {
          %add3A_429 = arith.constant 1 : i32
          %add3A_430 = arith.addi %add3A_374, %add3A_429 : i32
          %mul3A_431 = arith.constant 32 : i32
          %mul3A_432 = arith.muli %add3A_430, %mul3A_431 : i32
          %add3A_433 = arith.addi %add3A, %mul3A_432 : i32
          %mul3A_434 = arith.constant 80 : i32
          %mul3A_435 = arith.muli %add3A_433, %mul3A_434 : i32
          %ge3A_436 = arith.constant 2 : i32
          %ge3A_437 = arith.cmpi sge, %add3A_374, %ge3A_436 : i32
          %convert_element_type3A_438 = arith.extui %ge3A_437 : i1 to i32
          %cond3A_439 = arith.constant 0 : i32
          %cond3A_440 = arith.cmpi ne, %convert_element_type3A_438, %cond3A_439 : i32
          scf.if %cond3A_440 {
            %sub3A_444 = arith.constant 7680 : i32
            %sub3A_445 = arith.subi %mul3A_435, %sub3A_444 : i32
            %dma_wait3A = arith.constant 0 : i32
            %dma_wait3A_446 = tpu.memref_slice %arg5[%sub3A_445, %dma_wait3A] : memref<50000x250xf32, #tpu.memory_space<hbm>> -> memref<80x250xf32, #tpu.memory_space<hbm>>
            %dma_wait3A_447 = arith.constant 0 : i32
            %dma_wait3A_448 = tpu.memref_slice %arg5[%sub3A_445, %dma_wait3A_447] : memref<50000x250xf32, #tpu.memory_space<hbm>> -> memref<80x250xf32, #tpu.memory_space<hbm>>
            tpu.wait_dma2 semaphore(%arg18 : memref<!tpu.dma_semaphore, #tpu.memory_space<semaphore_mem>>) src(%run_scoped3A : memref<80x250xf32, #tpu.memory_space<vmem>>) dst(%dma_wait3A_448 : memref<80x250xf32, #tpu.memory_space<hbm>>)
          } else {
          }
          %dma_start3A = arith.constant 0 : i32
          %dma_start3A_441 = tpu.memref_slice %arg2[%mul3A_435, %dma_start3A] : memref<50000x250xf32, #tpu.memory_space<hbm>> -> memref<80x250xf32, #tpu.memory_space<hbm>>
          %dma_start3A_442 = arith.constant 0 : i32
          %dma_start3A_443 = tpu.memref_slice %arg2[%mul3A_435, %dma_start3A_442] : memref<50000x250xf32, #tpu.memory_space<hbm>> -> memref<80x250xf32, #tpu.memory_space<hbm>>
          tpu.enqueue_dma source(%dma_start3A_443 : memref<80x250xf32, #tpu.memory_space<hbm>>) target(%run_scoped3A : memref<80x250xf32, #tpu.memory_space<vmem>>) target_semaphore(%arg13 : memref<!tpu.dma_semaphore, #tpu.memory_space<semaphore_mem>>)
        } else {
        }
        %add3A_415 = arith.constant 2 : i32
        %add3A_416 = arith.addi %add3A_374, %add3A_415 : i32
        %mul3A_417 = arith.constant 32 : i32
        %mul3A_418 = arith.muli %add3A_416, %mul3A_417 : i32
        %add3A_419 = arith.addi %add3A, %mul3A_418 : i32
        %ge3A_420 = arith.constant 0 : i32
        %ge3A_421 = arith.cmpi sge, %add3A_419, %ge3A_420 : i32
        %lt3A_422 = arith.constant 625 : i32
        %lt3A_423 = arith.cmpi slt, %add3A_419, %lt3A_422 : i32
        %and3A_424 = arith.andi %ge3A_421, %lt3A_423 : i1
        %convert_element_type3A_425 = arith.extui %and3A_424 : i1 to i32
        %cond3A_426 = arith.constant 0 : i32
        %cond3A_427 = arith.cmpi ne, %convert_element_type3A_425, %cond3A_426 : i32
        scf.if %cond3A_427 {
          %add3A_429 = arith.constant 2 : i32
          %add3A_430 = arith.addi %add3A_374, %add3A_429 : i32
          %mul3A_431 = arith.constant 32 : i32
          %mul3A_432 = arith.muli %add3A_430, %mul3A_431 : i32
          %add3A_433 = arith.addi %add3A, %mul3A_432 : i32
          %mul3A_434 = arith.constant 80 : i32
          %mul3A_435 = arith.muli %add3A_433, %mul3A_434 : i32
          %dma_start3A = tpu.memref_slice %arg3[%mul3A_435] : memref<50000xi32, #tpu.memory_space<hbm>> -> memref<80xi32, #tpu.memory_space<hbm>>
          %dma_start3A_436 = tpu.memref_slice %arg3[%mul3A_435] : memref<50000xi32, #tpu.memory_space<hbm>> -> memref<80xi32, #tpu.memory_space<hbm>>
          tpu.enqueue_dma source(%dma_start3A_436 : memref<80xi32, #tpu.memory_space<hbm>>) target(%arg8 : memref<80xi32, #tpu.memory_space<vmem>>) target_semaphore(%arg12 : memref<!tpu.dma_semaphore, #tpu.memory_space<semaphore_mem>>)
        } else {
        }
        %scan3A_428 = arith.constant 0 : i32
        scf.yield %scan3A_428 : i32
      }
      %scan3A_42 = arith.constant 4 : i32
      %add3A_43 = arith.constant 544 : i32
      %add3A_44 = arith.addi %add3A, %add3A_43 : i32
      %mul3A_45 = arith.constant 80 : i32
      %mul3A_46 = arith.muli %add3A_44, %mul3A_45 : i32
      %add3A_47 = arith.constant 544 : i32
      %add3A_48 = arith.addi %add3A, %add3A_47 : i32
      %ge3A_49 = arith.constant 0 : i32
      %ge3A_50 = arith.cmpi sge, %add3A_48, %ge3A_49 : i32
      %lt3A_51 = arith.constant 625 : i32
      %lt3A_52 = arith.cmpi slt, %add3A_48, %lt3A_51 : i32
      %and3A_53 = arith.andi %ge3A_50, %lt3A_52 : i1
      %convert_element_type3A_54 = arith.extui %and3A_53 : i1 to i32
      %cond3A_55 = arith.constant 0 : i32
      %cond3A_56 = arith.cmpi ne, %convert_element_type3A_54, %cond3A_55 : i32
      scf.if %cond3A_56 {
        %dma_wait3A = arith.constant 0 : i32
        %dma_wait3A_85 = tpu.memref_slice %arg5[%mul3A_46, %dma_wait3A] : memref<50000x250xf32, #tpu.memory_space<hbm>> -> memref<80x250xf32, #tpu.memory_space<hbm>>
        %dma_wait3A_86 = arith.constant 0 : i32
        %dma_wait3A_87 = tpu.memref_slice %arg5[%mul3A_46, %dma_wait3A_86] : memref<50000x250xf32, #tpu.memory_space<hbm>> -> memref<80x250xf32, #tpu.memory_space<hbm>>
        tpu.wait_dma2 semaphore(%arg20 : memref<!tpu.dma_semaphore, #tpu.memory_space<semaphore_mem>>) src(%run_scoped3A_13 : memref<80x250xf32, #tpu.memory_space<vmem>>) dst(%dma_wait3A_87 : memref<80x250xf32, #tpu.memory_space<hbm>>)
      } else {
      }
      %add3A_57 = arith.constant 576 : i32
      %add3A_58 = arith.addi %add3A, %add3A_57 : i32
      %mul3A_59 = arith.constant 80 : i32
      %mul3A_60 = arith.muli %add3A_58, %mul3A_59 : i32
      %add3A_61 = arith.constant 576 : i32
      %add3A_62 = arith.addi %add3A, %add3A_61 : i32
      %ge3A_63 = arith.constant 0 : i32
      %ge3A_64 = arith.cmpi sge, %add3A_62, %ge3A_63 : i32
      %lt3A_65 = arith.constant 625 : i32
      %lt3A_66 = arith.cmpi slt, %add3A_62, %lt3A_65 : i32
      %and3A_67 = arith.andi %ge3A_64, %lt3A_66 : i1
      %convert_element_type3A_68 = arith.extui %and3A_67 : i1 to i32
      %cond3A_69 = arith.constant 0 : i32
      %cond3A_70 = arith.cmpi ne, %convert_element_type3A_68, %cond3A_69 : i32
      scf.if %cond3A_70 {
        %dma_wait3A = arith.constant 0 : i32
        %dma_wait3A_85 = tpu.memref_slice %arg5[%mul3A_60, %dma_wait3A] : memref<50000x250xf32, #tpu.memory_space<hbm>> -> memref<80x250xf32, #tpu.memory_space<hbm>>
        %dma_wait3A_86 = arith.constant 0 : i32
        %dma_wait3A_87 = tpu.memref_slice %arg5[%mul3A_60, %dma_wait3A_86] : memref<50000x250xf32, #tpu.memory_space<hbm>> -> memref<80x250xf32, #tpu.memory_space<hbm>>
        tpu.wait_dma2 semaphore(%arg18 : memref<!tpu.dma_semaphore, #tpu.memory_space<semaphore_mem>>) src(%run_scoped3A : memref<80x250xf32, #tpu.memory_space<vmem>>) dst(%dma_wait3A_87 : memref<80x250xf32, #tpu.memory_space<hbm>>)
      } else {
      }
      %add3A_71 = arith.constant 608 : i32
      %add3A_72 = arith.addi %add3A, %add3A_71 : i32
      %mul3A_73 = arith.constant 80 : i32
      %mul3A_74 = arith.muli %add3A_72, %mul3A_73 : i32
      %add3A_75 = arith.constant 608 : i32
      %add3A_76 = arith.addi %add3A, %add3A_75 : i32
      %ge3A_77 = arith.constant 0 : i32
      %ge3A_78 = arith.cmpi sge, %add3A_76, %ge3A_77 : i32
      %lt3A_79 = arith.constant 625 : i32
      %lt3A_80 = arith.cmpi slt, %add3A_76, %lt3A_79 : i32
      %and3A_81 = arith.andi %ge3A_78, %lt3A_80 : i1
      %convert_element_type3A_82 = arith.extui %and3A_81 : i1 to i32
      %cond3A_83 = arith.constant 0 : i32
      %cond3A_84 = arith.cmpi ne, %convert_element_type3A_82, %cond3A_83 : i32
      scf.if %cond3A_84 {
        %dma_wait3A = arith.constant 0 : i32
        %dma_wait3A_85 = tpu.memref_slice %arg5[%mul3A_74, %dma_wait3A] : memref<50000x250xf32, #tpu.memory_space<hbm>> -> memref<80x250xf32, #tpu.memory_space<hbm>>
        %dma_wait3A_86 = arith.constant 0 : i32
        %dma_wait3A_87 = tpu.memref_slice %arg5[%mul3A_74, %dma_wait3A_86] : memref<50000x250xf32, #tpu.memory_space<hbm>> -> memref<80x250xf32, #tpu.memory_space<hbm>>
        tpu.wait_dma2 semaphore(%arg19 : memref<!tpu.dma_semaphore, #tpu.memory_space<semaphore_mem>>) src(%run_scoped3A_12 : memref<80x250xf32, #tpu.memory_space<vmem>>) dst(%dma_wait3A_87 : memref<80x250xf32, #tpu.memory_space<hbm>>)
      } else {
      }
      tpu.yield
    }) : () -> ()
    return
  }
}

</mosaic_0001>

<sc_bundles>
// kernel: kernel.3.cloned.1.call-start
scs
__scs_entry_jumppad:
0x0: {  	(pc) =	sbr.rel $0x88, $3  }
0x1: {  	(tag) =	ssettag $0x0;
	lr =	simm.s32 $0x1  }
0x2: {  	[smem:$0x3F9E] =	sst lr;
	_ =	strace $0xD0000000  }
0x3: {  	_ = 	snop  }
0x4: {  	_ = 	snop  }
0x5: {  	_ = 	snop  }
0x6: {  	_ = 	snop  }
0x7: {  	_ = 	snop  }
__scs_overlays_trampoline_lowered:
0x8: {  	[smem:$0x3FAD] =	sst s0  }
0x9: {  	[smem:$0x3FAE] =	sst s1  }
0xa: {  	[smem:$0x3FAF] =	sst s2  }
0xb: {  	[smem:$0x3FB0] =	sst s3  }
0xc: {  	[smem:$0x3FB1] =	sst s4  }
0xd: {  	[smem:$0x3FB2] =	sst s5  }
0xe: {  	[smem:$0x3FB3] =	sst s6  }
0xf: {  	[smem:$0x3FB4] =	sst s7  }
0x10: {  	[smem:$0x3FB5] =	sst s8  }
0x11: {  	[smem:$0x3FB6] =	sst s9;
	s0 =	simm.s32 @!p0 $0x0  }
0x12: {  	s1 =	sld [smem:$0x3F9C];
	s0 =	simm.s32 @p0 $0x1  }
0x13: {  	[smem:$0x3FB7] =	sst s0;
	s0 =	simm.s32 @!p1 $0x0  }
0x14: {  	s2 =	sld [smem:$0x3F9B];
	s0 =	simm.s32 @p1 $0x1  }
0x15: {  	[smem:$0x3FB8] =	sst s0;
	s0 =	simm.s32 @!p2 $0x0  }
0x16: {  	s3 =	sld [smem:$0x3FDB];
	s0 =	simm.s32 @p2 $0x1  }
0x17: {  	s4 =	simm.s32 $0x1BF5;
	[smem:$0x3FBA] =	sst s0  }
0x18: {  	s0 =	sld [smem:$0x3F9D];
	_ =	swait.ge [sflag:s4], $0x0  }
0x19: {  	s7 =	sld [smem:$0x3F9E]  }
0x1a: {  	s8 =	sadd.s32 $0xFFFFE003, lr  }
0x1b: {  	s9 =	sadd.s32 $0xFFFFFEF7, lr;
	s5 =	simm.s32 $0xFFFFFFFF;
	p2 =	slt.u32 s8, $0xFFFFF086  }
0x1c: {  	p1 =	slt.u32 s9, $0xF7A;
	s5 =	simm.s32 @!p2 $0x0  }
0x1d: {  	s5 =	simm.s32 @p1 $0x1;
	p0 =	seq.s32 s7, s2  }
0x1e: {  	s7 =	smul.u32 @!p0 $0xF7A, s2;
	p2 =	seq.s32 @!p0 s5, $0x0  }
0x1f: {  	s9 =	smul.u32 $0xF7A, s1;
	s8 =	simm.s32 @!p0 $0x1BF5;
	p2 =	por !p2, p0  }
0x20: {  	[sflag:s8] =	ssyncset.s32 @!p0 $0xFFFFF086;
	s6 =	sadd.s32 @!p0 s3, s7;
	s7 =	simm.s32 @!p0 $0x108  }
0x21: {  	s3 =	sadd.s32 s3, s9;
	s6 =	sadd.s32 @!p0 $0x88, s6;
	s7 =	simm.s32 @p2 $0x1082  }
0x22: {  	[simem:s7], [sflag:s8] =	dma.local @!p0 [hbm:s6], $0xF7A  }
0x23: {  	s9 =	sor.u32 $0xD0000000, s2;
	s6 =	simm.s32 $0x108;
	_ =	swait.ge @!p0 [sflag:s8], $0x0  }
0x24: {  	s3 =	sadd.s32 $0x88, s3;
	s6 =	simm.s32 @!p1 $0x1082;
	[sflag:s4] =	ssyncset.s32 $0xFFFFF086  }
0x25: {  	[simem:s6], [sflag:s4] =	dma.local [hbm:s3], $0xF7A  }
0x26: {  	[smem:$0x3F9E] =	sst s1;
	(tag) =	ssettag s2;
	_ =	strace s9  }
0x27: {  	s1 =	sld [smem:$0x3FAE]  }
0x28: {  	s2 =	sld [smem:$0x3FAF]  }
0x29: {  	s4 =	sld [smem:$0x3FB1]  }
0x2a: {  	p0 =	seq.s32 s5, $0x0;
	s5 =	sld [smem:$0x3FB2]  }
0x2b: {  	s6 =	sld [smem:$0x3FB3]  }
0x2c: {  	s7 =	sld [smem:$0x3FB4]  }
0x2d: {  	s3 =	simm.s32 $0x108;
	s8 =	sld [smem:$0x3FB5]  }
0x2e: {  	s3 =	simm.s32 @!p0 $0x1082;
	s9 =	sld [smem:$0x3FB6]  }
0x2f: {  	lr =	sadd.s32 s0, s3;
	s0 =	sld [smem:$0x3FAD]  }
0x30: {  	s3 =	sld [smem:$0x3FB0]  }
0x31: {  	[smem:$0x3FB9] =	sst s10  }
0x32: {  	s10 =	sld [smem:$0x3FB7];
	_ =	sdelay $0x3  }
0x33: {  	p0 =	seq.s32 s10, $0x1;
	s10 =	sld [smem:$0x3FB9];
	_ =	sdelay $0x3  }
0x34: {  	[smem:$0x3FB9] =	sst s10  }
0x35: {  	s10 =	sld [smem:$0x3FB8];
	_ =	sdelay $0x3  }
0x36: {  	p1 =	seq.s32 s10, $0x1;
	s10 =	sld [smem:$0x3FB9];
	_ =	sdelay $0x3  }
0x37: {  	[smem:$0x3FB9] =	sst s10  }
0x38: {  	s10 =	sld [smem:$0x3FBA]  }
0x39: {  	_ = 	snop;
	(pc) =	sbr.ind lr, $3  }
0x3a: {  	_ = 	snop  }
0x3b: {  	_ = 	snop  }
0x3c: {  	p2 =	seq.s32 s10, $0x1;
	s10 =	sld [smem:$0x3FB9]  }
0x3d: {  	_ =	shalt  }
0x3e: {  	_ =	shalt  }
0x3f: {  	_ =	shalt  }
0x40: {  	_ =	shalt  }
0x41: {  	_ =	shalt  }
0x42: {  	_ =	shalt  }
0x43: {  	_ =	shalt  }
0x44: {  	_ =	shalt  }
0x45: {  	_ =	shalt  }
0x46: {  	_ =	shalt  }
0x47: {  	_ =	shalt  }
0x48: {  	_ =	shalt  }
0x49: {  	_ =	shalt  }
0x4a: {  	_ =	shalt  }
0x4b: {  	_ =	shalt  }
0x4c: {  	_ =	shalt  }
0x4d: {  	_ =	shalt  }
0x4e: {  	_ =	shalt  }
0x4f: {  	_ =	shalt  }
0x50: {  	_ =	shalt  }
0x51: {  	_ =	shalt  }
0x52: {  	_ =	shalt  }
0x53: {  	_ =	shalt  }
0x54: {  	_ =	shalt  }
0x55: {  	_ =	shalt  }
0x56: {  	_ =	shalt  }
0x57: {  	_ =	shalt  }
0x58: {  	_ =	shalt  }
0x59: {  	_ =	shalt  }
0x5a: {  	_ =	shalt  }
0x5b: {  	_ =	shalt  }
0x5c: {  	_ =	shalt  }
0x5d: {  	_ =	shalt  }
0x5e: {  	_ =	shalt  }
0x5f: {  	_ =	shalt  }
0x60: {  	_ =	shalt  }
0x61: {  	_ =	shalt  }
0x62: {  	_ =	shalt  }
0x63: {  	_ =	shalt  }
0x64: {  	_ =	shalt  }
0x65: {  	_ =	shalt  }
0x66: {  	_ =	shalt  }
0x67: {  	_ =	shalt  }
0x68: {  	_ =	shalt  }
0x69: {  	_ =	shalt  }
0x6a: {  	_ =	shalt  }
0x6b: {  	_ =	shalt  }
0x6c: {  	_ =	shalt  }
0x6d: {  	_ =	shalt  }
0x6e: {  	_ =	shalt  }
0x6f: {  	_ =	shalt  }
0x70: {  	_ =	shalt  }
0x71: {  	_ =	shalt  }
0x72: {  	_ =	shalt  }
0x73: {  	_ =	shalt  }
0x74: {  	_ =	shalt  }
0x75: {  	_ =	shalt  }
0x76: {  	_ =	shalt  }
0x77: {  	_ =	shalt  }
0x78: {  	_ =	shalt  }
0x79: {  	_ =	shalt  }
0x7a: {  	_ =	shalt  }
0x7b: {  	_ =	shalt  }
0x7c: {  	_ =	shalt  }
0x7d: {  	_ =	shalt  }
0x7e: {  	_ =	shalt  }
0x7f: {  	_ =	shalt  }
0x80: {  	_ =	shalt  }
0x81: {  	_ =	shalt  }
0x82: {  	_ =	shalt  }
0x83: {  	_ =	shalt  }
0x84: {  	_ =	shalt  }
0x85: {  	_ =	shalt  }
0x86: {  	_ =	shalt  }
0x87: {  	_ =	shalt  }
.Lfunc_end0:
.L_simem_size_0:
called_computation_lowered:
.L_overlay_start_0:
0x88: {  	s2 =	sld [smem:$0x3FD9]  }
0x89: {  	s3 =	sld [smem:$0x3FFE];
	_ =	sdelay $0x1  }
0x8a: {  	s1 =	srdreg.scid  }
0x8b: {  	s0 =	sand.u32 $0x1, s1  }
0x8c: {  	s17 =	sshll.u32 s0, $0xA;
	s2 =	sadd.s32 s3, s2  }
0x8d: {  	s2 =	sadd.s32 s2, s17  }
0x8e: {  	[smem:$0x3FC5] =	sst s2  }
0x8f: {  	_ = 	snop  }
0x90: {  	s2 =	sld [smem:$0x3FC9]  }
0x91: {  	s18 =	sld [smem:$0x3FC8]  }
0x92: {  	s4 =	sld [smem:$0x3FD0];
	(tm) =	ssettm $0x1  }
0x93: {  	s5 =	sld [smem:$0x3FFB];
	_ =	sdelay $0x3  }
0x94: {  	_ =	strace s5  }
0x95: {  	s5 =	sld [smem:$0x3FFC];
	_ =	sdelay $0x3  }
0x96: {  	_ =	strace s5  }
0x97: {  	s5 =	sld [smem:$0x3FFD];
	_ =	sdelay $0x3  }
0x98: {  	_ =	strace s5  }
0x99: {  	_ =	strace $0x8FFFFFFF  }
0x9a: {  	s19 =	sld [smem:$0x3FDB];
	_ =	sdelay $0x1  }
0x9b: {  	s6 =	simm.s32 $_scs_section_size  }
0x9c: {  	s7 =	simm.s32 $_size__tile_overlayer_lowered;
	s8 =	simm.s32 $_tile_overlayer_lowered  }
0x9d: {  	s22 =	simm.s32 $0x1BFF;
	s21 =	sshll.u32 s8, $0x1;
	s5 =	sadd.s32 s6, s19  }
0x9e: {  	s9 =	simm.s32 $0x0;
	s20 =	sshll.u32 s7, $0x1;
	s7 =	sadd.s32 s21, s5  }
0x9f: {  	[timem:s9], [sflag:s22] =	dma.local [hbm:s7], s20  }
0xa0: {  	_ =	swait.ge [sflag:s22], s20  }
0xa1: {  	s6 =	ssub.s32 $0x0, s20;
	[sflag:s22] =	ssyncset.done $0x0  }
0xa2: {  	[sflag:s22] =	ssyncadd.s32 s6;
	_ =	sdelay $0x1  }
0xa3: {  	s23 =	simm.s32 $0x1B8B  }
0xa4: {  	_ =	swait.ge [sflag:s23], $0x1  }
0xa5: {  	[sflag:s23] =	ssyncset.done $0x0  }
0xa6: {  	s25 =	simm.s32 $0x1B8E;
	s24 =	sld [smem:$0x3FFE];
	[sflag:s23] =	ssyncadd.s32 $0xFFFFFFFF  }
0xa7: {  	s26 =	simm.s32 $execute0_lowered;
	[smem:$0x3FD2] =	sst s25  }
0xa8: {  	s7 =	sshll.u32 s26, $0x1;
	_ =	strace $0x80000046;
	[dreg:$0x1] =	wrdreg $0xFFFFFFFF  }
0xa9: {  	s28 =	simm.s32 $_size_execute0_lowered;
	s5 =	sadd.s32 s5, s7;
	[dreg:$0x0] =	wrdreg $0x0  }
0xaa: {  	s7 =	sshll.u32 s28, $0x1;
	[dreg:$0x2] =	wrdreg s5  }
0xab: {  	[dreg:$0x3] =	wrdreg s7  }
0xac: {  	[dreg:$0x4] =	wrdreg $0xC0  }
0xad: {  	_ =	task [dreg:s9], $0x5FFFF  }
0xae: {  	[dreg:$0x1] =	wrdreg $0xFFFFFFFF  }
0xaf: {  	[dreg:$0x0] =	wrdreg $0x60  }
0xb0: {  	[dreg:$0x2] =	wrdreg s2  }
0xb1: {  	[dreg:$0x3] =	wrdreg s18  }
0xb2: {  	[dreg:$0x4] =	wrdreg s24  }
0xb3: {  	[dreg:$0x5] =	wrdreg s4  }
0xb4: {  	[dreg:$0x6] =	wrdreg $0x9  }
0xb5: {  	_ =	task.clear_ibuf [dreg:s9], $0x7FFFF;
	_ =	strace $0x90000046  }
0xb6: {  	s29 =	simm.s32 $0x9;
	_ =	strace $0x80000048  }
0xb7: {  	_ =	swait.ge [sflag:s29], $0x1  }
0xb8: {  	[sflag:s29] =	ssyncadd.s32 $0xFFFFFFFF  }
0xb9: {  	_ =	strace $0x90000048  }
0xba: {  	_ =	sfence  }
0xbb: {  	s30 =	sld [smem:$0x0];
	_ =	sdelay $0x2  }
0xbc: {  	s31 =	sshll.u32 s1, $0xD;
	s1 =	sshrl.u32 s1, $0x2  }
0xbd: {  	s3 =	sand.u32 $0x4000, s31;
	s1 =	sadd.s32 s1, s30  }
0xbe: {  	s0 =	sor.u32 s3, s0;
	s1 =	sshll.u32 s1, $0x11  }
0xbf: {  	s0 =	sor.u32 s1, s0  }
0xc0: {  	s0 =	sadd.s32 $0x8F2B, s0  }
0xc1: {  	[sflag:s0] =	ssyncadd.remote.s32 $0x1  }
0xc2: {  	_ =	sfence.sel $0xFFFF  }
0xc3: {  	[dreg:$0x0] =	wrdreg $0xFFFFFFFF;
	(pc) =	sbr.abs _section_cstart, $3  }
0xc4: {  	[dreg:$0x1] =	wrdreg $0xFFFFFFFF  }
0xc5: {  	_ =	task.clear_ibuf [dreg:s9], $0x2FFFF;
	_ =	strace $0x9FFFFFFF  }
0xc6: {  	(tm) =	ssettm $0x7FFFFFFF  }
0xc7: {  	_ =	shalt  }
tec
execute0_lowered:
.L_overlay_start_1:
0x0: {  	(tag) =	ssettag $0x1  }
0x1: {  	s1 =	rddreg [dreg:$0x0]  }
0x2: {  	s2 =	rddreg [dreg:$0x1]  }
0x3: {  	s0 =	srdreg.scid;
	s4 =	rddreg [dreg:$0x2]  }
0x4: {  	s3 =	stileid.u32;
	s5 =	rddreg [dreg:$0x3]  }
0x5: {  	s6 =	simm.s32 $0x0;
	s31 =	simm.s32 $0x11280;
	s13 =	simm.s32 $0x0  }
0x6: {  	s0 =	sand.u32 $0x1, s0;
	s3 =	sshll.u32 s3, $0x1;
	[smem:$0x7FF] =	sst s6  }
0x7: {  	s12 =	sor.u32 s0, s3;
	s0 =	ssub.s32 $0x2, s0;
	_ =	strace $0x80000047  }
0x8: {  	s3 =	smul.u32 $0xA, s12;
	s7 =	sor.u32 $0x20, s12;
	s22 =	sor.u32 $0xFFFFFFE0, s12  }
0x9: {  	s9 =	smul.u32 $0xA00, s12;
	s23 =	sor.u32 $0x40, s12;
	[dreg:$0x9] =	wrdreg s22  }
0xa: {  	s10 =	sshrl.u32 s0, $0x1;
	s24 =	sor.u32 $0x60, s12;
	[dreg:$0xa] =	wrdreg s23  }
0xb: {  	s25 =	sor.u32 $0x80, s12;
	s26 =	sor.u32 $0xA0, s12;
	[dreg:$0xb] =	wrdreg s24  }
0xc: {  	s28 =	sor.u32 $0xC0, s12;
	s29 =	sor.u32 $0xE0, s12;
	[dreg:$0xc] =	wrdreg s25  }
0xd: {  	s30 =	smov.u32 s12;
	s8 =	smul.u32 $0xA, s7;
	[dreg:$0xd] =	wrdreg s26  }
0xe: {  	p0 =	sgt.u32 s12, $0x10;
	s11 =	smul.u32 $0xA00, s7;
	[dreg:$0xe] =	wrdreg s28  }
0xf: {  	s7 =	sadd.s32 $0x400, s4;
	s0 =	ssub.s32 s0, s10;
	[dreg:$0xf] =	wrdreg s29  }
0x10: {  	s22 =	simm.s32 $0x280;
	s25 =	simm.s32 $0x1;
	s10 =	simm.s32 $0x7  }
0x11: {  	s24 =	simm.s32 $0x6;
	s23 =	simm.s32 $0x4;
	s3 =	sadd.s32 s2, s3  }
0x12: {  	s20 =	sadd.s32 s1, s9;
	s0 =	smax.u32 s0, $0x1;
	[dreg:$0x5] =	wrdreg s3  }
.Ltmp0:
0x13: {  	v0 =	vlaneseq.u32;
	s9 =	simm.s32 $0x5;
	[dreg:$0x7] =	wrdreg s20;
	(pc) =	sbr.rel .LBB2_1-.Ltmp0, $4  }
0x14: {  	vm0 =	vmmov $0xffff;
	vm1 =	vmmov $0x3f;
	v1 =	vor.u32 $0x10, v0;
	s19 =	sadd.s32 s2, s8;
	s21 =	sadd.s32 s1, s11;
	[dreg:$0x10] =	wrdreg s0  }
0x15: {  	v2 =	vor.u32 $0x20, v0;
	v3 =	vor.u32 $0x30, v0;
	v4 =	vor.u32 $0x40, v0;
	s3 =	simm.s32 $0x11A80;
	s0 =	simm.s32 $0x12280;
	s20 =	simm.s32 $0x12A80  }
0x16: {  	v5 =	vor.u32 $0x50, v0;
	v6 =	vor.u32 $0x60, v0;
	v8 =	vshrl.u32 v0, $0x3;
	s8 =	simm.s32 $0x13A80;
	s11 =	simm.s32 $0x3;
	[dreg:$0x6] =	wrdreg s19  }
0x17: {  	v7 =	vand.u32 $0x7, v0;
	v9 =	vor.u32 $0x8, v0;
	v8 =	vmul.u32 $0x8, v8;
	[dreg:$0x8] =	wrdreg s21;
	s21 =	simm.s32 $0x13280;
	s19 =	simm.s32 $0x2  }
.LBB2_37:
0x18: {  	s4 =	simm.s32 $0xA  }
0x19: {  	_ =	swait.ge [sflag:s4], $0x5000  }
0x1a: {  	[sflag:s4] =	ssyncset.done $0x0  }
0x1b: {  	s29 =	simm.s32 $0x8;
	[sflag:s4] =	ssyncadd.s32 $0xFFFFB000  }
0x1c: {  	_ =	swait.ge [sflag:s29], $0x5000  }
0x1d: {  	[sflag:s29] =	ssyncset.done $0x0  }
0x1e: {  	s4 =	simm.s32 @!p0 $0x9;
	[sflag:s29] =	ssyncadd.s32 $0xFFFFB000  }
0x1f: {  	_ =	swait.ge @!p0 [sflag:s4], $0x5000  }
0x20: {  	s13 =	rddreg [dreg:$0x11]  }
0x21: {  	s12 =	rddreg [dreg:$0x10];
	s13 =	sadd.s32 $0x1, s13  }
0x22: {  	p1 =	sne.s32 s13, s12  }
.Ltmp1:
0x23: {  	_ = 	snop;
	(pc) =	sbr.rel @!p1 .LBB2_38-.Ltmp1, $3  }
0x24: {  	_ =	sdelay $0x1  }
0x25: {  	[sflag:s4] =	ssyncset.done @!p0 $0x0  }
0x26: {  	[sflag:s4] =	ssyncadd.s32 @!p0 $0xFFFFB000  }
.LBB2_1:
0x27: {  	v10 =	vimm.s32 $0x0;
	v11 =	vimm.s32 $0xC350  }
0x28: {  	v12 =	vadd.s32 v10, v11  }
0x29: {  	s4 =	rddreg [dreg:$0x5];
	s12 =	simm.s32 $0x80;
	v13 =	vshrl.u32 v12, $0x1F  }
0x2a: {  	[tilespmem:s12], [sflag:$0x1] =	stream.linear.gather [hbm4b:s4+s6], $0x50, $0x38;
	v12 =	vadd.s32 v13, v12;
	[tilespmem:$0x19280] =	vst v63  }
0x2b: {  	s26 =	rddreg [dreg:$0x6];
	s28 =	simm.s32 $0x100;
	v27 =	vshra.s32 v12, $0x1  }
0x2c: {  	[tilespmem:s28], [sflag:$0x2] =	stream.linear.gather [hbm4b:s26+s6], $0x50, $0x38;
	vm2 =	vlt.s32 v27, $0xC34F;
	[tilespmem:$0x19280] =	vst v63  }
0x2d: {  	[dreg:$0x11] =	wrdreg s13;
	s29 =	simm.s32 $0xB;
	v37 =	vnsel vm2, $0xC34F, v27  }
0x2e: {  	[tilespmem:s22], [sflag:$0xB] =	stream.linear.gather [hbm4b:s2+s6], $0xC380, $0x38;
	[tilespmem:$0x19280] =	vst v63  }
0x2f: {  	_ =	swait.ge [sflag:s29], $0xC380  }
0x30: {  	v14 =	vimm.s32 $0x0;
	v17 =	vimm.s32 $0xC350;
	v18 =	vimm.s32 $0xC350;
	[sflag:s29] =	ssyncset.done $0x0  }
0x31: {  	v19 =	vimm.s32 $0xC350;
	v21 =	vimm.s32 $0xC350;
	v15 =	vimm.s32 $0x0;
	[sflag:s29] =	ssyncadd.s32 $0xFFFF3C80  }
0x32: {  	v22 =	vimm.s32 $0xC350;
	v20 =	vimm.s32 $0x0;
	vm4 =	vlt.s32 v10, v11;
	v12 =	vld.idx.msk [tilespmem:v37+s22+$0x0], $0xffff  }
0x33: {  	v23 =	vimm.s32 $0xC350;
	v16 =	vimm.s32 $0x0;
	vm7 =	vmmov vm4;
	v36 =	vld.idx.msk [tilespmem:v37+s22+$0x0], $0xffff  }
0x34: {  	vm6 =	vmmov vm4;
	v13 =	vimm.s32 $0x0;
	v26 =	vadd.s32 $0x1, v27  }
0x35: {  	v25 =	vadd.s32 $0x1, v27;
	v24 =	vadd.s32 $0x1, v27;
	v38 =	vadd.s32 $0x1, v27  }
0x36: {  	v29 =	vadd.s32 $0x1, v27;
	v30 =	vadd.s32 $0x1, v27;
	v43 =	vadd.s32 $0x1, v27;
	v34 =	vmovc v27;
	v32 =	vmovc v27;
	v39 =	vld.idx.msk [tilespmem:v37+s22+$0x0], $0xffff  }
0x37: {  	vm2 =	vlt.s32 v10, v11;
	v40 =	vld.idx.msk [tilespmem:v37+s22+$0x0], $0xffff;
	vm3 =	vge.s32 v12, v0;
	vm5 =	vlt.s32 v12, v0  }
0x38: {  	v28 =	vmovc v27;
	v31 =	vmovc v27;
	v41 =	vld.idx.msk [tilespmem:v37+s22+$0x0], $0xffff;
	vm8 =	vge.s32 v36, v1;
	v12 =	vimm.s32 $0x0;
	vm9 =	vmand vm4, vm5  }
0x39: {  	s12 =	simm.s32 $0xF;
	v33 =	vmovc v27;
	v35 =	vmovc v27;
	v42 =	vld.idx.msk [tilespmem:v37+s22+$0x0], $0xffff;
	vm10 =	vmand vm4, vm3;
	vm5 =	vmmov vm4;
	vm3 =	vmmov vm4  }
.LBB2_2:
0x3a: {  	p1 =	sne.s32 s12, $0x1;
	s12 =	sadd.s32 $0xFFFFFFFF, s12;
	v10 =	vsel vm9, v43, v10;
	v11 =	vsel vm10, v27, v11;
	vm9 =	vlt.s32 v36, v1;
	v27 =	vld.idx.msk [tilespmem:v37+s22+$0x0], $0xffff  }
0x3b: {  	vm10 =	vge.s32 v39, v3;
	vm11 =	vlt.s32 v39, v3;
	vm9 =	vmand vm2, vm9  }
0x3c: {  	vm12 =	vge.s32 v40, v2;
	v14 =	vsel vm9, v38, v14;
	vm9 =	vmand vm4, vm11  }
0x3d: {  	vm2 =	vmand vm2, vm8;
	vm8 =	vlt.s32 v40, v2;
	vm11 =	vmand vm7, vm12  }
0x3e: {  	vm12 =	vge.s32 v41, v4;
	vm13 =	vlt.s32 v41, v4;
	vm14 =	vlt.s32 v42, v5  }
0x3f: {  	vm13 =	vmand vm6, vm13;
	vm6 =	vmand vm6, vm12;
	vm12 =	vge.s32 v42, v5  }
0x40: {  	v17 =	vsel vm11, v34, v17;
	v18 =	vsel vm6, v32, v18;
	vm6 =	vmand vm5, vm14  }
0x41: {  	vm7 =	vmand vm7, vm8;
	vm4 =	vmand vm4, vm10;
	v12 =	vsel vm13, v30, v12  }
0x42: {  	v19 =	vsel vm2, v28, v19;
	v21 =	vsel vm4, v31, v21;
	vm2 =	vge.s32 v27, v6  }
0x43: {  	v15 =	vsel vm7, v29, v15;
	vm4 =	vmand vm5, vm12;
	vm2 =	vmand vm3, vm2  }
0x44: {  	v13 =	vsel vm6, v25, v13;
	v22 =	vsel vm4, v33, v22;
	vm4 =	vlt.s32 v27, v6  }
0x45: {  	v20 =	vsel vm9, v26, v20;
	vm3 =	vmand vm3, vm4;
	v23 =	vsel vm2, v35, v23  }
0x46: {  	vm2 =	vlt.s32 v14, v19;
	v16 =	vsel vm3, v24, v16  }
0x47: {  	v25 =	vadd.s32 v20, v21;
	v24 =	vadd.s32 v10, v11;
	v26 =	vadd.s32 v16, v23  }
0x48: {  	v29 =	vadd.s32 v12, v18;
	v30 =	vadd.s32 v13, v22;
	v27 =	vshrl.u32 v24, $0x1F  }
0x49: {  	v28 =	vadd.s32 v14, v19;
	v31 =	vadd.s32 v15, v17;
	v35 =	vshrl.u32 v26, $0x1F  }
0x4a: {  	v32 =	vshrl.u32 v28, $0x1F;
	v33 =	vshrl.u32 v29, $0x1F;
	v36 =	vshrl.u32 v30, $0x1F  }
0x4b: {  	v28 =	vadd.s32 v32, v28;
	v32 =	vshrl.u32 v25, $0x1F;
	v24 =	vadd.s32 v27, v24  }
0x4c: {  	v28 =	vshra.s32 v28, $0x1;
	v27 =	vshra.s32 v24, $0x1;
	v24 =	vshrl.u32 v31, $0x1F  }
0x4d: {  	vm4 =	vlt.s32 v28, $0xC34F;
	v25 =	vadd.s32 v32, v25;
	vm3 =	vlt.s32 v27, $0xC34F  }
0x4e: {  	v29 =	vadd.s32 v33, v29;
	v38 =	vnsel vm4, $0xC34F, v28;
	v37 =	vnsel vm3, $0xC34F, v27  }
0x4f: {  	v32 =	vshra.s32 v29, $0x1;
	v24 =	vadd.s32 v24, v31;
	v31 =	vshra.s32 v25, $0x1  }
0x50: {  	vm4 =	vlt.s32 v32, $0xC34F;
	v34 =	vshra.s32 v24, $0x1;
	vm3 =	vlt.s32 v31, $0xC34F  }
0x51: {  	v25 =	vadd.s32 v36, v30;
	vm5 =	vlt.s32 v34, $0xC34F;
	v24 =	vnsel vm3, $0xC34F, v31  }
0x52: {  	v30 =	vnsel vm4, $0xC34F, v32;
	v33 =	vshra.s32 v25, $0x1;
	v29 =	vnsel vm5, $0xC34F, v34  }
0x53: {  	vm8 =	vlt.s32 v10, v11;
	v25 =	vadd.s32 v35, v26;
	vm3 =	vlt.s32 v33, $0xC34F;
	v42 =	vld.idx.msk [tilespmem:v37+s22+$0x0], $0xffff  }
0x54: {  	v35 =	vshra.s32 v25, $0x1;
	v44 =	vnsel vm3, $0xC34F, v33;
	vm3 =	vlt.s32 v16, v23;
	v36 =	vld.idx.msk [tilespmem:v38+s22+$0x0], $0xffff  }
0x55: {  	vm6 =	vlt.s32 v12, v18;
	vm5 =	vlt.s32 v13, v22;
	vm9 =	vlt.s32 v35, $0xC34F  }
.Ltmp2:
0x56: {  	vm7 =	vlt.s32 v15, v17;
	vm4 =	vlt.s32 v20, v21;
	v37 =	vnsel vm9, $0xC34F, v35;
	v39 =	vld.idx.msk [tilespmem:v24+s22+$0x0], $0xffff;
	(pc) =	sbr.rel @p1 .LBB2_2-.Ltmp2, $4  }
0x57: {  	v26 =	vadd.s32 $0x1, v31;
	v25 =	vadd.s32 $0x1, v33;
	v24 =	vadd.s32 $0x1, v35;
	v40 =	vld.idx.msk [tilespmem:v29+s22+$0x0], $0xffff  }
0x58: {  	v38 =	vadd.s32 $0x1, v28;
	v29 =	vadd.s32 $0x1, v34;
	v41 =	vld.idx.msk [tilespmem:v30+s22+$0x0], $0xffff;
	v30 =	vadd.s32 $0x1, v32  }
0x59: {  	v43 =	vadd.s32 $0x1, v27;
	vm10 =	vge.s32 v42, v0;
	vm9 =	vlt.s32 v42, v0;
	v42 =	vld.idx.msk [tilespmem:v44+s22+$0x0], $0xffff  }
0x5a: {  	vm9 =	vmand vm8, vm9;
	vm10 =	vmand vm8, vm10;
	vm8 =	vge.s32 v36, v1  }
0x5b: {  	_ =	sdelay $0x3  }
0x5c: {  	vm8 =	vlt.s32 v36, v1;
	v11 =	vld.idx.msk [tilespmem:v37+s22+$0x0], $0xffff  }
0x5d: {  	v10 =	vsel vm9, v43, v10;
	vm13 =	vlt.s32 v39, v3;
	vm2 =	vmand vm2, vm8  }
0x5e: {  	vm12 =	vlt.s32 v40, v2;
	[tilespmem:$0x0] =	vst v10;
	vm4 =	vmand vm4, vm13;
	v14 =	vsel vm2, v38, v14  }
0x5f: {  	vm2 =	vmand vm7, vm12;
	vm14 =	vlt.s32 v41, v4;
	v63 =	vsel vm4, v26, v20;
	[tilespmem:$0x10] =	vst v14  }
0x60: {  	v10 =	vsel vm2, v29, v15;
	vm2 =	vlt.s32 v42, v5;
	vm6 =	vmand vm6, vm14;
	[tilespmem:$0x30] =	vst v63  }
0x61: {  	[tilespmem:$0x20] =	vst v10;
	vm2 =	vmand vm5, vm2;
	v10 =	vsel vm6, v30, v12;
	vm15 =	vlt.s32 v11, v6  }
0x62: {  	v11 =	vsel vm2, v25, v13;
	[tilespmem:$0x40] =	vst v10;
	vm2 =	vmand vm3, vm15  }
.Ltmp3:
0x63: {  	[tilespmem:$0x50] =	vst v11;
	v10 =	vsel vm2, v24, v16;
	(pc) =	sbr.rel .LBB2_4-.Ltmp3, $4  }
0x64: {  	s12 =	simm.s32 $0x0;
	s4 =	rddreg [dreg:$0x7];
	[tilespmem:$0x60] =	vst v10  }
0x65: {  	[tilespmem:s22], [sflag:$0x3] =	stream.linear.gather [hbm4b:s4+s12], $0x5000, $0x38;
	[tilespmem:$0x19280] =	vst v63  }
0x66: {  	s29 =	rddreg [dreg:$0x8];
	s13 =	simm.s32 $0x5280  }
0x67: {  	[tilespmem:s13], [sflag:$0x4] =	stream.linear.gather [hbm4b:s29+s12], $0x5000, $0x38;
	[tilespmem:$0x19280] =	vst v63  }
.LBB2_36:
0x68: {  	s4 =	simm.s32 @!p1 $0x8  }
0x69: {  	_ =	swait.ge @!p1 [sflag:s4], $0x5000  }
0x6a: {  	s14 =	smul.u32 @!p1 $0xA00, s14;
	[sflag:s4] =	ssyncset.done @!p1 $0x0;
	s15 =	rddreg [dreg:$0xf]  }
0x6b: {  	s12 =	sadd.s32 $0x1, s12;
	s13 =	sadd.s32 s15, s13;
	[sflag:s4] =	ssyncadd.s32 @!p1 $0xFFFFB000  }
0x6c: {  	s4 =	sadd.s32 @!p1 s1, s14;
	s14 =	simm.s32 @!p1 $0x0;
	s15 =	simm.s32 @!p1 $0x280  }
0x6d: {  	[tilespmem:s15], [sflag:$0x3] =	stream.linear.gather @!p1 [hbm4b:s4+s14], $0x5000, $0x38;
	[tilespmem:$0x19280] =	vst v63  }
0x6e: {  	p1 =	sne.s32 s12, $0x4  }
.Ltmp4:
0x6f: {  	p2 =	sgt.u32 s13, $0x270;
	(pc) =	sbr.rel @!p1 .LBB2_37-.Ltmp4, $3  }
0x70: {  	s13 =	smul.u32 @!p2 $0xA, s13;
	_ =	sdelay $0x1  }
0x71: {  	s14 =	simm.s32 @!p2 $0x100;
	s4 =	sadd.s32 @!p2 s2, s13;
	s13 =	simm.s32 @!p2 $0x0  }
0x72: {  	[tilespmem:s14], [sflag:$0x2] =	stream.linear.gather @!p2 [hbm4b:s4+s13], $0x50, $0x38;
	[tilespmem:$0x19280] =	vst v63  }
.LBB2_4:
0x73: {  	_ =	swait.ge [sflag:s25], $0x50  }
0x74: {  	[sflag:s25] =	ssyncset.done $0x0  }
0x75: {  	[sflag:s25] =	ssyncadd.s32 $0xFFFFFFB0  }
0x76: {  	v10 =	vld [tilespmem:$0x80];
	_ =	sdelay $0x6  }
0x77: {  	s13 =	smul.u32 $0xC0, s12  }
0x78: {  	v10 =	vld.idx.msk [tilespmem:v10+s6+$0x0], $0xffff  }
0x79: {  	s14 =	sor.u32 s30, s13  }
0x7a: {  	s4 =	smul.u32 $0x50, s14;
	v11 =	vld [tilespmem:$0x90];
	_ =	sdelay $0x1  }
0x7b: {  	v12 =	vor.u32 s4, v0  }
0x7c: {  	v10 =	vsub.s32 v12, v10  }
0x7d: {  	vm2 =	vgt.s32 v10, $0x0  }
0x7e: {  	v10 =	vnsel vm2, $0x0, v10  }
0x7f: {  	v10 =	vmin.u32 v10, $0x3E7  }
0x80: {  	[tilespmem:$0x180] =	vst v10  }
0x81: {  	v11 =	vld.idx.msk [tilespmem:v11+s6+$0x0], $0xffff;
	_ =	sdelay $0x1  }
0x82: {  	v57 =	vld [tilespmem:$0xA0]  }
0x83: {  	s15 =	sadd.s32 $0x10, s4  }
0x84: {  	v13 =	vor.u32 s15, v0  }
0x85: {  	v11 =	vsub.s32 v13, v11  }
0x86: {  	vm2 =	vgt.s32 v11, $0x0  }
0x87: {  	v11 =	vnsel vm2, $0x0, v11  }
0x88: {  	v11 =	vmin.u32 v11, $0x3E7  }
0x89: {  	[tilespmem:$0x190] =	vst v11  }
0x8a: {  	v11 =	vld.idx.msk [tilespmem:v57+s6+$0x0], $0xffff;
	_ =	sdelay $0x1  }
0x8b: {  	v58 =	vld [tilespmem:$0xB0]  }
0x8c: {  	s29 =	sadd.s32 $0x20, s4  }
0x8d: {  	v59 =	vor.u32 s29, v0  }
0x8e: {  	v11 =	vsub.s32 v59, v11  }
0x8f: {  	vm2 =	vgt.s32 v11, $0x0  }
0x90: {  	v11 =	vnsel vm2, $0x0, v11  }
0x91: {  	v11 =	vmin.u32 v11, $0x3E7  }
0x92: {  	[tilespmem:$0x1A0] =	vst v11  }
0x93: {  	v11 =	vld.idx.msk [tilespmem:v58+s6+$0x0], $0xffff;
	_ =	sdelay $0x1  }
0x94: {  	v60 =	vld [tilespmem:$0xC0]  }
0x95: {  	s16 =	sadd.s32 $0x30, s4  }
0x96: {  	v61 =	vor.u32 s16, v0  }
0x97: {  	v11 =	vsub.s32 v61, v11  }
0x98: {  	vm2 =	vgt.s32 v11, $0x0  }
0x99: {  	v11 =	vnsel vm2, $0x0, v11  }
0x9a: {  	v11 =	vmin.u32 v11, $0x3E7  }
0x9b: {  	[tilespmem:$0x1B0] =	vst v11  }
0x9c: {  	v62 =	vshll.u32 v10, $0x1;
	v11 =	vld.idx.msk [tilespmem:v60+s6+$0x0], $0xffff  }
0x9d: {  	v10 =	vand.u32 $0x7, v10;
	v12 =	vand.u32 $0x7F0, v62  }
0x9e: {  	v10 =	vor.u32 v10, v12  }
0x9f: {  	s4 =	sadd.s32 $0x40, s4;
	v12 =	vperm.xlane v10, v7  }
0xa0: {  	v63 =	vor.u32 s4, v0  }
0xa1: {  	v10 =	vperm.xlane v10, v9;
	v12 =	vadd.s32 v8, v12;
	v11 =	vsub.s32 v63, v11  }
0xa2: {  	vm2 =	vgt.s32 v11, $0x0  }
0xa3: {  	v10 =	vadd.s32 v8, v10;
	v11 =	vnsel vm2, $0x0, v11  }
0xa4: {  	v11 =	vmin.u32 v11, $0x3E7  }
0xa5: {  	s17 =	simm.s32 $0xF280;
	[tilespmem:$0x1C0] =	vst v11  }
0xa6: {  	[tilespmem:s17], [sflag:$0x6] =	stream.indirect_vreg.gather [hbm4b:s7+s6], $0x80, v12, vm0, $0xb8;
	[tilespmem:$0x19280] =	vst v63  }
0xa7: {  	s18 =	simm.s32 $0xFA80  }
0xa8: {  	[tilespmem:s18], [sflag:$0x6] =	stream.indirect_vreg.gather [hbm4b:s7+s6], $0x80, v10, vm0, $0xb8;
	[tilespmem:$0x19280] =	vst v63  }
0xa9: {  	v10 =	vld [tilespmem:$0x190];
	_ =	sdelay $0x4  }
0xaa: {  	v11 =	vshll.u32 v10, $0x1  }
0xab: {  	v10 =	vand.u32 $0x7, v10;
	v11 =	vand.u32 $0xFFFFFFF0, v11  }
0xac: {  	v10 =	vor.u32 v10, v11  }
0xad: {  	v11 =	vperm.xlane v10, v7;
	_ =	sdelay $0x1  }
0xae: {  	v10 =	vperm.xlane v10, v9;
	v11 =	vadd.s32 v8, v11;
	_ =	sdelay $0x1  }
0xaf: {  	v10 =	vadd.s32 v8, v10;
	_ =	sdelay $0x1  }
0xb0: {  	s26 =	simm.s32 $0x10280  }
0xb1: {  	[tilespmem:s26], [sflag:$0x6] =	stream.indirect_vreg.gather [hbm4b:s7+s6], $0x80, v11, vm0, $0xb8;
	[tilespmem:$0x19280] =	vst v63  }
0xb2: {  	s28 =	simm.s32 $0x10A80  }
0xb3: {  	[tilespmem:s28], [sflag:$0x6] =	stream.indirect_vreg.gather [hbm4b:s7+s6], $0x80, v10, vm0, $0xb8;
	[tilespmem:$0x19280] =	vst v63  }
0xb4: {  	v10 =	vld [tilespmem:$0x1A0];
	_ =	sdelay $0x4  }
0xb5: {  	v11 =	vshll.u32 v10, $0x1  }
0xb6: {  	v10 =	vand.u32 $0x7, v10;
	v11 =	vand.u32 $0xFFFFFFF0, v11  }
0xb7: {  	v10 =	vor.u32 v10, v11  }
0xb8: {  	v11 =	vperm.xlane v10, v7;
	_ =	sdelay $0x1  }
0xb9: {  	v10 =	vperm.xlane v10, v9;
	v11 =	vadd.s32 v8, v11;
	_ =	sdelay $0x1  }
0xba: {  	v10 =	vadd.s32 v8, v10;
	_ =	sdelay $0x2  }
0xbb: {  	[tilespmem:s31], [sflag:$0x6] =	stream.indirect_vreg.gather [hbm4b:s7+s6], $0x80, v11, vm0, $0xb8;
	[tilespmem:$0x19280] =	vst v63  }
0xbc: {  	_ = 	snop  }
0xbd: {  	[tilespmem:s3], [sflag:$0x6] =	stream.indirect_vreg.gather [hbm4b:s7+s6], $0x80, v10, vm0, $0xb8;
	[tilespmem:$0x19280] =	vst v63  }
0xbe: {  	v10 =	vld [tilespmem:$0x1B0];
	_ =	sdelay $0x4  }
0xbf: {  	v11 =	vshll.u32 v10, $0x1  }
0xc0: {  	v10 =	vand.u32 $0x7, v10;
	v11 =	vand.u32 $0xFFFFFFF0, v11  }
0xc1: {  	v10 =	vor.u32 v10, v11  }
0xc2: {  	v11 =	vperm.xlane v10, v7;
	_ =	sdelay $0x1  }
0xc3: {  	v10 =	vperm.xlane v10, v9;
	v11 =	vadd.s32 v8, v11;
	_ =	sdelay $0x1  }
0xc4: {  	v10 =	vadd.s32 v8, v10;
	_ =	sdelay $0x2  }
0xc5: {  	[tilespmem:s0], [sflag:$0x6] =	stream.indirect_vreg.gather [hbm4b:s7+s6], $0x80, v11, vm0, $0xb8;
	[tilespmem:$0x19280] =	vst v63  }
0xc6: {  	_ = 	snop  }
0xc7: {  	[tilespmem:s20], [sflag:$0x6] =	stream.indirect_vreg.gather [hbm4b:s7+s6], $0x80, v10, vm0, $0xb8;
	[tilespmem:$0x19280] =	vst v63  }
0xc8: {  	v10 =	vld [tilespmem:$0x1C0];
	_ =	sdelay $0x4  }
0xc9: {  	v11 =	vshll.u32 v10, $0x1  }
0xca: {  	v10 =	vand.u32 $0x7, v10;
	v11 =	vand.u32 $0xFFFFFFF0, v11  }
0xcb: {  	v10 =	vor.u32 v10, v11  }
0xcc: {  	v11 =	vperm.xlane v10, v7;
	_ =	sdelay $0x1  }
0xcd: {  	s29 =	rddreg [dreg:$0x9];
	v10 =	vperm.xlane v10, v9;
	v11 =	vadd.s32 v8, v11  }
0xce: {  	s15 =	sadd.s32 s29, s13  }
0xcf: {  	p1 =	sgt.u32 s15, $0x270;
	v10 =	vadd.s32 v8, v10  }
.Ltmp5:
0xd0: {  	_ = 	snop;
	(pc) =	sbr.rel @p1 .LBB2_8-.Ltmp5, $4  }
0xd1: {  	_ = 	snop  }
0xd2: {  	[tilespmem:s21], [sflag:$0x6] =	stream.indirect_vreg.gather [hbm4b:s7+s6], $0x80, v11, vm0, $0xb8;
	[tilespmem:$0x19280] =	vst v63  }
0xd3: {  	_ = 	snop  }
0xd4: {  	[tilespmem:s8], [sflag:$0x6] =	stream.indirect_vreg.gather [hbm4b:s7+s6], $0x80, v10, vm0, $0xb8;
	[tilespmem:$0x19280] =	vst v63  }
0xd5: {  	_ =	swait.ge [sflag:s9], $0x5000  }
0xd6: {  	[sflag:s9] =	ssyncset.done $0x0  }
0xd7: {  	[sflag:s9] =	ssyncadd.s32 $0xFFFFB000  }
0xd8: {  	s4 =	simm.s32 $0x0;
	_ =	swait.ge [sflag:s10], $0x5000  }
0xd9: {  	s16 =	sand.u32 $0x7800, s4;
	s4 =	sand.u32 $0x300, s4;
	[sflag:s10] =	ssyncset.done $0x0  }
0xda: {  	s16 =	sor.u32 s4, s16;
	[sflag:s10] =	ssyncadd.s32 $0xFFFFB000  }
0xdb: {  	v10 =	vld [tilespmem:s16+$0x14760]  }
0xdc: {  	v11 =	vld [tilespmem:s16+$0x146E0]  }
0xdd: {  	v12 =	vld [tilespmem:s16+$0x146EA]  }
0xde: {  	v13 =	vld [tilespmem:s16+$0x14280]  }
0xdf: {  	v14 =	vld [tilespmem:s16+$0x1476A]  }
0xe0: {  	v15 =	vld [tilespmem:s16+$0x14290]  }
0xe1: {  	v16 =	vld [tilespmem:s16+$0x142A0]  }
0xe2: {  	v17 =	vld [tilespmem:s16+$0x142B0]  }
0xe3: {  	v18 =	vld [tilespmem:s16+$0x142C0]  }
0xe4: {  	v19 =	vld [tilespmem:s16+$0x142D0]  }
0xe5: {  	v20 =	vld [tilespmem:s16+$0x142E0]  }
0xe6: {  	v21 =	vld [tilespmem:s16+$0x142F0]  }
0xe7: {  	v22 =	vld [tilespmem:s16+$0x14680]  }
0xe8: {  	v23 =	vld [tilespmem:s16+$0x14690]  }
0xe9: {  	v24 =	vld [tilespmem:s16+$0x146A0]  }
0xea: {  	v25 =	vld [tilespmem:s16+$0x146B0]  }
0xeb: {  	v26 =	vld [tilespmem:s16+$0x146C0]  }
0xec: {  	v27 =	vld [tilespmem:s16+$0x146D0]  }
0xed: {  	v28 =	vld [tilespmem:s16+$0x14300]  }
0xee: {  	v29 =	vld [tilespmem:s16+$0x14310]  }
0xef: {  	v30 =	vld [tilespmem:s16+$0x14320]  }
0xf0: {  	v31 =	vld [tilespmem:s16+$0x14330]  }
0xf1: {  	v32 =	vld [tilespmem:s16+$0x14340]  }
0xf2: {  	v33 =	vld [tilespmem:s16+$0x14350]  }
0xf3: {  	v34 =	vld [tilespmem:s16+$0x14360]  }
0xf4: {  	v35 =	vld [tilespmem:s16+$0x14370]  }
0xf5: {  	v36 =	vld [tilespmem:s16+$0x14700]  }
0xf6: {  	v37 =	vld [tilespmem:s16+$0x14710]  }
0xf7: {  	v62 =	vld [tilespmem:s16+$0x14720]  }
0xf8: {  	v63 =	vld [tilespmem:s16+$0x14730]  }
0xf9: {  	[tilespmem:s16+$0xA760] =	vst.add.f32.msk $0xffff, v10  }
0xfa: {  	[tilespmem:s16+$0xA6E0] =	vst.add.f32.msk $0xffff, v11  }
0xfb: {  	[tilespmem:s16+$0xA280] =	vst.add.f32.msk $0xffff, v13  }
0xfc: {  	[tilespmem:s16+$0xA290] =	vst.add.f32.msk $0xffff, v15  }
0xfd: {  	[tilespmem:s16+$0xA2A0] =	vst.add.f32.msk $0xffff, v16  }
0xfe: {  	[tilespmem:s16+$0xA2B0] =	vst.add.f32.msk $0xffff, v17  }
0xff: {  	[tilespmem:s16+$0xA2C0] =	vst.add.f32.msk $0xffff, v18  }
0x100: {  	[tilespmem:s16+$0xA2D0] =	vst.add.f32.msk $0xffff, v19  }
0x101: {  	[tilespmem:s16+$0xA2E0] =	vst.add.f32.msk $0xffff, v20  }
0x102: {  	[tilespmem:s16+$0xA2F0] =	vst.add.f32.msk $0xffff, v21  }
0x103: {  	[tilespmem:s16+$0xA680] =	vst.add.f32.msk $0xffff, v22  }
0x104: {  	[tilespmem:s16+$0xA690] =	vst.add.f32.msk $0xffff, v23  }
0x105: {  	[tilespmem:s16+$0xA6A0] =	vst.add.f32.msk $0xffff, v24  }
0x106: {  	[tilespmem:s16+$0xA6B0] =	vst.add.f32.msk $0xffff, v25  }
0x107: {  	[tilespmem:s16+$0xA6C0] =	vst.add.f32.msk $0xffff, v26  }
0x108: {  	[tilespmem:s16+$0xA6D0] =	vst.add.f32.msk $0xffff, v27  }
0x109: {  	[tilespmem:s16+$0xA300] =	vst.add.f32.msk $0xffff, v28  }
0x10a: {  	[tilespmem:s16+$0xA310] =	vst.add.f32.msk $0xffff, v29  }
0x10b: {  	[tilespmem:s16+$0xA320] =	vst.add.f32.msk $0xffff, v30  }
0x10c: {  	[tilespmem:s16+$0xA330] =	vst.add.f32.msk $0xffff, v31  }
0x10d: {  	v10 =	vld [tilespmem:s16+$0xA76A]  }
0x10e: {  	v11 =	vld [tilespmem:s16+$0xA6EA]  }
0x10f: {  	[tilespmem:s16+$0xA340] =	vst.add.f32.msk $0xffff, v32  }
0x110: {  	[tilespmem:s16+$0xA350] =	vst.add.f32.msk $0xffff, v33  }
0x111: {  	v14 =	vsel vm1, $0x0, v14;
	[tilespmem:s16+$0xA360] =	vst.add.f32.msk $0xffff, v34  }
0x112: {  	v12 =	vsel vm1, $0x0, v12;
	[tilespmem:s16+$0xA370] =	vst.add.f32.msk $0xffff, v35;
	v10 =	vadd.f32 v14, v10  }
0x113: {  	[tilespmem:s16+$0xA700] =	vst.add.f32.msk $0xffff, v36;
	v11 =	vadd.f32 v12, v11  }
0x114: {  	[tilespmem:s16+$0xA76A] =	vst v10;
	v10 =	vld [tilespmem:s16+$0x14740]  }
0x115: {  	[tilespmem:s16+$0xA6EA] =	vst v11;
	v11 =	vld [tilespmem:s16+$0x14750]  }
0x116: {  	[tilespmem:s16+$0xA710] =	vst.add.f32.msk $0xffff, v37  }
0x117: {  	[tilespmem:s16+$0xA720] =	vst.add.f32.msk $0xffff, v62  }
0x118: {  	s17 =	simm.s32 $0x0;
	s18 =	simm.s32 $0x100;
	s4 =	simm.s32 $0x200;
	[tilespmem:s16+$0xA730] =	vst.add.f32.msk $0xffff, v63  }
.LBB2_6:
0x119: {  	s26 =	sand.u32 $0x7800, s4;
	s28 =	sand.u32 $0x300, s18;
	s17 =	sadd.s32 $0x2, s17;
	[tilespmem:s16+$0xA740] =	vst.add.f32.msk $0xffff, v10  }
0x11a: {  	p1 =	slt.u32 s17, $0x4E;
	[tilespmem:s16+$0xA750] =	vst.add.f32.msk $0xffff, v11;
	s16 =	sor.u32 s28, s26  }
0x11b: {  	v10 =	vld [tilespmem:s16+$0x14760]  }
0x11c: {  	v11 =	vld [tilespmem:s16+$0x146E0]  }
0x11d: {  	v12 =	vld [tilespmem:s16+$0x146EA]  }
0x11e: {  	v13 =	vld [tilespmem:s16+$0x14280]  }
0x11f: {  	v14 =	vld [tilespmem:s16+$0x1476A]  }
0x120: {  	[tilespmem:s16+$0xA760] =	vst.add.f32.msk $0xffff, v10  }
0x121: {  	v10 =	vld [tilespmem:s16+$0xA76A]  }
0x122: {  	[tilespmem:s16+$0xA6E0] =	vst.add.f32.msk $0xffff, v11;
	v11 =	vsel vm1, $0x0, v12  }
0x123: {  	v12 =	vld [tilespmem:s16+$0xA6EA]  }
0x124: {  	v15 =	vld [tilespmem:s16+$0x14290]  }
0x125: {  	v14 =	vsel vm1, $0x0, v14;
	v16 =	vld [tilespmem:s16+$0x142A0]  }
0x126: {  	v17 =	vld [tilespmem:s16+$0x142B0];
	v10 =	vadd.f32 v14, v10  }
0x127: {  	v14 =	vld [tilespmem:s16+$0x142C0]  }
0x128: {  	v18 =	vld [tilespmem:s16+$0x142D0];
	v11 =	vadd.f32 v11, v12;
	[tilespmem:s16+$0xA76A] =	vst v10  }
0x129: {  	v12 =	vld [tilespmem:s16+$0x142E0]  }
0x12a: {  	v19 =	vld [tilespmem:s16+$0x142F0];
	[tilespmem:s16+$0xA6EA] =	vst v11  }
0x12b: {  	v20 =	vld [tilespmem:s16+$0x14680]  }
0x12c: {  	v21 =	vld [tilespmem:s16+$0x14690]  }
0x12d: {  	v22 =	vld [tilespmem:s16+$0x146A0]  }
0x12e: {  	v23 =	vld [tilespmem:s16+$0x146B0]  }
0x12f: {  	v24 =	vld [tilespmem:s16+$0x146C0]  }
0x130: {  	v25 =	vld [tilespmem:s16+$0x146D0]  }
0x131: {  	v26 =	vld [tilespmem:s16+$0x14300]  }
0x132: {  	v27 =	vld [tilespmem:s16+$0x14310]  }
0x133: {  	v28 =	vld [tilespmem:s16+$0x14320]  }
0x134: {  	v29 =	vld [tilespmem:s16+$0x14330]  }
0x135: {  	v30 =	vld [tilespmem:s16+$0x14340]  }
0x136: {  	v31 =	vld [tilespmem:s16+$0x14350]  }
0x137: {  	v32 =	vld [tilespmem:s16+$0x14360]  }
0x138: {  	v33 =	vld [tilespmem:s16+$0x14370]  }
0x139: {  	v34 =	vld [tilespmem:s16+$0x14700]  }
0x13a: {  	v35 =	vld [tilespmem:s16+$0x14710]  }
0x13b: {  	v36 =	vld [tilespmem:s16+$0x14720]  }
0x13c: {  	v37 =	vld [tilespmem:s16+$0x14730]  }
0x13d: {  	v10 =	vld [tilespmem:s16+$0x14740]  }
0x13e: {  	v11 =	vld [tilespmem:s16+$0x14750]  }
0x13f: {  	[tilespmem:s16+$0xA280] =	vst.add.f32.msk $0xffff, v13  }
0x140: {  	[tilespmem:s16+$0xA290] =	vst.add.f32.msk $0xffff, v15  }
0x141: {  	[tilespmem:s16+$0xA2A0] =	vst.add.f32.msk $0xffff, v16  }
0x142: {  	[tilespmem:s16+$0xA2B0] =	vst.add.f32.msk $0xffff, v17  }
0x143: {  	[tilespmem:s16+$0xA2C0] =	vst.add.f32.msk $0xffff, v14  }
0x144: {  	[tilespmem:s16+$0xA2D0] =	vst.add.f32.msk $0xffff, v18  }
0x145: {  	[tilespmem:s16+$0xA2E0] =	vst.add.f32.msk $0xffff, v12  }
0x146: {  	[tilespmem:s16+$0xA2F0] =	vst.add.f32.msk $0xffff, v19  }
0x147: {  	[tilespmem:s16+$0xA680] =	vst.add.f32.msk $0xffff, v20  }
0x148: {  	[tilespmem:s16+$0xA690] =	vst.add.f32.msk $0xffff, v21  }
0x149: {  	[tilespmem:s16+$0xA6A0] =	vst.add.f32.msk $0xffff, v22  }
0x14a: {  	[tilespmem:s16+$0xA6B0] =	vst.add.f32.msk $0xffff, v23  }
0x14b: {  	[tilespmem:s16+$0xA6C0] =	vst.add.f32.msk $0xffff, v24  }
0x14c: {  	[tilespmem:s16+$0xA6D0] =	vst.add.f32.msk $0xffff, v25  }
0x14d: {  	[tilespmem:s16+$0xA300] =	vst.add.f32.msk $0xffff, v26  }
0x14e: {  	[tilespmem:s16+$0xA310] =	vst.add.f32.msk $0xffff, v27  }
0x14f: {  	[tilespmem:s16+$0xA320] =	vst.add.f32.msk $0xffff, v28  }
0x150: {  	[tilespmem:s16+$0xA330] =	vst.add.f32.msk $0xffff, v29  }
0x151: {  	[tilespmem:s16+$0xA340] =	vst.add.f32.msk $0xffff, v30  }
0x152: {  	[tilespmem:s16+$0xA350] =	vst.add.f32.msk $0xffff, v31  }
0x153: {  	[tilespmem:s16+$0xA360] =	vst.add.f32.msk $0xffff, v32  }
.Ltmp6:
0x154: {  	[tilespmem:s16+$0xA370] =	vst.add.f32.msk $0xffff, v33;
	(pc) =	sbr.rel @p1 .LBB2_6-.Ltmp6, $4  }
0x155: {  	[tilespmem:s16+$0xA700] =	vst.add.f32.msk $0xffff, v34  }
0x156: {  	[tilespmem:s16+$0xA710] =	vst.add.f32.msk $0xffff, v35  }
0x157: {  	[tilespmem:s16+$0xA720] =	vst.add.f32.msk $0xffff, v36  }
0x158: {  	s18 =	sadd.s32 $0x100, s18;
	s4 =	sadd.s32 $0x200, s4;
	[tilespmem:s16+$0xA730] =	vst.add.f32.msk $0xffff, v37  }
0x159: {  	s4 =	smul.u32 $0xA00, s15  }
0x15a: {  	[tilespmem:s16+$0xA740] =	vst.add.f32.msk $0xffff, v10  }
0x15b: {  	[tilespmem:s16+$0xA750] =	vst.add.f32.msk $0xffff, v11;
	s29 =	simm.s32 $0xA280;
	s4 =	sadd.s32 s5, s4  }
0x15c: {  	[hbm4b:s4+s6] =	stream.linear.scatter [tilespmem:s29], [sflag:$0xA], $0x5000, $0x38;
	[tilespmem:$0x19280] =	vst v63  }
.LBB2_8:
0x15d: {  	p1 =	seq.s32 s12, $0x0;
	s15 =	sor.u32 $0x20, s14  }
0x15e: {  	p2 =	sgt.u32 @!p1 s15, $0x270  }
0x15f: {  	p1 =	por p2, p1  }
0x160: {  	s4 =	simm.s32 @!p1 $0x9  }
0x161: {  	_ =	swait.ge @!p1 [sflag:s4], $0x5000  }
0x162: {  	p2 =	sgt.u32 s15, $0x270;
	s17 =	smul.u32 @!p1 $0xA00, s15;
	s16 =	rddreg [dreg:$0xa]  }
0x163: {  	s18 =	simm.s32 @!p1 $0x5280;
	[sflag:s4] =	ssyncset.done @!p1 $0x0;
	s16 =	sadd.s32 s16, s13  }
.Ltmp7:
0x164: {  	[sflag:s4] =	ssyncadd.s32 @!p1 $0xFFFFB000;
	p3 =	sgt.u32 s16, $0x270;
	(pc) =	sbr.rel @p2 .LBB2_10-.Ltmp7, $4  }
0x165: {  	s4 =	sadd.s32 @!p1 s1, s17;
	s17 =	simm.s32 @!p1 $0x0;
	s26 =	smul.u32 @!p3 $0xA, s16  }
0x166: {  	[tilespmem:s18], [sflag:$0x4] =	stream.linear.gather @!p1 [hbm4b:s4+s17], $0x5000, $0x38;
	[tilespmem:$0x19280] =	vst v63  }
0x167: {  	s17 =	simm.s32 @!p3 $0x0;
	s18 =	simm.s32 @!p3 $0x80;
	s4 =	sadd.s32 @!p3 s2, s26  }
0x168: {  	[tilespmem:s18], [sflag:$0x1] =	stream.linear.gather @!p3 [hbm4b:s4+s17], $0x50, $0x38;
	[tilespmem:$0x19280] =	vst v63  }
0x169: {  	_ =	swait.ge [sflag:s19], $0x50  }
0x16a: {  	[sflag:s19] =	ssyncset.done $0x0  }
0x16b: {  	[sflag:s19] =	ssyncadd.s32 $0xFFFFFFB0  }
0x16c: {  	v10 =	vld [tilespmem:$0x100];
	_ =	sdelay $0x7  }
0x16d: {  	v10 =	vld.idx.msk [tilespmem:v10+s6+$0x0], $0xffff;
	_ =	sdelay $0x1  }
0x16e: {  	s4 =	smul.u32 $0x50, s15;
	v11 =	vld [tilespmem:$0x110];
	_ =	sdelay $0x1  }
0x16f: {  	v12 =	vor.u32 s4, v0  }
0x170: {  	v10 =	vsub.s32 v12, v10  }
0x171: {  	vm2 =	vgt.s32 v10, $0x0  }
0x172: {  	v10 =	vnsel vm2, $0x0, v10  }
0x173: {  	v10 =	vmin.u32 v10, $0x3E7  }
0x174: {  	[tilespmem:$0x200] =	vst v10  }
0x175: {  	v11 =	vld.idx.msk [tilespmem:v11+s6+$0x0], $0xffff;
	_ =	sdelay $0x1  }
0x176: {  	v57 =	vld [tilespmem:$0x120]  }
0x177: {  	s17 =	sadd.s32 $0x10, s4  }
0x178: {  	v13 =	vor.u32 s17, v0  }
0x179: {  	v11 =	vsub.s32 v13, v11  }
0x17a: {  	vm2 =	vgt.s32 v11, $0x0  }
0x17b: {  	v11 =	vnsel vm2, $0x0, v11  }
0x17c: {  	v11 =	vmin.u32 v11, $0x3E7  }
0x17d: {  	[tilespmem:$0x210] =	vst v11  }
0x17e: {  	v11 =	vld.idx.msk [tilespmem:v57+s6+$0x0], $0xffff;
	_ =	sdelay $0x1  }
0x17f: {  	v58 =	vld [tilespmem:$0x130]  }
0x180: {  	s28 =	sadd.s32 $0x20, s4  }
0x181: {  	v59 =	vor.u32 s28, v0  }
0x182: {  	v11 =	vsub.s32 v59, v11  }
0x183: {  	vm2 =	vgt.s32 v11, $0x0  }
0x184: {  	v11 =	vnsel vm2, $0x0, v11  }
0x185: {  	v11 =	vmin.u32 v11, $0x3E7  }
0x186: {  	[tilespmem:$0x220] =	vst v11  }
0x187: {  	v11 =	vld.idx.msk [tilespmem:v58+s6+$0x0], $0xffff;
	_ =	sdelay $0x1  }
0x188: {  	v60 =	vld [tilespmem:$0x140]  }
0x189: {  	s29 =	sadd.s32 $0x30, s4  }
0x18a: {  	v61 =	vor.u32 s29, v0  }
0x18b: {  	v11 =	vsub.s32 v61, v11  }
0x18c: {  	vm2 =	vgt.s32 v11, $0x0  }
0x18d: {  	v11 =	vnsel vm2, $0x0, v11  }
0x18e: {  	v11 =	vmin.u32 v11, $0x3E7  }
0x18f: {  	[tilespmem:$0x230] =	vst v11  }
0x190: {  	v62 =	vshll.u32 v10, $0x1;
	v11 =	vld.idx.msk [tilespmem:v60+s6+$0x0], $0xffff  }
0x191: {  	v10 =	vand.u32 $0x7, v10;
	v12 =	vand.u32 $0x7F0, v62  }
0x192: {  	v10 =	vor.u32 v10, v12  }
0x193: {  	s4 =	sadd.s32 $0x40, s4;
	v12 =	vperm.xlane v10, v7  }
0x194: {  	v63 =	vor.u32 s4, v0  }
0x195: {  	v10 =	vperm.xlane v10, v9;
	v12 =	vadd.s32 v8, v12;
	v11 =	vsub.s32 v63, v11  }
0x196: {  	vm2 =	vgt.s32 v11, $0x0  }
0x197: {  	v10 =	vadd.s32 v8, v10;
	v11 =	vnsel vm2, $0x0, v11  }
0x198: {  	v11 =	vmin.u32 v11, $0x3E7  }
0x199: {  	s17 =	simm.s32 $0x14280;
	[tilespmem:$0x240] =	vst v11  }
0x19a: {  	[tilespmem:s17], [sflag:$0x7] =	stream.indirect_vreg.gather [hbm4b:s7+s6], $0x80, v12, vm0, $0xb8;
	[tilespmem:$0x19280] =	vst v63  }
0x19b: {  	s18 =	simm.s32 $0x14A80  }
0x19c: {  	[tilespmem:s18], [sflag:$0x7] =	stream.indirect_vreg.gather [hbm4b:s7+s6], $0x80, v10, vm0, $0xb8;
	[tilespmem:$0x19280] =	vst v63  }
0x19d: {  	v10 =	vld [tilespmem:$0x210];
	_ =	sdelay $0x4  }
0x19e: {  	v11 =	vshll.u32 v10, $0x1  }
0x19f: {  	v10 =	vand.u32 $0x7, v10;
	v11 =	vand.u32 $0xFFFFFFF0, v11  }
0x1a0: {  	v10 =	vor.u32 v10, v11  }
0x1a1: {  	v11 =	vperm.xlane v10, v7;
	_ =	sdelay $0x1  }
0x1a2: {  	v10 =	vperm.xlane v10, v9;
	v11 =	vadd.s32 v8, v11;
	_ =	sdelay $0x1  }
0x1a3: {  	v10 =	vadd.s32 v8, v10;
	_ =	sdelay $0x1  }
0x1a4: {  	s26 =	simm.s32 $0x15280  }
0x1a5: {  	[tilespmem:s26], [sflag:$0x7] =	stream.indirect_vreg.gather [hbm4b:s7+s6], $0x80, v11, vm0, $0xb8;
	[tilespmem:$0x19280] =	vst v63  }
0x1a6: {  	s28 =	simm.s32 $0x15A80  }
0x1a7: {  	[tilespmem:s28], [sflag:$0x7] =	stream.indirect_vreg.gather [hbm4b:s7+s6], $0x80, v10, vm0, $0xb8;
	[tilespmem:$0x19280] =	vst v63  }
0x1a8: {  	v10 =	vld [tilespmem:$0x220];
	_ =	sdelay $0x4  }
0x1a9: {  	v11 =	vshll.u32 v10, $0x1  }
0x1aa: {  	v10 =	vand.u32 $0x7, v10;
	v11 =	vand.u32 $0xFFFFFFF0, v11  }
0x1ab: {  	v10 =	vor.u32 v10, v11  }
0x1ac: {  	v11 =	vperm.xlane v10, v7;
	_ =	sdelay $0x1  }
0x1ad: {  	v10 =	vperm.xlane v10, v9;
	v11 =	vadd.s32 v8, v11;
	_ =	sdelay $0x1  }
0x1ae: {  	v10 =	vadd.s32 v8, v10;
	_ =	sdelay $0x1  }
0x1af: {  	s29 =	simm.s32 $0x16280  }
0x1b0: {  	[tilespmem:s29], [sflag:$0x7] =	stream.indirect_vreg.gather [hbm4b:s7+s6], $0x80, v11, vm0, $0xb8;
	[tilespmem:$0x19280] =	vst v63  }
0x1b1: {  	s17 =	simm.s32 $0x16A80  }
0x1b2: {  	[tilespmem:s17], [sflag:$0x7] =	stream.indirect_vreg.gather [hbm4b:s7+s6], $0x80, v10, vm0, $0xb8;
	[tilespmem:$0x19280] =	vst v63  }
0x1b3: {  	v10 =	vld [tilespmem:$0x230];
	_ =	sdelay $0x4  }
0x1b4: {  	v11 =	vshll.u32 v10, $0x1  }
0x1b5: {  	v10 =	vand.u32 $0x7, v10;
	v11 =	vand.u32 $0xFFFFFFF0, v11  }
0x1b6: {  	v10 =	vor.u32 v10, v11  }
0x1b7: {  	v11 =	vperm.xlane v10, v7;
	_ =	sdelay $0x1  }
0x1b8: {  	v10 =	vperm.xlane v10, v9;
	v11 =	vadd.s32 v8, v11;
	_ =	sdelay $0x1  }
0x1b9: {  	v10 =	vadd.s32 v8, v10;
	_ =	sdelay $0x1  }
0x1ba: {  	s18 =	simm.s32 $0x17280  }
0x1bb: {  	[tilespmem:s18], [sflag:$0x7] =	stream.indirect_vreg.gather [hbm4b:s7+s6], $0x80, v11, vm0, $0xb8;
	[tilespmem:$0x19280] =	vst v63  }
0x1bc: {  	s26 =	simm.s32 $0x17A80  }
0x1bd: {  	[tilespmem:s26], [sflag:$0x7] =	stream.indirect_vreg.gather [hbm4b:s7+s6], $0x80, v10, vm0, $0xb8;
	[tilespmem:$0x19280] =	vst v63  }
0x1be: {  	v10 =	vld [tilespmem:$0x240];
	_ =	sdelay $0x4  }
0x1bf: {  	v11 =	vshll.u32 v10, $0x1  }
0x1c0: {  	v10 =	vand.u32 $0x7, v10;
	v11 =	vand.u32 $0xFFFFFFF0, v11  }
0x1c1: {  	v10 =	vor.u32 v10, v11  }
0x1c2: {  	v11 =	vperm.xlane v10, v7;
	_ =	sdelay $0x1  }
0x1c3: {  	v10 =	vperm.xlane v10, v9;
	v11 =	vadd.s32 v8, v11;
	_ =	sdelay $0x1  }
0x1c4: {  	v10 =	vadd.s32 v8, v10;
	_ =	sdelay $0x1  }
0x1c5: {  	s28 =	simm.s32 $0x18280  }
0x1c6: {  	[tilespmem:s28], [sflag:$0x7] =	stream.indirect_vreg.gather [hbm4b:s7+s6], $0x80, v11, vm0, $0xb8;
	[tilespmem:$0x19280] =	vst v63  }
0x1c7: {  	s29 =	simm.s32 $0x18A80  }
0x1c8: {  	[tilespmem:s29], [sflag:$0x7] =	stream.indirect_vreg.gather [hbm4b:s7+s6], $0x80, v10, vm0, $0xb8;
	[tilespmem:$0x19280] =	vst v63  }
.LBB2_10:
0x1c9: {  	_ =	swait.ge [sflag:s11], $0x5000  }
0x1ca: {  	[sflag:s11] =	ssyncset.done $0x0  }
0x1cb: {  	[sflag:s11] =	ssyncadd.s32 $0xFFFFB000  }
0x1cc: {  	s4 =	simm.s32 $0x0;
	_ =	swait.ge [sflag:s24], $0x5000  }
0x1cd: {  	s17 =	sand.u32 $0x7800, s4;
	s4 =	sand.u32 $0x300, s4;
	[sflag:s24] =	ssyncset.done $0x0  }
0x1ce: {  	s17 =	sor.u32 s4, s17;
	[sflag:s24] =	ssyncadd.s32 $0xFFFFB000  }
0x1cf: {  	v10 =	vld [tilespmem:s17+$0xF760]  }
0x1d0: {  	v11 =	vld [tilespmem:s17+$0xF6E0]  }
0x1d1: {  	v12 =	vld [tilespmem:s17+$0xF6EA]  }
0x1d2: {  	v13 =	vld [tilespmem:s17+$0xF280]  }
0x1d3: {  	v14 =	vld [tilespmem:s17+$0xF76A]  }
0x1d4: {  	v15 =	vld [tilespmem:s17+$0xF290]  }
0x1d5: {  	v16 =	vld [tilespmem:s17+$0xF2A0]  }
0x1d6: {  	v17 =	vld [tilespmem:s17+$0xF2B0]  }
0x1d7: {  	v18 =	vld [tilespmem:s17+$0xF2C0]  }
0x1d8: {  	v19 =	vld [tilespmem:s17+$0xF2D0]  }
0x1d9: {  	v20 =	vld [tilespmem:s17+$0xF2E0]  }
0x1da: {  	v21 =	vld [tilespmem:s17+$0xF2F0]  }
0x1db: {  	v22 =	vld [tilespmem:s17+$0xF680]  }
0x1dc: {  	v23 =	vld [tilespmem:s17+$0xF690]  }
0x1dd: {  	v24 =	vld [tilespmem:s17+$0xF6A0]  }
0x1de: {  	v25 =	vld [tilespmem:s17+$0xF6B0]  }
0x1df: {  	v26 =	vld [tilespmem:s17+$0xF6C0]  }
0x1e0: {  	v27 =	vld [tilespmem:s17+$0xF6D0]  }
0x1e1: {  	v28 =	vld [tilespmem:s17+$0xF300]  }
0x1e2: {  	v29 =	vld [tilespmem:s17+$0xF310]  }
0x1e3: {  	v30 =	vld [tilespmem:s17+$0xF320]  }
0x1e4: {  	v31 =	vld [tilespmem:s17+$0xF330]  }
0x1e5: {  	v32 =	vld [tilespmem:s17+$0xF340]  }
0x1e6: {  	v33 =	vld [tilespmem:s17+$0xF350]  }
0x1e7: {  	v34 =	vld [tilespmem:s17+$0xF360]  }
0x1e8: {  	v35 =	vld [tilespmem:s17+$0xF370]  }
0x1e9: {  	v36 =	vld [tilespmem:s17+$0xF700]  }
0x1ea: {  	v37 =	vld [tilespmem:s17+$0xF710]  }
0x1eb: {  	v62 =	vld [tilespmem:s17+$0xF720]  }
0x1ec: {  	v63 =	vld [tilespmem:s17+$0xF730]  }
0x1ed: {  	[tilespmem:s17+$0x760] =	vst.add.f32.msk $0xffff, v10  }
0x1ee: {  	[tilespmem:s17+$0x6E0] =	vst.add.f32.msk $0xffff, v11  }
0x1ef: {  	[tilespmem:s17+$0x280] =	vst.add.f32.msk $0xffff, v13  }
0x1f0: {  	[tilespmem:s17+$0x290] =	vst.add.f32.msk $0xffff, v15  }
0x1f1: {  	[tilespmem:s17+$0x2A0] =	vst.add.f32.msk $0xffff, v16  }
0x1f2: {  	[tilespmem:s17+$0x2B0] =	vst.add.f32.msk $0xffff, v17  }
0x1f3: {  	[tilespmem:s17+$0x2C0] =	vst.add.f32.msk $0xffff, v18  }
0x1f4: {  	[tilespmem:s17+$0x2D0] =	vst.add.f32.msk $0xffff, v19  }
0x1f5: {  	[tilespmem:s17+$0x2E0] =	vst.add.f32.msk $0xffff, v20  }
0x1f6: {  	[tilespmem:s17+$0x2F0] =	vst.add.f32.msk $0xffff, v21  }
0x1f7: {  	[tilespmem:s17+$0x680] =	vst.add.f32.msk $0xffff, v22  }
0x1f8: {  	[tilespmem:s17+$0x690] =	vst.add.f32.msk $0xffff, v23  }
0x1f9: {  	[tilespmem:s17+$0x6A0] =	vst.add.f32.msk $0xffff, v24  }
0x1fa: {  	[tilespmem:s17+$0x6B0] =	vst.add.f32.msk $0xffff, v25  }
0x1fb: {  	[tilespmem:s17+$0x6C0] =	vst.add.f32.msk $0xffff, v26  }
0x1fc: {  	[tilespmem:s17+$0x6D0] =	vst.add.f32.msk $0xffff, v27  }
0x1fd: {  	[tilespmem:s17+$0x300] =	vst.add.f32.msk $0xffff, v28  }
0x1fe: {  	[tilespmem:s17+$0x310] =	vst.add.f32.msk $0xffff, v29  }
0x1ff: {  	[tilespmem:s17+$0x320] =	vst.add.f32.msk $0xffff, v30  }
0x200: {  	[tilespmem:s17+$0x330] =	vst.add.f32.msk $0xffff, v31  }
0x201: {  	v10 =	vld [tilespmem:s17+$0x76A]  }
0x202: {  	v11 =	vld [tilespmem:s17+$0x6EA]  }
0x203: {  	[tilespmem:s17+$0x340] =	vst.add.f32.msk $0xffff, v32  }
0x204: {  	[tilespmem:s17+$0x350] =	vst.add.f32.msk $0xffff, v33  }
0x205: {  	v14 =	vsel vm1, $0x0, v14;
	[tilespmem:s17+$0x360] =	vst.add.f32.msk $0xffff, v34  }
0x206: {  	v12 =	vsel vm1, $0x0, v12;
	[tilespmem:s17+$0x370] =	vst.add.f32.msk $0xffff, v35;
	v10 =	vadd.f32 v14, v10  }
0x207: {  	[tilespmem:s17+$0x700] =	vst.add.f32.msk $0xffff, v36;
	v11 =	vadd.f32 v12, v11  }
0x208: {  	[tilespmem:s17+$0x76A] =	vst v10;
	v10 =	vld [tilespmem:s17+$0xF740]  }
0x209: {  	[tilespmem:s17+$0x6EA] =	vst v11;
	v11 =	vld [tilespmem:s17+$0xF750]  }
0x20a: {  	[tilespmem:s17+$0x710] =	vst.add.f32.msk $0xffff, v37  }
0x20b: {  	[tilespmem:s17+$0x720] =	vst.add.f32.msk $0xffff, v62  }
0x20c: {  	s18 =	simm.s32 $0x0;
	s26 =	simm.s32 $0x200;
	s4 =	simm.s32 $0x100;
	[tilespmem:s17+$0x730] =	vst.add.f32.msk $0xffff, v63  }
.LBB2_11:
0x20d: {  	s28 =	sand.u32 $0x7800, s26;
	s29 =	sand.u32 $0x300, s4;
	s18 =	sadd.s32 $0x2, s18;
	[tilespmem:s17+$0x740] =	vst.add.f32.msk $0xffff, v10  }
0x20e: {  	p1 =	slt.u32 s18, $0x4E;
	[tilespmem:s17+$0x750] =	vst.add.f32.msk $0xffff, v11;
	s17 =	sor.u32 s29, s28  }
0x20f: {  	v10 =	vld [tilespmem:s17+$0xF760]  }
0x210: {  	v11 =	vld [tilespmem:s17+$0xF6E0]  }
0x211: {  	v12 =	vld [tilespmem:s17+$0xF6EA]  }
0x212: {  	v13 =	vld [tilespmem:s17+$0xF280]  }
0x213: {  	v14 =	vld [tilespmem:s17+$0xF76A]  }
0x214: {  	[tilespmem:s17+$0x760] =	vst.add.f32.msk $0xffff, v10  }
0x215: {  	v10 =	vld [tilespmem:s17+$0x76A]  }
0x216: {  	[tilespmem:s17+$0x6E0] =	vst.add.f32.msk $0xffff, v11;
	v11 =	vsel vm1, $0x0, v12  }
0x217: {  	v12 =	vld [tilespmem:s17+$0x6EA]  }
0x218: {  	v15 =	vld [tilespmem:s17+$0xF290]  }
0x219: {  	v14 =	vsel vm1, $0x0, v14;
	v16 =	vld [tilespmem:s17+$0xF2A0]  }
0x21a: {  	v17 =	vld [tilespmem:s17+$0xF2B0];
	v10 =	vadd.f32 v14, v10  }
0x21b: {  	v14 =	vld [tilespmem:s17+$0xF2C0]  }
0x21c: {  	v18 =	vld [tilespmem:s17+$0xF2D0];
	v11 =	vadd.f32 v11, v12;
	[tilespmem:s17+$0x76A] =	vst v10  }
0x21d: {  	v12 =	vld [tilespmem:s17+$0xF2E0]  }
0x21e: {  	v19 =	vld [tilespmem:s17+$0xF2F0];
	[tilespmem:s17+$0x6EA] =	vst v11  }
0x21f: {  	v20 =	vld [tilespmem:s17+$0xF680]  }
0x220: {  	v21 =	vld [tilespmem:s17+$0xF690]  }
0x221: {  	v22 =	vld [tilespmem:s17+$0xF6A0]  }
0x222: {  	v23 =	vld [tilespmem:s17+$0xF6B0]  }
0x223: {  	v24 =	vld [tilespmem:s17+$0xF6C0]  }
0x224: {  	v25 =	vld [tilespmem:s17+$0xF6D0]  }
0x225: {  	v26 =	vld [tilespmem:s17+$0xF300]  }
0x226: {  	v27 =	vld [tilespmem:s17+$0xF310]  }
0x227: {  	v28 =	vld [tilespmem:s17+$0xF320]  }
0x228: {  	v29 =	vld [tilespmem:s17+$0xF330]  }
0x229: {  	v30 =	vld [tilespmem:s17+$0xF340]  }
0x22a: {  	v31 =	vld [tilespmem:s17+$0xF350]  }
0x22b: {  	v32 =	vld [tilespmem:s17+$0xF360]  }
0x22c: {  	v33 =	vld [tilespmem:s17+$0xF370]  }
0x22d: {  	v34 =	vld [tilespmem:s17+$0xF700]  }
0x22e: {  	v35 =	vld [tilespmem:s17+$0xF710]  }
0x22f: {  	v36 =	vld [tilespmem:s17+$0xF720]  }
0x230: {  	v37 =	vld [tilespmem:s17+$0xF730]  }
0x231: {  	v10 =	vld [tilespmem:s17+$0xF740]  }
0x232: {  	v11 =	vld [tilespmem:s17+$0xF750]  }
0x233: {  	[tilespmem:s17+$0x280] =	vst.add.f32.msk $0xffff, v13  }
0x234: {  	[tilespmem:s17+$0x290] =	vst.add.f32.msk $0xffff, v15  }
0x235: {  	[tilespmem:s17+$0x2A0] =	vst.add.f32.msk $0xffff, v16  }
0x236: {  	[tilespmem:s17+$0x2B0] =	vst.add.f32.msk $0xffff, v17  }
0x237: {  	[tilespmem:s17+$0x2C0] =	vst.add.f32.msk $0xffff, v14  }
0x238: {  	[tilespmem:s17+$0x2D0] =	vst.add.f32.msk $0xffff, v18  }
0x239: {  	[tilespmem:s17+$0x2E0] =	vst.add.f32.msk $0xffff, v12  }
0x23a: {  	[tilespmem:s17+$0x2F0] =	vst.add.f32.msk $0xffff, v19  }
0x23b: {  	[tilespmem:s17+$0x680] =	vst.add.f32.msk $0xffff, v20  }
0x23c: {  	[tilespmem:s17+$0x690] =	vst.add.f32.msk $0xffff, v21  }
0x23d: {  	[tilespmem:s17+$0x6A0] =	vst.add.f32.msk $0xffff, v22  }
0x23e: {  	[tilespmem:s17+$0x6B0] =	vst.add.f32.msk $0xffff, v23  }
0x23f: {  	[tilespmem:s17+$0x6C0] =	vst.add.f32.msk $0xffff, v24  }
0x240: {  	[tilespmem:s17+$0x6D0] =	vst.add.f32.msk $0xffff, v25  }
0x241: {  	[tilespmem:s17+$0x300] =	vst.add.f32.msk $0xffff, v26  }
0x242: {  	[tilespmem:s17+$0x310] =	vst.add.f32.msk $0xffff, v27  }
0x243: {  	[tilespmem:s17+$0x320] =	vst.add.f32.msk $0xffff, v28  }
0x244: {  	[tilespmem:s17+$0x330] =	vst.add.f32.msk $0xffff, v29  }
0x245: {  	[tilespmem:s17+$0x340] =	vst.add.f32.msk $0xffff, v30  }
0x246: {  	[tilespmem:s17+$0x350] =	vst.add.f32.msk $0xffff, v31  }
0x247: {  	[tilespmem:s17+$0x360] =	vst.add.f32.msk $0xffff, v32  }
.Ltmp8:
0x248: {  	[tilespmem:s17+$0x370] =	vst.add.f32.msk $0xffff, v33;
	(pc) =	sbr.rel @p1 .LBB2_11-.Ltmp8, $4  }
0x249: {  	[tilespmem:s17+$0x700] =	vst.add.f32.msk $0xffff, v34  }
0x24a: {  	[tilespmem:s17+$0x710] =	vst.add.f32.msk $0xffff, v35  }
0x24b: {  	[tilespmem:s17+$0x720] =	vst.add.f32.msk $0xffff, v36  }
0x24c: {  	s4 =	sadd.s32 $0x100, s4;
	s26 =	sadd.s32 $0x200, s26;
	[tilespmem:s17+$0x730] =	vst.add.f32.msk $0xffff, v37  }
0x24d: {  	s4 =	smul.u32 $0xA00, s14  }
0x24e: {  	[tilespmem:s17+$0x740] =	vst.add.f32.msk $0xffff, v10;
	p1 =	seq.s32 @!p3 s12, $0x0  }
0x24f: {  	[tilespmem:s17+$0x750] =	vst.add.f32.msk $0xffff, v11;
	p1 =	por p1, p3;
	s4 =	sadd.s32 s5, s4  }
0x250: {  	[hbm4b:s4+s6] =	stream.linear.scatter [tilespmem:s22], [sflag:$0x8], $0x5000, $0x38;
	[tilespmem:$0x19280] =	vst v63  }
0x251: {  	s4 =	simm.s32 @!p1 $0xA  }
0x252: {  	_ =	swait.ge @!p1 [sflag:s4], $0x5000  }
0x253: {  	s17 =	smul.u32 @!p3 $0xA00, s16;
	s29 =	rddreg [dreg:$0xb]  }
0x254: {  	s18 =	simm.s32 @!p3 $0xA280;
	[sflag:s4] =	ssyncset.done @!p1 $0x0;
	s14 =	sadd.s32 s29, s13  }
.Ltmp9:
0x255: {  	[sflag:s4] =	ssyncadd.s32 @!p1 $0xFFFFB000;
	p1 =	sgt.u32 s14, $0x270;
	(pc) =	sbr.rel @p3 .LBB2_14-.Ltmp9, $4  }
0x256: {  	s4 =	sadd.s32 @!p3 s1, s17;
	s17 =	simm.s32 @!p3 $0x0;
	s26 =	smul.u32 @!p1 $0xA, s14  }
0x257: {  	[tilespmem:s18], [sflag:$0x5] =	stream.linear.gather @!p3 [hbm4b:s4+s17], $0x5000, $0x38;
	[tilespmem:$0x19280] =	vst v63  }
0x258: {  	s17 =	simm.s32 @!p1 $0x0;
	s18 =	simm.s32 @!p1 $0x100;
	s4 =	sadd.s32 @!p1 s2, s26  }
0x259: {  	[tilespmem:s18], [sflag:$0x2] =	stream.linear.gather @!p1 [hbm4b:s4+s17], $0x50, $0x38;
	[tilespmem:$0x19280] =	vst v63  }
0x25a: {  	_ =	swait.ge [sflag:s25], $0x50  }
0x25b: {  	[sflag:s25] =	ssyncset.done $0x0  }
0x25c: {  	[sflag:s25] =	ssyncadd.s32 $0xFFFFFFB0  }
0x25d: {  	v10 =	vld [tilespmem:$0x80];
	_ =	sdelay $0x7  }
0x25e: {  	v10 =	vld.idx.msk [tilespmem:v10+s6+$0x0], $0xffff;
	_ =	sdelay $0x1  }
0x25f: {  	s4 =	smul.u32 $0x50, s16;
	v11 =	vld [tilespmem:$0x90];
	_ =	sdelay $0x1  }
0x260: {  	v12 =	vor.u32 s4, v0  }
0x261: {  	v10 =	vsub.s32 v12, v10  }
0x262: {  	vm2 =	vgt.s32 v10, $0x0  }
0x263: {  	v10 =	vnsel vm2, $0x0, v10  }
0x264: {  	v10 =	vmin.u32 v10, $0x3E7  }
0x265: {  	[tilespmem:$0x180] =	vst v10  }
0x266: {  	v11 =	vld.idx.msk [tilespmem:v11+s6+$0x0], $0xffff;
	_ =	sdelay $0x1  }
0x267: {  	v57 =	vld [tilespmem:$0xA0]  }
0x268: {  	s17 =	sadd.s32 $0x10, s4  }
0x269: {  	v13 =	vor.u32 s17, v0  }
0x26a: {  	v11 =	vsub.s32 v13, v11  }
0x26b: {  	vm2 =	vgt.s32 v11, $0x0  }
0x26c: {  	v11 =	vnsel vm2, $0x0, v11  }
0x26d: {  	v11 =	vmin.u32 v11, $0x3E7  }
0x26e: {  	[tilespmem:$0x190] =	vst v11  }
0x26f: {  	v11 =	vld.idx.msk [tilespmem:v57+s6+$0x0], $0xffff;
	_ =	sdelay $0x1  }
0x270: {  	v58 =	vld [tilespmem:$0xB0]  }
0x271: {  	s28 =	sadd.s32 $0x20, s4  }
0x272: {  	v59 =	vor.u32 s28, v0  }
0x273: {  	v11 =	vsub.s32 v59, v11  }
0x274: {  	vm2 =	vgt.s32 v11, $0x0  }
0x275: {  	v11 =	vnsel vm2, $0x0, v11  }
0x276: {  	v11 =	vmin.u32 v11, $0x3E7  }
0x277: {  	[tilespmem:$0x1A0] =	vst v11  }
0x278: {  	v11 =	vld.idx.msk [tilespmem:v58+s6+$0x0], $0xffff;
	_ =	sdelay $0x1  }
0x279: {  	v60 =	vld [tilespmem:$0xC0]  }
0x27a: {  	s29 =	sadd.s32 $0x30, s4  }
0x27b: {  	v61 =	vor.u32 s29, v0  }
0x27c: {  	v11 =	vsub.s32 v61, v11  }
0x27d: {  	vm2 =	vgt.s32 v11, $0x0  }
0x27e: {  	v11 =	vnsel vm2, $0x0, v11  }
0x27f: {  	v11 =	vmin.u32 v11, $0x3E7  }
0x280: {  	[tilespmem:$0x1B0] =	vst v11  }
0x281: {  	v62 =	vshll.u32 v10, $0x1;
	v11 =	vld.idx.msk [tilespmem:v60+s6+$0x0], $0xffff  }
0x282: {  	v10 =	vand.u32 $0x7, v10;
	v12 =	vand.u32 $0x7F0, v62  }
0x283: {  	v10 =	vor.u32 v10, v12  }
0x284: {  	s4 =	sadd.s32 $0x40, s4;
	v12 =	vperm.xlane v10, v7  }
0x285: {  	v63 =	vor.u32 s4, v0  }
0x286: {  	v10 =	vperm.xlane v10, v9;
	v12 =	vadd.s32 v8, v12;
	v11 =	vsub.s32 v63, v11  }
0x287: {  	vm2 =	vgt.s32 v11, $0x0  }
0x288: {  	v10 =	vadd.s32 v8, v10;
	v11 =	vnsel vm2, $0x0, v11  }
0x289: {  	v11 =	vmin.u32 v11, $0x3E7  }
0x28a: {  	s18 =	simm.s32 $0xF280;
	[tilespmem:$0x1C0] =	vst v11  }
0x28b: {  	[tilespmem:s18], [sflag:$0x6] =	stream.indirect_vreg.gather [hbm4b:s7+s6], $0x80, v12, vm0, $0xb8;
	[tilespmem:$0x19280] =	vst v63  }
0x28c: {  	s26 =	simm.s32 $0xFA80  }
0x28d: {  	[tilespmem:s26], [sflag:$0x6] =	stream.indirect_vreg.gather [hbm4b:s7+s6], $0x80, v10, vm0, $0xb8;
	[tilespmem:$0x19280] =	vst v63  }
0x28e: {  	v10 =	vld [tilespmem:$0x190];
	_ =	sdelay $0x4  }
0x28f: {  	v11 =	vshll.u32 v10, $0x1  }
0x290: {  	v10 =	vand.u32 $0x7, v10;
	v11 =	vand.u32 $0xFFFFFFF0, v11  }
0x291: {  	v10 =	vor.u32 v10, v11  }
0x292: {  	v11 =	vperm.xlane v10, v7;
	_ =	sdelay $0x1  }
0x293: {  	v10 =	vperm.xlane v10, v9;
	v11 =	vadd.s32 v8, v11;
	_ =	sdelay $0x1  }
0x294: {  	v10 =	vadd.s32 v8, v10;
	_ =	sdelay $0x1  }
0x295: {  	s28 =	simm.s32 $0x10280  }
0x296: {  	[tilespmem:s28], [sflag:$0x6] =	stream.indirect_vreg.gather [hbm4b:s7+s6], $0x80, v11, vm0, $0xb8;
	[tilespmem:$0x19280] =	vst v63  }
0x297: {  	s29 =	simm.s32 $0x10A80  }
0x298: {  	[tilespmem:s29], [sflag:$0x6] =	stream.indirect_vreg.gather [hbm4b:s7+s6], $0x80, v10, vm0, $0xb8;
	[tilespmem:$0x19280] =	vst v63  }
0x299: {  	v10 =	vld [tilespmem:$0x1A0];
	_ =	sdelay $0x4  }
0x29a: {  	v11 =	vshll.u32 v10, $0x1  }
0x29b: {  	v10 =	vand.u32 $0x7, v10;
	v11 =	vand.u32 $0xFFFFFFF0, v11  }
0x29c: {  	v10 =	vor.u32 v10, v11  }
0x29d: {  	v11 =	vperm.xlane v10, v7;
	_ =	sdelay $0x1  }
0x29e: {  	v10 =	vperm.xlane v10, v9;
	v11 =	vadd.s32 v8, v11;
	_ =	sdelay $0x1  }
0x29f: {  	v10 =	vadd.s32 v8, v10;
	_ =	sdelay $0x2  }
0x2a0: {  	[tilespmem:s31], [sflag:$0x6] =	stream.indirect_vreg.gather [hbm4b:s7+s6], $0x80, v11, vm0, $0xb8;
	[tilespmem:$0x19280] =	vst v63  }
0x2a1: {  	_ = 	snop  }
0x2a2: {  	[tilespmem:s3], [sflag:$0x6] =	stream.indirect_vreg.gather [hbm4b:s7+s6], $0x80, v10, vm0, $0xb8;
	[tilespmem:$0x19280] =	vst v63  }
0x2a3: {  	v10 =	vld [tilespmem:$0x1B0];
	_ =	sdelay $0x4  }
0x2a4: {  	v11 =	vshll.u32 v10, $0x1  }
0x2a5: {  	v10 =	vand.u32 $0x7, v10;
	v11 =	vand.u32 $0xFFFFFFF0, v11  }
0x2a6: {  	v10 =	vor.u32 v10, v11  }
0x2a7: {  	v11 =	vperm.xlane v10, v7;
	_ =	sdelay $0x1  }
0x2a8: {  	v10 =	vperm.xlane v10, v9;
	v11 =	vadd.s32 v8, v11;
	_ =	sdelay $0x1  }
0x2a9: {  	v10 =	vadd.s32 v8, v10;
	_ =	sdelay $0x2  }
0x2aa: {  	[tilespmem:s0], [sflag:$0x6] =	stream.indirect_vreg.gather [hbm4b:s7+s6], $0x80, v11, vm0, $0xb8;
	[tilespmem:$0x19280] =	vst v63  }
0x2ab: {  	_ = 	snop  }
0x2ac: {  	[tilespmem:s20], [sflag:$0x6] =	stream.indirect_vreg.gather [hbm4b:s7+s6], $0x80, v10, vm0, $0xb8;
	[tilespmem:$0x19280] =	vst v63  }
0x2ad: {  	v10 =	vld [tilespmem:$0x1C0];
	_ =	sdelay $0x4  }
0x2ae: {  	v11 =	vshll.u32 v10, $0x1  }
0x2af: {  	v10 =	vand.u32 $0x7, v10;
	v11 =	vand.u32 $0xFFFFFFF0, v11  }
0x2b0: {  	v10 =	vor.u32 v10, v11  }
0x2b1: {  	v11 =	vperm.xlane v10, v7;
	_ =	sdelay $0x1  }
0x2b2: {  	v10 =	vperm.xlane v10, v9;
	v11 =	vadd.s32 v8, v11;
	_ =	sdelay $0x1  }
0x2b3: {  	v10 =	vadd.s32 v8, v10;
	_ =	sdelay $0x2  }
0x2b4: {  	[tilespmem:s21], [sflag:$0x6] =	stream.indirect_vreg.gather [hbm4b:s7+s6], $0x80, v11, vm0, $0xb8;
	[tilespmem:$0x19280] =	vst v63  }
0x2b5: {  	_ = 	snop  }
0x2b6: {  	[tilespmem:s8], [sflag:$0x6] =	stream.indirect_vreg.gather [hbm4b:s7+s6], $0x80, v10, vm0, $0xb8;
	[tilespmem:$0x19280] =	vst v63  }
.LBB2_14:
.Ltmp10:
0x2b7: {  	(pc) =	sbr.rel @p2 .LBB2_18-.Ltmp10, $1  }
0x2b8: {  	_ =	sdelay $0x3  }
0x2b9: {  	_ =	swait.ge [sflag:s23], $0x5000  }
0x2ba: {  	[sflag:s23] =	ssyncset.done $0x0  }
0x2bb: {  	[sflag:s23] =	ssyncadd.s32 $0xFFFFB000  }
0x2bc: {  	s4 =	simm.s32 $0x0;
	_ =	swait.ge [sflag:s10], $0x5000  }
0x2bd: {  	s17 =	sand.u32 $0x7800, s4;
	s4 =	sand.u32 $0x300, s4;
	[sflag:s10] =	ssyncset.done $0x0  }
0x2be: {  	s17 =	sor.u32 s4, s17;
	[sflag:s10] =	ssyncadd.s32 $0xFFFFB000  }
0x2bf: {  	v10 =	vld [tilespmem:s17+$0x14760]  }
0x2c0: {  	v11 =	vld [tilespmem:s17+$0x146E0]  }
0x2c1: {  	v12 =	vld [tilespmem:s17+$0x146EA]  }
0x2c2: {  	v13 =	vld [tilespmem:s17+$0x14280]  }
0x2c3: {  	v14 =	vld [tilespmem:s17+$0x1476A]  }
0x2c4: {  	v15 =	vld [tilespmem:s17+$0x14290]  }
0x2c5: {  	v16 =	vld [tilespmem:s17+$0x142A0]  }
0x2c6: {  	v17 =	vld [tilespmem:s17+$0x142B0]  }
0x2c7: {  	v18 =	vld [tilespmem:s17+$0x142C0]  }
0x2c8: {  	v19 =	vld [tilespmem:s17+$0x142D0]  }
0x2c9: {  	v20 =	vld [tilespmem:s17+$0x142E0]  }
0x2ca: {  	v21 =	vld [tilespmem:s17+$0x142F0]  }
0x2cb: {  	v22 =	vld [tilespmem:s17+$0x14680]  }
0x2cc: {  	v23 =	vld [tilespmem:s17+$0x14690]  }
0x2cd: {  	v24 =	vld [tilespmem:s17+$0x146A0]  }
0x2ce: {  	v25 =	vld [tilespmem:s17+$0x146B0]  }
0x2cf: {  	v26 =	vld [tilespmem:s17+$0x146C0]  }
0x2d0: {  	v27 =	vld [tilespmem:s17+$0x146D0]  }
0x2d1: {  	v28 =	vld [tilespmem:s17+$0x14300]  }
0x2d2: {  	v29 =	vld [tilespmem:s17+$0x14310]  }
0x2d3: {  	v30 =	vld [tilespmem:s17+$0x14320]  }
0x2d4: {  	v31 =	vld [tilespmem:s17+$0x14330]  }
0x2d5: {  	v32 =	vld [tilespmem:s17+$0x14340]  }
0x2d6: {  	v33 =	vld [tilespmem:s17+$0x14350]  }
0x2d7: {  	v34 =	vld [tilespmem:s17+$0x14360]  }
0x2d8: {  	v35 =	vld [tilespmem:s17+$0x14370]  }
0x2d9: {  	v36 =	vld [tilespmem:s17+$0x14700]  }
0x2da: {  	v37 =	vld [tilespmem:s17+$0x14710]  }
0x2db: {  	v62 =	vld [tilespmem:s17+$0x14720]  }
0x2dc: {  	v63 =	vld [tilespmem:s17+$0x14730]  }
0x2dd: {  	[tilespmem:s17+$0x5760] =	vst.add.f32.msk $0xffff, v10  }
0x2de: {  	[tilespmem:s17+$0x56E0] =	vst.add.f32.msk $0xffff, v11  }
0x2df: {  	[tilespmem:s17+$0x5280] =	vst.add.f32.msk $0xffff, v13  }
0x2e0: {  	[tilespmem:s17+$0x5290] =	vst.add.f32.msk $0xffff, v15  }
0x2e1: {  	[tilespmem:s17+$0x52A0] =	vst.add.f32.msk $0xffff, v16  }
0x2e2: {  	[tilespmem:s17+$0x52B0] =	vst.add.f32.msk $0xffff, v17  }
0x2e3: {  	[tilespmem:s17+$0x52C0] =	vst.add.f32.msk $0xffff, v18  }
0x2e4: {  	[tilespmem:s17+$0x52D0] =	vst.add.f32.msk $0xffff, v19  }
0x2e5: {  	[tilespmem:s17+$0x52E0] =	vst.add.f32.msk $0xffff, v20  }
0x2e6: {  	[tilespmem:s17+$0x52F0] =	vst.add.f32.msk $0xffff, v21  }
0x2e7: {  	[tilespmem:s17+$0x5680] =	vst.add.f32.msk $0xffff, v22  }
0x2e8: {  	[tilespmem:s17+$0x5690] =	vst.add.f32.msk $0xffff, v23  }
0x2e9: {  	[tilespmem:s17+$0x56A0] =	vst.add.f32.msk $0xffff, v24  }
0x2ea: {  	[tilespmem:s17+$0x56B0] =	vst.add.f32.msk $0xffff, v25  }
0x2eb: {  	[tilespmem:s17+$0x56C0] =	vst.add.f32.msk $0xffff, v26  }
0x2ec: {  	[tilespmem:s17+$0x56D0] =	vst.add.f32.msk $0xffff, v27  }
0x2ed: {  	[tilespmem:s17+$0x5300] =	vst.add.f32.msk $0xffff, v28  }
0x2ee: {  	[tilespmem:s17+$0x5310] =	vst.add.f32.msk $0xffff, v29  }
0x2ef: {  	[tilespmem:s17+$0x5320] =	vst.add.f32.msk $0xffff, v30  }
0x2f0: {  	[tilespmem:s17+$0x5330] =	vst.add.f32.msk $0xffff, v31  }
0x2f1: {  	v10 =	vld [tilespmem:s17+$0x576A]  }
0x2f2: {  	v11 =	vld [tilespmem:s17+$0x56EA]  }
0x2f3: {  	[tilespmem:s17+$0x5340] =	vst.add.f32.msk $0xffff, v32  }
0x2f4: {  	[tilespmem:s17+$0x5350] =	vst.add.f32.msk $0xffff, v33  }
0x2f5: {  	v14 =	vsel vm1, $0x0, v14;
	[tilespmem:s17+$0x5360] =	vst.add.f32.msk $0xffff, v34  }
0x2f6: {  	v12 =	vsel vm1, $0x0, v12;
	[tilespmem:s17+$0x5370] =	vst.add.f32.msk $0xffff, v35;
	v10 =	vadd.f32 v14, v10  }
0x2f7: {  	[tilespmem:s17+$0x5700] =	vst.add.f32.msk $0xffff, v36;
	v11 =	vadd.f32 v12, v11  }
0x2f8: {  	[tilespmem:s17+$0x576A] =	vst v10;
	v10 =	vld [tilespmem:s17+$0x14740]  }
0x2f9: {  	[tilespmem:s17+$0x56EA] =	vst v11;
	v11 =	vld [tilespmem:s17+$0x14750]  }
0x2fa: {  	[tilespmem:s17+$0x5710] =	vst.add.f32.msk $0xffff, v37  }
0x2fb: {  	[tilespmem:s17+$0x5720] =	vst.add.f32.msk $0xffff, v62  }
0x2fc: {  	s18 =	simm.s32 $0x0;
	s26 =	simm.s32 $0x200;
	s4 =	simm.s32 $0x100;
	[tilespmem:s17+$0x5730] =	vst.add.f32.msk $0xffff, v63  }
.LBB2_16:
0x2fd: {  	s28 =	sand.u32 $0x7800, s26;
	s29 =	sand.u32 $0x300, s4;
	s18 =	sadd.s32 $0x2, s18;
	[tilespmem:s17+$0x5740] =	vst.add.f32.msk $0xffff, v10  }
0x2fe: {  	p2 =	slt.u32 s18, $0x4E;
	[tilespmem:s17+$0x5750] =	vst.add.f32.msk $0xffff, v11;
	s17 =	sor.u32 s29, s28  }
0x2ff: {  	v10 =	vld [tilespmem:s17+$0x14760]  }
0x300: {  	v11 =	vld [tilespmem:s17+$0x146E0]  }
0x301: {  	v12 =	vld [tilespmem:s17+$0x146EA]  }
0x302: {  	v13 =	vld [tilespmem:s17+$0x14280]  }
0x303: {  	v14 =	vld [tilespmem:s17+$0x1476A]  }
0x304: {  	[tilespmem:s17+$0x5760] =	vst.add.f32.msk $0xffff, v10  }
0x305: {  	v10 =	vld [tilespmem:s17+$0x576A]  }
0x306: {  	[tilespmem:s17+$0x56E0] =	vst.add.f32.msk $0xffff, v11;
	v11 =	vsel vm1, $0x0, v12  }
0x307: {  	v12 =	vld [tilespmem:s17+$0x56EA]  }
0x308: {  	v15 =	vld [tilespmem:s17+$0x14290]  }
0x309: {  	v14 =	vsel vm1, $0x0, v14;
	v16 =	vld [tilespmem:s17+$0x142A0]  }
0x30a: {  	v17 =	vld [tilespmem:s17+$0x142B0];
	v10 =	vadd.f32 v14, v10  }
0x30b: {  	v14 =	vld [tilespmem:s17+$0x142C0]  }
0x30c: {  	v18 =	vld [tilespmem:s17+$0x142D0];
	v11 =	vadd.f32 v11, v12;
	[tilespmem:s17+$0x576A] =	vst v10  }
0x30d: {  	v12 =	vld [tilespmem:s17+$0x142E0]  }
0x30e: {  	v19 =	vld [tilespmem:s17+$0x142F0];
	[tilespmem:s17+$0x56EA] =	vst v11  }
0x30f: {  	v20 =	vld [tilespmem:s17+$0x14680]  }
0x310: {  	v21 =	vld [tilespmem:s17+$0x14690]  }
0x311: {  	v22 =	vld [tilespmem:s17+$0x146A0]  }
0x312: {  	v23 =	vld [tilespmem:s17+$0x146B0]  }
0x313: {  	v24 =	vld [tilespmem:s17+$0x146C0]  }
0x314: {  	v25 =	vld [tilespmem:s17+$0x146D0]  }
0x315: {  	v26 =	vld [tilespmem:s17+$0x14300]  }
0x316: {  	v27 =	vld [tilespmem:s17+$0x14310]  }
0x317: {  	v28 =	vld [tilespmem:s17+$0x14320]  }
0x318: {  	v29 =	vld [tilespmem:s17+$0x14330]  }
0x319: {  	v30 =	vld [tilespmem:s17+$0x14340]  }
0x31a: {  	v31 =	vld [tilespmem:s17+$0x14350]  }
0x31b: {  	v32 =	vld [tilespmem:s17+$0x14360]  }
0x31c: {  	v33 =	vld [tilespmem:s17+$0x14370]  }
0x31d: {  	v34 =	vld [tilespmem:s17+$0x14700]  }
0x31e: {  	v35 =	vld [tilespmem:s17+$0x14710]  }
0x31f: {  	v36 =	vld [tilespmem:s17+$0x14720]  }
0x320: {  	v37 =	vld [tilespmem:s17+$0x14730]  }
0x321: {  	v10 =	vld [tilespmem:s17+$0x14740]  }
0x322: {  	v11 =	vld [tilespmem:s17+$0x14750]  }
0x323: {  	[tilespmem:s17+$0x5280] =	vst.add.f32.msk $0xffff, v13  }
0x324: {  	[tilespmem:s17+$0x5290] =	vst.add.f32.msk $0xffff, v15  }
0x325: {  	[tilespmem:s17+$0x52A0] =	vst.add.f32.msk $0xffff, v16  }
0x326: {  	[tilespmem:s17+$0x52B0] =	vst.add.f32.msk $0xffff, v17  }
0x327: {  	[tilespmem:s17+$0x52C0] =	vst.add.f32.msk $0xffff, v14  }
0x328: {  	[tilespmem:s17+$0x52D0] =	vst.add.f32.msk $0xffff, v18  }
0x329: {  	[tilespmem:s17+$0x52E0] =	vst.add.f32.msk $0xffff, v12  }
0x32a: {  	[tilespmem:s17+$0x52F0] =	vst.add.f32.msk $0xffff, v19  }
0x32b: {  	[tilespmem:s17+$0x5680] =	vst.add.f32.msk $0xffff, v20  }
0x32c: {  	[tilespmem:s17+$0x5690] =	vst.add.f32.msk $0xffff, v21  }
0x32d: {  	[tilespmem:s17+$0x56A0] =	vst.add.f32.msk $0xffff, v22  }
0x32e: {  	[tilespmem:s17+$0x56B0] =	vst.add.f32.msk $0xffff, v23  }
0x32f: {  	[tilespmem:s17+$0x56C0] =	vst.add.f32.msk $0xffff, v24  }
0x330: {  	[tilespmem:s17+$0x56D0] =	vst.add.f32.msk $0xffff, v25  }
0x331: {  	[tilespmem:s17+$0x5300] =	vst.add.f32.msk $0xffff, v26  }
0x332: {  	[tilespmem:s17+$0x5310] =	vst.add.f32.msk $0xffff, v27  }
0x333: {  	[tilespmem:s17+$0x5320] =	vst.add.f32.msk $0xffff, v28  }
0x334: {  	[tilespmem:s17+$0x5330] =	vst.add.f32.msk $0xffff, v29  }
0x335: {  	[tilespmem:s17+$0x5340] =	vst.add.f32.msk $0xffff, v30  }
0x336: {  	[tilespmem:s17+$0x5350] =	vst.add.f32.msk $0xffff, v31  }
0x337: {  	[tilespmem:s17+$0x5360] =	vst.add.f32.msk $0xffff, v32  }
.Ltmp11:
0x338: {  	[tilespmem:s17+$0x5370] =	vst.add.f32.msk $0xffff, v33;
	(pc) =	sbr.rel @p2 .LBB2_16-.Ltmp11, $4  }
0x339: {  	[tilespmem:s17+$0x5700] =	vst.add.f32.msk $0xffff, v34  }
0x33a: {  	[tilespmem:s17+$0x5710] =	vst.add.f32.msk $0xffff, v35  }
0x33b: {  	[tilespmem:s17+$0x5720] =	vst.add.f32.msk $0xffff, v36  }
0x33c: {  	s4 =	sadd.s32 $0x100, s4;
	s26 =	sadd.s32 $0x200, s26;
	[tilespmem:s17+$0x5730] =	vst.add.f32.msk $0xffff, v37  }
0x33d: {  	s4 =	smul.u32 $0xA00, s15  }
0x33e: {  	[tilespmem:s17+$0x5740] =	vst.add.f32.msk $0xffff, v10  }
0x33f: {  	[tilespmem:s17+$0x5750] =	vst.add.f32.msk $0xffff, v11;
	s29 =	simm.s32 $0x5280;
	s4 =	sadd.s32 s5, s4  }
0x340: {  	[hbm4b:s4+s6] =	stream.linear.scatter [tilespmem:s29], [sflag:$0x9], $0x5000, $0x38;
	[tilespmem:$0x19280] =	vst v63  }
.LBB2_18:
0x341: {  	s4 =	simm.s32 @!p1 $0x8  }
0x342: {  	_ =	swait.ge @!p1 [sflag:s4], $0x5000  }
0x343: {  	s17 =	smul.u32 @!p1 $0xA00, s14;
	s15 =	rddreg [dreg:$0xc]  }
0x344: {  	s18 =	simm.s32 @!p1 $0x280;
	[sflag:s4] =	ssyncset.done @!p1 $0x0;
	s15 =	sadd.s32 s15, s13  }
.Ltmp12:
0x345: {  	[sflag:s4] =	ssyncadd.s32 @!p1 $0xFFFFB000;
	p2 =	sgt.u32 s15, $0x270;
	(pc) =	sbr.rel @p1 .LBB2_20-.Ltmp12, $4  }
0x346: {  	s4 =	sadd.s32 @!p1 s1, s17;
	s17 =	simm.s32 @!p1 $0x0;
	s26 =	smul.u32 @!p2 $0xA, s15  }
0x347: {  	[tilespmem:s18], [sflag:$0x3] =	stream.linear.gather @!p1 [hbm4b:s4+s17], $0x5000, $0x38;
	[tilespmem:$0x19280] =	vst v63  }
0x348: {  	s17 =	simm.s32 @!p2 $0x0;
	s18 =	simm.s32 @!p2 $0x80;
	s4 =	sadd.s32 @!p2 s2, s26  }
0x349: {  	[tilespmem:s18], [sflag:$0x1] =	stream.linear.gather @!p2 [hbm4b:s4+s17], $0x50, $0x38;
	[tilespmem:$0x19280] =	vst v63  }
0x34a: {  	_ =	swait.ge [sflag:s19], $0x50  }
0x34b: {  	[sflag:s19] =	ssyncset.done $0x0  }
0x34c: {  	[sflag:s19] =	ssyncadd.s32 $0xFFFFFFB0  }
0x34d: {  	v10 =	vld [tilespmem:$0x100];
	_ =	sdelay $0x7  }
0x34e: {  	v10 =	vld.idx.msk [tilespmem:v10+s6+$0x0], $0xffff;
	_ =	sdelay $0x1  }
0x34f: {  	s4 =	smul.u32 $0x50, s14;
	v11 =	vld [tilespmem:$0x110];
	_ =	sdelay $0x1  }
0x350: {  	v12 =	vor.u32 s4, v0  }
0x351: {  	v10 =	vsub.s32 v12, v10  }
0x352: {  	vm2 =	vgt.s32 v10, $0x0  }
0x353: {  	v10 =	vnsel vm2, $0x0, v10  }
0x354: {  	v10 =	vmin.u32 v10, $0x3E7  }
0x355: {  	[tilespmem:$0x200] =	vst v10  }
0x356: {  	v11 =	vld.idx.msk [tilespmem:v11+s6+$0x0], $0xffff;
	_ =	sdelay $0x1  }
0x357: {  	v57 =	vld [tilespmem:$0x120]  }
0x358: {  	s17 =	sadd.s32 $0x10, s4  }
0x359: {  	v13 =	vor.u32 s17, v0  }
0x35a: {  	v11 =	vsub.s32 v13, v11  }
0x35b: {  	vm2 =	vgt.s32 v11, $0x0  }
0x35c: {  	v11 =	vnsel vm2, $0x0, v11  }
0x35d: {  	v11 =	vmin.u32 v11, $0x3E7  }
0x35e: {  	[tilespmem:$0x210] =	vst v11  }
0x35f: {  	v11 =	vld.idx.msk [tilespmem:v57+s6+$0x0], $0xffff;
	_ =	sdelay $0x1  }
0x360: {  	v58 =	vld [tilespmem:$0x130]  }
0x361: {  	s28 =	sadd.s32 $0x20, s4  }
0x362: {  	v59 =	vor.u32 s28, v0  }
0x363: {  	v11 =	vsub.s32 v59, v11  }
0x364: {  	vm2 =	vgt.s32 v11, $0x0  }
0x365: {  	v11 =	vnsel vm2, $0x0, v11  }
0x366: {  	v11 =	vmin.u32 v11, $0x3E7  }
0x367: {  	[tilespmem:$0x220] =	vst v11  }
0x368: {  	v11 =	vld.idx.msk [tilespmem:v58+s6+$0x0], $0xffff;
	_ =	sdelay $0x1  }
0x369: {  	v60 =	vld [tilespmem:$0x140]  }
0x36a: {  	s29 =	sadd.s32 $0x30, s4  }
0x36b: {  	v61 =	vor.u32 s29, v0  }
0x36c: {  	v11 =	vsub.s32 v61, v11  }
0x36d: {  	vm2 =	vgt.s32 v11, $0x0  }
0x36e: {  	v11 =	vnsel vm2, $0x0, v11  }
0x36f: {  	v11 =	vmin.u32 v11, $0x3E7  }
0x370: {  	[tilespmem:$0x230] =	vst v11  }
0x371: {  	v62 =	vshll.u32 v10, $0x1;
	v11 =	vld.idx.msk [tilespmem:v60+s6+$0x0], $0xffff  }
0x372: {  	v10 =	vand.u32 $0x7, v10;
	v12 =	vand.u32 $0x7F0, v62  }
0x373: {  	v10 =	vor.u32 v10, v12  }
0x374: {  	s4 =	sadd.s32 $0x40, s4;
	v12 =	vperm.xlane v10, v7  }
0x375: {  	v63 =	vor.u32 s4, v0  }
0x376: {  	v10 =	vperm.xlane v10, v9;
	v12 =	vadd.s32 v8, v12;
	v11 =	vsub.s32 v63, v11  }
0x377: {  	vm2 =	vgt.s32 v11, $0x0  }
0x378: {  	v10 =	vadd.s32 v8, v10;
	v11 =	vnsel vm2, $0x0, v11  }
0x379: {  	v11 =	vmin.u32 v11, $0x3E7  }
0x37a: {  	s17 =	simm.s32 $0x14280;
	[tilespmem:$0x240] =	vst v11  }
0x37b: {  	[tilespmem:s17], [sflag:$0x7] =	stream.indirect_vreg.gather [hbm4b:s7+s6], $0x80, v12, vm0, $0xb8;
	[tilespmem:$0x19280] =	vst v63  }
0x37c: {  	s18 =	simm.s32 $0x14A80  }
0x37d: {  	[tilespmem:s18], [sflag:$0x7] =	stream.indirect_vreg.gather [hbm4b:s7+s6], $0x80, v10, vm0, $0xb8;
	[tilespmem:$0x19280] =	vst v63  }
0x37e: {  	v10 =	vld [tilespmem:$0x210];
	_ =	sdelay $0x4  }
0x37f: {  	v11 =	vshll.u32 v10, $0x1  }
0x380: {  	v10 =	vand.u32 $0x7, v10;
	v11 =	vand.u32 $0xFFFFFFF0, v11  }
0x381: {  	v10 =	vor.u32 v10, v11  }
0x382: {  	v11 =	vperm.xlane v10, v7;
	_ =	sdelay $0x1  }
0x383: {  	v10 =	vperm.xlane v10, v9;
	v11 =	vadd.s32 v8, v11;
	_ =	sdelay $0x1  }
0x384: {  	v10 =	vadd.s32 v8, v10;
	_ =	sdelay $0x1  }
0x385: {  	s26 =	simm.s32 $0x15280  }
0x386: {  	[tilespmem:s26], [sflag:$0x7] =	stream.indirect_vreg.gather [hbm4b:s7+s6], $0x80, v11, vm0, $0xb8;
	[tilespmem:$0x19280] =	vst v63  }
0x387: {  	s28 =	simm.s32 $0x15A80  }
0x388: {  	[tilespmem:s28], [sflag:$0x7] =	stream.indirect_vreg.gather [hbm4b:s7+s6], $0x80, v10, vm0, $0xb8;
	[tilespmem:$0x19280] =	vst v63  }
0x389: {  	v10 =	vld [tilespmem:$0x220];
	_ =	sdelay $0x4  }
0x38a: {  	v11 =	vshll.u32 v10, $0x1  }
0x38b: {  	v10 =	vand.u32 $0x7, v10;
	v11 =	vand.u32 $0xFFFFFFF0, v11  }
0x38c: {  	v10 =	vor.u32 v10, v11  }
0x38d: {  	v11 =	vperm.xlane v10, v7;
	_ =	sdelay $0x1  }
0x38e: {  	v10 =	vperm.xlane v10, v9;
	v11 =	vadd.s32 v8, v11;
	_ =	sdelay $0x1  }
0x38f: {  	v10 =	vadd.s32 v8, v10;
	_ =	sdelay $0x1  }
0x390: {  	s29 =	simm.s32 $0x16280  }
0x391: {  	[tilespmem:s29], [sflag:$0x7] =	stream.indirect_vreg.gather [hbm4b:s7+s6], $0x80, v11, vm0, $0xb8;
	[tilespmem:$0x19280] =	vst v63  }
0x392: {  	s17 =	simm.s32 $0x16A80  }
0x393: {  	[tilespmem:s17], [sflag:$0x7] =	stream.indirect_vreg.gather [hbm4b:s7+s6], $0x80, v10, vm0, $0xb8;
	[tilespmem:$0x19280] =	vst v63  }
0x394: {  	v10 =	vld [tilespmem:$0x230];
	_ =	sdelay $0x4  }
0x395: {  	v11 =	vshll.u32 v10, $0x1  }
0x396: {  	v10 =	vand.u32 $0x7, v10;
	v11 =	vand.u32 $0xFFFFFFF0, v11  }
0x397: {  	v10 =	vor.u32 v10, v11  }
0x398: {  	v11 =	vperm.xlane v10, v7;
	_ =	sdelay $0x1  }
0x399: {  	v10 =	vperm.xlane v10, v9;
	v11 =	vadd.s32 v8, v11;
	_ =	sdelay $0x1  }
0x39a: {  	v10 =	vadd.s32 v8, v10;
	_ =	sdelay $0x1  }
0x39b: {  	s18 =	simm.s32 $0x17280  }
0x39c: {  	[tilespmem:s18], [sflag:$0x7] =	stream.indirect_vreg.gather [hbm4b:s7+s6], $0x80, v11, vm0, $0xb8;
	[tilespmem:$0x19280] =	vst v63  }
0x39d: {  	s26 =	simm.s32 $0x17A80  }
0x39e: {  	[tilespmem:s26], [sflag:$0x7] =	stream.indirect_vreg.gather [hbm4b:s7+s6], $0x80, v10, vm0, $0xb8;
	[tilespmem:$0x19280] =	vst v63  }
0x39f: {  	v10 =	vld [tilespmem:$0x240];
	_ =	sdelay $0x4  }
0x3a0: {  	v11 =	vshll.u32 v10, $0x1  }
0x3a1: {  	v10 =	vand.u32 $0x7, v10;
	v11 =	vand.u32 $0xFFFFFFF0, v11  }
0x3a2: {  	v10 =	vor.u32 v10, v11  }
0x3a3: {  	v11 =	vperm.xlane v10, v7;
	_ =	sdelay $0x1  }
0x3a4: {  	v10 =	vperm.xlane v10, v9;
	v11 =	vadd.s32 v8, v11;
	_ =	sdelay $0x1  }
0x3a5: {  	v10 =	vadd.s32 v8, v10;
	_ =	sdelay $0x1  }
0x3a6: {  	s28 =	simm.s32 $0x18280  }
0x3a7: {  	[tilespmem:s28], [sflag:$0x7] =	stream.indirect_vreg.gather [hbm4b:s7+s6], $0x80, v11, vm0, $0xb8;
	[tilespmem:$0x19280] =	vst v63  }
0x3a8: {  	s29 =	simm.s32 $0x18A80  }
0x3a9: {  	[tilespmem:s29], [sflag:$0x7] =	stream.indirect_vreg.gather [hbm4b:s7+s6], $0x80, v10, vm0, $0xb8;
	[tilespmem:$0x19280] =	vst v63  }
.LBB2_20:
.Ltmp13:
0x3aa: {  	(pc) =	sbr.rel @p3 .LBB2_24-.Ltmp13, $1  }
0x3ab: {  	_ =	sdelay $0x3  }
0x3ac: {  	_ =	swait.ge [sflag:s9], $0x5000  }
0x3ad: {  	[sflag:s9] =	ssyncset.done $0x0  }
0x3ae: {  	[sflag:s9] =	ssyncadd.s32 $0xFFFFB000  }
0x3af: {  	s4 =	simm.s32 $0x0;
	_ =	swait.ge [sflag:s24], $0x5000  }
0x3b0: {  	s17 =	sand.u32 $0x7800, s4;
	s4 =	sand.u32 $0x300, s4;
	[sflag:s24] =	ssyncset.done $0x0  }
0x3b1: {  	s17 =	sor.u32 s4, s17;
	[sflag:s24] =	ssyncadd.s32 $0xFFFFB000  }
0x3b2: {  	v10 =	vld [tilespmem:s17+$0xF760]  }
0x3b3: {  	v11 =	vld [tilespmem:s17+$0xF6E0]  }
0x3b4: {  	v12 =	vld [tilespmem:s17+$0xF6EA]  }
0x3b5: {  	v13 =	vld [tilespmem:s17+$0xF280]  }
0x3b6: {  	v14 =	vld [tilespmem:s17+$0xF76A]  }
0x3b7: {  	v15 =	vld [tilespmem:s17+$0xF290]  }
0x3b8: {  	v16 =	vld [tilespmem:s17+$0xF2A0]  }
0x3b9: {  	v17 =	vld [tilespmem:s17+$0xF2B0]  }
0x3ba: {  	v18 =	vld [tilespmem:s17+$0xF2C0]  }
0x3bb: {  	v19 =	vld [tilespmem:s17+$0xF2D0]  }
0x3bc: {  	v20 =	vld [tilespmem:s17+$0xF2E0]  }
0x3bd: {  	v21 =	vld [tilespmem:s17+$0xF2F0]  }
0x3be: {  	v22 =	vld [tilespmem:s17+$0xF680]  }
0x3bf: {  	v23 =	vld [tilespmem:s17+$0xF690]  }
0x3c0: {  	v24 =	vld [tilespmem:s17+$0xF6A0]  }
0x3c1: {  	v25 =	vld [tilespmem:s17+$0xF6B0]  }
0x3c2: {  	v26 =	vld [tilespmem:s17+$0xF6C0]  }
0x3c3: {  	v27 =	vld [tilespmem:s17+$0xF6D0]  }
0x3c4: {  	v28 =	vld [tilespmem:s17+$0xF300]  }
0x3c5: {  	v29 =	vld [tilespmem:s17+$0xF310]  }
0x3c6: {  	v30 =	vld [tilespmem:s17+$0xF320]  }
0x3c7: {  	v31 =	vld [tilespmem:s17+$0xF330]  }
0x3c8: {  	v32 =	vld [tilespmem:s17+$0xF340]  }
0x3c9: {  	v33 =	vld [tilespmem:s17+$0xF350]  }
0x3ca: {  	v34 =	vld [tilespmem:s17+$0xF360]  }
0x3cb: {  	v35 =	vld [tilespmem:s17+$0xF370]  }
0x3cc: {  	v36 =	vld [tilespmem:s17+$0xF700]  }
0x3cd: {  	v37 =	vld [tilespmem:s17+$0xF710]  }
0x3ce: {  	v62 =	vld [tilespmem:s17+$0xF720]  }
0x3cf: {  	v63 =	vld [tilespmem:s17+$0xF730]  }
0x3d0: {  	[tilespmem:s17+$0xA760] =	vst.add.f32.msk $0xffff, v10  }
0x3d1: {  	[tilespmem:s17+$0xA6E0] =	vst.add.f32.msk $0xffff, v11  }
0x3d2: {  	[tilespmem:s17+$0xA280] =	vst.add.f32.msk $0xffff, v13  }
0x3d3: {  	[tilespmem:s17+$0xA290] =	vst.add.f32.msk $0xffff, v15  }
0x3d4: {  	[tilespmem:s17+$0xA2A0] =	vst.add.f32.msk $0xffff, v16  }
0x3d5: {  	[tilespmem:s17+$0xA2B0] =	vst.add.f32.msk $0xffff, v17  }
0x3d6: {  	[tilespmem:s17+$0xA2C0] =	vst.add.f32.msk $0xffff, v18  }
0x3d7: {  	[tilespmem:s17+$0xA2D0] =	vst.add.f32.msk $0xffff, v19  }
0x3d8: {  	[tilespmem:s17+$0xA2E0] =	vst.add.f32.msk $0xffff, v20  }
0x3d9: {  	[tilespmem:s17+$0xA2F0] =	vst.add.f32.msk $0xffff, v21  }
0x3da: {  	[tilespmem:s17+$0xA680] =	vst.add.f32.msk $0xffff, v22  }
0x3db: {  	[tilespmem:s17+$0xA690] =	vst.add.f32.msk $0xffff, v23  }
0x3dc: {  	[tilespmem:s17+$0xA6A0] =	vst.add.f32.msk $0xffff, v24  }
0x3dd: {  	[tilespmem:s17+$0xA6B0] =	vst.add.f32.msk $0xffff, v25  }
0x3de: {  	[tilespmem:s17+$0xA6C0] =	vst.add.f32.msk $0xffff, v26  }
0x3df: {  	[tilespmem:s17+$0xA6D0] =	vst.add.f32.msk $0xffff, v27  }
0x3e0: {  	[tilespmem:s17+$0xA300] =	vst.add.f32.msk $0xffff, v28  }
0x3e1: {  	[tilespmem:s17+$0xA310] =	vst.add.f32.msk $0xffff, v29  }
0x3e2: {  	[tilespmem:s17+$0xA320] =	vst.add.f32.msk $0xffff, v30  }
0x3e3: {  	[tilespmem:s17+$0xA330] =	vst.add.f32.msk $0xffff, v31  }
0x3e4: {  	v10 =	vld [tilespmem:s17+$0xA76A]  }
0x3e5: {  	v11 =	vld [tilespmem:s17+$0xA6EA]  }
0x3e6: {  	[tilespmem:s17+$0xA340] =	vst.add.f32.msk $0xffff, v32  }
0x3e7: {  	[tilespmem:s17+$0xA350] =	vst.add.f32.msk $0xffff, v33  }
0x3e8: {  	v14 =	vsel vm1, $0x0, v14;
	[tilespmem:s17+$0xA360] =	vst.add.f32.msk $0xffff, v34  }
0x3e9: {  	v12 =	vsel vm1, $0x0, v12;
	[tilespmem:s17+$0xA370] =	vst.add.f32.msk $0xffff, v35;
	v10 =	vadd.f32 v14, v10  }
0x3ea: {  	[tilespmem:s17+$0xA700] =	vst.add.f32.msk $0xffff, v36;
	v11 =	vadd.f32 v12, v11  }
0x3eb: {  	[tilespmem:s17+$0xA76A] =	vst v10;
	v10 =	vld [tilespmem:s17+$0xF740]  }
0x3ec: {  	[tilespmem:s17+$0xA6EA] =	vst v11;
	v11 =	vld [tilespmem:s17+$0xF750]  }
0x3ed: {  	[tilespmem:s17+$0xA710] =	vst.add.f32.msk $0xffff, v37  }
0x3ee: {  	[tilespmem:s17+$0xA720] =	vst.add.f32.msk $0xffff, v62  }
0x3ef: {  	s18 =	simm.s32 $0x0;
	s26 =	simm.s32 $0x200;
	s4 =	simm.s32 $0x100;
	[tilespmem:s17+$0xA730] =	vst.add.f32.msk $0xffff, v63  }
.LBB2_22:
0x3f0: {  	s28 =	sand.u32 $0x7800, s26;
	s29 =	sand.u32 $0x300, s4;
	s18 =	sadd.s32 $0x2, s18;
	[tilespmem:s17+$0xA740] =	vst.add.f32.msk $0xffff, v10  }
0x3f1: {  	p3 =	slt.u32 s18, $0x4E;
	[tilespmem:s17+$0xA750] =	vst.add.f32.msk $0xffff, v11;
	s17 =	sor.u32 s29, s28  }
0x3f2: {  	v10 =	vld [tilespmem:s17+$0xF760]  }
0x3f3: {  	v11 =	vld [tilespmem:s17+$0xF6E0]  }
0x3f4: {  	v12 =	vld [tilespmem:s17+$0xF6EA]  }
0x3f5: {  	v13 =	vld [tilespmem:s17+$0xF280]  }
0x3f6: {  	v14 =	vld [tilespmem:s17+$0xF76A]  }
0x3f7: {  	[tilespmem:s17+$0xA760] =	vst.add.f32.msk $0xffff, v10  }
0x3f8: {  	v10 =	vld [tilespmem:s17+$0xA76A]  }
0x3f9: {  	[tilespmem:s17+$0xA6E0] =	vst.add.f32.msk $0xffff, v11;
	v11 =	vsel vm1, $0x0, v12  }
0x3fa: {  	v12 =	vld [tilespmem:s17+$0xA6EA]  }
0x3fb: {  	v15 =	vld [tilespmem:s17+$0xF290]  }
0x3fc: {  	v14 =	vsel vm1, $0x0, v14;
	v16 =	vld [tilespmem:s17+$0xF2A0]  }
0x3fd: {  	v17 =	vld [tilespmem:s17+$0xF2B0];
	v10 =	vadd.f32 v14, v10  }
0x3fe: {  	v14 =	vld [tilespmem:s17+$0xF2C0]  }
0x3ff: {  	v18 =	vld [tilespmem:s17+$0xF2D0];
	v11 =	vadd.f32 v11, v12;
	[tilespmem:s17+$0xA76A] =	vst v10  }
0x400: {  	v12 =	vld [tilespmem:s17+$0xF2E0]  }
0x401: {  	v19 =	vld [tilespmem:s17+$0xF2F0];
	[tilespmem:s17+$0xA6EA] =	vst v11  }
0x402: {  	v20 =	vld [tilespmem:s17+$0xF680]  }
0x403: {  	v21 =	vld [tilespmem:s17+$0xF690]  }
0x404: {  	v22 =	vld [tilespmem:s17+$0xF6A0]  }
0x405: {  	v23 =	vld [tilespmem:s17+$0xF6B0]  }
0x406: {  	v24 =	vld [tilespmem:s17+$0xF6C0]  }
0x407: {  	v25 =	vld [tilespmem:s17+$0xF6D0]  }
0x408: {  	v26 =	vld [tilespmem:s17+$0xF300]  }
0x409: {  	v27 =	vld [tilespmem:s17+$0xF310]  }
0x40a: {  	v28 =	vld [tilespmem:s17+$0xF320]  }
0x40b: {  	v29 =	vld [tilespmem:s17+$0xF330]  }
0x40c: {  	v30 =	vld [tilespmem:s17+$0xF340]  }
0x40d: {  	v31 =	vld [tilespmem:s17+$0xF350]  }
0x40e: {  	v32 =	vld [tilespmem:s17+$0xF360]  }
0x40f: {  	v33 =	vld [tilespmem:s17+$0xF370]  }
0x410: {  	v34 =	vld [tilespmem:s17+$0xF700]  }
0x411: {  	v35 =	vld [tilespmem:s17+$0xF710]  }
0x412: {  	v36 =	vld [tilespmem:s17+$0xF720]  }
0x413: {  	v37 =	vld [tilespmem:s17+$0xF730]  }
0x414: {  	v10 =	vld [tilespmem:s17+$0xF740]  }
0x415: {  	v11 =	vld [tilespmem:s17+$0xF750]  }
0x416: {  	[tilespmem:s17+$0xA280] =	vst.add.f32.msk $0xffff, v13  }
0x417: {  	[tilespmem:s17+$0xA290] =	vst.add.f32.msk $0xffff, v15  }
0x418: {  	[tilespmem:s17+$0xA2A0] =	vst.add.f32.msk $0xffff, v16  }
0x419: {  	[tilespmem:s17+$0xA2B0] =	vst.add.f32.msk $0xffff, v17  }
0x41a: {  	[tilespmem:s17+$0xA2C0] =	vst.add.f32.msk $0xffff, v14  }
0x41b: {  	[tilespmem:s17+$0xA2D0] =	vst.add.f32.msk $0xffff, v18  }
0x41c: {  	[tilespmem:s17+$0xA2E0] =	vst.add.f32.msk $0xffff, v12  }
0x41d: {  	[tilespmem:s17+$0xA2F0] =	vst.add.f32.msk $0xffff, v19  }
0x41e: {  	[tilespmem:s17+$0xA680] =	vst.add.f32.msk $0xffff, v20  }
0x41f: {  	[tilespmem:s17+$0xA690] =	vst.add.f32.msk $0xffff, v21  }
0x420: {  	[tilespmem:s17+$0xA6A0] =	vst.add.f32.msk $0xffff, v22  }
0x421: {  	[tilespmem:s17+$0xA6B0] =	vst.add.f32.msk $0xffff, v23  }
0x422: {  	[tilespmem:s17+$0xA6C0] =	vst.add.f32.msk $0xffff, v24  }
0x423: {  	[tilespmem:s17+$0xA6D0] =	vst.add.f32.msk $0xffff, v25  }
0x424: {  	[tilespmem:s17+$0xA300] =	vst.add.f32.msk $0xffff, v26  }
0x425: {  	[tilespmem:s17+$0xA310] =	vst.add.f32.msk $0xffff, v27  }
0x426: {  	[tilespmem:s17+$0xA320] =	vst.add.f32.msk $0xffff, v28  }
0x427: {  	[tilespmem:s17+$0xA330] =	vst.add.f32.msk $0xffff, v29  }
0x428: {  	[tilespmem:s17+$0xA340] =	vst.add.f32.msk $0xffff, v30  }
0x429: {  	[tilespmem:s17+$0xA350] =	vst.add.f32.msk $0xffff, v31  }
0x42a: {  	[tilespmem:s17+$0xA360] =	vst.add.f32.msk $0xffff, v32  }
.Ltmp14:
0x42b: {  	[tilespmem:s17+$0xA370] =	vst.add.f32.msk $0xffff, v33;
	(pc) =	sbr.rel @p3 .LBB2_22-.Ltmp14, $4  }
0x42c: {  	[tilespmem:s17+$0xA700] =	vst.add.f32.msk $0xffff, v34  }
0x42d: {  	[tilespmem:s17+$0xA710] =	vst.add.f32.msk $0xffff, v35  }
0x42e: {  	[tilespmem:s17+$0xA720] =	vst.add.f32.msk $0xffff, v36  }
0x42f: {  	s4 =	sadd.s32 $0x100, s4;
	s26 =	sadd.s32 $0x200, s26;
	[tilespmem:s17+$0xA730] =	vst.add.f32.msk $0xffff, v37  }
0x430: {  	s4 =	smul.u32 $0xA00, s16  }
0x431: {  	[tilespmem:s17+$0xA740] =	vst.add.f32.msk $0xffff, v10  }
0x432: {  	[tilespmem:s17+$0xA750] =	vst.add.f32.msk $0xffff, v11;
	s29 =	simm.s32 $0xA280;
	s4 =	sadd.s32 s5, s4  }
0x433: {  	[hbm4b:s4+s6] =	stream.linear.scatter [tilespmem:s29], [sflag:$0xA], $0x5000, $0x38;
	[tilespmem:$0x19280] =	vst v63  }
.LBB2_24:
0x434: {  	s4 =	simm.s32 @!p2 $0x9  }
0x435: {  	_ =	swait.ge @!p2 [sflag:s4], $0x5000  }
0x436: {  	s17 =	smul.u32 @!p2 $0xA00, s15;
	s16 =	rddreg [dreg:$0xd]  }
0x437: {  	s18 =	simm.s32 @!p2 $0x5280;
	[sflag:s4] =	ssyncset.done @!p2 $0x0;
	s16 =	sadd.s32 s16, s13  }
.Ltmp15:
0x438: {  	[sflag:s4] =	ssyncadd.s32 @!p2 $0xFFFFB000;
	p3 =	sgt.u32 s16, $0x270;
	(pc) =	sbr.rel @p2 .LBB2_26-.Ltmp15, $4  }
0x439: {  	s4 =	sadd.s32 @!p2 s1, s17;
	s17 =	simm.s32 @!p2 $0x0;
	s26 =	smul.u32 @!p3 $0xA, s16  }
0x43a: {  	[tilespmem:s18], [sflag:$0x4] =	stream.linear.gather @!p2 [hbm4b:s4+s17], $0x5000, $0x38;
	[tilespmem:$0x19280] =	vst v63  }
0x43b: {  	s17 =	simm.s32 @!p3 $0x0;
	s18 =	simm.s32 @!p3 $0x100;
	s4 =	sadd.s32 @!p3 s2, s26  }
0x43c: {  	[tilespmem:s18], [sflag:$0x2] =	stream.linear.gather @!p3 [hbm4b:s4+s17], $0x50, $0x38;
	[tilespmem:$0x19280] =	vst v63  }
0x43d: {  	_ =	swait.ge [sflag:s25], $0x50  }
0x43e: {  	[sflag:s25] =	ssyncset.done $0x0  }
0x43f: {  	[sflag:s25] =	ssyncadd.s32 $0xFFFFFFB0  }
0x440: {  	v10 =	vld [tilespmem:$0x80];
	_ =	sdelay $0x7  }
0x441: {  	v10 =	vld.idx.msk [tilespmem:v10+s6+$0x0], $0xffff;
	_ =	sdelay $0x1  }
0x442: {  	s4 =	smul.u32 $0x50, s15;
	v11 =	vld [tilespmem:$0x90];
	_ =	sdelay $0x1  }
0x443: {  	v12 =	vor.u32 s4, v0  }
0x444: {  	v10 =	vsub.s32 v12, v10  }
0x445: {  	vm2 =	vgt.s32 v10, $0x0  }
0x446: {  	v10 =	vnsel vm2, $0x0, v10  }
0x447: {  	v10 =	vmin.u32 v10, $0x3E7  }
0x448: {  	[tilespmem:$0x180] =	vst v10  }
0x449: {  	v11 =	vld.idx.msk [tilespmem:v11+s6+$0x0], $0xffff;
	_ =	sdelay $0x1  }
0x44a: {  	v57 =	vld [tilespmem:$0xA0]  }
0x44b: {  	s17 =	sadd.s32 $0x10, s4  }
0x44c: {  	v13 =	vor.u32 s17, v0  }
0x44d: {  	v11 =	vsub.s32 v13, v11  }
0x44e: {  	vm2 =	vgt.s32 v11, $0x0  }
0x44f: {  	v11 =	vnsel vm2, $0x0, v11  }
0x450: {  	v11 =	vmin.u32 v11, $0x3E7  }
0x451: {  	[tilespmem:$0x190] =	vst v11  }
0x452: {  	v11 =	vld.idx.msk [tilespmem:v57+s6+$0x0], $0xffff;
	_ =	sdelay $0x1  }
0x453: {  	v58 =	vld [tilespmem:$0xB0]  }
0x454: {  	s28 =	sadd.s32 $0x20, s4  }
0x455: {  	v59 =	vor.u32 s28, v0  }
0x456: {  	v11 =	vsub.s32 v59, v11  }
0x457: {  	vm2 =	vgt.s32 v11, $0x0  }
0x458: {  	v11 =	vnsel vm2, $0x0, v11  }
0x459: {  	v11 =	vmin.u32 v11, $0x3E7  }
0x45a: {  	[tilespmem:$0x1A0] =	vst v11  }
0x45b: {  	v11 =	vld.idx.msk [tilespmem:v58+s6+$0x0], $0xffff;
	_ =	sdelay $0x1  }
0x45c: {  	v60 =	vld [tilespmem:$0xC0]  }
0x45d: {  	s29 =	sadd.s32 $0x30, s4  }
0x45e: {  	v61 =	vor.u32 s29, v0  }
0x45f: {  	v11 =	vsub.s32 v61, v11  }
0x460: {  	vm2 =	vgt.s32 v11, $0x0  }
0x461: {  	v11 =	vnsel vm2, $0x0, v11  }
0x462: {  	v11 =	vmin.u32 v11, $0x3E7  }
0x463: {  	[tilespmem:$0x1B0] =	vst v11  }
0x464: {  	v62 =	vshll.u32 v10, $0x1;
	v11 =	vld.idx.msk [tilespmem:v60+s6+$0x0], $0xffff  }
0x465: {  	v10 =	vand.u32 $0x7, v10;
	v12 =	vand.u32 $0x7F0, v62  }
0x466: {  	v10 =	vor.u32 v10, v12  }
0x467: {  	s4 =	sadd.s32 $0x40, s4;
	v12 =	vperm.xlane v10, v7  }
0x468: {  	v63 =	vor.u32 s4, v0  }
0x469: {  	v10 =	vperm.xlane v10, v9;
	v12 =	vadd.s32 v8, v12;
	v11 =	vsub.s32 v63, v11  }
0x46a: {  	vm2 =	vgt.s32 v11, $0x0  }
0x46b: {  	v10 =	vadd.s32 v8, v10;
	v11 =	vnsel vm2, $0x0, v11  }
0x46c: {  	v11 =	vmin.u32 v11, $0x3E7  }
0x46d: {  	s18 =	simm.s32 $0xF280;
	[tilespmem:$0x1C0] =	vst v11  }
0x46e: {  	[tilespmem:s18], [sflag:$0x6] =	stream.indirect_vreg.gather [hbm4b:s7+s6], $0x80, v12, vm0, $0xb8;
	[tilespmem:$0x19280] =	vst v63  }
0x46f: {  	s26 =	simm.s32 $0xFA80  }
0x470: {  	[tilespmem:s26], [sflag:$0x6] =	stream.indirect_vreg.gather [hbm4b:s7+s6], $0x80, v10, vm0, $0xb8;
	[tilespmem:$0x19280] =	vst v63  }
0x471: {  	v10 =	vld [tilespmem:$0x190];
	_ =	sdelay $0x4  }
0x472: {  	v11 =	vshll.u32 v10, $0x1  }
0x473: {  	v10 =	vand.u32 $0x7, v10;
	v11 =	vand.u32 $0xFFFFFFF0, v11  }
0x474: {  	v10 =	vor.u32 v10, v11  }
0x475: {  	v11 =	vperm.xlane v10, v7;
	_ =	sdelay $0x1  }
0x476: {  	v10 =	vperm.xlane v10, v9;
	v11 =	vadd.s32 v8, v11;
	_ =	sdelay $0x1  }
0x477: {  	v10 =	vadd.s32 v8, v10;
	_ =	sdelay $0x1  }
0x478: {  	s28 =	simm.s32 $0x10280  }
0x479: {  	[tilespmem:s28], [sflag:$0x6] =	stream.indirect_vreg.gather [hbm4b:s7+s6], $0x80, v11, vm0, $0xb8;
	[tilespmem:$0x19280] =	vst v63  }
0x47a: {  	s29 =	simm.s32 $0x10A80  }
0x47b: {  	[tilespmem:s29], [sflag:$0x6] =	stream.indirect_vreg.gather [hbm4b:s7+s6], $0x80, v10, vm0, $0xb8;
	[tilespmem:$0x19280] =	vst v63  }
0x47c: {  	v10 =	vld [tilespmem:$0x1A0];
	_ =	sdelay $0x4  }
0x47d: {  	v11 =	vshll.u32 v10, $0x1  }
0x47e: {  	v10 =	vand.u32 $0x7, v10;
	v11 =	vand.u32 $0xFFFFFFF0, v11  }
0x47f: {  	v10 =	vor.u32 v10, v11  }
0x480: {  	v11 =	vperm.xlane v10, v7;
	_ =	sdelay $0x1  }
0x481: {  	v10 =	vperm.xlane v10, v9;
	v11 =	vadd.s32 v8, v11;
	_ =	sdelay $0x1  }
0x482: {  	v10 =	vadd.s32 v8, v10;
	_ =	sdelay $0x2  }
0x483: {  	[tilespmem:s31], [sflag:$0x6] =	stream.indirect_vreg.gather [hbm4b:s7+s6], $0x80, v11, vm0, $0xb8;
	[tilespmem:$0x19280] =	vst v63  }
0x484: {  	_ = 	snop  }
0x485: {  	[tilespmem:s3], [sflag:$0x6] =	stream.indirect_vreg.gather [hbm4b:s7+s6], $0x80, v10, vm0, $0xb8;
	[tilespmem:$0x19280] =	vst v63  }
0x486: {  	v10 =	vld [tilespmem:$0x1B0];
	_ =	sdelay $0x4  }
0x487: {  	v11 =	vshll.u32 v10, $0x1  }
0x488: {  	v10 =	vand.u32 $0x7, v10;
	v11 =	vand.u32 $0xFFFFFFF0, v11  }
0x489: {  	v10 =	vor.u32 v10, v11  }
0x48a: {  	v11 =	vperm.xlane v10, v7;
	_ =	sdelay $0x1  }
0x48b: {  	v10 =	vperm.xlane v10, v9;
	v11 =	vadd.s32 v8, v11;
	_ =	sdelay $0x1  }
0x48c: {  	v10 =	vadd.s32 v8, v10;
	_ =	sdelay $0x2  }
0x48d: {  	[tilespmem:s0], [sflag:$0x6] =	stream.indirect_vreg.gather [hbm4b:s7+s6], $0x80, v11, vm0, $0xb8;
	[tilespmem:$0x19280] =	vst v63  }
0x48e: {  	_ = 	snop  }
0x48f: {  	[tilespmem:s20], [sflag:$0x6] =	stream.indirect_vreg.gather [hbm4b:s7+s6], $0x80, v10, vm0, $0xb8;
	[tilespmem:$0x19280] =	vst v63  }
0x490: {  	v10 =	vld [tilespmem:$0x1C0];
	_ =	sdelay $0x4  }
0x491: {  	v11 =	vshll.u32 v10, $0x1  }
0x492: {  	v10 =	vand.u32 $0x7, v10;
	v11 =	vand.u32 $0xFFFFFFF0, v11  }
0x493: {  	v10 =	vor.u32 v10, v11  }
0x494: {  	v11 =	vperm.xlane v10, v7;
	_ =	sdelay $0x1  }
0x495: {  	v10 =	vperm.xlane v10, v9;
	v11 =	vadd.s32 v8, v11;
	_ =	sdelay $0x1  }
0x496: {  	v10 =	vadd.s32 v8, v10;
	_ =	sdelay $0x2  }
0x497: {  	[tilespmem:s21], [sflag:$0x6] =	stream.indirect_vreg.gather [hbm4b:s7+s6], $0x80, v11, vm0, $0xb8;
	[tilespmem:$0x19280] =	vst v63  }
0x498: {  	_ = 	snop  }
0x499: {  	[tilespmem:s8], [sflag:$0x6] =	stream.indirect_vreg.gather [hbm4b:s7+s6], $0x80, v10, vm0, $0xb8;
	[tilespmem:$0x19280] =	vst v63  }
.LBB2_26:
.Ltmp16:
0x49a: {  	(pc) =	sbr.rel @p1 .LBB2_30-.Ltmp16, $1  }
0x49b: {  	_ =	sdelay $0x3  }
0x49c: {  	_ =	swait.ge [sflag:s11], $0x5000  }
0x49d: {  	[sflag:s11] =	ssyncset.done $0x0  }
0x49e: {  	[sflag:s11] =	ssyncadd.s32 $0xFFFFB000  }
0x49f: {  	s4 =	simm.s32 $0x0;
	_ =	swait.ge [sflag:s10], $0x5000  }
0x4a0: {  	s17 =	sand.u32 $0x7800, s4;
	s4 =	sand.u32 $0x300, s4;
	[sflag:s10] =	ssyncset.done $0x0  }
0x4a1: {  	s17 =	sor.u32 s4, s17;
	[sflag:s10] =	ssyncadd.s32 $0xFFFFB000  }
0x4a2: {  	v10 =	vld [tilespmem:s17+$0x14760]  }
0x4a3: {  	v11 =	vld [tilespmem:s17+$0x146E0]  }
0x4a4: {  	v12 =	vld [tilespmem:s17+$0x146EA]  }
0x4a5: {  	v13 =	vld [tilespmem:s17+$0x14280]  }
0x4a6: {  	v14 =	vld [tilespmem:s17+$0x1476A]  }
0x4a7: {  	v15 =	vld [tilespmem:s17+$0x14290]  }
0x4a8: {  	v16 =	vld [tilespmem:s17+$0x142A0]  }
0x4a9: {  	v17 =	vld [tilespmem:s17+$0x142B0]  }
0x4aa: {  	v18 =	vld [tilespmem:s17+$0x142C0]  }
0x4ab: {  	v19 =	vld [tilespmem:s17+$0x142D0]  }
0x4ac: {  	v20 =	vld [tilespmem:s17+$0x142E0]  }
0x4ad: {  	v21 =	vld [tilespmem:s17+$0x142F0]  }
0x4ae: {  	v22 =	vld [tilespmem:s17+$0x14680]  }
0x4af: {  	v23 =	vld [tilespmem:s17+$0x14690]  }
0x4b0: {  	v24 =	vld [tilespmem:s17+$0x146A0]  }
0x4b1: {  	v25 =	vld [tilespmem:s17+$0x146B0]  }
0x4b2: {  	v26 =	vld [tilespmem:s17+$0x146C0]  }
0x4b3: {  	v27 =	vld [tilespmem:s17+$0x146D0]  }
0x4b4: {  	v28 =	vld [tilespmem:s17+$0x14300]  }
0x4b5: {  	v29 =	vld [tilespmem:s17+$0x14310]  }
0x4b6: {  	v30 =	vld [tilespmem:s17+$0x14320]  }
0x4b7: {  	v31 =	vld [tilespmem:s17+$0x14330]  }
0x4b8: {  	v32 =	vld [tilespmem:s17+$0x14340]  }
0x4b9: {  	v33 =	vld [tilespmem:s17+$0x14350]  }
0x4ba: {  	v34 =	vld [tilespmem:s17+$0x14360]  }
0x4bb: {  	v35 =	vld [tilespmem:s17+$0x14370]  }
0x4bc: {  	v36 =	vld [tilespmem:s17+$0x14700]  }
0x4bd: {  	v37 =	vld [tilespmem:s17+$0x14710]  }
0x4be: {  	v62 =	vld [tilespmem:s17+$0x14720]  }
0x4bf: {  	v63 =	vld [tilespmem:s17+$0x14730]  }
0x4c0: {  	[tilespmem:s17+$0x760] =	vst.add.f32.msk $0xffff, v10  }
0x4c1: {  	[tilespmem:s17+$0x6E0] =	vst.add.f32.msk $0xffff, v11  }
0x4c2: {  	[tilespmem:s17+$0x280] =	vst.add.f32.msk $0xffff, v13  }
0x4c3: {  	[tilespmem:s17+$0x290] =	vst.add.f32.msk $0xffff, v15  }
0x4c4: {  	[tilespmem:s17+$0x2A0] =	vst.add.f32.msk $0xffff, v16  }
0x4c5: {  	[tilespmem:s17+$0x2B0] =	vst.add.f32.msk $0xffff, v17  }
0x4c6: {  	[tilespmem:s17+$0x2C0] =	vst.add.f32.msk $0xffff, v18  }
0x4c7: {  	[tilespmem:s17+$0x2D0] =	vst.add.f32.msk $0xffff, v19  }
0x4c8: {  	[tilespmem:s17+$0x2E0] =	vst.add.f32.msk $0xffff, v20  }
0x4c9: {  	[tilespmem:s17+$0x2F0] =	vst.add.f32.msk $0xffff, v21  }
0x4ca: {  	[tilespmem:s17+$0x680] =	vst.add.f32.msk $0xffff, v22  }
0x4cb: {  	[tilespmem:s17+$0x690] =	vst.add.f32.msk $0xffff, v23  }
0x4cc: {  	[tilespmem:s17+$0x6A0] =	vst.add.f32.msk $0xffff, v24  }
0x4cd: {  	[tilespmem:s17+$0x6B0] =	vst.add.f32.msk $0xffff, v25  }
0x4ce: {  	[tilespmem:s17+$0x6C0] =	vst.add.f32.msk $0xffff, v26  }
0x4cf: {  	[tilespmem:s17+$0x6D0] =	vst.add.f32.msk $0xffff, v27  }
0x4d0: {  	[tilespmem:s17+$0x300] =	vst.add.f32.msk $0xffff, v28  }
0x4d1: {  	[tilespmem:s17+$0x310] =	vst.add.f32.msk $0xffff, v29  }
0x4d2: {  	[tilespmem:s17+$0x320] =	vst.add.f32.msk $0xffff, v30  }
0x4d3: {  	[tilespmem:s17+$0x330] =	vst.add.f32.msk $0xffff, v31  }
0x4d4: {  	v10 =	vld [tilespmem:s17+$0x76A]  }
0x4d5: {  	v11 =	vld [tilespmem:s17+$0x6EA]  }
0x4d6: {  	[tilespmem:s17+$0x340] =	vst.add.f32.msk $0xffff, v32  }
0x4d7: {  	[tilespmem:s17+$0x350] =	vst.add.f32.msk $0xffff, v33  }
0x4d8: {  	v14 =	vsel vm1, $0x0, v14;
	[tilespmem:s17+$0x360] =	vst.add.f32.msk $0xffff, v34  }
0x4d9: {  	v12 =	vsel vm1, $0x0, v12;
	[tilespmem:s17+$0x370] =	vst.add.f32.msk $0xffff, v35;
	v10 =	vadd.f32 v14, v10  }
0x4da: {  	[tilespmem:s17+$0x700] =	vst.add.f32.msk $0xffff, v36;
	v11 =	vadd.f32 v12, v11  }
0x4db: {  	[tilespmem:s17+$0x76A] =	vst v10;
	v10 =	vld [tilespmem:s17+$0x14740]  }
0x4dc: {  	[tilespmem:s17+$0x6EA] =	vst v11;
	v11 =	vld [tilespmem:s17+$0x14750]  }
0x4dd: {  	[tilespmem:s17+$0x710] =	vst.add.f32.msk $0xffff, v37  }
0x4de: {  	[tilespmem:s17+$0x720] =	vst.add.f32.msk $0xffff, v62  }
0x4df: {  	s18 =	simm.s32 $0x0;
	s26 =	simm.s32 $0x200;
	s4 =	simm.s32 $0x100;
	[tilespmem:s17+$0x730] =	vst.add.f32.msk $0xffff, v63  }
.LBB2_28:
0x4e0: {  	s28 =	sand.u32 $0x7800, s26;
	s29 =	sand.u32 $0x300, s4;
	s18 =	sadd.s32 $0x2, s18;
	[tilespmem:s17+$0x740] =	vst.add.f32.msk $0xffff, v10  }
0x4e1: {  	p1 =	slt.u32 s18, $0x4E;
	[tilespmem:s17+$0x750] =	vst.add.f32.msk $0xffff, v11;
	s17 =	sor.u32 s29, s28  }
0x4e2: {  	v10 =	vld [tilespmem:s17+$0x14760]  }
0x4e3: {  	v11 =	vld [tilespmem:s17+$0x146E0]  }
0x4e4: {  	v12 =	vld [tilespmem:s17+$0x146EA]  }
0x4e5: {  	v13 =	vld [tilespmem:s17+$0x14280]  }
0x4e6: {  	v14 =	vld [tilespmem:s17+$0x1476A]  }
0x4e7: {  	[tilespmem:s17+$0x760] =	vst.add.f32.msk $0xffff, v10  }
0x4e8: {  	v10 =	vld [tilespmem:s17+$0x76A]  }
0x4e9: {  	[tilespmem:s17+$0x6E0] =	vst.add.f32.msk $0xffff, v11;
	v11 =	vsel vm1, $0x0, v12  }
0x4ea: {  	v12 =	vld [tilespmem:s17+$0x6EA]  }
0x4eb: {  	v15 =	vld [tilespmem:s17+$0x14290]  }
0x4ec: {  	v14 =	vsel vm1, $0x0, v14;
	v16 =	vld [tilespmem:s17+$0x142A0]  }
0x4ed: {  	v17 =	vld [tilespmem:s17+$0x142B0];
	v10 =	vadd.f32 v14, v10  }
0x4ee: {  	v14 =	vld [tilespmem:s17+$0x142C0]  }
0x4ef: {  	v18 =	vld [tilespmem:s17+$0x142D0];
	v11 =	vadd.f32 v11, v12;
	[tilespmem:s17+$0x76A] =	vst v10  }
0x4f0: {  	v12 =	vld [tilespmem:s17+$0x142E0]  }
0x4f1: {  	v19 =	vld [tilespmem:s17+$0x142F0];
	[tilespmem:s17+$0x6EA] =	vst v11  }
0x4f2: {  	v20 =	vld [tilespmem:s17+$0x14680]  }
0x4f3: {  	v21 =	vld [tilespmem:s17+$0x14690]  }
0x4f4: {  	v22 =	vld [tilespmem:s17+$0x146A0]  }
0x4f5: {  	v23 =	vld [tilespmem:s17+$0x146B0]  }
0x4f6: {  	v24 =	vld [tilespmem:s17+$0x146C0]  }
0x4f7: {  	v25 =	vld [tilespmem:s17+$0x146D0]  }
0x4f8: {  	v26 =	vld [tilespmem:s17+$0x14300]  }
0x4f9: {  	v27 =	vld [tilespmem:s17+$0x14310]  }
0x4fa: {  	v28 =	vld [tilespmem:s17+$0x14320]  }
0x4fb: {  	v29 =	vld [tilespmem:s17+$0x14330]  }
0x4fc: {  	v30 =	vld [tilespmem:s17+$0x14340]  }
0x4fd: {  	v31 =	vld [tilespmem:s17+$0x14350]  }
0x4fe: {  	v32 =	vld [tilespmem:s17+$0x14360]  }
0x4ff: {  	v33 =	vld [tilespmem:s17+$0x14370]  }
0x500: {  	v34 =	vld [tilespmem:s17+$0x14700]  }
0x501: {  	v35 =	vld [tilespmem:s17+$0x14710]  }
0x502: {  	v36 =	vld [tilespmem:s17+$0x14720]  }
0x503: {  	v37 =	vld [tilespmem:s17+$0x14730]  }
0x504: {  	v10 =	vld [tilespmem:s17+$0x14740]  }
0x505: {  	v11 =	vld [tilespmem:s17+$0x14750]  }
0x506: {  	[tilespmem:s17+$0x280] =	vst.add.f32.msk $0xffff, v13  }
0x507: {  	[tilespmem:s17+$0x290] =	vst.add.f32.msk $0xffff, v15  }
0x508: {  	[tilespmem:s17+$0x2A0] =	vst.add.f32.msk $0xffff, v16  }
0x509: {  	[tilespmem:s17+$0x2B0] =	vst.add.f32.msk $0xffff, v17  }
0x50a: {  	[tilespmem:s17+$0x2C0] =	vst.add.f32.msk $0xffff, v14  }
0x50b: {  	[tilespmem:s17+$0x2D0] =	vst.add.f32.msk $0xffff, v18  }
0x50c: {  	[tilespmem:s17+$0x2E0] =	vst.add.f32.msk $0xffff, v12  }
0x50d: {  	[tilespmem:s17+$0x2F0] =	vst.add.f32.msk $0xffff, v19  }
0x50e: {  	[tilespmem:s17+$0x680] =	vst.add.f32.msk $0xffff, v20  }
0x50f: {  	[tilespmem:s17+$0x690] =	vst.add.f32.msk $0xffff, v21  }
0x510: {  	[tilespmem:s17+$0x6A0] =	vst.add.f32.msk $0xffff, v22  }
0x511: {  	[tilespmem:s17+$0x6B0] =	vst.add.f32.msk $0xffff, v23  }
0x512: {  	[tilespmem:s17+$0x6C0] =	vst.add.f32.msk $0xffff, v24  }
0x513: {  	[tilespmem:s17+$0x6D0] =	vst.add.f32.msk $0xffff, v25  }
0x514: {  	[tilespmem:s17+$0x300] =	vst.add.f32.msk $0xffff, v26  }
0x515: {  	[tilespmem:s17+$0x310] =	vst.add.f32.msk $0xffff, v27  }
0x516: {  	[tilespmem:s17+$0x320] =	vst.add.f32.msk $0xffff, v28  }
0x517: {  	[tilespmem:s17+$0x330] =	vst.add.f32.msk $0xffff, v29  }
0x518: {  	[tilespmem:s17+$0x340] =	vst.add.f32.msk $0xffff, v30  }
0x519: {  	[tilespmem:s17+$0x350] =	vst.add.f32.msk $0xffff, v31  }
0x51a: {  	[tilespmem:s17+$0x360] =	vst.add.f32.msk $0xffff, v32  }
.Ltmp17:
0x51b: {  	[tilespmem:s17+$0x370] =	vst.add.f32.msk $0xffff, v33;
	(pc) =	sbr.rel @p1 .LBB2_28-.Ltmp17, $4  }
0x51c: {  	[tilespmem:s17+$0x700] =	vst.add.f32.msk $0xffff, v34  }
0x51d: {  	[tilespmem:s17+$0x710] =	vst.add.f32.msk $0xffff, v35  }
0x51e: {  	[tilespmem:s17+$0x720] =	vst.add.f32.msk $0xffff, v36  }
0x51f: {  	s4 =	sadd.s32 $0x100, s4;
	s26 =	sadd.s32 $0x200, s26;
	[tilespmem:s17+$0x730] =	vst.add.f32.msk $0xffff, v37  }
0x520: {  	s4 =	smul.u32 $0xA00, s14  }
0x521: {  	[tilespmem:s17+$0x740] =	vst.add.f32.msk $0xffff, v10  }
0x522: {  	[tilespmem:s17+$0x750] =	vst.add.f32.msk $0xffff, v11;
	s4 =	sadd.s32 s5, s4  }
0x523: {  	[hbm4b:s4+s6] =	stream.linear.scatter [tilespmem:s22], [sflag:$0x8], $0x5000, $0x38;
	[tilespmem:$0x19280] =	vst v63  }
.LBB2_30:
0x524: {  	s4 =	simm.s32 @!p3 $0xA  }
0x525: {  	_ =	swait.ge @!p3 [sflag:s4], $0x5000  }
0x526: {  	s17 =	smul.u32 @!p3 $0xA00, s16;
	s14 =	rddreg [dreg:$0xe]  }
0x527: {  	s18 =	simm.s32 @!p3 $0xA280;
	[sflag:s4] =	ssyncset.done @!p3 $0x0;
	s14 =	sadd.s32 s14, s13  }
.Ltmp18:
0x528: {  	[sflag:s4] =	ssyncadd.s32 @!p3 $0xFFFFB000;
	p1 =	sgt.u32 s14, $0x270;
	(pc) =	sbr.rel @p3 .LBB2_32-.Ltmp18, $4  }
0x529: {  	s4 =	sadd.s32 @!p3 s1, s17;
	s17 =	simm.s32 @!p3 $0x0;
	s26 =	smul.u32 @!p1 $0xA, s14  }
0x52a: {  	[tilespmem:s18], [sflag:$0x5] =	stream.linear.gather @!p3 [hbm4b:s4+s17], $0x5000, $0x38;
	[tilespmem:$0x19280] =	vst v63  }
0x52b: {  	s17 =	simm.s32 @!p1 $0x0;
	s18 =	simm.s32 @!p1 $0x80;
	s4 =	sadd.s32 @!p1 s2, s26  }
0x52c: {  	[tilespmem:s18], [sflag:$0x1] =	stream.linear.gather @!p1 [hbm4b:s4+s17], $0x50, $0x38;
	[tilespmem:$0x19280] =	vst v63  }
0x52d: {  	_ =	swait.ge [sflag:s19], $0x50  }
0x52e: {  	[sflag:s19] =	ssyncset.done $0x0  }
0x52f: {  	[sflag:s19] =	ssyncadd.s32 $0xFFFFFFB0  }
0x530: {  	v10 =	vld [tilespmem:$0x100];
	_ =	sdelay $0x7  }
0x531: {  	v10 =	vld.idx.msk [tilespmem:v10+s6+$0x0], $0xffff;
	_ =	sdelay $0x1  }
0x532: {  	s4 =	smul.u32 $0x50, s16;
	v11 =	vld [tilespmem:$0x110];
	_ =	sdelay $0x1  }
0x533: {  	v12 =	vor.u32 s4, v0  }
0x534: {  	v10 =	vsub.s32 v12, v10  }
0x535: {  	vm2 =	vgt.s32 v10, $0x0  }
0x536: {  	v10 =	vnsel vm2, $0x0, v10  }
0x537: {  	v10 =	vmin.u32 v10, $0x3E7  }
0x538: {  	[tilespmem:$0x200] =	vst v10  }
0x539: {  	v11 =	vld.idx.msk [tilespmem:v11+s6+$0x0], $0xffff;
	_ =	sdelay $0x1  }
0x53a: {  	v57 =	vld [tilespmem:$0x120]  }
0x53b: {  	s16 =	sadd.s32 $0x10, s4  }
0x53c: {  	v13 =	vor.u32 s16, v0  }
0x53d: {  	v11 =	vsub.s32 v13, v11  }
0x53e: {  	vm2 =	vgt.s32 v11, $0x0  }
0x53f: {  	v11 =	vnsel vm2, $0x0, v11  }
0x540: {  	v11 =	vmin.u32 v11, $0x3E7  }
0x541: {  	[tilespmem:$0x210] =	vst v11  }
0x542: {  	v11 =	vld.idx.msk [tilespmem:v57+s6+$0x0], $0xffff;
	_ =	sdelay $0x1  }
0x543: {  	v58 =	vld [tilespmem:$0x130]  }
0x544: {  	s29 =	sadd.s32 $0x20, s4  }
0x545: {  	v59 =	vor.u32 s29, v0  }
0x546: {  	v11 =	vsub.s32 v59, v11  }
0x547: {  	vm2 =	vgt.s32 v11, $0x0  }
0x548: {  	v11 =	vnsel vm2, $0x0, v11  }
0x549: {  	v11 =	vmin.u32 v11, $0x3E7  }
0x54a: {  	[tilespmem:$0x220] =	vst v11  }
0x54b: {  	v11 =	vld.idx.msk [tilespmem:v58+s6+$0x0], $0xffff;
	_ =	sdelay $0x1  }
0x54c: {  	v60 =	vld [tilespmem:$0x140]  }
0x54d: {  	s17 =	sadd.s32 $0x30, s4  }
0x54e: {  	v61 =	vor.u32 s17, v0  }
0x54f: {  	v11 =	vsub.s32 v61, v11  }
0x550: {  	vm2 =	vgt.s32 v11, $0x0  }
0x551: {  	v11 =	vnsel vm2, $0x0, v11  }
0x552: {  	v11 =	vmin.u32 v11, $0x3E7  }
0x553: {  	[tilespmem:$0x230] =	vst v11  }
0x554: {  	v62 =	vshll.u32 v10, $0x1;
	v11 =	vld.idx.msk [tilespmem:v60+s6+$0x0], $0xffff  }
0x555: {  	v10 =	vand.u32 $0x7, v10;
	v12 =	vand.u32 $0x7F0, v62  }
0x556: {  	v10 =	vor.u32 v10, v12  }
0x557: {  	s4 =	sadd.s32 $0x40, s4;
	v12 =	vperm.xlane v10, v7  }
0x558: {  	v63 =	vor.u32 s4, v0  }
0x559: {  	v10 =	vperm.xlane v10, v9;
	v12 =	vadd.s32 v8, v12;
	v11 =	vsub.s32 v63, v11  }
0x55a: {  	vm2 =	vgt.s32 v11, $0x0  }
0x55b: {  	v10 =	vadd.s32 v8, v10;
	v11 =	vnsel vm2, $0x0, v11  }
0x55c: {  	v11 =	vmin.u32 v11, $0x3E7  }
0x55d: {  	s18 =	simm.s32 $0x14280;
	[tilespmem:$0x240] =	vst v11  }
0x55e: {  	[tilespmem:s18], [sflag:$0x7] =	stream.indirect_vreg.gather [hbm4b:s7+s6], $0x80, v12, vm0, $0xb8;
	[tilespmem:$0x19280] =	vst v63  }
0x55f: {  	s26 =	simm.s32 $0x14A80  }
0x560: {  	[tilespmem:s26], [sflag:$0x7] =	stream.indirect_vreg.gather [hbm4b:s7+s6], $0x80, v10, vm0, $0xb8;
	[tilespmem:$0x19280] =	vst v63  }
0x561: {  	v10 =	vld [tilespmem:$0x210];
	_ =	sdelay $0x4  }
0x562: {  	v11 =	vshll.u32 v10, $0x1  }
0x563: {  	v10 =	vand.u32 $0x7, v10;
	v11 =	vand.u32 $0xFFFFFFF0, v11  }
0x564: {  	v10 =	vor.u32 v10, v11  }
0x565: {  	v11 =	vperm.xlane v10, v7;
	_ =	sdelay $0x1  }
0x566: {  	v10 =	vperm.xlane v10, v9;
	v11 =	vadd.s32 v8, v11;
	_ =	sdelay $0x1  }
0x567: {  	v10 =	vadd.s32 v8, v10;
	_ =	sdelay $0x1  }
0x568: {  	s28 =	simm.s32 $0x15280  }
0x569: {  	[tilespmem:s28], [sflag:$0x7] =	stream.indirect_vreg.gather [hbm4b:s7+s6], $0x80, v11, vm0, $0xb8;
	[tilespmem:$0x19280] =	vst v63  }
0x56a: {  	s29 =	simm.s32 $0x15A80  }
0x56b: {  	[tilespmem:s29], [sflag:$0x7] =	stream.indirect_vreg.gather [hbm4b:s7+s6], $0x80, v10, vm0, $0xb8;
	[tilespmem:$0x19280] =	vst v63  }
0x56c: {  	v10 =	vld [tilespmem:$0x220];
	_ =	sdelay $0x4  }
0x56d: {  	v11 =	vshll.u32 v10, $0x1  }
0x56e: {  	v10 =	vand.u32 $0x7, v10;
	v11 =	vand.u32 $0xFFFFFFF0, v11  }
0x56f: {  	v10 =	vor.u32 v10, v11  }
0x570: {  	v11 =	vperm.xlane v10, v7;
	_ =	sdelay $0x1  }
0x571: {  	v10 =	vperm.xlane v10, v9;
	v11 =	vadd.s32 v8, v11;
	_ =	sdelay $0x1  }
0x572: {  	v10 =	vadd.s32 v8, v10;
	_ =	sdelay $0x1  }
0x573: {  	s16 =	simm.s32 $0x16280  }
0x574: {  	[tilespmem:s16], [sflag:$0x7] =	stream.indirect_vreg.gather [hbm4b:s7+s6], $0x80, v11, vm0, $0xb8;
	[tilespmem:$0x19280] =	vst v63  }
0x575: {  	s17 =	simm.s32 $0x16A80  }
0x576: {  	[tilespmem:s17], [sflag:$0x7] =	stream.indirect_vreg.gather [hbm4b:s7+s6], $0x80, v10, vm0, $0xb8;
	[tilespmem:$0x19280] =	vst v63  }
0x577: {  	v10 =	vld [tilespmem:$0x230];
	_ =	sdelay $0x4  }
0x578: {  	v11 =	vshll.u32 v10, $0x1  }
0x579: {  	v10 =	vand.u32 $0x7, v10;
	v11 =	vand.u32 $0xFFFFFFF0, v11  }
0x57a: {  	v10 =	vor.u32 v10, v11  }
0x57b: {  	v11 =	vperm.xlane v10, v7;
	_ =	sdelay $0x1  }
0x57c: {  	v10 =	vperm.xlane v10, v9;
	v11 =	vadd.s32 v8, v11;
	_ =	sdelay $0x1  }
0x57d: {  	v10 =	vadd.s32 v8, v10;
	_ =	sdelay $0x1  }
0x57e: {  	s18 =	simm.s32 $0x17280  }
0x57f: {  	[tilespmem:s18], [sflag:$0x7] =	stream.indirect_vreg.gather [hbm4b:s7+s6], $0x80, v11, vm0, $0xb8;
	[tilespmem:$0x19280] =	vst v63  }
0x580: {  	s26 =	simm.s32 $0x17A80  }
0x581: {  	[tilespmem:s26], [sflag:$0x7] =	stream.indirect_vreg.gather [hbm4b:s7+s6], $0x80, v10, vm0, $0xb8;
	[tilespmem:$0x19280] =	vst v63  }
0x582: {  	v10 =	vld [tilespmem:$0x240];
	_ =	sdelay $0x4  }
0x583: {  	v11 =	vshll.u32 v10, $0x1  }
0x584: {  	v10 =	vand.u32 $0x7, v10;
	v11 =	vand.u32 $0xFFFFFFF0, v11  }
0x585: {  	v10 =	vor.u32 v10, v11  }
0x586: {  	v11 =	vperm.xlane v10, v7;
	_ =	sdelay $0x1  }
0x587: {  	v10 =	vperm.xlane v10, v9;
	v11 =	vadd.s32 v8, v11;
	_ =	sdelay $0x1  }
0x588: {  	v10 =	vadd.s32 v8, v10;
	_ =	sdelay $0x1  }
0x589: {  	s28 =	simm.s32 $0x18280  }
0x58a: {  	[tilespmem:s28], [sflag:$0x7] =	stream.indirect_vreg.gather [hbm4b:s7+s6], $0x80, v11, vm0, $0xb8;
	[tilespmem:$0x19280] =	vst v63  }
0x58b: {  	s29 =	simm.s32 $0x18A80  }
0x58c: {  	[tilespmem:s29], [sflag:$0x7] =	stream.indirect_vreg.gather [hbm4b:s7+s6], $0x80, v10, vm0, $0xb8;
	[tilespmem:$0x19280] =	vst v63  }
.LBB2_32:
.Ltmp19:
0x58d: {  	(pc) =	sbr.rel @p2 .LBB2_36-.Ltmp19, $1  }
0x58e: {  	_ =	sdelay $0x3  }
0x58f: {  	_ =	swait.ge [sflag:s23], $0x5000  }
0x590: {  	[sflag:s23] =	ssyncset.done $0x0  }
0x591: {  	[sflag:s23] =	ssyncadd.s32 $0xFFFFB000  }
0x592: {  	s4 =	simm.s32 $0x0;
	_ =	swait.ge [sflag:s24], $0x5000  }
0x593: {  	s16 =	sand.u32 $0x7800, s4;
	s4 =	sand.u32 $0x300, s4;
	[sflag:s24] =	ssyncset.done $0x0  }
0x594: {  	s16 =	sor.u32 s4, s16;
	[sflag:s24] =	ssyncadd.s32 $0xFFFFB000  }
0x595: {  	v10 =	vld [tilespmem:s16+$0xF760]  }
0x596: {  	v11 =	vld [tilespmem:s16+$0xF6E0]  }
0x597: {  	v12 =	vld [tilespmem:s16+$0xF6EA]  }
0x598: {  	v13 =	vld [tilespmem:s16+$0xF280]  }
0x599: {  	v14 =	vld [tilespmem:s16+$0xF76A]  }
0x59a: {  	v15 =	vld [tilespmem:s16+$0xF290]  }
0x59b: {  	v16 =	vld [tilespmem:s16+$0xF2A0]  }
0x59c: {  	v17 =	vld [tilespmem:s16+$0xF2B0]  }
0x59d: {  	v18 =	vld [tilespmem:s16+$0xF2C0]  }
0x59e: {  	v19 =	vld [tilespmem:s16+$0xF2D0]  }
0x59f: {  	v20 =	vld [tilespmem:s16+$0xF2E0]  }
0x5a0: {  	v21 =	vld [tilespmem:s16+$0xF2F0]  }
0x5a1: {  	v22 =	vld [tilespmem:s16+$0xF680]  }
0x5a2: {  	v23 =	vld [tilespmem:s16+$0xF690]  }
0x5a3: {  	v24 =	vld [tilespmem:s16+$0xF6A0]  }
0x5a4: {  	v25 =	vld [tilespmem:s16+$0xF6B0]  }
0x5a5: {  	v26 =	vld [tilespmem:s16+$0xF6C0]  }
0x5a6: {  	v27 =	vld [tilespmem:s16+$0xF6D0]  }
0x5a7: {  	v28 =	vld [tilespmem:s16+$0xF300]  }
0x5a8: {  	v29 =	vld [tilespmem:s16+$0xF310]  }
0x5a9: {  	v30 =	vld [tilespmem:s16+$0xF320]  }
0x5aa: {  	v31 =	vld [tilespmem:s16+$0xF330]  }
0x5ab: {  	v32 =	vld [tilespmem:s16+$0xF340]  }
0x5ac: {  	v33 =	vld [tilespmem:s16+$0xF350]  }
0x5ad: {  	v34 =	vld [tilespmem:s16+$0xF360]  }
0x5ae: {  	v35 =	vld [tilespmem:s16+$0xF370]  }
0x5af: {  	v36 =	vld [tilespmem:s16+$0xF700]  }
0x5b0: {  	v37 =	vld [tilespmem:s16+$0xF710]  }
0x5b1: {  	v62 =	vld [tilespmem:s16+$0xF720]  }
0x5b2: {  	v63 =	vld [tilespmem:s16+$0xF730]  }
0x5b3: {  	[tilespmem:s16+$0x5760] =	vst.add.f32.msk $0xffff, v10  }
0x5b4: {  	[tilespmem:s16+$0x56E0] =	vst.add.f32.msk $0xffff, v11  }
0x5b5: {  	[tilespmem:s16+$0x5280] =	vst.add.f32.msk $0xffff, v13  }
0x5b6: {  	[tilespmem:s16+$0x5290] =	vst.add.f32.msk $0xffff, v15  }
0x5b7: {  	[tilespmem:s16+$0x52A0] =	vst.add.f32.msk $0xffff, v16  }
0x5b8: {  	[tilespmem:s16+$0x52B0] =	vst.add.f32.msk $0xffff, v17  }
0x5b9: {  	[tilespmem:s16+$0x52C0] =	vst.add.f32.msk $0xffff, v18  }
0x5ba: {  	[tilespmem:s16+$0x52D0] =	vst.add.f32.msk $0xffff, v19  }
0x5bb: {  	[tilespmem:s16+$0x52E0] =	vst.add.f32.msk $0xffff, v20  }
0x5bc: {  	[tilespmem:s16+$0x52F0] =	vst.add.f32.msk $0xffff, v21  }
0x5bd: {  	[tilespmem:s16+$0x5680] =	vst.add.f32.msk $0xffff, v22  }
0x5be: {  	[tilespmem:s16+$0x5690] =	vst.add.f32.msk $0xffff, v23  }
0x5bf: {  	[tilespmem:s16+$0x56A0] =	vst.add.f32.msk $0xffff, v24  }
0x5c0: {  	[tilespmem:s16+$0x56B0] =	vst.add.f32.msk $0xffff, v25  }
0x5c1: {  	[tilespmem:s16+$0x56C0] =	vst.add.f32.msk $0xffff, v26  }
0x5c2: {  	[tilespmem:s16+$0x56D0] =	vst.add.f32.msk $0xffff, v27  }
0x5c3: {  	[tilespmem:s16+$0x5300] =	vst.add.f32.msk $0xffff, v28  }
0x5c4: {  	[tilespmem:s16+$0x5310] =	vst.add.f32.msk $0xffff, v29  }
0x5c5: {  	[tilespmem:s16+$0x5320] =	vst.add.f32.msk $0xffff, v30  }
0x5c6: {  	[tilespmem:s16+$0x5330] =	vst.add.f32.msk $0xffff, v31  }
0x5c7: {  	v10 =	vld [tilespmem:s16+$0x576A]  }
0x5c8: {  	v11 =	vld [tilespmem:s16+$0x56EA]  }
0x5c9: {  	[tilespmem:s16+$0x5340] =	vst.add.f32.msk $0xffff, v32  }
0x5ca: {  	[tilespmem:s16+$0x5350] =	vst.add.f32.msk $0xffff, v33  }
0x5cb: {  	v14 =	vsel vm1, $0x0, v14;
	[tilespmem:s16+$0x5360] =	vst.add.f32.msk $0xffff, v34  }
0x5cc: {  	v12 =	vsel vm1, $0x0, v12;
	[tilespmem:s16+$0x5370] =	vst.add.f32.msk $0xffff, v35;
	v10 =	vadd.f32 v14, v10  }
0x5cd: {  	[tilespmem:s16+$0x5700] =	vst.add.f32.msk $0xffff, v36;
	v11 =	vadd.f32 v12, v11  }
0x5ce: {  	[tilespmem:s16+$0x576A] =	vst v10;
	v10 =	vld [tilespmem:s16+$0xF740]  }
0x5cf: {  	[tilespmem:s16+$0x56EA] =	vst v11;
	v11 =	vld [tilespmem:s16+$0xF750]  }
0x5d0: {  	[tilespmem:s16+$0x5710] =	vst.add.f32.msk $0xffff, v37  }
0x5d1: {  	[tilespmem:s16+$0x5720] =	vst.add.f32.msk $0xffff, v62  }
0x5d2: {  	s17 =	simm.s32 $0x0;
	s18 =	simm.s32 $0x200;
	s4 =	simm.s32 $0x100;
	[tilespmem:s16+$0x5730] =	vst.add.f32.msk $0xffff, v63  }
.LBB2_34:
0x5d3: {  	s26 =	sand.u32 $0x7800, s18;
	s28 =	sand.u32 $0x300, s4;
	s17 =	sadd.s32 $0x2, s17;
	[tilespmem:s16+$0x5740] =	vst.add.f32.msk $0xffff, v10  }
0x5d4: {  	p2 =	slt.u32 s17, $0x4E;
	[tilespmem:s16+$0x5750] =	vst.add.f32.msk $0xffff, v11;
	s16 =	sor.u32 s28, s26  }
0x5d5: {  	v10 =	vld [tilespmem:s16+$0xF760]  }
0x5d6: {  	v11 =	vld [tilespmem:s16+$0xF6E0]  }
0x5d7: {  	v12 =	vld [tilespmem:s16+$0xF6EA]  }
0x5d8: {  	v13 =	vld [tilespmem:s16+$0xF280]  }
0x5d9: {  	v14 =	vld [tilespmem:s16+$0xF76A]  }
0x5da: {  	[tilespmem:s16+$0x5760] =	vst.add.f32.msk $0xffff, v10  }
0x5db: {  	v10 =	vld [tilespmem:s16+$0x576A]  }
0x5dc: {  	[tilespmem:s16+$0x56E0] =	vst.add.f32.msk $0xffff, v11;
	v11 =	vsel vm1, $0x0, v12  }
0x5dd: {  	v12 =	vld [tilespmem:s16+$0x56EA]  }
0x5de: {  	v15 =	vld [tilespmem:s16+$0xF290]  }
0x5df: {  	v14 =	vsel vm1, $0x0, v14;
	v16 =	vld [tilespmem:s16+$0xF2A0]  }
0x5e0: {  	v17 =	vld [tilespmem:s16+$0xF2B0];
	v10 =	vadd.f32 v14, v10  }
0x5e1: {  	v14 =	vld [tilespmem:s16+$0xF2C0]  }
0x5e2: {  	v18 =	vld [tilespmem:s16+$0xF2D0];
	v11 =	vadd.f32 v11, v12;
	[tilespmem:s16+$0x576A] =	vst v10  }
0x5e3: {  	v12 =	vld [tilespmem:s16+$0xF2E0]  }
0x5e4: {  	v19 =	vld [tilespmem:s16+$0xF2F0];
	[tilespmem:s16+$0x56EA] =	vst v11  }
0x5e5: {  	v20 =	vld [tilespmem:s16+$0xF680]  }
0x5e6: {  	v21 =	vld [tilespmem:s16+$0xF690]  }
0x5e7: {  	v22 =	vld [tilespmem:s16+$0xF6A0]  }
0x5e8: {  	v23 =	vld [tilespmem:s16+$0xF6B0]  }
0x5e9: {  	v24 =	vld [tilespmem:s16+$0xF6C0]  }
0x5ea: {  	v25 =	vld [tilespmem:s16+$0xF6D0]  }
0x5eb: {  	v26 =	vld [tilespmem:s16+$0xF300]  }
0x5ec: {  	v27 =	vld [tilespmem:s16+$0xF310]  }
0x5ed: {  	v28 =	vld [tilespmem:s16+$0xF320]  }
0x5ee: {  	v29 =	vld [tilespmem:s16+$0xF330]  }
0x5ef: {  	v30 =	vld [tilespmem:s16+$0xF340]  }
0x5f0: {  	v31 =	vld [tilespmem:s16+$0xF350]  }
0x5f1: {  	v32 =	vld [tilespmem:s16+$0xF360]  }
0x5f2: {  	v33 =	vld [tilespmem:s16+$0xF370]  }
0x5f3: {  	v34 =	vld [tilespmem:s16+$0xF700]  }
0x5f4: {  	v35 =	vld [tilespmem:s16+$0xF710]  }
0x5f5: {  	v36 =	vld [tilespmem:s16+$0xF720]  }
0x5f6: {  	v37 =	vld [tilespmem:s16+$0xF730]  }
0x5f7: {  	v10 =	vld [tilespmem:s16+$0xF740]  }
0x5f8: {  	v11 =	vld [tilespmem:s16+$0xF750]  }
0x5f9: {  	[tilespmem:s16+$0x5280] =	vst.add.f32.msk $0xffff, v13  }
0x5fa: {  	[tilespmem:s16+$0x5290] =	vst.add.f32.msk $0xffff, v15  }
0x5fb: {  	[tilespmem:s16+$0x52A0] =	vst.add.f32.msk $0xffff, v16  }
0x5fc: {  	[tilespmem:s16+$0x52B0] =	vst.add.f32.msk $0xffff, v17  }
0x5fd: {  	[tilespmem:s16+$0x52C0] =	vst.add.f32.msk $0xffff, v14  }
0x5fe: {  	[tilespmem:s16+$0x52D0] =	vst.add.f32.msk $0xffff, v18  }
0x5ff: {  	[tilespmem:s16+$0x52E0] =	vst.add.f32.msk $0xffff, v12  }
0x600: {  	[tilespmem:s16+$0x52F0] =	vst.add.f32.msk $0xffff, v19  }
0x601: {  	[tilespmem:s16+$0x5680] =	vst.add.f32.msk $0xffff, v20  }
0x602: {  	[tilespmem:s16+$0x5690] =	vst.add.f32.msk $0xffff, v21  }
0x603: {  	[tilespmem:s16+$0x56A0] =	vst.add.f32.msk $0xffff, v22  }
0x604: {  	[tilespmem:s16+$0x56B0] =	vst.add.f32.msk $0xffff, v23  }
0x605: {  	[tilespmem:s16+$0x56C0] =	vst.add.f32.msk $0xffff, v24  }
0x606: {  	[tilespmem:s16+$0x56D0] =	vst.add.f32.msk $0xffff, v25  }
0x607: {  	[tilespmem:s16+$0x5300] =	vst.add.f32.msk $0xffff, v26  }
0x608: {  	[tilespmem:s16+$0x5310] =	vst.add.f32.msk $0xffff, v27  }
0x609: {  	[tilespmem:s16+$0x5320] =	vst.add.f32.msk $0xffff, v28  }
0x60a: {  	[tilespmem:s16+$0x5330] =	vst.add.f32.msk $0xffff, v29  }
0x60b: {  	[tilespmem:s16+$0x5340] =	vst.add.f32.msk $0xffff, v30  }
0x60c: {  	[tilespmem:s16+$0x5350] =	vst.add.f32.msk $0xffff, v31  }
0x60d: {  	[tilespmem:s16+$0x5360] =	vst.add.f32.msk $0xffff, v32  }
.Ltmp20:
0x60e: {  	[tilespmem:s16+$0x5370] =	vst.add.f32.msk $0xffff, v33;
	(pc) =	sbr.rel @p2 .LBB2_34-.Ltmp20, $4  }
0x60f: {  	[tilespmem:s16+$0x5700] =	vst.add.f32.msk $0xffff, v34  }
0x610: {  	[tilespmem:s16+$0x5710] =	vst.add.f32.msk $0xffff, v35  }
0x611: {  	[tilespmem:s16+$0x5720] =	vst.add.f32.msk $0xffff, v36  }
0x612: {  	s4 =	sadd.s32 $0x100, s4;
	s18 =	sadd.s32 $0x200, s18;
	[tilespmem:s16+$0x5730] =	vst.add.f32.msk $0xffff, v37  }
.Ltmp21:
0x613: {  	(pc) =	sbr.rel .LBB2_36-.Ltmp21, $4  }
0x614: {  	s4 =	smul.u32 $0xA00, s15  }
0x615: {  	[tilespmem:s16+$0x5740] =	vst.add.f32.msk $0xffff, v10  }
0x616: {  	[tilespmem:s16+$0x5750] =	vst.add.f32.msk $0xffff, v11;
	s29 =	simm.s32 $0x5280;
	s4 =	sadd.s32 s5, s4  }
0x617: {  	[hbm4b:s4+s6] =	stream.linear.scatter [tilespmem:s29], [sflag:$0x9], $0x5000, $0x38;
	[tilespmem:$0x19280] =	vst v63  }
.LBB2_38:
0x618: {  	_ =	sfence.sel $0x180000  }
0x619: {  	[bflag:$0x0] =	sbarrier.arrive $0xFFFF  }
0x61a: {  	_ =	strace $0x90000047  }
0x61b: {  	s0 =	stileid.u32;
	[bflag:$0x2] =	sbarrier.arrive $0xFFFF  }
0x61c: {  	p0 =	sne.s32 s0, $0x0;
	s0 =	rddreg [dreg:$0x4]  }
0x61d: {  	s0 =	sadd.s32 @!p0 $0x100000, s0  }
0x61e: {  	[sflag:s0] =	ssyncadd.tile.s32 @!p0 $0x1;
	_ =	shalt  }
.Lfunc_end2:
_tile_overlayer_lowered:
.L_overlay_start_2:
0x61f: {  	(tag) =	ssettag $0x2  }
0x620: {  	s0 =	rddreg [dreg:$0x0];
	s2 =	stileid.u32  }
0x621: {  	s1 =	rddreg [dreg:$0x1];
	p0 =	sne.s32 s2, $0x0  }
0x622: {  	s3 =	rddreg [dreg:$0x2];
	[bflag:$0x3] =	sbarrier.arrive $0xFFFF;
	s2 =	simm.s32 @!p0 $0x1C0B  }
0x623: {  	[timem:s3], [sflag:s2] =	dma.local @!p0 [hbm:s0], s1  }
0x624: {  	s0 =	simm.s32 @!p0 $0xB  }
0x625: {  	_ =	swait.ge @!p0 [sflag:s0], s1  }
0x626: {  	s1 =	ssub.s32 @!p0 $0x0, s1;
	[sflag:s0] =	ssyncset.done @!p0 $0x0  }
0x627: {  	[sflag:s0] =	ssyncadd.s32 @!p0 s1  }
0x628: {  	[bflag:$0x3] =	sbarrier.arrive $0xFFFF  }
0x629: {  	_ =	shalt  }

</sc_bundles>
